<compile_context>
chip_gen: v7x
topology: tpu7x:2x2x1
jax: 0.10.2.dev20260603
libtpu: 0.0.44.dev20260713+nightly
codegen_flags: <defaults>
</compile_context>

<pallas_src>
import functools

import jax
import jax.numpy as jnp
from jax import lax
from jax.experimental import pallas as pl
from jax.experimental.pallas import tpu as pltpu
from jax.experimental.pallas import tpu_sc as plsc

_N = 9870
_D = 128
_H = 128
_B = 141
_E = 157920

_NW = 32
_CHUNK = 128
_NCH = 40
_STRIPE = 624
_ACC = 15 * _STRIPE + 512
_NPAD = 9984

_R = 1248
_NB = _NPAD // _R

_HI = lax.Precision.HIGHEST


def _dot(a, b):
    return jnp.dot(a, b, preferred_element_type=jnp.float32, precision=_HI)


def _dot_d(a, b):
    return jnp.dot(a, b, preferred_element_type=jnp.float32)


def _onehot(lo, hi, j):
    r = (j * _R + lax.broadcasted_iota(jnp.int32, (_R, _B), 0))
    return ((r >= lo) & (r < hi)).astype(jnp.float32)


def _softmax(al):
    m = jnp.max(al, axis=-1, keepdims=True)
    e = jnp.exp(al - m)
    return e / jnp.sum(e, axis=-1, keepdims=True)


def _gnew_of(out, g, glbW, glbb):
    z = jnp.concatenate([out, g], axis=1)
    return g + jnp.tanh(_dot_d(z, glbW) + glbb)


def _relu_rows(aggh_ref, aggg_ref, q_ref, bl_ref, wlt, wlb):
    agg_h = aggh_ref[0] + aggh_ref[1]
    h = jnp.maximum(_dot_d(agg_h, wlt) + _dot_d(aggg_ref[...], wlb)
                    + bl_ref[...] + q_ref[...], 0.0)
    r = (pl.program_id(0) * _R
         + lax.broadcasted_iota(jnp.int32, (_R, 1), 0))
    return jnp.where(r < _N, h, 0.0)


def _p1_body(first, last):
    def body(*refs):
        if first:
            (x_ref, lo_ref, hi_ref, attW, attb, featW, featb, out_ref) = refs
            h = x_ref[...]
        elif last:
            (aggh_ref, aggg_ref, q_ref, bl_ref, lo_ref, hi_ref, g_ref,
             wlt, wlb, attW, attb, featW, featb, glbW, glbb,
             h_out, out_ref, g_out) = refs
            h = _relu_rows(aggh_ref, aggg_ref, q_ref, bl_ref, wlt[...],
                           wlb[...])
            h_out[...] = h
        else:
            (aggh_ref, aggg_ref, q_ref, bl_ref, lo_ref, hi_ref,
             wlt, wlb, attW, attb, featW, featb, h_out, out_ref) = refs
            h = _relu_rows(aggh_ref, aggg_ref, q_ref, bl_ref, wlt[...],
                           wlb[...])
            h_out[...] = h
        j = pl.program_id(0)
        a = _softmax(_dot_d(h, attW[...]) + attb[...])
        f = _dot_d(h, featW[...]) + featb[...]
        prod = a * f
        oh = _onehot(lo_ref[...], hi_ref[...], j)
        contrib = lax.dot_general(oh, prod, (((0,), (0,)), ((), ())),
                                  preferred_element_type=jnp.float32)

        @pl.when(j == 0)
        def _():
            out_ref[...] = jnp.zeros_like(out_ref)

        out_ref[...] += contrib
        if last:
            @pl.when(j == _NB - 1)
            def _():
                g_out[...] = _gnew_of(out_ref[...], g_ref[...], glbW[...],
                                      glbb[...])
    return body


def _p3p_body(out_ref, g_ref, glbW, glbb, g_out):
    g_out[...] = _gnew_of(out_ref[...], g_ref[...], glbW[...], glbb[...])


def _p3q_body(h_ref, lo_ref, hi_ref, g_ref, wr, Ca_ref, Cb_ref, q_out,
              aggg_out):
    j = pl.program_id(0)
    oh = _onehot(lo_ref[...], hi_ref[...], j)
    g = g_ref[...]
    grep = _dot(oh, g)
    h2 = jnp.concatenate([h_ref[...], grep], axis=1)
    q_out[...] = _dot_d(h2, wr[...])
    ga = g[0:128, :]
    gb = jnp.concatenate(
        [g[128:_B, :], jnp.zeros((128 - (_B - 128), _H), jnp.float32)],
        axis=0)
    aggg_out[...] = _dot(Ca_ref[...], ga) + _dot(Cb_ref[...], gb)


def _csum_body(cp_ref, c_out):
    c_out[...] = cp_ref[0] + cp_ref[1]


_row = pl.BlockSpec((_R, _H), lambda j: (j, 0))
_full = lambda r, c: pl.BlockSpec((r, c), lambda j: (0, 0))
_segb = pl.BlockSpec((1, _B), lambda j: (0, 0))
_aggb = pl.BlockSpec((2, _R, _H), lambda j: (0, j, 0))
_cb = pl.BlockSpec((_R, _H), lambda j: (j, 0))
_cpb = pl.BlockSpec((2, _R, _H), lambda j: (0, j, 0))
_w = _full(_H, _H)
_w2 = _full(2 * _H, _H)
_b1 = _full(1, _H)
_gB = _full(_B, _H)

_f32 = jnp.float32


def _p1_first():
    return pl.pallas_call(
        _p1_body(True, False),
        grid=(_NB,),
        in_specs=[_row, _segb, _segb, _w, _b1, _w, _b1],
        out_specs=_gB,
        out_shape=jax.ShapeDtypeStruct((_B, _H), _f32),
    )


def _p1_mid():
    return pl.pallas_call(
        _p1_body(False, False),
        grid=(_NB,),
        in_specs=[_aggb, _row, _row, _b1, _segb, _segb, _w, _w, _w, _b1,
                  _w, _b1],
        out_specs=(_row, _gB),
        out_shape=(jax.ShapeDtypeStruct((_NPAD, _H), _f32),
                   jax.ShapeDtypeStruct((_B, _H), _f32)),
    )


def _p1_last():
    return pl.pallas_call(
        _p1_body(False, True),
        grid=(_NB,),
        in_specs=[_aggb, _row, _row, _b1, _segb, _segb, _gB, _w, _w,
                  _w, _b1, _w, _b1, _w2, _b1],
        out_specs=(_row, _gB, _gB),
        out_shape=(jax.ShapeDtypeStruct((_NPAD, _H), _f32),
                   jax.ShapeDtypeStruct((_B, _H), _f32),
                   jax.ShapeDtypeStruct((_B, _H), _f32)),
    )


def _p3p():
    return pl.pallas_call(
        _p3p_body,
        out_shape=jax.ShapeDtypeStruct((_B, _H), _f32),
    )


def _p3q():
    return pl.pallas_call(
        _p3q_body,
        grid=(_NB,),
        in_specs=[_row, _segb, _segb, _gB, _w2, _cb, _cb],
        out_specs=(_row, _row),
        out_shape=(jax.ShapeDtypeStruct((_NPAD, _H), _f32),
                   jax.ShapeDtypeStruct((_NPAD, _H), _f32)),
    )


def _csum():
    return pl.pallas_call(
        _csum_body,
        grid=(_NB,),
        in_specs=[_cpb],
        out_specs=_cb,
        out_shape=jax.ShapeDtypeStruct((_ACC, _H), _f32),
    )


def _sc_scatter(width, chunk, nch):
    @functools.partial(
        pl.kernel,
        out_type=jax.ShapeDtypeStruct((2, _ACC, width), jnp.float32),
        mesh=plsc.VectorSubcoreMesh(core_axis_name="c", subcore_axis_name="s"),
        scratch_types=[
            pltpu.VMEM((nch, chunk), jnp.int32),
            pltpu.VMEM((nch, chunk), jnp.int32),
            pltpu.VMEM((2, chunk, width), jnp.float32),
            pltpu.VMEM_SHARED((_ACC, width), jnp.float32),
            pltpu.SemaphoreType.DMA,
            pltpu.SemaphoreType.DMA,
        ],
    )
    def k(tab_hbm, src_hbm, dst_hbm, zer_hbm, out_hbm, src_v, dst_v, rows,
          acc_sh, sg0, sg1):
        sem_g = [sg0, sg1]
        c = lax.axis_index("c")
        s = lax.axis_index("s")
        wid = s * 2 + c

        @pl.when(s < 15)
        def _():
            pltpu.sync_copy(zer_hbm, acc_sh.at[pl.ds(s * _STRIPE, _STRIPE)])

        @pl.when(s == 15)
        def _():
            pltpu.sync_copy(zer_hbm.at[pl.ds(0, 512)],
                            acc_sh.at[pl.ds(15 * _STRIPE, 512)])

        pltpu.sync_copy(src_hbm.at[wid], src_v)
        pltpu.sync_copy(dst_hbm.at[wid], dst_v)
        plsc.subcore_barrier()

        pltpu.async_copy(tab_hbm.at[src_v.at[0]], rows.at[0], sem_g[0])
        pltpu.async_copy(tab_hbm.at[src_v.at[1]], rows.at[1], sem_g[1])

        def body(t, carry):
            j0 = 2 * t
            for k2 in range(2):
                pltpu.make_async_copy(tab_hbm.at[src_v.at[j0 + k2]],
                                      rows.at[k2], sem_g[k2]).wait()
                pltpu.sync_copy(rows.at[k2], acc_sh.at[dst_v.at[j0 + k2]],
                                add=True)

                @pl.when(j0 + 2 + k2 < nch)
                def _():
                    pltpu.async_copy(tab_hbm.at[src_v.at[j0 + 2 + k2]],
                                     rows.at[k2], sem_g[k2])
            return carry

        lax.fori_loop(0, nch // 2, body, 0)
        plsc.subcore_barrier()

        @pl.when(s < 15)
        def _():
            pltpu.sync_copy(acc_sh.at[pl.ds(s * _STRIPE, _STRIPE)],
                            out_hbm.at[c].at[pl.ds(s * _STRIPE, _STRIPE)])

        @pl.when(s == 15)
        def _():
            pltpu.sync_copy(acc_sh.at[pl.ds(15 * _STRIPE, 512)],
                            out_hbm.at[c].at[pl.ds(15 * _STRIPE, 512)])

    return k


def _pad_idx(idx, fill, nch, chunk):
    pad = _NW * nch * chunk - _E
    fidx = jnp.arange(pad, dtype=jnp.int32)
    return jnp.concatenate([idx, fill(fidx)]).reshape(_NW, nch, chunk)


def kernel(x, edge_index, batch_sizes, att_W, att_b, feat_W, feat_b,
           glb_W, glb_b, sage_Wl, sage_bl, sage_Wr):
    offs = jnp.concatenate([jnp.zeros((1,), jnp.int32),
                            jnp.cumsum(batch_sizes, dtype=jnp.int32)])
    lo = offs[:_B].reshape(1, _B)
    hi = offs[1:].reshape(1, _B)
    x_pad = jnp.concatenate(
        [x, jnp.zeros((_NPAD - _N, _D), jnp.float32)], axis=0)
    src = edge_index[0]
    dst = edge_index[1]
    rn = jnp.arange(_NPAD, dtype=jnp.int32)[:, None]
    ohA = ((rn >= offs[:128][None, :])
           & (rn < offs[1:129][None, :])).astype(jnp.float32)
    ohB = jnp.pad(((rn >= offs[128:_B][None, :])
                   & (rn < offs[129:_B + 1][None, :])).astype(jnp.float32),
                  ((0, 0), (0, 128 - (_B - 128))))
    src_p = _pad_idx(src, lambda f: f % _N, _NCH, _CHUNK)
    dst_p = _pad_idx(dst, lambda f: _N + f % (_ACC - _N), _NCH, _CHUNK)
    zer = jnp.zeros((_STRIPE, _H), jnp.float32)
    g = jnp.zeros((_B, _H), jnp.float32)

    aw = lambda i: att_W[i]
    ab = lambda i: att_b[i].reshape(1, _H)
    fw = lambda i: feat_W[i]
    fb = lambda i: feat_b[i].reshape(1, _H)
    gw = lambda i: glb_W[i]
    gb = lambda i: glb_b[i].reshape(1, _H)
    wlt = lambda i: sage_Wl[i, :_D]
    wlb = lambda i: sage_Wl[i, _D:]
    wr = lambda i: sage_Wr[i]
    blr = lambda i: sage_bl[i].reshape(1, _H)

    cpa = _sc_scatter(_H, _CHUNK, _NCH)(ohA, src_p, dst_p, zer)
    cpb = _sc_scatter(_H, _CHUNK, _NCH)(ohB, src_p, dst_p, zer)
    Ca = _csum()(cpa)
    Cb = _csum()(cpb)
    aggs = _sc_scatter(_H, _CHUNK, _NCH)(x_pad, src_p, dst_p, zer)
    out = _p1_first()(x_pad, lo, hi, aw(0), ab(0), fw(0), fb(0))
    g = _p3p()(out, g, gw(0), gb(0))
    q, aggg = _p3q()(x_pad, lo, hi, g, wr(0), Ca, Cb)
    for i in (1, 2):
        h, out = _p1_mid()(aggs, aggg, q, blr(i - 1), lo, hi,
                           wlt(i - 1), wlb(i - 1), aw(i), ab(i), fw(i),
                           fb(i))
        aggs = _sc_scatter(_H, _CHUNK, _NCH)(h, src_p, dst_p, zer)
        g = _p3p()(out, g, gw(i), gb(i))
        q, aggg = _p3q()(h, lo, hi, g, wr(i), Ca, Cb)
    h, _, g = _p1_last()(aggs, aggg, q, blr(2), lo, hi, g, wlt(2), wlb(2),
                         aw(3), ab(3), fw(3), fb(3), gw(3), gb(3))
    return (h[:_N], g)

# --- scband reference (transcript-rebuilt; emitter-appended) ---
"""Pipeline reference for scband-graph-embedder-46265387712832 (READ-ONLY COPY).

The authoritative reference and input builder live on the scoring server;
editing this copy changes nothing except your own understanding.
"""

import jax, jax.numpy as jnp
import numpy as np

N = 9870
D = 128
H = 128
B = 141
E_EDGES = 157920
LAYERS = 3


def setup_inputs(seed: int = 0) -> dict:
    key = jax.random.key(seed)
    ks = jax.random.split(key, 12)
    x = jax.random.normal(ks[0], (N, D), dtype=jnp.float32)
    edge_index = jax.random.randint(ks[1], (2, E_EDGES), 0, N, dtype=jnp.int32)
    batch_sizes = jnp.arange(B, dtype=jnp.int32)  # sums to 9870 == N
    # attention layer params: 4 layers (layers+1), all Linear(128 -> 128) / Linear(256 -> 128)
    att_W = 0.05 * jax.random.normal(ks[2], (LAYERS + 1, D, H), dtype=jnp.float32)
    att_b = jnp.zeros((LAYERS + 1, H), dtype=jnp.float32)
    feat_W = 0.05 * jax.random.normal(ks[3], (LAYERS + 1, D, H), dtype=jnp.float32)
    feat_b = jnp.zeros((LAYERS + 1, H), dtype=jnp.float32)
    glb_W = 0.05 * jax.random.normal(ks[4], (LAYERS + 1, 2 * H, H), dtype=jnp.float32)
    glb_b = jnp.zeros((LAYERS + 1, H), dtype=jnp.float32)
    # SAGEConv params: 3 layers, in = 256, out = 128; lin_l has bias, lin_r has no bias
    sage_Wl = 0.05 * jax.random.normal(ks[5], (LAYERS, 2 * D, H), dtype=jnp.float32)
    sage_bl = jnp.zeros((LAYERS, H), dtype=jnp.float32)
    sage_Wr = 0.05 * jax.random.normal(ks[6], (LAYERS, 2 * D, H), dtype=jnp.float32)
    return {
        'x': x, 'edge_index': edge_index, 'batch_sizes': batch_sizes,
        'att_W': att_W, 'att_b': att_b, 'feat_W': feat_W, 'feat_b': feat_b,
        'glb_W': glb_W, 'glb_b': glb_b,
        'sage_Wl': sage_Wl, 'sage_bl': sage_bl, 'sage_Wr': sage_Wr,
    }


def _pack_indices(bs):
    Bn = bs.shape[0]
    L = Bn - 1
    offs = jnp.concatenate([jnp.zeros((1,), dtype=jnp.int32), jnp.cumsum(bs).astype(jnp.int32)])
    pos = jnp.arange(L, dtype=jnp.int32)
    valid = pos[None, :] < bs[:, None]
    idx = jnp.where(valid, offs[:Bn, None] + pos[None, :], 0).astype(jnp.int32)
    mask = valid.astype(jnp.float32)[:, :, None]
    return idx, mask, Bn, L


def reference(x, edge_index, batch_sizes, att_W, att_b, feat_W, feat_b, glb_W, glb_b, sage_Wl, sage_bl, sage_Wr):
    idx, mask, Bn, L = _pack_indices(batch_sizes)
    src = edge_index[0]
    dst = edge_index[1]

    def attn_forward(i, xx, g):
        # pack_sequence: pad to [B, L, d] with zeros at padding
        padded = xx[idx.reshape(-1)].reshape(Bn, L, xx.shape[-1]) * mask
        att = jax.nn.softmax(padded @ att_W[i] + att_b[i], axis=-1)
        feat = padded @ feat_W[i] + feat_b[i]
        out = (att * feat * mask).sum(axis=1)
        g_ = jnp.tanh(jnp.concatenate([out, g], axis=-1) @ glb_W[i] + glb_b[i])
        return g + g_

    g = jnp.zeros((Bn, H), dtype=x.dtype)
    h = x
    for i in range(LAYERS):
        g = attn_forward(i, h, g)
        g_rep = jnp.repeat(g, batch_sizes, axis=0, total_repeat_length=N)
        h2 = jnp.concatenate([h, g_rep], axis=1)
        # SAGEConv(aggr='sum'): out = lin_l(sum_{j->i} x_j) + lin_r(x_i)
        agg = jax.ops.segment_sum(h2[src], dst, num_segments=N)
        h = jax.nn.relu(agg @ sage_Wl[i] + sage_bl[i] + h2 @ sage_Wr[i])
    g = attn_forward(LAYERS, h, g)
    return (h, g)

if __name__ == "__main__":
    import jax
    _d = setup_inputs()
    print(jax.jit(kernel)(*tuple(_d.values())))

</pallas_src>

<mosaic_0001>
#map = affine_map<(d0, d1) -> (0, 0)>
#map1 = affine_map<(d0, d1) -> (0, 0, 0)>
module attributes {stable_mosaic.version = 14 : i64} {
  func.func @k(%arg0: i32, %arg1: i32, %arg2: memref<9984x128xf32, #tpu.memory_space<hbm>>, %arg3: memref<32x40x128xi32, #tpu.memory_space<hbm>>, %arg4: memref<32x40x128xi32, #tpu.memory_space<hbm>>, %arg5: memref<624x128xf32, #tpu.memory_space<hbm>>, %arg6: memref<2x9872x128xf32, #tpu.memory_space<hbm>>, %arg7: memref<40x128xi32, #tpu.memory_space<vmem>>, %arg8: memref<40x128xi32, #tpu.memory_space<vmem>>, %arg9: memref<2x128x128xf32, #tpu.memory_space<vmem>>, %arg10: memref<9872x128xf32, #tpu.memory_space<vmem_shared>>, %arg11: memref<!tpu.dma_semaphore, #tpu.memory_space<semaphore_mem>>, %arg12: memref<!tpu.dma_semaphore, #tpu.memory_space<semaphore_mem>>) attributes {dimension_semantics = [#tpu.dimension_semantics<core_parallel>, #tpu.dimension_semantics<subcore_parallel>], iteration_bounds = array<i64: 2, 16>, scalar_prefetch = 0 : i64, scratch_operands = 6 : i64, tpu.core_type = #tpu.core_type<sc_vector_subcore>, window_params = [{transform_indices = #map}, {transform_indices = #map1}, {transform_indices = #map1}, {transform_indices = #map}, {transform_indices = #map1}]} {
    %mul3A = arith.constant 2 : i32
    %mul3A_0 = arith.muli %arg1, %mul3A : i32
    %add3A = arith.addi %mul3A_0, %arg0 : i32
    %lt3A = arith.constant 15 : i32
    %lt3A_1 = arith.cmpi slt, %arg1, %lt3A : i32
    %convert_element_type3A = arith.extui %lt3A_1 : i1 to i32
    %cond3A = arith.constant 0 : i32
    %cond3A_2 = arith.cmpi ne, %convert_element_type3A, %cond3A : i32
    scf.if %cond3A_2 {
      %mul3A_46 = arith.constant 624 : i32
      %mul3A_47 = arith.muli %arg1, %mul3A_46 : i32
      "tpu.region"() ({
        %run_scoped3A = tpu.sem_alloc : memref<!tpu.dma_semaphore, #tpu.memory_space<semaphore_mem>>
        %dma_start3A_48 = arith.constant 0 : i32
        %dma_start3A_49 = tpu.memref_slice %arg10[%mul3A_47, %dma_start3A_48] : memref<9872x128xf32, #tpu.memory_space<vmem_shared>> -> memref<624x128xf32, #tpu.memory_space<vmem_shared>>
        tpu.enqueue_dma source(%arg5 : memref<624x128xf32, #tpu.memory_space<hbm>>) target(%dma_start3A_49 : memref<624x128xf32, #tpu.memory_space<vmem_shared>>) target_semaphore(%run_scoped3A : memref<!tpu.dma_semaphore, #tpu.memory_space<semaphore_mem>>)
        %dma_wait3A = arith.constant 0 : i32
        %dma_wait3A_50 = tpu.memref_slice %arg10[%mul3A_47, %dma_wait3A] : memref<9872x128xf32, #tpu.memory_space<vmem_shared>> -> memref<624x128xf32, #tpu.memory_space<vmem_shared>>
        tpu.wait_dma2 semaphore(%run_scoped3A : memref<!tpu.dma_semaphore, #tpu.memory_space<semaphore_mem>>) src(%arg5 : memref<624x128xf32, #tpu.memory_space<hbm>>) dst(%dma_wait3A_50 : memref<624x128xf32, #tpu.memory_space<vmem_shared>>)
        tpu.yield
      }) : () -> ()
    } else {
    }
    %eq3A = arith.constant 15 : i32
    %eq3A_3 = arith.cmpi eq, %arg1, %eq3A : i32
    %convert_element_type3A_4 = arith.extui %eq3A_3 : i1 to i32
    %cond3A_5 = arith.constant 0 : i32
    %cond3A_6 = arith.cmpi ne, %convert_element_type3A_4, %cond3A_5 : i32
    scf.if %cond3A_6 {
      "tpu.region"() ({
        %run_scoped3A = tpu.sem_alloc : memref<!tpu.dma_semaphore, #tpu.memory_space<semaphore_mem>>
        %dma_start3A_46 = arith.constant 9360 : i32
        %dma_start3A_47 = arith.constant 0 : i32
        %dma_start3A_48 = tpu.memref_slice %arg10[%dma_start3A_46, %dma_start3A_47] : memref<9872x128xf32, #tpu.memory_space<vmem_shared>> -> memref<512x128xf32, #tpu.memory_space<vmem_shared>>
        %dma_start3A_49 = arith.constant 0 : i32
        %dma_start3A_50 = arith.constant 0 : i32
        %dma_start3A_51 = tpu.memref_slice %arg5[%dma_start3A_49, %dma_start3A_50] : memref<624x128xf32, #tpu.memory_space<hbm>> -> memref<512x128xf32, #tpu.memory_space<hbm>>
        tpu.enqueue_dma source(%dma_start3A_51 : memref<512x128xf32, #tpu.memory_space<hbm>>) target(%dma_start3A_48 : memref<512x128xf32, #tpu.memory_space<vmem_shared>>) target_semaphore(%run_scoped3A : memref<!tpu.dma_semaphore, #tpu.memory_space<semaphore_mem>>)
        %dma_wait3A = arith.constant 9360 : i32
        %dma_wait3A_52 = arith.constant 0 : i32
        %dma_wait3A_53 = tpu.memref_slice %arg10[%dma_wait3A, %dma_wait3A_52] : memref<9872x128xf32, #tpu.memory_space<vmem_shared>> -> memref<512x128xf32, #tpu.memory_space<vmem_shared>>
        %dma_wait3A_54 = arith.constant 0 : i32
        %dma_wait3A_55 = arith.constant 0 : i32
        %dma_wait3A_56 = tpu.memref_slice %arg5[%dma_wait3A_54, %dma_wait3A_55] : memref<624x128xf32, #tpu.memory_space<hbm>> -> memref<512x128xf32, #tpu.memory_space<hbm>>
        tpu.wait_dma2 semaphore(%run_scoped3A : memref<!tpu.dma_semaphore, #tpu.memory_space<semaphore_mem>>) src(%dma_wait3A_56 : memref<512x128xf32, #tpu.memory_space<hbm>>) dst(%dma_wait3A_53 : memref<512x128xf32, #tpu.memory_space<vmem_shared>>)
        tpu.yield
      }) : () -> ()
    } else {
    }
    "tpu.region"() ({
      %run_scoped3A = tpu.sem_alloc : memref<!tpu.dma_semaphore, #tpu.memory_space<semaphore_mem>>
      %dma_start3A_46 = arith.constant 0 : i32
      %dma_start3A_47 = arith.constant 0 : i32
      %dma_start3A_48 = tpu.memref_slice %arg3[%add3A, %dma_start3A_46, %dma_start3A_47] : memref<32x40x128xi32, #tpu.memory_space<hbm>> -> memref<1x40x128xi32, #tpu.memory_space<hbm>>
      %dma_start3A_49 = tpu.memref_squeeze %dma_start3A_48 : memref<1x40x128xi32, #tpu.memory_space<hbm>> -> memref<40x128xi32, #tpu.memory_space<hbm>>
      %dma_start3A_50 = arith.constant 0 : i32
      %dma_start3A_51 = arith.constant 0 : i32
      %dma_start3A_52 = tpu.memref_slice %arg3[%add3A, %dma_start3A_50, %dma_start3A_51] : memref<32x40x128xi32, #tpu.memory_space<hbm>> -> memref<1x40x128xi32, #tpu.memory_space<hbm>>
      %dma_start3A_53 = tpu.memref_squeeze %dma_start3A_52 : memref<1x40x128xi32, #tpu.memory_space<hbm>> -> memref<40x128xi32, #tpu.memory_space<hbm>>
      tpu.enqueue_dma source(%dma_start3A_53 : memref<40x128xi32, #tpu.memory_space<hbm>>) target(%arg7 : memref<40x128xi32, #tpu.memory_space<vmem>>) target_semaphore(%run_scoped3A : memref<!tpu.dma_semaphore, #tpu.memory_space<semaphore_mem>>)
      %dma_wait3A = arith.constant 0 : i32
      %dma_wait3A_54 = arith.constant 0 : i32
      %dma_wait3A_55 = tpu.memref_slice %arg3[%add3A, %dma_wait3A, %dma_wait3A_54] : memref<32x40x128xi32, #tpu.memory_space<hbm>> -> memref<1x40x128xi32, #tpu.memory_space<hbm>>
      %dma_wait3A_56 = tpu.memref_squeeze %dma_wait3A_55 : memref<1x40x128xi32, #tpu.memory_space<hbm>> -> memref<40x128xi32, #tpu.memory_space<hbm>>
      %dma_wait3A_57 = arith.constant 0 : i32
      %dma_wait3A_58 = arith.constant 0 : i32
      %dma_wait3A_59 = tpu.memref_slice %arg3[%add3A, %dma_wait3A_57, %dma_wait3A_58] : memref<32x40x128xi32, #tpu.memory_space<hbm>> -> memref<1x40x128xi32, #tpu.memory_space<hbm>>
      %dma_wait3A_60 = tpu.memref_squeeze %dma_wait3A_59 : memref<1x40x128xi32, #tpu.memory_space<hbm>> -> memref<40x128xi32, #tpu.memory_space<hbm>>
      tpu.wait_dma2 semaphore(%run_scoped3A : memref<!tpu.dma_semaphore, #tpu.memory_space<semaphore_mem>>) src(%dma_wait3A_60 : memref<40x128xi32, #tpu.memory_space<hbm>>) dst(%arg7 : memref<40x128xi32, #tpu.memory_space<vmem>>)
      tpu.yield
    }) : () -> ()
    "tpu.region"() ({
      %run_scoped3A = tpu.sem_alloc : memref<!tpu.dma_semaphore, #tpu.memory_space<semaphore_mem>>
      %dma_start3A_46 = arith.constant 0 : i32
      %dma_start3A_47 = arith.constant 0 : i32
      %dma_start3A_48 = tpu.memref_slice %arg4[%add3A, %dma_start3A_46, %dma_start3A_47] : memref<32x40x128xi32, #tpu.memory_space<hbm>> -> memref<1x40x128xi32, #tpu.memory_space<hbm>>
      %dma_start3A_49 = tpu.memref_squeeze %dma_start3A_48 : memref<1x40x128xi32, #tpu.memory_space<hbm>> -> memref<40x128xi32, #tpu.memory_space<hbm>>
      %dma_start3A_50 = arith.constant 0 : i32
      %dma_start3A_51 = arith.constant 0 : i32
      %dma_start3A_52 = tpu.memref_slice %arg4[%add3A, %dma_start3A_50, %dma_start3A_51] : memref<32x40x128xi32, #tpu.memory_space<hbm>> -> memref<1x40x128xi32, #tpu.memory_space<hbm>>
      %dma_start3A_53 = tpu.memref_squeeze %dma_start3A_52 : memref<1x40x128xi32, #tpu.memory_space<hbm>> -> memref<40x128xi32, #tpu.memory_space<hbm>>
      tpu.enqueue_dma source(%dma_start3A_53 : memref<40x128xi32, #tpu.memory_space<hbm>>) target(%arg8 : memref<40x128xi32, #tpu.memory_space<vmem>>) target_semaphore(%run_scoped3A : memref<!tpu.dma_semaphore, #tpu.memory_space<semaphore_mem>>)
      %dma_wait3A = arith.constant 0 : i32
      %dma_wait3A_54 = arith.constant 0 : i32
      %dma_wait3A_55 = tpu.memref_slice %arg4[%add3A, %dma_wait3A, %dma_wait3A_54] : memref<32x40x128xi32, #tpu.memory_space<hbm>> -> memref<1x40x128xi32, #tpu.memory_space<hbm>>
      %dma_wait3A_56 = tpu.memref_squeeze %dma_wait3A_55 : memref<1x40x128xi32, #tpu.memory_space<hbm>> -> memref<40x128xi32, #tpu.memory_space<hbm>>
      %dma_wait3A_57 = arith.constant 0 : i32
      %dma_wait3A_58 = arith.constant 0 : i32
      %dma_wait3A_59 = tpu.memref_slice %arg4[%add3A, %dma_wait3A_57, %dma_wait3A_58] : memref<32x40x128xi32, #tpu.memory_space<hbm>> -> memref<1x40x128xi32, #tpu.memory_space<hbm>>
      %dma_wait3A_60 = tpu.memref_squeeze %dma_wait3A_59 : memref<1x40x128xi32, #tpu.memory_space<hbm>> -> memref<40x128xi32, #tpu.memory_space<hbm>>
      tpu.wait_dma2 semaphore(%run_scoped3A : memref<!tpu.dma_semaphore, #tpu.memory_space<semaphore_mem>>) src(%dma_wait3A_60 : memref<40x128xi32, #tpu.memory_space<hbm>>) dst(%arg8 : memref<40x128xi32, #tpu.memory_space<vmem>>)
      tpu.yield
    }) : () -> ()
    %barrier3A = arith.constant 0 : index
    tpu.barrier barrier_id(%barrier3A)
    %dma_start3A = arith.constant 0 : i32
    %dma_start3A_7 = arith.constant 0 : i32
    %dma_start3A_8 = arith.constant 0 : i32
    %dma_start3A_9 = arith.constant 0 : i32
    %dma_start3A_10 = tpu.memref_slice %arg9[%dma_start3A_7, %dma_start3A_8, %dma_start3A_9] : memref<2x128x128xf32, #tpu.memory_space<vmem>> -> memref<1x128x128xf32, #tpu.memory_space<vmem>>
    %dma_start3A_11 = tpu.memref_squeeze %dma_start3A_10 : memref<1x128x128xf32, #tpu.memory_space<vmem>> -> memref<128x128xf32, #tpu.memory_space<vmem>>
    %dma_start3A_12 = arith.constant 0 : i32
    %dma_start3A_13 = tpu.memref_slice %arg7[%dma_start3A, %dma_start3A_12] : memref<40x128xi32, #tpu.memory_space<vmem>> -> memref<1x128xi32, #tpu.memory_space<vmem>>
    %dma_start3A_14 = tpu.memref_squeeze %dma_start3A_13 : memref<1x128xi32, #tpu.memory_space<vmem>> -> memref<128xi32, #tpu.memory_space<vmem>>
    %dma_start3A_15 = arith.constant 0 : i32
    %dma_start3A_16 = arith.constant 0 : i32
    %dma_start3A_17 = tpu.memref_slice %arg2[%dma_start3A_15, %dma_start3A_16] : memref<9984x128xf32, #tpu.memory_space<hbm>> -> memref<9984x128xf32, #tpu.memory_space<hbm>>
    tpu.enqueue_indirect_dma source(%dma_start3A_17 : memref<9984x128xf32, #tpu.memory_space<hbm>>) target(%dma_start3A_11 : memref<128x128xf32, #tpu.memory_space<vmem>>) offsets(%dma_start3A_14 : memref<128xi32, #tpu.memory_space<vmem>>) semaphore(%arg11 : memref<!tpu.dma_semaphore, #tpu.memory_space<semaphore_mem>>)
    %dma_start3A_18 = arith.constant 1 : i32
    %dma_start3A_19 = arith.constant 1 : i32
    %dma_start3A_20 = arith.constant 0 : i32
    %dma_start3A_21 = arith.constant 0 : i32
    %dma_start3A_22 = tpu.memref_slice %arg9[%dma_start3A_19, %dma_start3A_20, %dma_start3A_21] : memref<2x128x128xf32, #tpu.memory_space<vmem>> -> memref<1x128x128xf32, #tpu.memory_space<vmem>>
    %dma_start3A_23 = tpu.memref_squeeze %dma_start3A_22 : memref<1x128x128xf32, #tpu.memory_space<vmem>> -> memref<128x128xf32, #tpu.memory_space<vmem>>
    %dma_start3A_24 = arith.constant 0 : i32
    %dma_start3A_25 = tpu.memref_slice %arg7[%dma_start3A_18, %dma_start3A_24] : memref<40x128xi32, #tpu.memory_space<vmem>> -> memref<1x128xi32, #tpu.memory_space<vmem>>
    %dma_start3A_26 = tpu.memref_squeeze %dma_start3A_25 : memref<1x128xi32, #tpu.memory_space<vmem>> -> memref<128xi32, #tpu.memory_space<vmem>>
    %dma_start3A_27 = arith.constant 0 : i32
    %dma_start3A_28 = arith.constant 0 : i32
    %dma_start3A_29 = tpu.memref_slice %arg2[%dma_start3A_27, %dma_start3A_28] : memref<9984x128xf32, #tpu.memory_space<hbm>> -> memref<9984x128xf32, #tpu.memory_space<hbm>>
    tpu.enqueue_indirect_dma source(%dma_start3A_29 : memref<9984x128xf32, #tpu.memory_space<hbm>>) target(%dma_start3A_23 : memref<128x128xf32, #tpu.memory_space<vmem>>) offsets(%dma_start3A_26 : memref<128xi32, #tpu.memory_space<vmem>>) semaphore(%arg12 : memref<!tpu.dma_semaphore, #tpu.memory_space<semaphore_mem>>)
    %scan3A = arith.constant 0 : i32
    %scan3A_30 = arith.constant 0 : i32
    %scan3A_31 = arith.constant 20 : i32
    %scan3A_32 = arith.addi %scan3A_30, %scan3A_31 : i32
    %scan3A_33 = arith.constant 1 : i32
    scf.for %scan3A_46 = %scan3A_30 to %scan3A_32 step %scan3A_33  : i32 {
      %mul3A_47 = arith.constant 2 : i32
      %mul3A_48 = arith.muli %mul3A_47, %scan3A_46 : i32
      %add3A_49 = arith.constant 0 : i32
      %add3A_50 = arith.addi %mul3A_48, %add3A_49 : i32
      %dma_wait3A = arith.constant 0 : i32
      %dma_wait3A_51 = arith.constant 0 : i32
      %dma_wait3A_52 = arith.constant 0 : i32
      %dma_wait3A_53 = tpu.memref_slice %arg9[%dma_wait3A, %dma_wait3A_51, %dma_wait3A_52] : memref<2x128x128xf32, #tpu.memory_space<vmem>> -> memref<1x128x128xf32, #tpu.memory_space<vmem>>
      %dma_wait3A_54 = tpu.memref_squeeze %dma_wait3A_53 : memref<1x128x128xf32, #tpu.memory_space<vmem>> -> memref<128x128xf32, #tpu.memory_space<vmem>>
      %dma_wait3A_55 = arith.constant 0 : i32
      %dma_wait3A_56 = tpu.memref_slice %arg7[%add3A_50, %dma_wait3A_55] : memref<40x128xi32, #tpu.memory_space<vmem>> -> memref<1x128xi32, #tpu.memory_space<vmem>>
      %dma_wait3A_57 = tpu.memref_squeeze %dma_wait3A_56 : memref<1x128xi32, #tpu.memory_space<vmem>> -> memref<128xi32, #tpu.memory_space<vmem>>
      %dma_wait3A_58 = arith.constant 0 : i32
      %dma_wait3A_59 = arith.constant 0 : i32
      %dma_wait3A_60 = tpu.memref_slice %arg2[%dma_wait3A_58, %dma_wait3A_59] : memref<9984x128xf32, #tpu.memory_space<hbm>> -> memref<9984x128xf32, #tpu.memory_space<hbm>>
      tpu.wait_indirect_dma semaphore(%arg11 : memref<!tpu.dma_semaphore, #tpu.memory_space<semaphore_mem>>) src(%dma_wait3A_60 : memref<9984x128xf32, #tpu.memory_space<hbm>>) dst(%dma_wait3A_54 : memref<128x128xf32, #tpu.memory_space<vmem>>)
      %add3A_61 = arith.constant 0 : i32
      %add3A_62 = arith.addi %mul3A_48, %add3A_61 : i32
      %run_scoped3A = arith.constant 0 : i32
      "tpu.region"() ({
        %run_scoped3A_97 = tpu.sem_alloc : memref<!tpu.dma_semaphore, #tpu.memory_space<semaphore_mem>>
        %dma_start3A_98 = arith.constant 0 : i32
        %dma_start3A_99 = arith.constant 0 : i32
        %dma_start3A_100 = tpu.memref_slice %arg9[%run_scoped3A, %dma_start3A_98, %dma_start3A_99] : memref<2x128x128xf32, #tpu.memory_space<vmem>> -> memref<1x128x128xf32, #tpu.memory_space<vmem>>
        %dma_start3A_101 = tpu.memref_squeeze %dma_start3A_100 : memref<1x128x128xf32, #tpu.memory_space<vmem>> -> memref<128x128xf32, #tpu.memory_space<vmem>>
        %dma_start3A_102 = arith.constant 0 : i32
        %dma_start3A_103 = tpu.memref_slice %arg8[%add3A_62, %dma_start3A_102] : memref<40x128xi32, #tpu.memory_space<vmem>> -> memref<1x128xi32, #tpu.memory_space<vmem>>
        %dma_start3A_104 = tpu.memref_squeeze %dma_start3A_103 : memref<1x128xi32, #tpu.memory_space<vmem>> -> memref<128xi32, #tpu.memory_space<vmem>>
        %dma_start3A_105 = arith.constant 0 : i32
        %dma_start3A_106 = arith.constant 0 : i32
        %dma_start3A_107 = tpu.memref_slice %arg10[%dma_start3A_105, %dma_start3A_106] : memref<9872x128xf32, #tpu.memory_space<vmem_shared>> -> memref<9872x128xf32, #tpu.memory_space<vmem_shared>>
        tpu.enqueue_indirect_dma source(%dma_start3A_101 : memref<128x128xf32, #tpu.memory_space<vmem>>) target(%dma_start3A_107 : memref<9872x128xf32, #tpu.memory_space<vmem_shared>>) offsets(%dma_start3A_104 : memref<128xi32, #tpu.memory_space<vmem>>) semaphore(%run_scoped3A_97 : memref<!tpu.dma_semaphore, #tpu.memory_space<semaphore_mem>>) {add = true}
        %dma_wait3A_108 = arith.constant 0 : i32
        %dma_wait3A_109 = arith.constant 0 : i32
        %dma_wait3A_110 = tpu.memref_slice %arg9[%run_scoped3A, %dma_wait3A_108, %dma_wait3A_109] : memref<2x128x128xf32, #tpu.memory_space<vmem>> -> memref<1x128x128xf32, #tpu.memory_space<vmem>>
        %dma_wait3A_111 = tpu.memref_squeeze %dma_wait3A_110 : memref<1x128x128xf32, #tpu.memory_space<vmem>> -> memref<128x128xf32, #tpu.memory_space<vmem>>
        %dma_wait3A_112 = arith.constant 0 : i32
        %dma_wait3A_113 = tpu.memref_slice %arg8[%add3A_62, %dma_wait3A_112] : memref<40x128xi32, #tpu.memory_space<vmem>> -> memref<1x128xi32, #tpu.memory_space<vmem>>
        %dma_wait3A_114 = tpu.memref_squeeze %dma_wait3A_113 : memref<1x128xi32, #tpu.memory_space<vmem>> -> memref<128xi32, #tpu.memory_space<vmem>>
        %dma_wait3A_115 = arith.constant 0 : i32
        %dma_wait3A_116 = arith.constant 0 : i32
        %dma_wait3A_117 = tpu.memref_slice %arg10[%dma_wait3A_115, %dma_wait3A_116] : memref<9872x128xf32, #tpu.memory_space<vmem_shared>> -> memref<9872x128xf32, #tpu.memory_space<vmem_shared>>
        tpu.wait_indirect_dma semaphore(%run_scoped3A_97 : memref<!tpu.dma_semaphore, #tpu.memory_space<semaphore_mem>>) src(%dma_wait3A_111 : memref<128x128xf32, #tpu.memory_space<vmem>>) dst(%dma_wait3A_117 : memref<9872x128xf32, #tpu.memory_space<vmem_shared>>)
        tpu.yield
      }) : () -> ()
      %add3A_63 = arith.constant 2 : i32
      %add3A_64 = arith.addi %mul3A_48, %add3A_63 : i32
      %add3A_65 = arith.constant 0 : i32
      %add3A_66 = arith.addi %add3A_64, %add3A_65 : i32
      %lt3A_67 = arith.constant 40 : i32
      %lt3A_68 = arith.cmpi slt, %add3A_66, %lt3A_67 : i32
      %convert_element_type3A_69 = arith.extui %lt3A_68 : i1 to i32
      %cond3A_70 = arith.constant 0 : i32
      %cond3A_71 = arith.cmpi ne, %convert_element_type3A_69, %cond3A_70 : i32
      scf.if %cond3A_71 {
        %add3A_97 = arith.constant 2 : i32
        %add3A_98 = arith.addi %mul3A_48, %add3A_97 : i32
        %add3A_99 = arith.constant 0 : i32
        %add3A_100 = arith.addi %add3A_98, %add3A_99 : i32
        %dma_start3A_101 = arith.constant 0 : i32
        %dma_start3A_102 = arith.constant 0 : i32
        %dma_start3A_103 = arith.constant 0 : i32
        %dma_start3A_104 = tpu.memref_slice %arg9[%dma_start3A_101, %dma_start3A_102, %dma_start3A_103] : memref<2x128x128xf32, #tpu.memory_space<vmem>> -> memref<1x128x128xf32, #tpu.memory_space<vmem>>
        %dma_start3A_105 = tpu.memref_squeeze %dma_start3A_104 : memref<1x128x128xf32, #tpu.memory_space<vmem>> -> memref<128x128xf32, #tpu.memory_space<vmem>>
        %dma_start3A_106 = arith.constant 0 : i32
        %dma_start3A_107 = tpu.memref_slice %arg7[%add3A_100, %dma_start3A_106] : memref<40x128xi32, #tpu.memory_space<vmem>> -> memref<1x128xi32, #tpu.memory_space<vmem>>
        %dma_start3A_108 = tpu.memref_squeeze %dma_start3A_107 : memref<1x128xi32, #tpu.memory_space<vmem>> -> memref<128xi32, #tpu.memory_space<vmem>>
        %dma_start3A_109 = arith.constant 0 : i32
        %dma_start3A_110 = arith.constant 0 : i32
        %dma_start3A_111 = tpu.memref_slice %arg2[%dma_start3A_109, %dma_start3A_110] : memref<9984x128xf32, #tpu.memory_space<hbm>> -> memref<9984x128xf32, #tpu.memory_space<hbm>>
        tpu.enqueue_indirect_dma source(%dma_start3A_111 : memref<9984x128xf32, #tpu.memory_space<hbm>>) target(%dma_start3A_105 : memref<128x128xf32, #tpu.memory_space<vmem>>) offsets(%dma_start3A_108 : memref<128xi32, #tpu.memory_space<vmem>>) semaphore(%arg11 : memref<!tpu.dma_semaphore, #tpu.memory_space<semaphore_mem>>)
      } else {
      }
      %add3A_72 = arith.constant 1 : i32
      %add3A_73 = arith.addi %mul3A_48, %add3A_72 : i32
      %dma_wait3A_74 = arith.constant 1 : i32
      %dma_wait3A_75 = arith.constant 0 : i32
      %dma_wait3A_76 = arith.constant 0 : i32
      %dma_wait3A_77 = tpu.memref_slice %arg9[%dma_wait3A_74, %dma_wait3A_75, %dma_wait3A_76] : memref<2x128x128xf32, #tpu.memory_space<vmem>> -> memref<1x128x128xf32, #tpu.memory_space<vmem>>
      %dma_wait3A_78 = tpu.memref_squeeze %dma_wait3A_77 : memref<1x128x128xf32, #tpu.memory_space<vmem>> -> memref<128x128xf32, #tpu.memory_space<vmem>>
      %dma_wait3A_79 = arith.constant 0 : i32
      %dma_wait3A_80 = tpu.memref_slice %arg7[%add3A_73, %dma_wait3A_79] : memref<40x128xi32, #tpu.memory_space<vmem>> -> memref<1x128xi32, #tpu.memory_space<vmem>>
      %dma_wait3A_81 = tpu.memref_squeeze %dma_wait3A_80 : memref<1x128xi32, #tpu.memory_space<vmem>> -> memref<128xi32, #tpu.memory_space<vmem>>
      %dma_wait3A_82 = arith.constant 0 : i32
      %dma_wait3A_83 = arith.constant 0 : i32
      %dma_wait3A_84 = tpu.memref_slice %arg2[%dma_wait3A_82, %dma_wait3A_83] : memref<9984x128xf32, #tpu.memory_space<hbm>> -> memref<9984x128xf32, #tpu.memory_space<hbm>>
      tpu.wait_indirect_dma semaphore(%arg12 : memref<!tpu.dma_semaphore, #tpu.memory_space<semaphore_mem>>) src(%dma_wait3A_84 : memref<9984x128xf32, #tpu.memory_space<hbm>>) dst(%dma_wait3A_78 : memref<128x128xf32, #tpu.memory_space<vmem>>)
      %add3A_85 = arith.constant 1 : i32
      %add3A_86 = arith.addi %mul3A_48, %add3A_85 : i32
      %run_scoped3A_87 = arith.constant 1 : i32
      "tpu.region"() ({
        %run_scoped3A_97 = tpu.sem_alloc : memref<!tpu.dma_semaphore, #tpu.memory_space<semaphore_mem>>
        %dma_start3A_98 = arith.constant 0 : i32
        %dma_start3A_99 = arith.constant 0 : i32
        %dma_start3A_100 = tpu.memref_slice %arg9[%run_scoped3A_87, %dma_start3A_98, %dma_start3A_99] : memref<2x128x128xf32, #tpu.memory_space<vmem>> -> memref<1x128x128xf32, #tpu.memory_space<vmem>>
        %dma_start3A_101 = tpu.memref_squeeze %dma_start3A_100 : memref<1x128x128xf32, #tpu.memory_space<vmem>> -> memref<128x128xf32, #tpu.memory_space<vmem>>
        %dma_start3A_102 = arith.constant 0 : i32
        %dma_start3A_103 = tpu.memref_slice %arg8[%add3A_86, %dma_start3A_102] : memref<40x128xi32, #tpu.memory_space<vmem>> -> memref<1x128xi32, #tpu.memory_space<vmem>>
        %dma_start3A_104 = tpu.memref_squeeze %dma_start3A_103 : memref<1x128xi32, #tpu.memory_space<vmem>> -> memref<128xi32, #tpu.memory_space<vmem>>
        %dma_start3A_105 = arith.constant 0 : i32
        %dma_start3A_106 = arith.constant 0 : i32
        %dma_start3A_107 = tpu.memref_slice %arg10[%dma_start3A_105, %dma_start3A_106] : memref<9872x128xf32, #tpu.memory_space<vmem_shared>> -> memref<9872x128xf32, #tpu.memory_space<vmem_shared>>
        tpu.enqueue_indirect_dma source(%dma_start3A_101 : memref<128x128xf32, #tpu.memory_space<vmem>>) target(%dma_start3A_107 : memref<9872x128xf32, #tpu.memory_space<vmem_shared>>) offsets(%dma_start3A_104 : memref<128xi32, #tpu.memory_space<vmem>>) semaphore(%run_scoped3A_97 : memref<!tpu.dma_semaphore, #tpu.memory_space<semaphore_mem>>) {add = true}
        %dma_wait3A_108 = arith.constant 0 : i32
        %dma_wait3A_109 = arith.constant 0 : i32
        %dma_wait3A_110 = tpu.memref_slice %arg9[%run_scoped3A_87, %dma_wait3A_108, %dma_wait3A_109] : memref<2x128x128xf32, #tpu.memory_space<vmem>> -> memref<1x128x128xf32, #tpu.memory_space<vmem>>
        %dma_wait3A_111 = tpu.memref_squeeze %dma_wait3A_110 : memref<1x128x128xf32, #tpu.memory_space<vmem>> -> memref<128x128xf32, #tpu.memory_space<vmem>>
        %dma_wait3A_112 = arith.constant 0 : i32
        %dma_wait3A_113 = tpu.memref_slice %arg8[%add3A_86, %dma_wait3A_112] : memref<40x128xi32, #tpu.memory_space<vmem>> -> memref<1x128xi32, #tpu.memory_space<vmem>>
        %dma_wait3A_114 = tpu.memref_squeeze %dma_wait3A_113 : memref<1x128xi32, #tpu.memory_space<vmem>> -> memref<128xi32, #tpu.memory_space<vmem>>
        %dma_wait3A_115 = arith.constant 0 : i32
        %dma_wait3A_116 = arith.constant 0 : i32
        %dma_wait3A_117 = tpu.memref_slice %arg10[%dma_wait3A_115, %dma_wait3A_116] : memref<9872x128xf32, #tpu.memory_space<vmem_shared>> -> memref<9872x128xf32, #tpu.memory_space<vmem_shared>>
        tpu.wait_indirect_dma semaphore(%run_scoped3A_97 : memref<!tpu.dma_semaphore, #tpu.memory_space<semaphore_mem>>) src(%dma_wait3A_111 : memref<128x128xf32, #tpu.memory_space<vmem>>) dst(%dma_wait3A_117 : memref<9872x128xf32, #tpu.memory_space<vmem_shared>>)
        tpu.yield
      }) : () -> ()
      %add3A_88 = arith.constant 2 : i32
      %add3A_89 = arith.addi %mul3A_48, %add3A_88 : i32
      %add3A_90 = arith.constant 1 : i32
      %add3A_91 = arith.addi %add3A_89, %add3A_90 : i32
      %lt3A_92 = arith.constant 40 : i32
      %lt3A_93 = arith.cmpi slt, %add3A_91, %lt3A_92 : i32
      %convert_element_type3A_94 = arith.extui %lt3A_93 : i1 to i32
      %cond3A_95 = arith.constant 0 : i32
      %cond3A_96 = arith.cmpi ne, %convert_element_type3A_94, %cond3A_95 : i32
      scf.if %cond3A_96 {
        %add3A_97 = arith.constant 2 : i32
        %add3A_98 = arith.addi %mul3A_48, %add3A_97 : i32
        %add3A_99 = arith.constant 1 : i32
        %add3A_100 = arith.addi %add3A_98, %add3A_99 : i32
        %dma_start3A_101 = arith.constant 1 : i32
        %dma_start3A_102 = arith.constant 0 : i32
        %dma_start3A_103 = arith.constant 0 : i32
        %dma_start3A_104 = tpu.memref_slice %arg9[%dma_start3A_101, %dma_start3A_102, %dma_start3A_103] : memref<2x128x128xf32, #tpu.memory_space<vmem>> -> memref<1x128x128xf32, #tpu.memory_space<vmem>>
        %dma_start3A_105 = tpu.memref_squeeze %dma_start3A_104 : memref<1x128x128xf32, #tpu.memory_space<vmem>> -> memref<128x128xf32, #tpu.memory_space<vmem>>
        %dma_start3A_106 = arith.constant 0 : i32
        %dma_start3A_107 = tpu.memref_slice %arg7[%add3A_100, %dma_start3A_106] : memref<40x128xi32, #tpu.memory_space<vmem>> -> memref<1x128xi32, #tpu.memory_space<vmem>>
        %dma_start3A_108 = tpu.memref_squeeze %dma_start3A_107 : memref<1x128xi32, #tpu.memory_space<vmem>> -> memref<128xi32, #tpu.memory_space<vmem>>
        %dma_start3A_109 = arith.constant 0 : i32
        %dma_start3A_110 = arith.constant 0 : i32
        %dma_start3A_111 = tpu.memref_slice %arg2[%dma_start3A_109, %dma_start3A_110] : memref<9984x128xf32, #tpu.memory_space<hbm>> -> memref<9984x128xf32, #tpu.memory_space<hbm>>
        tpu.enqueue_indirect_dma source(%dma_start3A_111 : memref<9984x128xf32, #tpu.memory_space<hbm>>) target(%dma_start3A_105 : memref<128x128xf32, #tpu.memory_space<vmem>>) offsets(%dma_start3A_108 : memref<128xi32, #tpu.memory_space<vmem>>) semaphore(%arg12 : memref<!tpu.dma_semaphore, #tpu.memory_space<semaphore_mem>>)
      } else {
      }
    }
    %scan3A_34 = arith.constant 20 : i32
    %barrier3A_35 = arith.constant 0 : index
    tpu.barrier barrier_id(%barrier3A_35)
    %lt3A_36 = arith.constant 15 : i32
    %lt3A_37 = arith.cmpi slt, %arg1, %lt3A_36 : i32
    %convert_element_type3A_38 = arith.extui %lt3A_37 : i1 to i32
    %cond3A_39 = arith.constant 0 : i32
    %cond3A_40 = arith.cmpi ne, %convert_element_type3A_38, %cond3A_39 : i32
    scf.if %cond3A_40 {
      %mul3A_46 = arith.constant 624 : i32
      %mul3A_47 = arith.muli %arg1, %mul3A_46 : i32
      %mul3A_48 = arith.constant 624 : i32
      %mul3A_49 = arith.muli %arg1, %mul3A_48 : i32
      "tpu.region"() ({
        %run_scoped3A = tpu.sem_alloc : memref<!tpu.dma_semaphore, #tpu.memory_space<semaphore_mem>>
        %dma_start3A_50 = arith.constant 0 : i32
        %dma_start3A_51 = arith.constant 0 : i32
        %dma_start3A_52 = tpu.memref_slice %arg6[%arg0, %dma_start3A_50, %dma_start3A_51] : memref<2x9872x128xf32, #tpu.memory_space<hbm>> -> memref<1x9872x128xf32, #tpu.memory_space<hbm>>
        %dma_start3A_53 = tpu.memref_squeeze %dma_start3A_52 : memref<1x9872x128xf32, #tpu.memory_space<hbm>> -> memref<9872x128xf32, #tpu.memory_space<hbm>>
        %dma_start3A_54 = arith.constant 0 : i32
        %dma_start3A_55 = tpu.memref_slice %dma_start3A_53[%mul3A_49, %dma_start3A_54] : memref<9872x128xf32, #tpu.memory_space<hbm>> -> memref<624x128xf32, #tpu.memory_space<hbm>>
        %dma_start3A_56 = arith.constant 0 : i32
        %dma_start3A_57 = tpu.memref_slice %arg10[%mul3A_47, %dma_start3A_56] : memref<9872x128xf32, #tpu.memory_space<vmem_shared>> -> memref<624x128xf32, #tpu.memory_space<vmem_shared>>
        tpu.enqueue_dma source(%dma_start3A_57 : memref<624x128xf32, #tpu.memory_space<vmem_shared>>) target(%dma_start3A_55 : memref<624x128xf32, #tpu.memory_space<hbm>>) target_semaphore(%run_scoped3A : memref<!tpu.dma_semaphore, #tpu.memory_space<semaphore_mem>>)
        %dma_wait3A = arith.constant 0 : i32
        %dma_wait3A_58 = arith.constant 0 : i32
        %dma_wait3A_59 = tpu.memref_slice %arg6[%arg0, %dma_wait3A, %dma_wait3A_58] : memref<2x9872x128xf32, #tpu.memory_space<hbm>> -> memref<1x9872x128xf32, #tpu.memory_space<hbm>>
        %dma_wait3A_60 = tpu.memref_squeeze %dma_wait3A_59 : memref<1x9872x128xf32, #tpu.memory_space<hbm>> -> memref<9872x128xf32, #tpu.memory_space<hbm>>
        %dma_wait3A_61 = arith.constant 0 : i32
        %dma_wait3A_62 = tpu.memref_slice %dma_wait3A_60[%mul3A_49, %dma_wait3A_61] : memref<9872x128xf32, #tpu.memory_space<hbm>> -> memref<624x128xf32, #tpu.memory_space<hbm>>
        %dma_wait3A_63 = arith.constant 0 : i32
        %dma_wait3A_64 = tpu.memref_slice %arg10[%mul3A_47, %dma_wait3A_63] : memref<9872x128xf32, #tpu.memory_space<vmem_shared>> -> memref<624x128xf32, #tpu.memory_space<vmem_shared>>
        tpu.wait_dma2 semaphore(%run_scoped3A : memref<!tpu.dma_semaphore, #tpu.memory_space<semaphore_mem>>) src(%dma_wait3A_64 : memref<624x128xf32, #tpu.memory_space<vmem_shared>>) dst(%dma_wait3A_62 : memref<624x128xf32, #tpu.memory_space<hbm>>)
        tpu.yield
      }) : () -> ()
    } else {
    }
    %eq3A_41 = arith.constant 15 : i32
    %eq3A_42 = arith.cmpi eq, %arg1, %eq3A_41 : i32
    %convert_element_type3A_43 = arith.extui %eq3A_42 : i1 to i32
    %cond3A_44 = arith.constant 0 : i32
    %cond3A_45 = arith.cmpi ne, %convert_element_type3A_43, %cond3A_44 : i32
    scf.if %cond3A_45 {
      "tpu.region"() ({
        %run_scoped3A = tpu.sem_alloc : memref<!tpu.dma_semaphore, #tpu.memory_space<semaphore_mem>>
        %dma_start3A_46 = arith.constant 0 : i32
        %dma_start3A_47 = arith.constant 0 : i32
        %dma_start3A_48 = tpu.memref_slice %arg6[%arg0, %dma_start3A_46, %dma_start3A_47] : memref<2x9872x128xf32, #tpu.memory_space<hbm>> -> memref<1x9872x128xf32, #tpu.memory_space<hbm>>
        %dma_start3A_49 = tpu.memref_squeeze %dma_start3A_48 : memref<1x9872x128xf32, #tpu.memory_space<hbm>> -> memref<9872x128xf32, #tpu.memory_space<hbm>>
        %dma_start3A_50 = arith.constant 9360 : i32
        %dma_start3A_51 = arith.constant 0 : i32
        %dma_start3A_52 = tpu.memref_slice %dma_start3A_49[%dma_start3A_50, %dma_start3A_51] : memref<9872x128xf32, #tpu.memory_space<hbm>> -> memref<512x128xf32, #tpu.memory_space<hbm>>
        %dma_start3A_53 = arith.constant 9360 : i32
        %dma_start3A_54 = arith.constant 0 : i32
        %dma_start3A_55 = tpu.memref_slice %arg10[%dma_start3A_53, %dma_start3A_54] : memref<9872x128xf32, #tpu.memory_space<vmem_shared>> -> memref<512x128xf32, #tpu.memory_space<vmem_shared>>
        tpu.enqueue_dma source(%dma_start3A_55 : memref<512x128xf32, #tpu.memory_space<vmem_shared>>) target(%dma_start3A_52 : memref<512x128xf32, #tpu.memory_space<hbm>>) target_semaphore(%run_scoped3A : memref<!tpu.dma_semaphore, #tpu.memory_space<semaphore_mem>>)
        %dma_wait3A = arith.constant 0 : i32
        %dma_wait3A_56 = arith.constant 0 : i32
        %dma_wait3A_57 = tpu.memref_slice %arg6[%arg0, %dma_wait3A, %dma_wait3A_56] : memref<2x9872x128xf32, #tpu.memory_space<hbm>> -> memref<1x9872x128xf32, #tpu.memory_space<hbm>>
        %dma_wait3A_58 = tpu.memref_squeeze %dma_wait3A_57 : memref<1x9872x128xf32, #tpu.memory_space<hbm>> -> memref<9872x128xf32, #tpu.memory_space<hbm>>
        %dma_wait3A_59 = arith.constant 9360 : i32
        %dma_wait3A_60 = arith.constant 0 : i32
        %dma_wait3A_61 = tpu.memref_slice %dma_wait3A_58[%dma_wait3A_59, %dma_wait3A_60] : memref<9872x128xf32, #tpu.memory_space<hbm>> -> memref<512x128xf32, #tpu.memory_space<hbm>>
        %dma_wait3A_62 = arith.constant 9360 : i32
        %dma_wait3A_63 = arith.constant 0 : i32
        %dma_wait3A_64 = tpu.memref_slice %arg10[%dma_wait3A_62, %dma_wait3A_63] : memref<9872x128xf32, #tpu.memory_space<vmem_shared>> -> memref<512x128xf32, #tpu.memory_space<vmem_shared>>
        tpu.wait_dma2 semaphore(%run_scoped3A : memref<!tpu.dma_semaphore, #tpu.memory_space<semaphore_mem>>) src(%dma_wait3A_64 : memref<512x128xf32, #tpu.memory_space<vmem_shared>>) dst(%dma_wait3A_61 : memref<512x128xf32, #tpu.memory_space<hbm>>)
        tpu.yield
      }) : () -> ()
    } else {
    }
    return
  }
}

#map = affine_map<(d0, d1) -> (0, 0)>
#map1 = affine_map<(d0, d1) -> (0, 0, 0)>
module attributes {stable_mosaic.version = 14 : i64} {
  func.func @k(%arg0: i32, %arg1: i32, %arg2: memref<9984x128xf32, #tpu.memory_space<hbm>>, %arg3: memref<32x40x128xi32, #tpu.memory_space<hbm>>, %arg4: memref<32x40x128xi32, #tpu.memory_space<hbm>>, %arg5: memref<624x128xf32, #tpu.memory_space<hbm>>, %arg6: memref<2x9872x128xf32, #tpu.memory_space<hbm>>, %arg7: memref<40x128xi32, #tpu.memory_space<vmem>>, %arg8: memref<40x128xi32, #tpu.memory_space<vmem>>, %arg9: memref<2x128x128xf32, #tpu.memory_space<vmem>>, %arg10: memref<9872x128xf32, #tpu.memory_space<vmem_shared>>, %arg11: memref<!tpu.dma_semaphore, #tpu.memory_space<semaphore_mem>>, %arg12: memref<!tpu.dma_semaphore, #tpu.memory_space<semaphore_mem>>) attributes {dimension_semantics = [#tpu.dimension_semantics<core_parallel>, #tpu.dimension_semantics<subcore_parallel>], iteration_bounds = array<i64: 2, 16>, scalar_prefetch = 0 : i64, scratch_operands = 6 : i64, tpu.core_type = #tpu.core_type<sc_vector_subcore>, window_params = [{transform_indices = #map}, {transform_indices = #map1}, {transform_indices = #map1}, {transform_indices = #map}, {transform_indices = #map1}]} {
    %mul3A = arith.constant 2 : i32
    %mul3A_0 = arith.muli %arg1, %mul3A : i32
    %add3A = arith.addi %mul3A_0, %arg0 : i32
    %lt3A = arith.constant 15 : i32
    %lt3A_1 = arith.cmpi slt, %arg1, %lt3A : i32
    %convert_element_type3A = arith.extui %lt3A_1 : i1 to i32
    %cond3A = arith.constant 0 : i32
    %cond3A_2 = arith.cmpi ne, %convert_element_type3A, %cond3A : i32
    scf.if %cond3A_2 {
      %mul3A_46 = arith.constant 624 : i32
      %mul3A_47 = arith.muli %arg1, %mul3A_46 : i32
      "tpu.region"() ({
        %run_scoped3A = tpu.sem_alloc : memref<!tpu.dma_semaphore, #tpu.memory_space<semaphore_mem>>
        %dma_start3A_48 = arith.constant 0 : i32
        %dma_start3A_49 = tpu.memref_slice %arg10[%mul3A_47, %dma_start3A_48] : memref<9872x128xf32, #tpu.memory_space<vmem_shared>> -> memref<624x128xf32, #tpu.memory_space<vmem_shared>>
        tpu.enqueue_dma source(%arg5 : memref<624x128xf32, #tpu.memory_space<hbm>>) target(%dma_start3A_49 : memref<624x128xf32, #tpu.memory_space<vmem_shared>>) target_semaphore(%run_scoped3A : memref<!tpu.dma_semaphore, #tpu.memory_space<semaphore_mem>>)
        %dma_wait3A = arith.constant 0 : i32
        %dma_wait3A_50 = tpu.memref_slice %arg10[%mul3A_47, %dma_wait3A] : memref<9872x128xf32, #tpu.memory_space<vmem_shared>> -> memref<624x128xf32, #tpu.memory_space<vmem_shared>>
        tpu.wait_dma2 semaphore(%run_scoped3A : memref<!tpu.dma_semaphore, #tpu.memory_space<semaphore_mem>>) src(%arg5 : memref<624x128xf32, #tpu.memory_space<hbm>>) dst(%dma_wait3A_50 : memref<624x128xf32, #tpu.memory_space<vmem_shared>>)
        tpu.yield
      }) : () -> ()
    } else {
    }
    %eq3A = arith.constant 15 : i32
    %eq3A_3 = arith.cmpi eq, %arg1, %eq3A : i32
    %convert_element_type3A_4 = arith.extui %eq3A_3 : i1 to i32
    %cond3A_5 = arith.constant 0 : i32
    %cond3A_6 = arith.cmpi ne, %convert_element_type3A_4, %cond3A_5 : i32
    scf.if %cond3A_6 {
      "tpu.region"() ({
        %run_scoped3A = tpu.sem_alloc : memref<!tpu.dma_semaphore, #tpu.memory_space<semaphore_mem>>
        %dma_start3A_46 = arith.constant 9360 : i32
        %dma_start3A_47 = arith.constant 0 : i32
        %dma_start3A_48 = tpu.memref_slice %arg10[%dma_start3A_46, %dma_start3A_47] : memref<9872x128xf32, #tpu.memory_space<vmem_shared>> -> memref<512x128xf32, #tpu.memory_space<vmem_shared>>
        %dma_start3A_49 = arith.constant 0 : i32
        %dma_start3A_50 = arith.constant 0 : i32
        %dma_start3A_51 = tpu.memref_slice %arg5[%dma_start3A_49, %dma_start3A_50] : memref<624x128xf32, #tpu.memory_space<hbm>> -> memref<512x128xf32, #tpu.memory_space<hbm>>
        tpu.enqueue_dma source(%dma_start3A_51 : memref<512x128xf32, #tpu.memory_space<hbm>>) target(%dma_start3A_48 : memref<512x128xf32, #tpu.memory_space<vmem_shared>>) target_semaphore(%run_scoped3A : memref<!tpu.dma_semaphore, #tpu.memory_space<semaphore_mem>>)
        %dma_wait3A = arith.constant 9360 : i32
        %dma_wait3A_52 = arith.constant 0 : i32
        %dma_wait3A_53 = tpu.memref_slice %arg10[%dma_wait3A, %dma_wait3A_52] : memref<9872x128xf32, #tpu.memory_space<vmem_shared>> -> memref<512x128xf32, #tpu.memory_space<vmem_shared>>
        %dma_wait3A_54 = arith.constant 0 : i32
        %dma_wait3A_55 = arith.constant 0 : i32
        %dma_wait3A_56 = tpu.memref_slice %arg5[%dma_wait3A_54, %dma_wait3A_55] : memref<624x128xf32, #tpu.memory_space<hbm>> -> memref<512x128xf32, #tpu.memory_space<hbm>>
        tpu.wait_dma2 semaphore(%run_scoped3A : memref<!tpu.dma_semaphore, #tpu.memory_space<semaphore_mem>>) src(%dma_wait3A_56 : memref<512x128xf32, #tpu.memory_space<hbm>>) dst(%dma_wait3A_53 : memref<512x128xf32, #tpu.memory_space<vmem_shared>>)
        tpu.yield
      }) : () -> ()
    } else {
    }
    "tpu.region"() ({
      %run_scoped3A = tpu.sem_alloc : memref<!tpu.dma_semaphore, #tpu.memory_space<semaphore_mem>>
      %dma_start3A_46 = arith.constant 0 : i32
      %dma_start3A_47 = arith.constant 0 : i32
      %dma_start3A_48 = tpu.memref_slice %arg3[%add3A, %dma_start3A_46, %dma_start3A_47] : memref<32x40x128xi32, #tpu.memory_space<hbm>> -> memref<1x40x128xi32, #tpu.memory_space<hbm>>
      %dma_start3A_49 = tpu.memref_squeeze %dma_start3A_48 : memref<1x40x128xi32, #tpu.memory_space<hbm>> -> memref<40x128xi32, #tpu.memory_space<hbm>>
      %dma_start3A_50 = arith.constant 0 : i32
      %dma_start3A_51 = arith.constant 0 : i32
      %dma_start3A_52 = tpu.memref_slice %arg3[%add3A, %dma_start3A_50, %dma_start3A_51] : memref<32x40x128xi32, #tpu.memory_space<hbm>> -> memref<1x40x128xi32, #tpu.memory_space<hbm>>
      %dma_start3A_53 = tpu.memref_squeeze %dma_start3A_52 : memref<1x40x128xi32, #tpu.memory_space<hbm>> -> memref<40x128xi32, #tpu.memory_space<hbm>>
      tpu.enqueue_dma source(%dma_start3A_53 : memref<40x128xi32, #tpu.memory_space<hbm>>) target(%arg7 : memref<40x128xi32, #tpu.memory_space<vmem>>) target_semaphore(%run_scoped3A : memref<!tpu.dma_semaphore, #tpu.memory_space<semaphore_mem>>)
      %dma_wait3A = arith.constant 0 : i32
      %dma_wait3A_54 = arith.constant 0 : i32
      %dma_wait3A_55 = tpu.memref_slice %arg3[%add3A, %dma_wait3A, %dma_wait3A_54] : memref<32x40x128xi32, #tpu.memory_space<hbm>> -> memref<1x40x128xi32, #tpu.memory_space<hbm>>
      %dma_wait3A_56 = tpu.memref_squeeze %dma_wait3A_55 : memref<1x40x128xi32, #tpu.memory_space<hbm>> -> memref<40x128xi32, #tpu.memory_space<hbm>>
      %dma_wait3A_57 = arith.constant 0 : i32
      %dma_wait3A_58 = arith.constant 0 : i32
      %dma_wait3A_59 = tpu.memref_slice %arg3[%add3A, %dma_wait3A_57, %dma_wait3A_58] : memref<32x40x128xi32, #tpu.memory_space<hbm>> -> memref<1x40x128xi32, #tpu.memory_space<hbm>>
      %dma_wait3A_60 = tpu.memref_squeeze %dma_wait3A_59 : memref<1x40x128xi32, #tpu.memory_space<hbm>> -> memref<40x128xi32, #tpu.memory_space<hbm>>
      tpu.wait_dma2 semaphore(%run_scoped3A : memref<!tpu.dma_semaphore, #tpu.memory_space<semaphore_mem>>) src(%dma_wait3A_60 : memref<40x128xi32, #tpu.memory_space<hbm>>) dst(%arg7 : memref<40x128xi32, #tpu.memory_space<vmem>>)
      tpu.yield
    }) : () -> ()
    "tpu.region"() ({
      %run_scoped3A = tpu.sem_alloc : memref<!tpu.dma_semaphore, #tpu.memory_space<semaphore_mem>>
      %dma_start3A_46 = arith.constant 0 : i32
      %dma_start3A_47 = arith.constant 0 : i32
      %dma_start3A_48 = tpu.memref_slice %arg4[%add3A, %dma_start3A_46, %dma_start3A_47] : memref<32x40x128xi32, #tpu.memory_space<hbm>> -> memref<1x40x128xi32, #tpu.memory_space<hbm>>
      %dma_start3A_49 = tpu.memref_squeeze %dma_start3A_48 : memref<1x40x128xi32, #tpu.memory_space<hbm>> -> memref<40x128xi32, #tpu.memory_space<hbm>>
      %dma_start3A_50 = arith.constant 0 : i32
      %dma_start3A_51 = arith.constant 0 : i32
      %dma_start3A_52 = tpu.memref_slice %arg4[%add3A, %dma_start3A_50, %dma_start3A_51] : memref<32x40x128xi32, #tpu.memory_space<hbm>> -> memref<1x40x128xi32, #tpu.memory_space<hbm>>
      %dma_start3A_53 = tpu.memref_squeeze %dma_start3A_52 : memref<1x40x128xi32, #tpu.memory_space<hbm>> -> memref<40x128xi32, #tpu.memory_space<hbm>>
      tpu.enqueue_dma source(%dma_start3A_53 : memref<40x128xi32, #tpu.memory_space<hbm>>) target(%arg8 : memref<40x128xi32, #tpu.memory_space<vmem>>) target_semaphore(%run_scoped3A : memref<!tpu.dma_semaphore, #tpu.memory_space<semaphore_mem>>)
      %dma_wait3A = arith.constant 0 : i32
      %dma_wait3A_54 = arith.constant 0 : i32
      %dma_wait3A_55 = tpu.memref_slice %arg4[%add3A, %dma_wait3A, %dma_wait3A_54] : memref<32x40x128xi32, #tpu.memory_space<hbm>> -> memref<1x40x128xi32, #tpu.memory_space<hbm>>
      %dma_wait3A_56 = tpu.memref_squeeze %dma_wait3A_55 : memref<1x40x128xi32, #tpu.memory_space<hbm>> -> memref<40x128xi32, #tpu.memory_space<hbm>>
      %dma_wait3A_57 = arith.constant 0 : i32
      %dma_wait3A_58 = arith.constant 0 : i32
      %dma_wait3A_59 = tpu.memref_slice %arg4[%add3A, %dma_wait3A_57, %dma_wait3A_58] : memref<32x40x128xi32, #tpu.memory_space<hbm>> -> memref<1x40x128xi32, #tpu.memory_space<hbm>>
      %dma_wait3A_60 = tpu.memref_squeeze %dma_wait3A_59 : memref<1x40x128xi32, #tpu.memory_space<hbm>> -> memref<40x128xi32, #tpu.memory_space<hbm>>
      tpu.wait_dma2 semaphore(%run_scoped3A : memref<!tpu.dma_semaphore, #tpu.memory_space<semaphore_mem>>) src(%dma_wait3A_60 : memref<40x128xi32, #tpu.memory_space<hbm>>) dst(%arg8 : memref<40x128xi32, #tpu.memory_space<vmem>>)
      tpu.yield
    }) : () -> ()
    %barrier3A = arith.constant 0 : index
    tpu.barrier barrier_id(%barrier3A)
    %dma_start3A = arith.constant 0 : i32
    %dma_start3A_7 = arith.constant 0 : i32
    %dma_start3A_8 = arith.constant 0 : i32
    %dma_start3A_9 = arith.constant 0 : i32
    %dma_start3A_10 = tpu.memref_slice %arg9[%dma_start3A_7, %dma_start3A_8, %dma_start3A_9] : memref<2x128x128xf32, #tpu.memory_space<vmem>> -> memref<1x128x128xf32, #tpu.memory_space<vmem>>
    %dma_start3A_11 = tpu.memref_squeeze %dma_start3A_10 : memref<1x128x128xf32, #tpu.memory_space<vmem>> -> memref<128x128xf32, #tpu.memory_space<vmem>>
    %dma_start3A_12 = arith.constant 0 : i32
    %dma_start3A_13 = tpu.memref_slice %arg7[%dma_start3A, %dma_start3A_12] : memref<40x128xi32, #tpu.memory_space<vmem>> -> memref<1x128xi32, #tpu.memory_space<vmem>>
    %dma_start3A_14 = tpu.memref_squeeze %dma_start3A_13 : memref<1x128xi32, #tpu.memory_space<vmem>> -> memref<128xi32, #tpu.memory_space<vmem>>
    %dma_start3A_15 = arith.constant 0 : i32
    %dma_start3A_16 = arith.constant 0 : i32
    %dma_start3A_17 = tpu.memref_slice %arg2[%dma_start3A_15, %dma_start3A_16] : memref<9984x128xf32, #tpu.memory_space<hbm>> -> memref<9984x128xf32, #tpu.memory_space<hbm>>
    tpu.enqueue_indirect_dma source(%dma_start3A_17 : memref<9984x128xf32, #tpu.memory_space<hbm>>) target(%dma_start3A_11 : memref<128x128xf32, #tpu.memory_space<vmem>>) offsets(%dma_start3A_14 : memref<128xi32, #tpu.memory_space<vmem>>) semaphore(%arg11 : memref<!tpu.dma_semaphore, #tpu.memory_space<semaphore_mem>>)
    %dma_start3A_18 = arith.constant 1 : i32
    %dma_start3A_19 = arith.constant 1 : i32
    %dma_start3A_20 = arith.constant 0 : i32
    %dma_start3A_21 = arith.constant 0 : i32
    %dma_start3A_22 = tpu.memref_slice %arg9[%dma_start3A_19, %dma_start3A_20, %dma_start3A_21] : memref<2x128x128xf32, #tpu.memory_space<vmem>> -> memref<1x128x128xf32, #tpu.memory_space<vmem>>
    %dma_start3A_23 = tpu.memref_squeeze %dma_start3A_22 : memref<1x128x128xf32, #tpu.memory_space<vmem>> -> memref<128x128xf32, #tpu.memory_space<vmem>>
    %dma_start3A_24 = arith.constant 0 : i32
    %dma_start3A_25 = tpu.memref_slice %arg7[%dma_start3A_18, %dma_start3A_24] : memref<40x128xi32, #tpu.memory_space<vmem>> -> memref<1x128xi32, #tpu.memory_space<vmem>>
    %dma_start3A_26 = tpu.memref_squeeze %dma_start3A_25 : memref<1x128xi32, #tpu.memory_space<vmem>> -> memref<128xi32, #tpu.memory_space<vmem>>
    %dma_start3A_27 = arith.constant 0 : i32
    %dma_start3A_28 = arith.constant 0 : i32
    %dma_start3A_29 = tpu.memref_slice %arg2[%dma_start3A_27, %dma_start3A_28] : memref<9984x128xf32, #tpu.memory_space<hbm>> -> memref<9984x128xf32, #tpu.memory_space<hbm>>
    tpu.enqueue_indirect_dma source(%dma_start3A_29 : memref<9984x128xf32, #tpu.memory_space<hbm>>) target(%dma_start3A_23 : memref<128x128xf32, #tpu.memory_space<vmem>>) offsets(%dma_start3A_26 : memref<128xi32, #tpu.memory_space<vmem>>) semaphore(%arg12 : memref<!tpu.dma_semaphore, #tpu.memory_space<semaphore_mem>>)
    %scan3A = arith.constant 0 : i32
    %scan3A_30 = arith.constant 0 : i32
    %scan3A_31 = arith.constant 20 : i32
    %scan3A_32 = arith.addi %scan3A_30, %scan3A_31 : i32
    %scan3A_33 = arith.constant 1 : i32
    scf.for %scan3A_46 = %scan3A_30 to %scan3A_32 step %scan3A_33  : i32 {
      %mul3A_47 = arith.constant 2 : i32
      %mul3A_48 = arith.muli %mul3A_47, %scan3A_46 : i32
      %add3A_49 = arith.constant 0 : i32
      %add3A_50 = arith.addi %mul3A_48, %add3A_49 : i32
      %dma_wait3A = arith.constant 0 : i32
      %dma_wait3A_51 = arith.constant 0 : i32
      %dma_wait3A_52 = arith.constant 0 : i32
      %dma_wait3A_53 = tpu.memref_slice %arg9[%dma_wait3A, %dma_wait3A_51, %dma_wait3A_52] : memref<2x128x128xf32, #tpu.memory_space<vmem>> -> memref<1x128x128xf32, #tpu.memory_space<vmem>>
      %dma_wait3A_54 = tpu.memref_squeeze %dma_wait3A_53 : memref<1x128x128xf32, #tpu.memory_space<vmem>> -> memref<128x128xf32, #tpu.memory_space<vmem>>
      %dma_wait3A_55 = arith.constant 0 : i32
      %dma_wait3A_56 = tpu.memref_slice %arg7[%add3A_50, %dma_wait3A_55] : memref<40x128xi32, #tpu.memory_space<vmem>> -> memref<1x128xi32, #tpu.memory_space<vmem>>
      %dma_wait3A_57 = tpu.memref_squeeze %dma_wait3A_56 : memref<1x128xi32, #tpu.memory_space<vmem>> -> memref<128xi32, #tpu.memory_space<vmem>>
      %dma_wait3A_58 = arith.constant 0 : i32
      %dma_wait3A_59 = arith.constant 0 : i32
      %dma_wait3A_60 = tpu.memref_slice %arg2[%dma_wait3A_58, %dma_wait3A_59] : memref<9984x128xf32, #tpu.memory_space<hbm>> -> memref<9984x128xf32, #tpu.memory_space<hbm>>
      tpu.wait_indirect_dma semaphore(%arg11 : memref<!tpu.dma_semaphore, #tpu.memory_space<semaphore_mem>>) src(%dma_wait3A_60 : memref<9984x128xf32, #tpu.memory_space<hbm>>) dst(%dma_wait3A_54 : memref<128x128xf32, #tpu.memory_space<vmem>>)
      %add3A_61 = arith.constant 0 : i32
      %add3A_62 = arith.addi %mul3A_48, %add3A_61 : i32
      %run_scoped3A = arith.constant 0 : i32
      "tpu.region"() ({
        %run_scoped3A_97 = tpu.sem_alloc : memref<!tpu.dma_semaphore, #tpu.memory_space<semaphore_mem>>
        %dma_start3A_98 = arith.constant 0 : i32
        %dma_start3A_99 = arith.constant 0 : i32
        %dma_start3A_100 = tpu.memref_slice %arg9[%run_scoped3A, %dma_start3A_98, %dma_start3A_99] : memref<2x128x128xf32, #tpu.memory_space<vmem>> -> memref<1x128x128xf32, #tpu.memory_space<vmem>>
        %dma_start3A_101 = tpu.memref_squeeze %dma_start3A_100 : memref<1x128x128xf32, #tpu.memory_space<vmem>> -> memref<128x128xf32, #tpu.memory_space<vmem>>
        %dma_start3A_102 = arith.constant 0 : i32
        %dma_start3A_103 = tpu.memref_slice %arg8[%add3A_62, %dma_start3A_102] : memref<40x128xi32, #tpu.memory_space<vmem>> -> memref<1x128xi32, #tpu.memory_space<vmem>>
        %dma_start3A_104 = tpu.memref_squeeze %dma_start3A_103 : memref<1x128xi32, #tpu.memory_space<vmem>> -> memref<128xi32, #tpu.memory_space<vmem>>
        %dma_start3A_105 = arith.constant 0 : i32
        %dma_start3A_106 = arith.constant 0 : i32
        %dma_start3A_107 = tpu.memref_slice %arg10[%dma_start3A_105, %dma_start3A_106] : memref<9872x128xf32, #tpu.memory_space<vmem_shared>> -> memref<9872x128xf32, #tpu.memory_space<vmem_shared>>
        tpu.enqueue_indirect_dma source(%dma_start3A_101 : memref<128x128xf32, #tpu.memory_space<vmem>>) target(%dma_start3A_107 : memref<9872x128xf32, #tpu.memory_space<vmem_shared>>) offsets(%dma_start3A_104 : memref<128xi32, #tpu.memory_space<vmem>>) semaphore(%run_scoped3A_97 : memref<!tpu.dma_semaphore, #tpu.memory_space<semaphore_mem>>) {add = true}
        %dma_wait3A_108 = arith.constant 0 : i32
        %dma_wait3A_109 = arith.constant 0 : i32
        %dma_wait3A_110 = tpu.memref_slice %arg9[%run_scoped3A, %dma_wait3A_108, %dma_wait3A_109] : memref<2x128x128xf32, #tpu.memory_space<vmem>> -> memref<1x128x128xf32, #tpu.memory_space<vmem>>
        %dma_wait3A_111 = tpu.memref_squeeze %dma_wait3A_110 : memref<1x128x128xf32, #tpu.memory_space<vmem>> -> memref<128x128xf32, #tpu.memory_space<vmem>>
        %dma_wait3A_112 = arith.constant 0 : i32
        %dma_wait3A_113 = tpu.memref_slice %arg8[%add3A_62, %dma_wait3A_112] : memref<40x128xi32, #tpu.memory_space<vmem>> -> memref<1x128xi32, #tpu.memory_space<vmem>>
        %dma_wait3A_114 = tpu.memref_squeeze %dma_wait3A_113 : memref<1x128xi32, #tpu.memory_space<vmem>> -> memref<128xi32, #tpu.memory_space<vmem>>
        %dma_wait3A_115 = arith.constant 0 : i32
        %dma_wait3A_116 = arith.constant 0 : i32
        %dma_wait3A_117 = tpu.memref_slice %arg10[%dma_wait3A_115, %dma_wait3A_116] : memref<9872x128xf32, #tpu.memory_space<vmem_shared>> -> memref<9872x128xf32, #tpu.memory_space<vmem_shared>>
        tpu.wait_indirect_dma semaphore(%run_scoped3A_97 : memref<!tpu.dma_semaphore, #tpu.memory_space<semaphore_mem>>) src(%dma_wait3A_111 : memref<128x128xf32, #tpu.memory_space<vmem>>) dst(%dma_wait3A_117 : memref<9872x128xf32, #tpu.memory_space<vmem_shared>>)
        tpu.yield
      }) : () -> ()
      %add3A_63 = arith.constant 2 : i32
      %add3A_64 = arith.addi %mul3A_48, %add3A_63 : i32
      %add3A_65 = arith.constant 0 : i32
      %add3A_66 = arith.addi %add3A_64, %add3A_65 : i32
      %lt3A_67 = arith.constant 40 : i32
      %lt3A_68 = arith.cmpi slt, %add3A_66, %lt3A_67 : i32
      %convert_element_type3A_69 = arith.extui %lt3A_68 : i1 to i32
      %cond3A_70 = arith.constant 0 : i32
      %cond3A_71 = arith.cmpi ne, %convert_element_type3A_69, %cond3A_70 : i32
      scf.if %cond3A_71 {
        %add3A_97 = arith.constant 2 : i32
        %add3A_98 = arith.addi %mul3A_48, %add3A_97 : i32
        %add3A_99 = arith.constant 0 : i32
        %add3A_100 = arith.addi %add3A_98, %add3A_99 : i32
        %dma_start3A_101 = arith.constant 0 : i32
        %dma_start3A_102 = arith.constant 0 : i32
        %dma_start3A_103 = arith.constant 0 : i32
        %dma_start3A_104 = tpu.memref_slice %arg9[%dma_start3A_101, %dma_start3A_102, %dma_start3A_103] : memref<2x128x128xf32, #tpu.memory_space<vmem>> -> memref<1x128x128xf32, #tpu.memory_space<vmem>>
        %dma_start3A_105 = tpu.memref_squeeze %dma_start3A_104 : memref<1x128x128xf32, #tpu.memory_space<vmem>> -> memref<128x128xf32, #tpu.memory_space<vmem>>
        %dma_start3A_106 = arith.constant 0 : i32
        %dma_start3A_107 = tpu.memref_slice %arg7[%add3A_100, %dma_start3A_106] : memref<40x128xi32, #tpu.memory_space<vmem>> -> memref<1x128xi32, #tpu.memory_space<vmem>>
        %dma_start3A_108 = tpu.memref_squeeze %dma_start3A_107 : memref<1x128xi32, #tpu.memory_space<vmem>> -> memref<128xi32, #tpu.memory_space<vmem>>
        %dma_start3A_109 = arith.constant 0 : i32
        %dma_start3A_110 = arith.constant 0 : i32
        %dma_start3A_111 = tpu.memref_slice %arg2[%dma_start3A_109, %dma_start3A_110] : memref<9984x128xf32, #tpu.memory_space<hbm>> -> memref<9984x128xf32, #tpu.memory_space<hbm>>
        tpu.enqueue_indirect_dma source(%dma_start3A_111 : memref<9984x128xf32, #tpu.memory_space<hbm>>) target(%dma_start3A_105 : memref<128x128xf32, #tpu.memory_space<vmem>>) offsets(%dma_start3A_108 : memref<128xi32, #tpu.memory_space<vmem>>) semaphore(%arg11 : memref<!tpu.dma_semaphore, #tpu.memory_space<semaphore_mem>>)
      } else {
      }
      %add3A_72 = arith.constant 1 : i32
      %add3A_73 = arith.addi %mul3A_48, %add3A_72 : i32
      %dma_wait3A_74 = arith.constant 1 : i32
      %dma_wait3A_75 = arith.constant 0 : i32
      %dma_wait3A_76 = arith.constant 0 : i32
      %dma_wait3A_77 = tpu.memref_slice %arg9[%dma_wait3A_74, %dma_wait3A_75, %dma_wait3A_76] : memref<2x128x128xf32, #tpu.memory_space<vmem>> -> memref<1x128x128xf32, #tpu.memory_space<vmem>>
      %dma_wait3A_78 = tpu.memref_squeeze %dma_wait3A_77 : memref<1x128x128xf32, #tpu.memory_space<vmem>> -> memref<128x128xf32, #tpu.memory_space<vmem>>
      %dma_wait3A_79 = arith.constant 0 : i32
      %dma_wait3A_80 = tpu.memref_slice %arg7[%add3A_73, %dma_wait3A_79] : memref<40x128xi32, #tpu.memory_space<vmem>> -> memref<1x128xi32, #tpu.memory_space<vmem>>
      %dma_wait3A_81 = tpu.memref_squeeze %dma_wait3A_80 : memref<1x128xi32, #tpu.memory_space<vmem>> -> memref<128xi32, #tpu.memory_space<vmem>>
      %dma_wait3A_82 = arith.constant 0 : i32
      %dma_wait3A_83 = arith.constant 0 : i32
      %dma_wait3A_84 = tpu.memref_slice %arg2[%dma_wait3A_82, %dma_wait3A_83] : memref<9984x128xf32, #tpu.memory_space<hbm>> -> memref<9984x128xf32, #tpu.memory_space<hbm>>
      tpu.wait_indirect_dma semaphore(%arg12 : memref<!tpu.dma_semaphore, #tpu.memory_space<semaphore_mem>>) src(%dma_wait3A_84 : memref<9984x128xf32, #tpu.memory_space<hbm>>) dst(%dma_wait3A_78 : memref<128x128xf32, #tpu.memory_space<vmem>>)
      %add3A_85 = arith.constant 1 : i32
      %add3A_86 = arith.addi %mul3A_48, %add3A_85 : i32
      %run_scoped3A_87 = arith.constant 1 : i32
      "tpu.region"() ({
        %run_scoped3A_97 = tpu.sem_alloc : memref<!tpu.dma_semaphore, #tpu.memory_space<semaphore_mem>>
        %dma_start3A_98 = arith.constant 0 : i32
        %dma_start3A_99 = arith.constant 0 : i32
        %dma_start3A_100 = tpu.memref_slice %arg9[%run_scoped3A_87, %dma_start3A_98, %dma_start3A_99] : memref<2x128x128xf32, #tpu.memory_space<vmem>> -> memref<1x128x128xf32, #tpu.memory_space<vmem>>
        %dma_start3A_101 = tpu.memref_squeeze %dma_start3A_100 : memref<1x128x128xf32, #tpu.memory_space<vmem>> -> memref<128x128xf32, #tpu.memory_space<vmem>>
        %dma_start3A_102 = arith.constant 0 : i32
        %dma_start3A_103 = tpu.memref_slice %arg8[%add3A_86, %dma_start3A_102] : memref<40x128xi32, #tpu.memory_space<vmem>> -> memref<1x128xi32, #tpu.memory_space<vmem>>
        %dma_start3A_104 = tpu.memref_squeeze %dma_start3A_103 : memref<1x128xi32, #tpu.memory_space<vmem>> -> memref<128xi32, #tpu.memory_space<vmem>>
        %dma_start3A_105 = arith.constant 0 : i32
        %dma_start3A_106 = arith.constant 0 : i32
        %dma_start3A_107 = tpu.memref_slice %arg10[%dma_start3A_105, %dma_start3A_106] : memref<9872x128xf32, #tpu.memory_space<vmem_shared>> -> memref<9872x128xf32, #tpu.memory_space<vmem_shared>>
        tpu.enqueue_indirect_dma source(%dma_start3A_101 : memref<128x128xf32, #tpu.memory_space<vmem>>) target(%dma_start3A_107 : memref<9872x128xf32, #tpu.memory_space<vmem_shared>>) offsets(%dma_start3A_104 : memref<128xi32, #tpu.memory_space<vmem>>) semaphore(%run_scoped3A_97 : memref<!tpu.dma_semaphore, #tpu.memory_space<semaphore_mem>>) {add = true}
        %dma_wait3A_108 = arith.constant 0 : i32
        %dma_wait3A_109 = arith.constant 0 : i32
        %dma_wait3A_110 = tpu.memref_slice %arg9[%run_scoped3A_87, %dma_wait3A_108, %dma_wait3A_109] : memref<2x128x128xf32, #tpu.memory_space<vmem>> -> memref<1x128x128xf32, #tpu.memory_space<vmem>>
        %dma_wait3A_111 = tpu.memref_squeeze %dma_wait3A_110 : memref<1x128x128xf32, #tpu.memory_space<vmem>> -> memref<128x128xf32, #tpu.memory_space<vmem>>
        %dma_wait3A_112 = arith.constant 0 : i32
        %dma_wait3A_113 = tpu.memref_slice %arg8[%add3A_86, %dma_wait3A_112] : memref<40x128xi32, #tpu.memory_space<vmem>> -> memref<1x128xi32, #tpu.memory_space<vmem>>
        %dma_wait3A_114 = tpu.memref_squeeze %dma_wait3A_113 : memref<1x128xi32, #tpu.memory_space<vmem>> -> memref<128xi32, #tpu.memory_space<vmem>>
        %dma_wait3A_115 = arith.constant 0 : i32
        %dma_wait3A_116 = arith.constant 0 : i32
        %dma_wait3A_117 = tpu.memref_slice %arg10[%dma_wait3A_115, %dma_wait3A_116] : memref<9872x128xf32, #tpu.memory_space<vmem_shared>> -> memref<9872x128xf32, #tpu.memory_space<vmem_shared>>
        tpu.wait_indirect_dma semaphore(%run_scoped3A_97 : memref<!tpu.dma_semaphore, #tpu.memory_space<semaphore_mem>>) src(%dma_wait3A_111 : memref<128x128xf32, #tpu.memory_space<vmem>>) dst(%dma_wait3A_117 : memref<9872x128xf32, #tpu.memory_space<vmem_shared>>)
        tpu.yield
      }) : () -> ()
      %add3A_88 = arith.constant 2 : i32
      %add3A_89 = arith.addi %mul3A_48, %add3A_88 : i32
      %add3A_90 = arith.constant 1 : i32
      %add3A_91 = arith.addi %add3A_89, %add3A_90 : i32
      %lt3A_92 = arith.constant 40 : i32
      %lt3A_93 = arith.cmpi slt, %add3A_91, %lt3A_92 : i32
      %convert_element_type3A_94 = arith.extui %lt3A_93 : i1 to i32
      %cond3A_95 = arith.constant 0 : i32
      %cond3A_96 = arith.cmpi ne, %convert_element_type3A_94, %cond3A_95 : i32
      scf.if %cond3A_96 {
        %add3A_97 = arith.constant 2 : i32
        %add3A_98 = arith.addi %mul3A_48, %add3A_97 : i32
        %add3A_99 = arith.constant 1 : i32
        %add3A_100 = arith.addi %add3A_98, %add3A_99 : i32
        %dma_start3A_101 = arith.constant 1 : i32
        %dma_start3A_102 = arith.constant 0 : i32
        %dma_start3A_103 = arith.constant 0 : i32
        %dma_start3A_104 = tpu.memref_slice %arg9[%dma_start3A_101, %dma_start3A_102, %dma_start3A_103] : memref<2x128x128xf32, #tpu.memory_space<vmem>> -> memref<1x128x128xf32, #tpu.memory_space<vmem>>
        %dma_start3A_105 = tpu.memref_squeeze %dma_start3A_104 : memref<1x128x128xf32, #tpu.memory_space<vmem>> -> memref<128x128xf32, #tpu.memory_space<vmem>>
        %dma_start3A_106 = arith.constant 0 : i32
        %dma_start3A_107 = tpu.memref_slice %arg7[%add3A_100, %dma_start3A_106] : memref<40x128xi32, #tpu.memory_space<vmem>> -> memref<1x128xi32, #tpu.memory_space<vmem>>
        %dma_start3A_108 = tpu.memref_squeeze %dma_start3A_107 : memref<1x128xi32, #tpu.memory_space<vmem>> -> memref<128xi32, #tpu.memory_space<vmem>>
        %dma_start3A_109 = arith.constant 0 : i32
        %dma_start3A_110 = arith.constant 0 : i32
        %dma_start3A_111 = tpu.memref_slice %arg2[%dma_start3A_109, %dma_start3A_110] : memref<9984x128xf32, #tpu.memory_space<hbm>> -> memref<9984x128xf32, #tpu.memory_space<hbm>>
        tpu.enqueue_indirect_dma source(%dma_start3A_111 : memref<9984x128xf32, #tpu.memory_space<hbm>>) target(%dma_start3A_105 : memref<128x128xf32, #tpu.memory_space<vmem>>) offsets(%dma_start3A_108 : memref<128xi32, #tpu.memory_space<vmem>>) semaphore(%arg12 : memref<!tpu.dma_semaphore, #tpu.memory_space<semaphore_mem>>)
      } else {
      }
    }
    %scan3A_34 = arith.constant 20 : i32
    %barrier3A_35 = arith.constant 0 : index
    tpu.barrier barrier_id(%barrier3A_35)
    %lt3A_36 = arith.constant 15 : i32
    %lt3A_37 = arith.cmpi slt, %arg1, %lt3A_36 : i32
    %convert_element_type3A_38 = arith.extui %lt3A_37 : i1 to i32
    %cond3A_39 = arith.constant 0 : i32
    %cond3A_40 = arith.cmpi ne, %convert_element_type3A_38, %cond3A_39 : i32
    scf.if %cond3A_40 {
      %mul3A_46 = arith.constant 624 : i32
      %mul3A_47 = arith.muli %arg1, %mul3A_46 : i32
      %mul3A_48 = arith.constant 624 : i32
      %mul3A_49 = arith.muli %arg1, %mul3A_48 : i32
      "tpu.region"() ({
        %run_scoped3A = tpu.sem_alloc : memref<!tpu.dma_semaphore, #tpu.memory_space<semaphore_mem>>
        %dma_start3A_50 = arith.constant 0 : i32
        %dma_start3A_51 = arith.constant 0 : i32
        %dma_start3A_52 = tpu.memref_slice %arg6[%arg0, %dma_start3A_50, %dma_start3A_51] : memref<2x9872x128xf32, #tpu.memory_space<hbm>> -> memref<1x9872x128xf32, #tpu.memory_space<hbm>>
        %dma_start3A_53 = tpu.memref_squeeze %dma_start3A_52 : memref<1x9872x128xf32, #tpu.memory_space<hbm>> -> memref<9872x128xf32, #tpu.memory_space<hbm>>
        %dma_start3A_54 = arith.constant 0 : i32
        %dma_start3A_55 = tpu.memref_slice %dma_start3A_53[%mul3A_49, %dma_start3A_54] : memref<9872x128xf32, #tpu.memory_space<hbm>> -> memref<624x128xf32, #tpu.memory_space<hbm>>
        %dma_start3A_56 = arith.constant 0 : i32
        %dma_start3A_57 = tpu.memref_slice %arg10[%mul3A_47, %dma_start3A_56] : memref<9872x128xf32, #tpu.memory_space<vmem_shared>> -> memref<624x128xf32, #tpu.memory_space<vmem_shared>>
        tpu.enqueue_dma source(%dma_start3A_57 : memref<624x128xf32, #tpu.memory_space<vmem_shared>>) target(%dma_start3A_55 : memref<624x128xf32, #tpu.memory_space<hbm>>) target_semaphore(%run_scoped3A : memref<!tpu.dma_semaphore, #tpu.memory_space<semaphore_mem>>)
        %dma_wait3A = arith.constant 0 : i32
        %dma_wait3A_58 = arith.constant 0 : i32
        %dma_wait3A_59 = tpu.memref_slice %arg6[%arg0, %dma_wait3A, %dma_wait3A_58] : memref<2x9872x128xf32, #tpu.memory_space<hbm>> -> memref<1x9872x128xf32, #tpu.memory_space<hbm>>
        %dma_wait3A_60 = tpu.memref_squeeze %dma_wait3A_59 : memref<1x9872x128xf32, #tpu.memory_space<hbm>> -> memref<9872x128xf32, #tpu.memory_space<hbm>>
        %dma_wait3A_61 = arith.constant 0 : i32
        %dma_wait3A_62 = tpu.memref_slice %dma_wait3A_60[%mul3A_49, %dma_wait3A_61] : memref<9872x128xf32, #tpu.memory_space<hbm>> -> memref<624x128xf32, #tpu.memory_space<hbm>>
        %dma_wait3A_63 = arith.constant 0 : i32
        %dma_wait3A_64 = tpu.memref_slice %arg10[%mul3A_47, %dma_wait3A_63] : memref<9872x128xf32, #tpu.memory_space<vmem_shared>> -> memref<624x128xf32, #tpu.memory_space<vmem_shared>>
        tpu.wait_dma2 semaphore(%run_scoped3A : memref<!tpu.dma_semaphore, #tpu.memory_space<semaphore_mem>>) src(%dma_wait3A_64 : memref<624x128xf32, #tpu.memory_space<vmem_shared>>) dst(%dma_wait3A_62 : memref<624x128xf32, #tpu.memory_space<hbm>>)
        tpu.yield
      }) : () -> ()
    } else {
    }
    %eq3A_41 = arith.constant 15 : i32
    %eq3A_42 = arith.cmpi eq, %arg1, %eq3A_41 : i32
    %convert_element_type3A_43 = arith.extui %eq3A_42 : i1 to i32
    %cond3A_44 = arith.constant 0 : i32
    %cond3A_45 = arith.cmpi ne, %convert_element_type3A_43, %cond3A_44 : i32
    scf.if %cond3A_45 {
      "tpu.region"() ({
        %run_scoped3A = tpu.sem_alloc : memref<!tpu.dma_semaphore, #tpu.memory_space<semaphore_mem>>
        %dma_start3A_46 = arith.constant 0 : i32
        %dma_start3A_47 = arith.constant 0 : i32
        %dma_start3A_48 = tpu.memref_slice %arg6[%arg0, %dma_start3A_46, %dma_start3A_47] : memref<2x9872x128xf32, #tpu.memory_space<hbm>> -> memref<1x9872x128xf32, #tpu.memory_space<hbm>>
        %dma_start3A_49 = tpu.memref_squeeze %dma_start3A_48 : memref<1x9872x128xf32, #tpu.memory_space<hbm>> -> memref<9872x128xf32, #tpu.memory_space<hbm>>
        %dma_start3A_50 = arith.constant 9360 : i32
        %dma_start3A_51 = arith.constant 0 : i32
        %dma_start3A_52 = tpu.memref_slice %dma_start3A_49[%dma_start3A_50, %dma_start3A_51] : memref<9872x128xf32, #tpu.memory_space<hbm>> -> memref<512x128xf32, #tpu.memory_space<hbm>>
        %dma_start3A_53 = arith.constant 9360 : i32
        %dma_start3A_54 = arith.constant 0 : i32
        %dma_start3A_55 = tpu.memref_slice %arg10[%dma_start3A_53, %dma_start3A_54] : memref<9872x128xf32, #tpu.memory_space<vmem_shared>> -> memref<512x128xf32, #tpu.memory_space<vmem_shared>>
        tpu.enqueue_dma source(%dma_start3A_55 : memref<512x128xf32, #tpu.memory_space<vmem_shared>>) target(%dma_start3A_52 : memref<512x128xf32, #tpu.memory_space<hbm>>) target_semaphore(%run_scoped3A : memref<!tpu.dma_semaphore, #tpu.memory_space<semaphore_mem>>)
        %dma_wait3A = arith.constant 0 : i32
        %dma_wait3A_56 = arith.constant 0 : i32
        %dma_wait3A_57 = tpu.memref_slice %arg6[%arg0, %dma_wait3A, %dma_wait3A_56] : memref<2x9872x128xf32, #tpu.memory_space<hbm>> -> memref<1x9872x128xf32, #tpu.memory_space<hbm>>
        %dma_wait3A_58 = tpu.memref_squeeze %dma_wait3A_57 : memref<1x9872x128xf32, #tpu.memory_space<hbm>> -> memref<9872x128xf32, #tpu.memory_space<hbm>>
        %dma_wait3A_59 = arith.constant 9360 : i32
        %dma_wait3A_60 = arith.constant 0 : i32
        %dma_wait3A_61 = tpu.memref_slice %dma_wait3A_58[%dma_wait3A_59, %dma_wait3A_60] : memref<9872x128xf32, #tpu.memory_space<hbm>> -> memref<512x128xf32, #tpu.memory_space<hbm>>
        %dma_wait3A_62 = arith.constant 9360 : i32
        %dma_wait3A_63 = arith.constant 0 : i32
        %dma_wait3A_64 = tpu.memref_slice %arg10[%dma_wait3A_62, %dma_wait3A_63] : memref<9872x128xf32, #tpu.memory_space<vmem_shared>> -> memref<512x128xf32, #tpu.memory_space<vmem_shared>>
        tpu.wait_dma2 semaphore(%run_scoped3A : memref<!tpu.dma_semaphore, #tpu.memory_space<semaphore_mem>>) src(%dma_wait3A_64 : memref<512x128xf32, #tpu.memory_space<vmem_shared>>) dst(%dma_wait3A_61 : memref<512x128xf32, #tpu.memory_space<hbm>>)
        tpu.yield
      }) : () -> ()
    } else {
    }
    return
  }
}

#map = affine_map<(d0, d1) -> (0, 0)>
#map1 = affine_map<(d0, d1) -> (0, 0, 0)>
module attributes {stable_mosaic.version = 14 : i64} {
  func.func @k(%arg0: i32, %arg1: i32, %arg2: memref<9984x128xf32, #tpu.memory_space<hbm>>, %arg3: memref<32x40x128xi32, #tpu.memory_space<hbm>>, %arg4: memref<32x40x128xi32, #tpu.memory_space<hbm>>, %arg5: memref<624x128xf32, #tpu.memory_space<hbm>>, %arg6: memref<2x9872x128xf32, #tpu.memory_space<hbm>>, %arg7: memref<40x128xi32, #tpu.memory_space<vmem>>, %arg8: memref<40x128xi32, #tpu.memory_space<vmem>>, %arg9: memref<2x128x128xf32, #tpu.memory_space<vmem>>, %arg10: memref<9872x128xf32, #tpu.memory_space<vmem_shared>>, %arg11: memref<!tpu.dma_semaphore, #tpu.memory_space<semaphore_mem>>, %arg12: memref<!tpu.dma_semaphore, #tpu.memory_space<semaphore_mem>>) attributes {dimension_semantics = [#tpu.dimension_semantics<core_parallel>, #tpu.dimension_semantics<subcore_parallel>], iteration_bounds = array<i64: 2, 16>, scalar_prefetch = 0 : i64, scratch_operands = 6 : i64, tpu.core_type = #tpu.core_type<sc_vector_subcore>, window_params = [{transform_indices = #map}, {transform_indices = #map1}, {transform_indices = #map1}, {transform_indices = #map}, {transform_indices = #map1}]} {
    %mul3A = arith.constant 2 : i32
    %mul3A_0 = arith.muli %arg1, %mul3A : i32
    %add3A = arith.addi %mul3A_0, %arg0 : i32
    %lt3A = arith.constant 15 : i32
    %lt3A_1 = arith.cmpi slt, %arg1, %lt3A : i32
    %convert_element_type3A = arith.extui %lt3A_1 : i1 to i32
    %cond3A = arith.constant 0 : i32
    %cond3A_2 = arith.cmpi ne, %convert_element_type3A, %cond3A : i32
    scf.if %cond3A_2 {
      %mul3A_46 = arith.constant 624 : i32
      %mul3A_47 = arith.muli %arg1, %mul3A_46 : i32
      "tpu.region"() ({
        %run_scoped3A = tpu.sem_alloc : memref<!tpu.dma_semaphore, #tpu.memory_space<semaphore_mem>>
        %dma_start3A_48 = arith.constant 0 : i32
        %dma_start3A_49 = tpu.memref_slice %arg10[%mul3A_47, %dma_start3A_48] : memref<9872x128xf32, #tpu.memory_space<vmem_shared>> -> memref<624x128xf32, #tpu.memory_space<vmem_shared>>
        tpu.enqueue_dma source(%arg5 : memref<624x128xf32, #tpu.memory_space<hbm>>) target(%dma_start3A_49 : memref<624x128xf32, #tpu.memory_space<vmem_shared>>) target_semaphore(%run_scoped3A : memref<!tpu.dma_semaphore, #tpu.memory_space<semaphore_mem>>)
        %dma_wait3A = arith.constant 0 : i32
        %dma_wait3A_50 = tpu.memref_slice %arg10[%mul3A_47, %dma_wait3A] : memref<9872x128xf32, #tpu.memory_space<vmem_shared>> -> memref<624x128xf32, #tpu.memory_space<vmem_shared>>
        tpu.wait_dma2 semaphore(%run_scoped3A : memref<!tpu.dma_semaphore, #tpu.memory_space<semaphore_mem>>) src(%arg5 : memref<624x128xf32, #tpu.memory_space<hbm>>) dst(%dma_wait3A_50 : memref<624x128xf32, #tpu.memory_space<vmem_shared>>)
        tpu.yield
      }) : () -> ()
    } else {
    }
    %eq3A = arith.constant 15 : i32
    %eq3A_3 = arith.cmpi eq, %arg1, %eq3A : i32
    %convert_element_type3A_4 = arith.extui %eq3A_3 : i1 to i32
    %cond3A_5 = arith.constant 0 : i32
    %cond3A_6 = arith.cmpi ne, %convert_element_type3A_4, %cond3A_5 : i32
    scf.if %cond3A_6 {
      "tpu.region"() ({
        %run_scoped3A = tpu.sem_alloc : memref<!tpu.dma_semaphore, #tpu.memory_space<semaphore_mem>>
        %dma_start3A_46 = arith.constant 9360 : i32
        %dma_start3A_47 = arith.constant 0 : i32
        %dma_start3A_48 = tpu.memref_slice %arg10[%dma_start3A_46, %dma_start3A_47] : memref<9872x128xf32, #tpu.memory_space<vmem_shared>> -> memref<512x128xf32, #tpu.memory_space<vmem_shared>>
        %dma_start3A_49 = arith.constant 0 : i32
        %dma_start3A_50 = arith.constant 0 : i32
        %dma_start3A_51 = tpu.memref_slice %arg5[%dma_start3A_49, %dma_start3A_50] : memref<624x128xf32, #tpu.memory_space<hbm>> -> memref<512x128xf32, #tpu.memory_space<hbm>>
        tpu.enqueue_dma source(%dma_start3A_51 : memref<512x128xf32, #tpu.memory_space<hbm>>) target(%dma_start3A_48 : memref<512x128xf32, #tpu.memory_space<vmem_shared>>) target_semaphore(%run_scoped3A : memref<!tpu.dma_semaphore, #tpu.memory_space<semaphore_mem>>)
        %dma_wait3A = arith.constant 9360 : i32
        %dma_wait3A_52 = arith.constant 0 : i32
        %dma_wait3A_53 = tpu.memref_slice %arg10[%dma_wait3A, %dma_wait3A_52] : memref<9872x128xf32, #tpu.memory_space<vmem_shared>> -> memref<512x128xf32, #tpu.memory_space<vmem_shared>>
        %dma_wait3A_54 = arith.constant 0 : i32
        %dma_wait3A_55 = arith.constant 0 : i32
        %dma_wait3A_56 = tpu.memref_slice %arg5[%dma_wait3A_54, %dma_wait3A_55] : memref<624x128xf32, #tpu.memory_space<hbm>> -> memref<512x128xf32, #tpu.memory_space<hbm>>
        tpu.wait_dma2 semaphore(%run_scoped3A : memref<!tpu.dma_semaphore, #tpu.memory_space<semaphore_mem>>) src(%dma_wait3A_56 : memref<512x128xf32, #tpu.memory_space<hbm>>) dst(%dma_wait3A_53 : memref<512x128xf32, #tpu.memory_space<vmem_shared>>)
        tpu.yield
      }) : () -> ()
    } else {
    }
    "tpu.region"() ({
      %run_scoped3A = tpu.sem_alloc : memref<!tpu.dma_semaphore, #tpu.memory_space<semaphore_mem>>
      %dma_start3A_46 = arith.constant 0 : i32
      %dma_start3A_47 = arith.constant 0 : i32
      %dma_start3A_48 = tpu.memref_slice %arg3[%add3A, %dma_start3A_46, %dma_start3A_47] : memref<32x40x128xi32, #tpu.memory_space<hbm>> -> memref<1x40x128xi32, #tpu.memory_space<hbm>>
      %dma_start3A_49 = tpu.memref_squeeze %dma_start3A_48 : memref<1x40x128xi32, #tpu.memory_space<hbm>> -> memref<40x128xi32, #tpu.memory_space<hbm>>
      %dma_start3A_50 = arith.constant 0 : i32
      %dma_start3A_51 = arith.constant 0 : i32
      %dma_start3A_52 = tpu.memref_slice %arg3[%add3A, %dma_start3A_50, %dma_start3A_51] : memref<32x40x128xi32, #tpu.memory_space<hbm>> -> memref<1x40x128xi32, #tpu.memory_space<hbm>>
      %dma_start3A_53 = tpu.memref_squeeze %dma_start3A_52 : memref<1x40x128xi32, #tpu.memory_space<hbm>> -> memref<40x128xi32, #tpu.memory_space<hbm>>
      tpu.enqueue_dma source(%dma_start3A_53 : memref<40x128xi32, #tpu.memory_space<hbm>>) target(%arg7 : memref<40x128xi32, #tpu.memory_space<vmem>>) target_semaphore(%run_scoped3A : memref<!tpu.dma_semaphore, #tpu.memory_space<semaphore_mem>>)
      %dma_wait3A = arith.constant 0 : i32
      %dma_wait3A_54 = arith.constant 0 : i32
      %dma_wait3A_55 = tpu.memref_slice %arg3[%add3A, %dma_wait3A, %dma_wait3A_54] : memref<32x40x128xi32, #tpu.memory_space<hbm>> -> memref<1x40x128xi32, #tpu.memory_space<hbm>>
      %dma_wait3A_56 = tpu.memref_squeeze %dma_wait3A_55 : memref<1x40x128xi32, #tpu.memory_space<hbm>> -> memref<40x128xi32, #tpu.memory_space<hbm>>
      %dma_wait3A_57 = arith.constant 0 : i32
      %dma_wait3A_58 = arith.constant 0 : i32
      %dma_wait3A_59 = tpu.memref_slice %arg3[%add3A, %dma_wait3A_57, %dma_wait3A_58] : memref<32x40x128xi32, #tpu.memory_space<hbm>> -> memref<1x40x128xi32, #tpu.memory_space<hbm>>
      %dma_wait3A_60 = tpu.memref_squeeze %dma_wait3A_59 : memref<1x40x128xi32, #tpu.memory_space<hbm>> -> memref<40x128xi32, #tpu.memory_space<hbm>>
      tpu.wait_dma2 semaphore(%run_scoped3A : memref<!tpu.dma_semaphore, #tpu.memory_space<semaphore_mem>>) src(%dma_wait3A_60 : memref<40x128xi32, #tpu.memory_space<hbm>>) dst(%arg7 : memref<40x128xi32, #tpu.memory_space<vmem>>)
      tpu.yield
    }) : () -> ()
    "tpu.region"() ({
      %run_scoped3A = tpu.sem_alloc : memref<!tpu.dma_semaphore, #tpu.memory_space<semaphore_mem>>
      %dma_start3A_46 = arith.constant 0 : i32
      %dma_start3A_47 = arith.constant 0 : i32
      %dma_start3A_48 = tpu.memref_slice %arg4[%add3A, %dma_start3A_46, %dma_start3A_47] : memref<32x40x128xi32, #tpu.memory_space<hbm>> -> memref<1x40x128xi32, #tpu.memory_space<hbm>>
      %dma_start3A_49 = tpu.memref_squeeze %dma_start3A_48 : memref<1x40x128xi32, #tpu.memory_space<hbm>> -> memref<40x128xi32, #tpu.memory_space<hbm>>
      %dma_start3A_50 = arith.constant 0 : i32
      %dma_start3A_51 = arith.constant 0 : i32
      %dma_start3A_52 = tpu.memref_slice %arg4[%add3A, %dma_start3A_50, %dma_start3A_51] : memref<32x40x128xi32, #tpu.memory_space<hbm>> -> memref<1x40x128xi32, #tpu.memory_space<hbm>>
      %dma_start3A_53 = tpu.memref_squeeze %dma_start3A_52 : memref<1x40x128xi32, #tpu.memory_space<hbm>> -> memref<40x128xi32, #tpu.memory_space<hbm>>
      tpu.enqueue_dma source(%dma_start3A_53 : memref<40x128xi32, #tpu.memory_space<hbm>>) target(%arg8 : memref<40x128xi32, #tpu.memory_space<vmem>>) target_semaphore(%run_scoped3A : memref<!tpu.dma_semaphore, #tpu.memory_space<semaphore_mem>>)
      %dma_wait3A = arith.constant 0 : i32
      %dma_wait3A_54 = arith.constant 0 : i32
      %dma_wait3A_55 = tpu.memref_slice %arg4[%add3A, %dma_wait3A, %dma_wait3A_54] : memref<32x40x128xi32, #tpu.memory_space<hbm>> -> memref<1x40x128xi32, #tpu.memory_space<hbm>>
      %dma_wait3A_56 = tpu.memref_squeeze %dma_wait3A_55 : memref<1x40x128xi32, #tpu.memory_space<hbm>> -> memref<40x128xi32, #tpu.memory_space<hbm>>
      %dma_wait3A_57 = arith.constant 0 : i32
      %dma_wait3A_58 = arith.constant 0 : i32
      %dma_wait3A_59 = tpu.memref_slice %arg4[%add3A, %dma_wait3A_57, %dma_wait3A_58] : memref<32x40x128xi32, #tpu.memory_space<hbm>> -> memref<1x40x128xi32, #tpu.memory_space<hbm>>
      %dma_wait3A_60 = tpu.memref_squeeze %dma_wait3A_59 : memref<1x40x128xi32, #tpu.memory_space<hbm>> -> memref<40x128xi32, #tpu.memory_space<hbm>>
      tpu.wait_dma2 semaphore(%run_scoped3A : memref<!tpu.dma_semaphore, #tpu.memory_space<semaphore_mem>>) src(%dma_wait3A_60 : memref<40x128xi32, #tpu.memory_space<hbm>>) dst(%arg8 : memref<40x128xi32, #tpu.memory_space<vmem>>)
      tpu.yield
    }) : () -> ()
    %barrier3A = arith.constant 0 : index
    tpu.barrier barrier_id(%barrier3A)
    %dma_start3A = arith.constant 0 : i32
    %dma_start3A_7 = arith.constant 0 : i32
    %dma_start3A_8 = arith.constant 0 : i32
    %dma_start3A_9 = arith.constant 0 : i32
    %dma_start3A_10 = tpu.memref_slice %arg9[%dma_start3A_7, %dma_start3A_8, %dma_start3A_9] : memref<2x128x128xf32, #tpu.memory_space<vmem>> -> memref<1x128x128xf32, #tpu.memory_space<vmem>>
    %dma_start3A_11 = tpu.memref_squeeze %dma_start3A_10 : memref<1x128x128xf32, #tpu.memory_space<vmem>> -> memref<128x128xf32, #tpu.memory_space<vmem>>
    %dma_start3A_12 = arith.constant 0 : i32
    %dma_start3A_13 = tpu.memref_slice %arg7[%dma_start3A, %dma_start3A_12] : memref<40x128xi32, #tpu.memory_space<vmem>> -> memref<1x128xi32, #tpu.memory_space<vmem>>
    %dma_start3A_14 = tpu.memref_squeeze %dma_start3A_13 : memref<1x128xi32, #tpu.memory_space<vmem>> -> memref<128xi32, #tpu.memory_space<vmem>>
    %dma_start3A_15 = arith.constant 0 : i32
    %dma_start3A_16 = arith.constant 0 : i32
    %dma_start3A_17 = tpu.memref_slice %arg2[%dma_start3A_15, %dma_start3A_16] : memref<9984x128xf32, #tpu.memory_space<hbm>> -> memref<9984x128xf32, #tpu.memory_space<hbm>>
    tpu.enqueue_indirect_dma source(%dma_start3A_17 : memref<9984x128xf32, #tpu.memory_space<hbm>>) target(%dma_start3A_11 : memref<128x128xf32, #tpu.memory_space<vmem>>) offsets(%dma_start3A_14 : memref<128xi32, #tpu.memory_space<vmem>>) semaphore(%arg11 : memref<!tpu.dma_semaphore, #tpu.memory_space<semaphore_mem>>)
    %dma_start3A_18 = arith.constant 1 : i32
    %dma_start3A_19 = arith.constant 1 : i32
    %dma_start3A_20 = arith.constant 0 : i32
    %dma_start3A_21 = arith.constant 0 : i32
    %dma_start3A_22 = tpu.memref_slice %arg9[%dma_start3A_19, %dma_start3A_20, %dma_start3A_21] : memref<2x128x128xf32, #tpu.memory_space<vmem>> -> memref<1x128x128xf32, #tpu.memory_space<vmem>>
    %dma_start3A_23 = tpu.memref_squeeze %dma_start3A_22 : memref<1x128x128xf32, #tpu.memory_space<vmem>> -> memref<128x128xf32, #tpu.memory_space<vmem>>
    %dma_start3A_24 = arith.constant 0 : i32
    %dma_start3A_25 = tpu.memref_slice %arg7[%dma_start3A_18, %dma_start3A_24] : memref<40x128xi32, #tpu.memory_space<vmem>> -> memref<1x128xi32, #tpu.memory_space<vmem>>
    %dma_start3A_26 = tpu.memref_squeeze %dma_start3A_25 : memref<1x128xi32, #tpu.memory_space<vmem>> -> memref<128xi32, #tpu.memory_space<vmem>>
    %dma_start3A_27 = arith.constant 0 : i32
    %dma_start3A_28 = arith.constant 0 : i32
    %dma_start3A_29 = tpu.memref_slice %arg2[%dma_start3A_27, %dma_start3A_28] : memref<9984x128xf32, #tpu.memory_space<hbm>> -> memref<9984x128xf32, #tpu.memory_space<hbm>>
    tpu.enqueue_indirect_dma source(%dma_start3A_29 : memref<9984x128xf32, #tpu.memory_space<hbm>>) target(%dma_start3A_23 : memref<128x128xf32, #tpu.memory_space<vmem>>) offsets(%dma_start3A_26 : memref<128xi32, #tpu.memory_space<vmem>>) semaphore(%arg12 : memref<!tpu.dma_semaphore, #tpu.memory_space<semaphore_mem>>)
    %scan3A = arith.constant 0 : i32
    %scan3A_30 = arith.constant 0 : i32
    %scan3A_31 = arith.constant 20 : i32
    %scan3A_32 = arith.addi %scan3A_30, %scan3A_31 : i32
    %scan3A_33 = arith.constant 1 : i32
    scf.for %scan3A_46 = %scan3A_30 to %scan3A_32 step %scan3A_33  : i32 {
      %mul3A_47 = arith.constant 2 : i32
      %mul3A_48 = arith.muli %mul3A_47, %scan3A_46 : i32
      %add3A_49 = arith.constant 0 : i32
      %add3A_50 = arith.addi %mul3A_48, %add3A_49 : i32
      %dma_wait3A = arith.constant 0 : i32
      %dma_wait3A_51 = arith.constant 0 : i32
      %dma_wait3A_52 = arith.constant 0 : i32
      %dma_wait3A_53 = tpu.memref_slice %arg9[%dma_wait3A, %dma_wait3A_51, %dma_wait3A_52] : memref<2x128x128xf32, #tpu.memory_space<vmem>> -> memref<1x128x128xf32, #tpu.memory_space<vmem>>
      %dma_wait3A_54 = tpu.memref_squeeze %dma_wait3A_53 : memref<1x128x128xf32, #tpu.memory_space<vmem>> -> memref<128x128xf32, #tpu.memory_space<vmem>>
      %dma_wait3A_55 = arith.constant 0 : i32
      %dma_wait3A_56 = tpu.memref_slice %arg7[%add3A_50, %dma_wait3A_55] : memref<40x128xi32, #tpu.memory_space<vmem>> -> memref<1x128xi32, #tpu.memory_space<vmem>>
      %dma_wait3A_57 = tpu.memref_squeeze %dma_wait3A_56 : memref<1x128xi32, #tpu.memory_space<vmem>> -> memref<128xi32, #tpu.memory_space<vmem>>
      %dma_wait3A_58 = arith.constant 0 : i32
      %dma_wait3A_59 = arith.constant 0 : i32
      %dma_wait3A_60 = tpu.memref_slice %arg2[%dma_wait3A_58, %dma_wait3A_59] : memref<9984x128xf32, #tpu.memory_space<hbm>> -> memref<9984x128xf32, #tpu.memory_space<hbm>>
      tpu.wait_indirect_dma semaphore(%arg11 : memref<!tpu.dma_semaphore, #tpu.memory_space<semaphore_mem>>) src(%dma_wait3A_60 : memref<9984x128xf32, #tpu.memory_space<hbm>>) dst(%dma_wait3A_54 : memref<128x128xf32, #tpu.memory_space<vmem>>)
      %add3A_61 = arith.constant 0 : i32
      %add3A_62 = arith.addi %mul3A_48, %add3A_61 : i32
      %run_scoped3A = arith.constant 0 : i32
      "tpu.region"() ({
        %run_scoped3A_97 = tpu.sem_alloc : memref<!tpu.dma_semaphore, #tpu.memory_space<semaphore_mem>>
        %dma_start3A_98 = arith.constant 0 : i32
        %dma_start3A_99 = arith.constant 0 : i32
        %dma_start3A_100 = tpu.memref_slice %arg9[%run_scoped3A, %dma_start3A_98, %dma_start3A_99] : memref<2x128x128xf32, #tpu.memory_space<vmem>> -> memref<1x128x128xf32, #tpu.memory_space<vmem>>
        %dma_start3A_101 = tpu.memref_squeeze %dma_start3A_100 : memref<1x128x128xf32, #tpu.memory_space<vmem>> -> memref<128x128xf32, #tpu.memory_space<vmem>>
        %dma_start3A_102 = arith.constant 0 : i32
        %dma_start3A_103 = tpu.memref_slice %arg8[%add3A_62, %dma_start3A_102] : memref<40x128xi32, #tpu.memory_space<vmem>> -> memref<1x128xi32, #tpu.memory_space<vmem>>
        %dma_start3A_104 = tpu.memref_squeeze %dma_start3A_103 : memref<1x128xi32, #tpu.memory_space<vmem>> -> memref<128xi32, #tpu.memory_space<vmem>>
        %dma_start3A_105 = arith.constant 0 : i32
        %dma_start3A_106 = arith.constant 0 : i32
        %dma_start3A_107 = tpu.memref_slice %arg10[%dma_start3A_105, %dma_start3A_106] : memref<9872x128xf32, #tpu.memory_space<vmem_shared>> -> memref<9872x128xf32, #tpu.memory_space<vmem_shared>>
        tpu.enqueue_indirect_dma source(%dma_start3A_101 : memref<128x128xf32, #tpu.memory_space<vmem>>) target(%dma_start3A_107 : memref<9872x128xf32, #tpu.memory_space<vmem_shared>>) offsets(%dma_start3A_104 : memref<128xi32, #tpu.memory_space<vmem>>) semaphore(%run_scoped3A_97 : memref<!tpu.dma_semaphore, #tpu.memory_space<semaphore_mem>>) {add = true}
        %dma_wait3A_108 = arith.constant 0 : i32
        %dma_wait3A_109 = arith.constant 0 : i32
        %dma_wait3A_110 = tpu.memref_slice %arg9[%run_scoped3A, %dma_wait3A_108, %dma_wait3A_109] : memref<2x128x128xf32, #tpu.memory_space<vmem>> -> memref<1x128x128xf32, #tpu.memory_space<vmem>>
        %dma_wait3A_111 = tpu.memref_squeeze %dma_wait3A_110 : memref<1x128x128xf32, #tpu.memory_space<vmem>> -> memref<128x128xf32, #tpu.memory_space<vmem>>
        %dma_wait3A_112 = arith.constant 0 : i32
        %dma_wait3A_113 = tpu.memref_slice %arg8[%add3A_62, %dma_wait3A_112] : memref<40x128xi32, #tpu.memory_space<vmem>> -> memref<1x128xi32, #tpu.memory_space<vmem>>
        %dma_wait3A_114 = tpu.memref_squeeze %dma_wait3A_113 : memref<1x128xi32, #tpu.memory_space<vmem>> -> memref<128xi32, #tpu.memory_space<vmem>>
        %dma_wait3A_115 = arith.constant 0 : i32
        %dma_wait3A_116 = arith.constant 0 : i32
        %dma_wait3A_117 = tpu.memref_slice %arg10[%dma_wait3A_115, %dma_wait3A_116] : memref<9872x128xf32, #tpu.memory_space<vmem_shared>> -> memref<9872x128xf32, #tpu.memory_space<vmem_shared>>
        tpu.wait_indirect_dma semaphore(%run_scoped3A_97 : memref<!tpu.dma_semaphore, #tpu.memory_space<semaphore_mem>>) src(%dma_wait3A_111 : memref<128x128xf32, #tpu.memory_space<vmem>>) dst(%dma_wait3A_117 : memref<9872x128xf32, #tpu.memory_space<vmem_shared>>)
        tpu.yield
      }) : () -> ()
      %add3A_63 = arith.constant 2 : i32
      %add3A_64 = arith.addi %mul3A_48, %add3A_63 : i32
      %add3A_65 = arith.constant 0 : i32
      %add3A_66 = arith.addi %add3A_64, %add3A_65 : i32
      %lt3A_67 = arith.constant 40 : i32
      %lt3A_68 = arith.cmpi slt, %add3A_66, %lt3A_67 : i32
      %convert_element_type3A_69 = arith.extui %lt3A_68 : i1 to i32
      %cond3A_70 = arith.constant 0 : i32
      %cond3A_71 = arith.cmpi ne, %convert_element_type3A_69, %cond3A_70 : i32
      scf.if %cond3A_71 {
        %add3A_97 = arith.constant 2 : i32
        %add3A_98 = arith.addi %mul3A_48, %add3A_97 : i32
        %add3A_99 = arith.constant 0 : i32
        %add3A_100 = arith.addi %add3A_98, %add3A_99 : i32
        %dma_start3A_101 = arith.constant 0 : i32
        %dma_start3A_102 = arith.constant 0 : i32
        %dma_start3A_103 = arith.constant 0 : i32
        %dma_start3A_104 = tpu.memref_slice %arg9[%dma_start3A_101, %dma_start3A_102, %dma_start3A_103] : memref<2x128x128xf32, #tpu.memory_space<vmem>> -> memref<1x128x128xf32, #tpu.memory_space<vmem>>
        %dma_start3A_105 = tpu.memref_squeeze %dma_start3A_104 : memref<1x128x128xf32, #tpu.memory_space<vmem>> -> memref<128x128xf32, #tpu.memory_space<vmem>>
        %dma_start3A_106 = arith.constant 0 : i32
        %dma_start3A_107 = tpu.memref_slice %arg7[%add3A_100, %dma_start3A_106] : memref<40x128xi32, #tpu.memory_space<vmem>> -> memref<1x128xi32, #tpu.memory_space<vmem>>
        %dma_start3A_108 = tpu.memref_squeeze %dma_start3A_107 : memref<1x128xi32, #tpu.memory_space<vmem>> -> memref<128xi32, #tpu.memory_space<vmem>>
        %dma_start3A_109 = arith.constant 0 : i32
        %dma_start3A_110 = arith.constant 0 : i32
        %dma_start3A_111 = tpu.memref_slice %arg2[%dma_start3A_109, %dma_start3A_110] : memref<9984x128xf32, #tpu.memory_space<hbm>> -> memref<9984x128xf32, #tpu.memory_space<hbm>>
        tpu.enqueue_indirect_dma source(%dma_start3A_111 : memref<9984x128xf32, #tpu.memory_space<hbm>>) target(%dma_start3A_105 : memref<128x128xf32, #tpu.memory_space<vmem>>) offsets(%dma_start3A_108 : memref<128xi32, #tpu.memory_space<vmem>>) semaphore(%arg11 : memref<!tpu.dma_semaphore, #tpu.memory_space<semaphore_mem>>)
      } else {
      }
      %add3A_72 = arith.constant 1 : i32
      %add3A_73 = arith.addi %mul3A_48, %add3A_72 : i32
      %dma_wait3A_74 = arith.constant 1 : i32
      %dma_wait3A_75 = arith.constant 0 : i32
      %dma_wait3A_76 = arith.constant 0 : i32
      %dma_wait3A_77 = tpu.memref_slice %arg9[%dma_wait3A_74, %dma_wait3A_75, %dma_wait3A_76] : memref<2x128x128xf32, #tpu.memory_space<vmem>> -> memref<1x128x128xf32, #tpu.memory_space<vmem>>
      %dma_wait3A_78 = tpu.memref_squeeze %dma_wait3A_77 : memref<1x128x128xf32, #tpu.memory_space<vmem>> -> memref<128x128xf32, #tpu.memory_space<vmem>>
      %dma_wait3A_79 = arith.constant 0 : i32
      %dma_wait3A_80 = tpu.memref_slice %arg7[%add3A_73, %dma_wait3A_79] : memref<40x128xi32, #tpu.memory_space<vmem>> -> memref<1x128xi32, #tpu.memory_space<vmem>>
      %dma_wait3A_81 = tpu.memref_squeeze %dma_wait3A_80 : memref<1x128xi32, #tpu.memory_space<vmem>> -> memref<128xi32, #tpu.memory_space<vmem>>
      %dma_wait3A_82 = arith.constant 0 : i32
      %dma_wait3A_83 = arith.constant 0 : i32
      %dma_wait3A_84 = tpu.memref_slice %arg2[%dma_wait3A_82, %dma_wait3A_83] : memref<9984x128xf32, #tpu.memory_space<hbm>> -> memref<9984x128xf32, #tpu.memory_space<hbm>>
      tpu.wait_indirect_dma semaphore(%arg12 : memref<!tpu.dma_semaphore, #tpu.memory_space<semaphore_mem>>) src(%dma_wait3A_84 : memref<9984x128xf32, #tpu.memory_space<hbm>>) dst(%dma_wait3A_78 : memref<128x128xf32, #tpu.memory_space<vmem>>)
      %add3A_85 = arith.constant 1 : i32
      %add3A_86 = arith.addi %mul3A_48, %add3A_85 : i32
      %run_scoped3A_87 = arith.constant 1 : i32
      "tpu.region"() ({
        %run_scoped3A_97 = tpu.sem_alloc : memref<!tpu.dma_semaphore, #tpu.memory_space<semaphore_mem>>
        %dma_start3A_98 = arith.constant 0 : i32
        %dma_start3A_99 = arith.constant 0 : i32
        %dma_start3A_100 = tpu.memref_slice %arg9[%run_scoped3A_87, %dma_start3A_98, %dma_start3A_99] : memref<2x128x128xf32, #tpu.memory_space<vmem>> -> memref<1x128x128xf32, #tpu.memory_space<vmem>>
        %dma_start3A_101 = tpu.memref_squeeze %dma_start3A_100 : memref<1x128x128xf32, #tpu.memory_space<vmem>> -> memref<128x128xf32, #tpu.memory_space<vmem>>
        %dma_start3A_102 = arith.constant 0 : i32
        %dma_start3A_103 = tpu.memref_slice %arg8[%add3A_86, %dma_start3A_102] : memref<40x128xi32, #tpu.memory_space<vmem>> -> memref<1x128xi32, #tpu.memory_space<vmem>>
        %dma_start3A_104 = tpu.memref_squeeze %dma_start3A_103 : memref<1x128xi32, #tpu.memory_space<vmem>> -> memref<128xi32, #tpu.memory_space<vmem>>
        %dma_start3A_105 = arith.constant 0 : i32
        %dma_start3A_106 = arith.constant 0 : i32
        %dma_start3A_107 = tpu.memref_slice %arg10[%dma_start3A_105, %dma_start3A_106] : memref<9872x128xf32, #tpu.memory_space<vmem_shared>> -> memref<9872x128xf32, #tpu.memory_space<vmem_shared>>
        tpu.enqueue_indirect_dma source(%dma_start3A_101 : memref<128x128xf32, #tpu.memory_space<vmem>>) target(%dma_start3A_107 : memref<9872x128xf32, #tpu.memory_space<vmem_shared>>) offsets(%dma_start3A_104 : memref<128xi32, #tpu.memory_space<vmem>>) semaphore(%run_scoped3A_97 : memref<!tpu.dma_semaphore, #tpu.memory_space<semaphore_mem>>) {add = true}
        %dma_wait3A_108 = arith.constant 0 : i32
        %dma_wait3A_109 = arith.constant 0 : i32
        %dma_wait3A_110 = tpu.memref_slice %arg9[%run_scoped3A_87, %dma_wait3A_108, %dma_wait3A_109] : memref<2x128x128xf32, #tpu.memory_space<vmem>> -> memref<1x128x128xf32, #tpu.memory_space<vmem>>
        %dma_wait3A_111 = tpu.memref_squeeze %dma_wait3A_110 : memref<1x128x128xf32, #tpu.memory_space<vmem>> -> memref<128x128xf32, #tpu.memory_space<vmem>>
        %dma_wait3A_112 = arith.constant 0 : i32
        %dma_wait3A_113 = tpu.memref_slice %arg8[%add3A_86, %dma_wait3A_112] : memref<40x128xi32, #tpu.memory_space<vmem>> -> memref<1x128xi32, #tpu.memory_space<vmem>>
        %dma_wait3A_114 = tpu.memref_squeeze %dma_wait3A_113 : memref<1x128xi32, #tpu.memory_space<vmem>> -> memref<128xi32, #tpu.memory_space<vmem>>
        %dma_wait3A_115 = arith.constant 0 : i32
        %dma_wait3A_116 = arith.constant 0 : i32
        %dma_wait3A_117 = tpu.memref_slice %arg10[%dma_wait3A_115, %dma_wait3A_116] : memref<9872x128xf32, #tpu.memory_space<vmem_shared>> -> memref<9872x128xf32, #tpu.memory_space<vmem_shared>>
        tpu.wait_indirect_dma semaphore(%run_scoped3A_97 : memref<!tpu.dma_semaphore, #tpu.memory_space<semaphore_mem>>) src(%dma_wait3A_111 : memref<128x128xf32, #tpu.memory_space<vmem>>) dst(%dma_wait3A_117 : memref<9872x128xf32, #tpu.memory_space<vmem_shared>>)
        tpu.yield
      }) : () -> ()
      %add3A_88 = arith.constant 2 : i32
      %add3A_89 = arith.addi %mul3A_48, %add3A_88 : i32
      %add3A_90 = arith.constant 1 : i32
      %add3A_91 = arith.addi %add3A_89, %add3A_90 : i32
      %lt3A_92 = arith.constant 40 : i32
      %lt3A_93 = arith.cmpi slt, %add3A_91, %lt3A_92 : i32
      %convert_element_type3A_94 = arith.extui %lt3A_93 : i1 to i32
      %cond3A_95 = arith.constant 0 : i32
      %cond3A_96 = arith.cmpi ne, %convert_element_type3A_94, %cond3A_95 : i32
      scf.if %cond3A_96 {
        %add3A_97 = arith.constant 2 : i32
        %add3A_98 = arith.addi %mul3A_48, %add3A_97 : i32
        %add3A_99 = arith.constant 1 : i32
        %add3A_100 = arith.addi %add3A_98, %add3A_99 : i32
        %dma_start3A_101 = arith.constant 1 : i32
        %dma_start3A_102 = arith.constant 0 : i32
        %dma_start3A_103 = arith.constant 0 : i32
        %dma_start3A_104 = tpu.memref_slice %arg9[%dma_start3A_101, %dma_start3A_102, %dma_start3A_103] : memref<2x128x128xf32, #tpu.memory_space<vmem>> -> memref<1x128x128xf32, #tpu.memory_space<vmem>>
        %dma_start3A_105 = tpu.memref_squeeze %dma_start3A_104 : memref<1x128x128xf32, #tpu.memory_space<vmem>> -> memref<128x128xf32, #tpu.memory_space<vmem>>
        %dma_start3A_106 = arith.constant 0 : i32
        %dma_start3A_107 = tpu.memref_slice %arg7[%add3A_100, %dma_start3A_106] : memref<40x128xi32, #tpu.memory_space<vmem>> -> memref<1x128xi32, #tpu.memory_space<vmem>>
        %dma_start3A_108 = tpu.memref_squeeze %dma_start3A_107 : memref<1x128xi32, #tpu.memory_space<vmem>> -> memref<128xi32, #tpu.memory_space<vmem>>
        %dma_start3A_109 = arith.constant 0 : i32
        %dma_start3A_110 = arith.constant 0 : i32
        %dma_start3A_111 = tpu.memref_slice %arg2[%dma_start3A_109, %dma_start3A_110] : memref<9984x128xf32, #tpu.memory_space<hbm>> -> memref<9984x128xf32, #tpu.memory_space<hbm>>
        tpu.enqueue_indirect_dma source(%dma_start3A_111 : memref<9984x128xf32, #tpu.memory_space<hbm>>) target(%dma_start3A_105 : memref<128x128xf32, #tpu.memory_space<vmem>>) offsets(%dma_start3A_108 : memref<128xi32, #tpu.memory_space<vmem>>) semaphore(%arg12 : memref<!tpu.dma_semaphore, #tpu.memory_space<semaphore_mem>>)
      } else {
      }
    }
    %scan3A_34 = arith.constant 20 : i32
    %barrier3A_35 = arith.constant 0 : index
    tpu.barrier barrier_id(%barrier3A_35)
    %lt3A_36 = arith.constant 15 : i32
    %lt3A_37 = arith.cmpi slt, %arg1, %lt3A_36 : i32
    %convert_element_type3A_38 = arith.extui %lt3A_37 : i1 to i32
    %cond3A_39 = arith.constant 0 : i32
    %cond3A_40 = arith.cmpi ne, %convert_element_type3A_38, %cond3A_39 : i32
    scf.if %cond3A_40 {
      %mul3A_46 = arith.constant 624 : i32
      %mul3A_47 = arith.muli %arg1, %mul3A_46 : i32
      %mul3A_48 = arith.constant 624 : i32
      %mul3A_49 = arith.muli %arg1, %mul3A_48 : i32
      "tpu.region"() ({
        %run_scoped3A = tpu.sem_alloc : memref<!tpu.dma_semaphore, #tpu.memory_space<semaphore_mem>>
        %dma_start3A_50 = arith.constant 0 : i32
        %dma_start3A_51 = arith.constant 0 : i32
        %dma_start3A_52 = tpu.memref_slice %arg6[%arg0, %dma_start3A_50, %dma_start3A_51] : memref<2x9872x128xf32, #tpu.memory_space<hbm>> -> memref<1x9872x128xf32, #tpu.memory_space<hbm>>
        %dma_start3A_53 = tpu.memref_squeeze %dma_start3A_52 : memref<1x9872x128xf32, #tpu.memory_space<hbm>> -> memref<9872x128xf32, #tpu.memory_space<hbm>>
        %dma_start3A_54 = arith.constant 0 : i32
        %dma_start3A_55 = tpu.memref_slice %dma_start3A_53[%mul3A_49, %dma_start3A_54] : memref<9872x128xf32, #tpu.memory_space<hbm>> -> memref<624x128xf32, #tpu.memory_space<hbm>>
        %dma_start3A_56 = arith.constant 0 : i32
        %dma_start3A_57 = tpu.memref_slice %arg10[%mul3A_47, %dma_start3A_56] : memref<9872x128xf32, #tpu.memory_space<vmem_shared>> -> memref<624x128xf32, #tpu.memory_space<vmem_shared>>
        tpu.enqueue_dma source(%dma_start3A_57 : memref<624x128xf32, #tpu.memory_space<vmem_shared>>) target(%dma_start3A_55 : memref<624x128xf32, #tpu.memory_space<hbm>>) target_semaphore(%run_scoped3A : memref<!tpu.dma_semaphore, #tpu.memory_space<semaphore_mem>>)
        %dma_wait3A = arith.constant 0 : i32
        %dma_wait3A_58 = arith.constant 0 : i32
        %dma_wait3A_59 = tpu.memref_slice %arg6[%arg0, %dma_wait3A, %dma_wait3A_58] : memref<2x9872x128xf32, #tpu.memory_space<hbm>> -> memref<1x9872x128xf32, #tpu.memory_space<hbm>>
        %dma_wait3A_60 = tpu.memref_squeeze %dma_wait3A_59 : memref<1x9872x128xf32, #tpu.memory_space<hbm>> -> memref<9872x128xf32, #tpu.memory_space<hbm>>
        %dma_wait3A_61 = arith.constant 0 : i32
        %dma_wait3A_62 = tpu.memref_slice %dma_wait3A_60[%mul3A_49, %dma_wait3A_61] : memref<9872x128xf32, #tpu.memory_space<hbm>> -> memref<624x128xf32, #tpu.memory_space<hbm>>
        %dma_wait3A_63 = arith.constant 0 : i32
        %dma_wait3A_64 = tpu.memref_slice %arg10[%mul3A_47, %dma_wait3A_63] : memref<9872x128xf32, #tpu.memory_space<vmem_shared>> -> memref<624x128xf32, #tpu.memory_space<vmem_shared>>
        tpu.wait_dma2 semaphore(%run_scoped3A : memref<!tpu.dma_semaphore, #tpu.memory_space<semaphore_mem>>) src(%dma_wait3A_64 : memref<624x128xf32, #tpu.memory_space<vmem_shared>>) dst(%dma_wait3A_62 : memref<624x128xf32, #tpu.memory_space<hbm>>)
        tpu.yield
      }) : () -> ()
    } else {
    }
    %eq3A_41 = arith.constant 15 : i32
    %eq3A_42 = arith.cmpi eq, %arg1, %eq3A_41 : i32
    %convert_element_type3A_43 = arith.extui %eq3A_42 : i1 to i32
    %cond3A_44 = arith.constant 0 : i32
    %cond3A_45 = arith.cmpi ne, %convert_element_type3A_43, %cond3A_44 : i32
    scf.if %cond3A_45 {
      "tpu.region"() ({
        %run_scoped3A = tpu.sem_alloc : memref<!tpu.dma_semaphore, #tpu.memory_space<semaphore_mem>>
        %dma_start3A_46 = arith.constant 0 : i32
        %dma_start3A_47 = arith.constant 0 : i32
        %dma_start3A_48 = tpu.memref_slice %arg6[%arg0, %dma_start3A_46, %dma_start3A_47] : memref<2x9872x128xf32, #tpu.memory_space<hbm>> -> memref<1x9872x128xf32, #tpu.memory_space<hbm>>
        %dma_start3A_49 = tpu.memref_squeeze %dma_start3A_48 : memref<1x9872x128xf32, #tpu.memory_space<hbm>> -> memref<9872x128xf32, #tpu.memory_space<hbm>>
        %dma_start3A_50 = arith.constant 9360 : i32
        %dma_start3A_51 = arith.constant 0 : i32
        %dma_start3A_52 = tpu.memref_slice %dma_start3A_49[%dma_start3A_50, %dma_start3A_51] : memref<9872x128xf32, #tpu.memory_space<hbm>> -> memref<512x128xf32, #tpu.memory_space<hbm>>
        %dma_start3A_53 = arith.constant 9360 : i32
        %dma_start3A_54 = arith.constant 0 : i32
        %dma_start3A_55 = tpu.memref_slice %arg10[%dma_start3A_53, %dma_start3A_54] : memref<9872x128xf32, #tpu.memory_space<vmem_shared>> -> memref<512x128xf32, #tpu.memory_space<vmem_shared>>
        tpu.enqueue_dma source(%dma_start3A_55 : memref<512x128xf32, #tpu.memory_space<vmem_shared>>) target(%dma_start3A_52 : memref<512x128xf32, #tpu.memory_space<hbm>>) target_semaphore(%run_scoped3A : memref<!tpu.dma_semaphore, #tpu.memory_space<semaphore_mem>>)
        %dma_wait3A = arith.constant 0 : i32
        %dma_wait3A_56 = arith.constant 0 : i32
        %dma_wait3A_57 = tpu.memref_slice %arg6[%arg0, %dma_wait3A, %dma_wait3A_56] : memref<2x9872x128xf32, #tpu.memory_space<hbm>> -> memref<1x9872x128xf32, #tpu.memory_space<hbm>>
        %dma_wait3A_58 = tpu.memref_squeeze %dma_wait3A_57 : memref<1x9872x128xf32, #tpu.memory_space<hbm>> -> memref<9872x128xf32, #tpu.memory_space<hbm>>
        %dma_wait3A_59 = arith.constant 9360 : i32
        %dma_wait3A_60 = arith.constant 0 : i32
        %dma_wait3A_61 = tpu.memref_slice %dma_wait3A_58[%dma_wait3A_59, %dma_wait3A_60] : memref<9872x128xf32, #tpu.memory_space<hbm>> -> memref<512x128xf32, #tpu.memory_space<hbm>>
        %dma_wait3A_62 = arith.constant 9360 : i32
        %dma_wait3A_63 = arith.constant 0 : i32
        %dma_wait3A_64 = tpu.memref_slice %arg10[%dma_wait3A_62, %dma_wait3A_63] : memref<9872x128xf32, #tpu.memory_space<vmem_shared>> -> memref<512x128xf32, #tpu.memory_space<vmem_shared>>
        tpu.wait_dma2 semaphore(%run_scoped3A : memref<!tpu.dma_semaphore, #tpu.memory_space<semaphore_mem>>) src(%dma_wait3A_64 : memref<512x128xf32, #tpu.memory_space<vmem_shared>>) dst(%dma_wait3A_61 : memref<512x128xf32, #tpu.memory_space<hbm>>)
        tpu.yield
      }) : () -> ()
    } else {
    }
    return
  }
}

#map = affine_map<(d0, d1) -> (0, 0)>
#map1 = affine_map<(d0, d1) -> (0, 0, 0)>
module attributes {stable_mosaic.version = 14 : i64} {
  func.func @k(%arg0: i32, %arg1: i32, %arg2: memref<9984x128xf32, #tpu.memory_space<hbm>>, %arg3: memref<32x40x128xi32, #tpu.memory_space<hbm>>, %arg4: memref<32x40x128xi32, #tpu.memory_space<hbm>>, %arg5: memref<624x128xf32, #tpu.memory_space<hbm>>, %arg6: memref<2x9872x128xf32, #tpu.memory_space<hbm>>, %arg7: memref<40x128xi32, #tpu.memory_space<vmem>>, %arg8: memref<40x128xi32, #tpu.memory_space<vmem>>, %arg9: memref<2x128x128xf32, #tpu.memory_space<vmem>>, %arg10: memref<9872x128xf32, #tpu.memory_space<vmem_shared>>, %arg11: memref<!tpu.dma_semaphore, #tpu.memory_space<semaphore_mem>>, %arg12: memref<!tpu.dma_semaphore, #tpu.memory_space<semaphore_mem>>) attributes {dimension_semantics = [#tpu.dimension_semantics<core_parallel>, #tpu.dimension_semantics<subcore_parallel>], iteration_bounds = array<i64: 2, 16>, scalar_prefetch = 0 : i64, scratch_operands = 6 : i64, tpu.core_type = #tpu.core_type<sc_vector_subcore>, window_params = [{transform_indices = #map}, {transform_indices = #map1}, {transform_indices = #map1}, {transform_indices = #map}, {transform_indices = #map1}]} {
    %mul3A = arith.constant 2 : i32
    %mul3A_0 = arith.muli %arg1, %mul3A : i32
    %add3A = arith.addi %mul3A_0, %arg0 : i32
    %lt3A = arith.constant 15 : i32
    %lt3A_1 = arith.cmpi slt, %arg1, %lt3A : i32
    %convert_element_type3A = arith.extui %lt3A_1 : i1 to i32
    %cond3A = arith.constant 0 : i32
    %cond3A_2 = arith.cmpi ne, %convert_element_type3A, %cond3A : i32
    scf.if %cond3A_2 {
      %mul3A_46 = arith.constant 624 : i32
      %mul3A_47 = arith.muli %arg1, %mul3A_46 : i32
      "tpu.region"() ({
        %run_scoped3A = tpu.sem_alloc : memref<!tpu.dma_semaphore, #tpu.memory_space<semaphore_mem>>
        %dma_start3A_48 = arith.constant 0 : i32
        %dma_start3A_49 = tpu.memref_slice %arg10[%mul3A_47, %dma_start3A_48] : memref<9872x128xf32, #tpu.memory_space<vmem_shared>> -> memref<624x128xf32, #tpu.memory_space<vmem_shared>>
        tpu.enqueue_dma source(%arg5 : memref<624x128xf32, #tpu.memory_space<hbm>>) target(%dma_start3A_49 : memref<624x128xf32, #tpu.memory_space<vmem_shared>>) target_semaphore(%run_scoped3A : memref<!tpu.dma_semaphore, #tpu.memory_space<semaphore_mem>>)
        %dma_wait3A = arith.constant 0 : i32
        %dma_wait3A_50 = tpu.memref_slice %arg10[%mul3A_47, %dma_wait3A] : memref<9872x128xf32, #tpu.memory_space<vmem_shared>> -> memref<624x128xf32, #tpu.memory_space<vmem_shared>>
        tpu.wait_dma2 semaphore(%run_scoped3A : memref<!tpu.dma_semaphore, #tpu.memory_space<semaphore_mem>>) src(%arg5 : memref<624x128xf32, #tpu.memory_space<hbm>>) dst(%dma_wait3A_50 : memref<624x128xf32, #tpu.memory_space<vmem_shared>>)
        tpu.yield
      }) : () -> ()
    } else {
    }
    %eq3A = arith.constant 15 : i32
    %eq3A_3 = arith.cmpi eq, %arg1, %eq3A : i32
    %convert_element_type3A_4 = arith.extui %eq3A_3 : i1 to i32
    %cond3A_5 = arith.constant 0 : i32
    %cond3A_6 = arith.cmpi ne, %convert_element_type3A_4, %cond3A_5 : i32
    scf.if %cond3A_6 {
      "tpu.region"() ({
        %run_scoped3A = tpu.sem_alloc : memref<!tpu.dma_semaphore, #tpu.memory_space<semaphore_mem>>
        %dma_start3A_46 = arith.constant 9360 : i32
        %dma_start3A_47 = arith.constant 0 : i32
        %dma_start3A_48 = tpu.memref_slice %arg10[%dma_start3A_46, %dma_start3A_47] : memref<9872x128xf32, #tpu.memory_space<vmem_shared>> -> memref<512x128xf32, #tpu.memory_space<vmem_shared>>
        %dma_start3A_49 = arith.constant 0 : i32
        %dma_start3A_50 = arith.constant 0 : i32
        %dma_start3A_51 = tpu.memref_slice %arg5[%dma_start3A_49, %dma_start3A_50] : memref<624x128xf32, #tpu.memory_space<hbm>> -> memref<512x128xf32, #tpu.memory_space<hbm>>
        tpu.enqueue_dma source(%dma_start3A_51 : memref<512x128xf32, #tpu.memory_space<hbm>>) target(%dma_start3A_48 : memref<512x128xf32, #tpu.memory_space<vmem_shared>>) target_semaphore(%run_scoped3A : memref<!tpu.dma_semaphore, #tpu.memory_space<semaphore_mem>>)
        %dma_wait3A = arith.constant 9360 : i32
        %dma_wait3A_52 = arith.constant 0 : i32
        %dma_wait3A_53 = tpu.memref_slice %arg10[%dma_wait3A, %dma_wait3A_52] : memref<9872x128xf32, #tpu.memory_space<vmem_shared>> -> memref<512x128xf32, #tpu.memory_space<vmem_shared>>
        %dma_wait3A_54 = arith.constant 0 : i32
        %dma_wait3A_55 = arith.constant 0 : i32
        %dma_wait3A_56 = tpu.memref_slice %arg5[%dma_wait3A_54, %dma_wait3A_55] : memref<624x128xf32, #tpu.memory_space<hbm>> -> memref<512x128xf32, #tpu.memory_space<hbm>>
        tpu.wait_dma2 semaphore(%run_scoped3A : memref<!tpu.dma_semaphore, #tpu.memory_space<semaphore_mem>>) src(%dma_wait3A_56 : memref<512x128xf32, #tpu.memory_space<hbm>>) dst(%dma_wait3A_53 : memref<512x128xf32, #tpu.memory_space<vmem_shared>>)
        tpu.yield
      }) : () -> ()
    } else {
    }
    "tpu.region"() ({
      %run_scoped3A = tpu.sem_alloc : memref<!tpu.dma_semaphore, #tpu.memory_space<semaphore_mem>>
      %dma_start3A_46 = arith.constant 0 : i32
      %dma_start3A_47 = arith.constant 0 : i32
      %dma_start3A_48 = tpu.memref_slice %arg3[%add3A, %dma_start3A_46, %dma_start3A_47] : memref<32x40x128xi32, #tpu.memory_space<hbm>> -> memref<1x40x128xi32, #tpu.memory_space<hbm>>
      %dma_start3A_49 = tpu.memref_squeeze %dma_start3A_48 : memref<1x40x128xi32, #tpu.memory_space<hbm>> -> memref<40x128xi32, #tpu.memory_space<hbm>>
      %dma_start3A_50 = arith.constant 0 : i32
      %dma_start3A_51 = arith.constant 0 : i32
      %dma_start3A_52 = tpu.memref_slice %arg3[%add3A, %dma_start3A_50, %dma_start3A_51] : memref<32x40x128xi32, #tpu.memory_space<hbm>> -> memref<1x40x128xi32, #tpu.memory_space<hbm>>
      %dma_start3A_53 = tpu.memref_squeeze %dma_start3A_52 : memref<1x40x128xi32, #tpu.memory_space<hbm>> -> memref<40x128xi32, #tpu.memory_space<hbm>>
      tpu.enqueue_dma source(%dma_start3A_53 : memref<40x128xi32, #tpu.memory_space<hbm>>) target(%arg7 : memref<40x128xi32, #tpu.memory_space<vmem>>) target_semaphore(%run_scoped3A : memref<!tpu.dma_semaphore, #tpu.memory_space<semaphore_mem>>)
      %dma_wait3A = arith.constant 0 : i32
      %dma_wait3A_54 = arith.constant 0 : i32
      %dma_wait3A_55 = tpu.memref_slice %arg3[%add3A, %dma_wait3A, %dma_wait3A_54] : memref<32x40x128xi32, #tpu.memory_space<hbm>> -> memref<1x40x128xi32, #tpu.memory_space<hbm>>
      %dma_wait3A_56 = tpu.memref_squeeze %dma_wait3A_55 : memref<1x40x128xi32, #tpu.memory_space<hbm>> -> memref<40x128xi32, #tpu.memory_space<hbm>>
      %dma_wait3A_57 = arith.constant 0 : i32
      %dma_wait3A_58 = arith.constant 0 : i32
      %dma_wait3A_59 = tpu.memref_slice %arg3[%add3A, %dma_wait3A_57, %dma_wait3A_58] : memref<32x40x128xi32, #tpu.memory_space<hbm>> -> memref<1x40x128xi32, #tpu.memory_space<hbm>>
      %dma_wait3A_60 = tpu.memref_squeeze %dma_wait3A_59 : memref<1x40x128xi32, #tpu.memory_space<hbm>> -> memref<40x128xi32, #tpu.memory_space<hbm>>
      tpu.wait_dma2 semaphore(%run_scoped3A : memref<!tpu.dma_semaphore, #tpu.memory_space<semaphore_mem>>) src(%dma_wait3A_60 : memref<40x128xi32, #tpu.memory_space<hbm>>) dst(%arg7 : memref<40x128xi32, #tpu.memory_space<vmem>>)
      tpu.yield
    }) : () -> ()
    "tpu.region"() ({
      %run_scoped3A = tpu.sem_alloc : memref<!tpu.dma_semaphore, #tpu.memory_space<semaphore_mem>>
      %dma_start3A_46 = arith.constant 0 : i32
      %dma_start3A_47 = arith.constant 0 : i32
      %dma_start3A_48 = tpu.memref_slice %arg4[%add3A, %dma_start3A_46, %dma_start3A_47] : memref<32x40x128xi32, #tpu.memory_space<hbm>> -> memref<1x40x128xi32, #tpu.memory_space<hbm>>
      %dma_start3A_49 = tpu.memref_squeeze %dma_start3A_48 : memref<1x40x128xi32, #tpu.memory_space<hbm>> -> memref<40x128xi32, #tpu.memory_space<hbm>>
      %dma_start3A_50 = arith.constant 0 : i32
      %dma_start3A_51 = arith.constant 0 : i32
      %dma_start3A_52 = tpu.memref_slice %arg4[%add3A, %dma_start3A_50, %dma_start3A_51] : memref<32x40x128xi32, #tpu.memory_space<hbm>> -> memref<1x40x128xi32, #tpu.memory_space<hbm>>
      %dma_start3A_53 = tpu.memref_squeeze %dma_start3A_52 : memref<1x40x128xi32, #tpu.memory_space<hbm>> -> memref<40x128xi32, #tpu.memory_space<hbm>>
      tpu.enqueue_dma source(%dma_start3A_53 : memref<40x128xi32, #tpu.memory_space<hbm>>) target(%arg8 : memref<40x128xi32, #tpu.memory_space<vmem>>) target_semaphore(%run_scoped3A : memref<!tpu.dma_semaphore, #tpu.memory_space<semaphore_mem>>)
      %dma_wait3A = arith.constant 0 : i32
      %dma_wait3A_54 = arith.constant 0 : i32
      %dma_wait3A_55 = tpu.memref_slice %arg4[%add3A, %dma_wait3A, %dma_wait3A_54] : memref<32x40x128xi32, #tpu.memory_space<hbm>> -> memref<1x40x128xi32, #tpu.memory_space<hbm>>
      %dma_wait3A_56 = tpu.memref_squeeze %dma_wait3A_55 : memref<1x40x128xi32, #tpu.memory_space<hbm>> -> memref<40x128xi32, #tpu.memory_space<hbm>>
      %dma_wait3A_57 = arith.constant 0 : i32
      %dma_wait3A_58 = arith.constant 0 : i32
      %dma_wait3A_59 = tpu.memref_slice %arg4[%add3A, %dma_wait3A_57, %dma_wait3A_58] : memref<32x40x128xi32, #tpu.memory_space<hbm>> -> memref<1x40x128xi32, #tpu.memory_space<hbm>>
      %dma_wait3A_60 = tpu.memref_squeeze %dma_wait3A_59 : memref<1x40x128xi32, #tpu.memory_space<hbm>> -> memref<40x128xi32, #tpu.memory_space<hbm>>
      tpu.wait_dma2 semaphore(%run_scoped3A : memref<!tpu.dma_semaphore, #tpu.memory_space<semaphore_mem>>) src(%dma_wait3A_60 : memref<40x128xi32, #tpu.memory_space<hbm>>) dst(%arg8 : memref<40x128xi32, #tpu.memory_space<vmem>>)
      tpu.yield
    }) : () -> ()
    %barrier3A = arith.constant 0 : index
    tpu.barrier barrier_id(%barrier3A)
    %dma_start3A = arith.constant 0 : i32
    %dma_start3A_7 = arith.constant 0 : i32
    %dma_start3A_8 = arith.constant 0 : i32
    %dma_start3A_9 = arith.constant 0 : i32
    %dma_start3A_10 = tpu.memref_slice %arg9[%dma_start3A_7, %dma_start3A_8, %dma_start3A_9] : memref<2x128x128xf32, #tpu.memory_space<vmem>> -> memref<1x128x128xf32, #tpu.memory_space<vmem>>
    %dma_start3A_11 = tpu.memref_squeeze %dma_start3A_10 : memref<1x128x128xf32, #tpu.memory_space<vmem>> -> memref<128x128xf32, #tpu.memory_space<vmem>>
    %dma_start3A_12 = arith.constant 0 : i32
    %dma_start3A_13 = tpu.memref_slice %arg7[%dma_start3A, %dma_start3A_12] : memref<40x128xi32, #tpu.memory_space<vmem>> -> memref<1x128xi32, #tpu.memory_space<vmem>>
    %dma_start3A_14 = tpu.memref_squeeze %dma_start3A_13 : memref<1x128xi32, #tpu.memory_space<vmem>> -> memref<128xi32, #tpu.memory_space<vmem>>
    %dma_start3A_15 = arith.constant 0 : i32
    %dma_start3A_16 = arith.constant 0 : i32
    %dma_start3A_17 = tpu.memref_slice %arg2[%dma_start3A_15, %dma_start3A_16] : memref<9984x128xf32, #tpu.memory_space<hbm>> -> memref<9984x128xf32, #tpu.memory_space<hbm>>
    tpu.enqueue_indirect_dma source(%dma_start3A_17 : memref<9984x128xf32, #tpu.memory_space<hbm>>) target(%dma_start3A_11 : memref<128x128xf32, #tpu.memory_space<vmem>>) offsets(%dma_start3A_14 : memref<128xi32, #tpu.memory_space<vmem>>) semaphore(%arg11 : memref<!tpu.dma_semaphore, #tpu.memory_space<semaphore_mem>>)
    %dma_start3A_18 = arith.constant 1 : i32
    %dma_start3A_19 = arith.constant 1 : i32
    %dma_start3A_20 = arith.constant 0 : i32
    %dma_start3A_21 = arith.constant 0 : i32
    %dma_start3A_22 = tpu.memref_slice %arg9[%dma_start3A_19, %dma_start3A_20, %dma_start3A_21] : memref<2x128x128xf32, #tpu.memory_space<vmem>> -> memref<1x128x128xf32, #tpu.memory_space<vmem>>
    %dma_start3A_23 = tpu.memref_squeeze %dma_start3A_22 : memref<1x128x128xf32, #tpu.memory_space<vmem>> -> memref<128x128xf32, #tpu.memory_space<vmem>>
    %dma_start3A_24 = arith.constant 0 : i32
    %dma_start3A_25 = tpu.memref_slice %arg7[%dma_start3A_18, %dma_start3A_24] : memref<40x128xi32, #tpu.memory_space<vmem>> -> memref<1x128xi32, #tpu.memory_space<vmem>>
    %dma_start3A_26 = tpu.memref_squeeze %dma_start3A_25 : memref<1x128xi32, #tpu.memory_space<vmem>> -> memref<128xi32, #tpu.memory_space<vmem>>
    %dma_start3A_27 = arith.constant 0 : i32
    %dma_start3A_28 = arith.constant 0 : i32
    %dma_start3A_29 = tpu.memref_slice %arg2[%dma_start3A_27, %dma_start3A_28] : memref<9984x128xf32, #tpu.memory_space<hbm>> -> memref<9984x128xf32, #tpu.memory_space<hbm>>
    tpu.enqueue_indirect_dma source(%dma_start3A_29 : memref<9984x128xf32, #tpu.memory_space<hbm>>) target(%dma_start3A_23 : memref<128x128xf32, #tpu.memory_space<vmem>>) offsets(%dma_start3A_26 : memref<128xi32, #tpu.memory_space<vmem>>) semaphore(%arg12 : memref<!tpu.dma_semaphore, #tpu.memory_space<semaphore_mem>>)
    %scan3A = arith.constant 0 : i32
    %scan3A_30 = arith.constant 0 : i32
    %scan3A_31 = arith.constant 20 : i32
    %scan3A_32 = arith.addi %scan3A_30, %scan3A_31 : i32
    %scan3A_33 = arith.constant 1 : i32
    scf.for %scan3A_46 = %scan3A_30 to %scan3A_32 step %scan3A_33  : i32 {
      %mul3A_47 = arith.constant 2 : i32
      %mul3A_48 = arith.muli %mul3A_47, %scan3A_46 : i32
      %add3A_49 = arith.constant 0 : i32
      %add3A_50 = arith.addi %mul3A_48, %add3A_49 : i32
      %dma_wait3A = arith.constant 0 : i32
      %dma_wait3A_51 = arith.constant 0 : i32
      %dma_wait3A_52 = arith.constant 0 : i32
      %dma_wait3A_53 = tpu.memref_slice %arg9[%dma_wait3A, %dma_wait3A_51, %dma_wait3A_52] : memref<2x128x128xf32, #tpu.memory_space<vmem>> -> memref<1x128x128xf32, #tpu.memory_space<vmem>>
      %dma_wait3A_54 = tpu.memref_squeeze %dma_wait3A_53 : memref<1x128x128xf32, #tpu.memory_space<vmem>> -> memref<128x128xf32, #tpu.memory_space<vmem>>
      %dma_wait3A_55 = arith.constant 0 : i32
      %dma_wait3A_56 = tpu.memref_slice %arg7[%add3A_50, %dma_wait3A_55] : memref<40x128xi32, #tpu.memory_space<vmem>> -> memref<1x128xi32, #tpu.memory_space<vmem>>
      %dma_wait3A_57 = tpu.memref_squeeze %dma_wait3A_56 : memref<1x128xi32, #tpu.memory_space<vmem>> -> memref<128xi32, #tpu.memory_space<vmem>>
      %dma_wait3A_58 = arith.constant 0 : i32
      %dma_wait3A_59 = arith.constant 0 : i32
      %dma_wait3A_60 = tpu.memref_slice %arg2[%dma_wait3A_58, %dma_wait3A_59] : memref<9984x128xf32, #tpu.memory_space<hbm>> -> memref<9984x128xf32, #tpu.memory_space<hbm>>
      tpu.wait_indirect_dma semaphore(%arg11 : memref<!tpu.dma_semaphore, #tpu.memory_space<semaphore_mem>>) src(%dma_wait3A_60 : memref<9984x128xf32, #tpu.memory_space<hbm>>) dst(%dma_wait3A_54 : memref<128x128xf32, #tpu.memory_space<vmem>>)
      %add3A_61 = arith.constant 0 : i32
      %add3A_62 = arith.addi %mul3A_48, %add3A_61 : i32
      %run_scoped3A = arith.constant 0 : i32
      "tpu.region"() ({
        %run_scoped3A_97 = tpu.sem_alloc : memref<!tpu.dma_semaphore, #tpu.memory_space<semaphore_mem>>
        %dma_start3A_98 = arith.constant 0 : i32
        %dma_start3A_99 = arith.constant 0 : i32
        %dma_start3A_100 = tpu.memref_slice %arg9[%run_scoped3A, %dma_start3A_98, %dma_start3A_99] : memref<2x128x128xf32, #tpu.memory_space<vmem>> -> memref<1x128x128xf32, #tpu.memory_space<vmem>>
        %dma_start3A_101 = tpu.memref_squeeze %dma_start3A_100 : memref<1x128x128xf32, #tpu.memory_space<vmem>> -> memref<128x128xf32, #tpu.memory_space<vmem>>
        %dma_start3A_102 = arith.constant 0 : i32
        %dma_start3A_103 = tpu.memref_slice %arg8[%add3A_62, %dma_start3A_102] : memref<40x128xi32, #tpu.memory_space<vmem>> -> memref<1x128xi32, #tpu.memory_space<vmem>>
        %dma_start3A_104 = tpu.memref_squeeze %dma_start3A_103 : memref<1x128xi32, #tpu.memory_space<vmem>> -> memref<128xi32, #tpu.memory_space<vmem>>
        %dma_start3A_105 = arith.constant 0 : i32
        %dma_start3A_106 = arith.constant 0 : i32
        %dma_start3A_107 = tpu.memref_slice %arg10[%dma_start3A_105, %dma_start3A_106] : memref<9872x128xf32, #tpu.memory_space<vmem_shared>> -> memref<9872x128xf32, #tpu.memory_space<vmem_shared>>
        tpu.enqueue_indirect_dma source(%dma_start3A_101 : memref<128x128xf32, #tpu.memory_space<vmem>>) target(%dma_start3A_107 : memref<9872x128xf32, #tpu.memory_space<vmem_shared>>) offsets(%dma_start3A_104 : memref<128xi32, #tpu.memory_space<vmem>>) semaphore(%run_scoped3A_97 : memref<!tpu.dma_semaphore, #tpu.memory_space<semaphore_mem>>) {add = true}
        %dma_wait3A_108 = arith.constant 0 : i32
        %dma_wait3A_109 = arith.constant 0 : i32
        %dma_wait3A_110 = tpu.memref_slice %arg9[%run_scoped3A, %dma_wait3A_108, %dma_wait3A_109] : memref<2x128x128xf32, #tpu.memory_space<vmem>> -> memref<1x128x128xf32, #tpu.memory_space<vmem>>
        %dma_wait3A_111 = tpu.memref_squeeze %dma_wait3A_110 : memref<1x128x128xf32, #tpu.memory_space<vmem>> -> memref<128x128xf32, #tpu.memory_space<vmem>>
        %dma_wait3A_112 = arith.constant 0 : i32
        %dma_wait3A_113 = tpu.memref_slice %arg8[%add3A_62, %dma_wait3A_112] : memref<40x128xi32, #tpu.memory_space<vmem>> -> memref<1x128xi32, #tpu.memory_space<vmem>>
        %dma_wait3A_114 = tpu.memref_squeeze %dma_wait3A_113 : memref<1x128xi32, #tpu.memory_space<vmem>> -> memref<128xi32, #tpu.memory_space<vmem>>
        %dma_wait3A_115 = arith.constant 0 : i32
        %dma_wait3A_116 = arith.constant 0 : i32
        %dma_wait3A_117 = tpu.memref_slice %arg10[%dma_wait3A_115, %dma_wait3A_116] : memref<9872x128xf32, #tpu.memory_space<vmem_shared>> -> memref<9872x128xf32, #tpu.memory_space<vmem_shared>>
        tpu.wait_indirect_dma semaphore(%run_scoped3A_97 : memref<!tpu.dma_semaphore, #tpu.memory_space<semaphore_mem>>) src(%dma_wait3A_111 : memref<128x128xf32, #tpu.memory_space<vmem>>) dst(%dma_wait3A_117 : memref<9872x128xf32, #tpu.memory_space<vmem_shared>>)
        tpu.yield
      }) : () -> ()
      %add3A_63 = arith.constant 2 : i32
      %add3A_64 = arith.addi %mul3A_48, %add3A_63 : i32
      %add3A_65 = arith.constant 0 : i32
      %add3A_66 = arith.addi %add3A_64, %add3A_65 : i32
      %lt3A_67 = arith.constant 40 : i32
      %lt3A_68 = arith.cmpi slt, %add3A_66, %lt3A_67 : i32
      %convert_element_type3A_69 = arith.extui %lt3A_68 : i1 to i32
      %cond3A_70 = arith.constant 0 : i32
      %cond3A_71 = arith.cmpi ne, %convert_element_type3A_69, %cond3A_70 : i32
      scf.if %cond3A_71 {
        %add3A_97 = arith.constant 2 : i32
        %add3A_98 = arith.addi %mul3A_48, %add3A_97 : i32
        %add3A_99 = arith.constant 0 : i32
        %add3A_100 = arith.addi %add3A_98, %add3A_99 : i32
        %dma_start3A_101 = arith.constant 0 : i32
        %dma_start3A_102 = arith.constant 0 : i32
        %dma_start3A_103 = arith.constant 0 : i32
        %dma_start3A_104 = tpu.memref_slice %arg9[%dma_start3A_101, %dma_start3A_102, %dma_start3A_103] : memref<2x128x128xf32, #tpu.memory_space<vmem>> -> memref<1x128x128xf32, #tpu.memory_space<vmem>>
        %dma_start3A_105 = tpu.memref_squeeze %dma_start3A_104 : memref<1x128x128xf32, #tpu.memory_space<vmem>> -> memref<128x128xf32, #tpu.memory_space<vmem>>
        %dma_start3A_106 = arith.constant 0 : i32
        %dma_start3A_107 = tpu.memref_slice %arg7[%add3A_100, %dma_start3A_106] : memref<40x128xi32, #tpu.memory_space<vmem>> -> memref<1x128xi32, #tpu.memory_space<vmem>>
        %dma_start3A_108 = tpu.memref_squeeze %dma_start3A_107 : memref<1x128xi32, #tpu.memory_space<vmem>> -> memref<128xi32, #tpu.memory_space<vmem>>
        %dma_start3A_109 = arith.constant 0 : i32
        %dma_start3A_110 = arith.constant 0 : i32
        %dma_start3A_111 = tpu.memref_slice %arg2[%dma_start3A_109, %dma_start3A_110] : memref<9984x128xf32, #tpu.memory_space<hbm>> -> memref<9984x128xf32, #tpu.memory_space<hbm>>
        tpu.enqueue_indirect_dma source(%dma_start3A_111 : memref<9984x128xf32, #tpu.memory_space<hbm>>) target(%dma_start3A_105 : memref<128x128xf32, #tpu.memory_space<vmem>>) offsets(%dma_start3A_108 : memref<128xi32, #tpu.memory_space<vmem>>) semaphore(%arg11 : memref<!tpu.dma_semaphore, #tpu.memory_space<semaphore_mem>>)
      } else {
      }
      %add3A_72 = arith.constant 1 : i32
      %add3A_73 = arith.addi %mul3A_48, %add3A_72 : i32
      %dma_wait3A_74 = arith.constant 1 : i32
      %dma_wait3A_75 = arith.constant 0 : i32
      %dma_wait3A_76 = arith.constant 0 : i32
      %dma_wait3A_77 = tpu.memref_slice %arg9[%dma_wait3A_74, %dma_wait3A_75, %dma_wait3A_76] : memref<2x128x128xf32, #tpu.memory_space<vmem>> -> memref<1x128x128xf32, #tpu.memory_space<vmem>>
      %dma_wait3A_78 = tpu.memref_squeeze %dma_wait3A_77 : memref<1x128x128xf32, #tpu.memory_space<vmem>> -> memref<128x128xf32, #tpu.memory_space<vmem>>
      %dma_wait3A_79 = arith.constant 0 : i32
      %dma_wait3A_80 = tpu.memref_slice %arg7[%add3A_73, %dma_wait3A_79] : memref<40x128xi32, #tpu.memory_space<vmem>> -> memref<1x128xi32, #tpu.memory_space<vmem>>
      %dma_wait3A_81 = tpu.memref_squeeze %dma_wait3A_80 : memref<1x128xi32, #tpu.memory_space<vmem>> -> memref<128xi32, #tpu.memory_space<vmem>>
      %dma_wait3A_82 = arith.constant 0 : i32
      %dma_wait3A_83 = arith.constant 0 : i32
      %dma_wait3A_84 = tpu.memref_slice %arg2[%dma_wait3A_82, %dma_wait3A_83] : memref<9984x128xf32, #tpu.memory_space<hbm>> -> memref<9984x128xf32, #tpu.memory_space<hbm>>
      tpu.wait_indirect_dma semaphore(%arg12 : memref<!tpu.dma_semaphore, #tpu.memory_space<semaphore_mem>>) src(%dma_wait3A_84 : memref<9984x128xf32, #tpu.memory_space<hbm>>) dst(%dma_wait3A_78 : memref<128x128xf32, #tpu.memory_space<vmem>>)
      %add3A_85 = arith.constant 1 : i32
      %add3A_86 = arith.addi %mul3A_48, %add3A_85 : i32
      %run_scoped3A_87 = arith.constant 1 : i32
      "tpu.region"() ({
        %run_scoped3A_97 = tpu.sem_alloc : memref<!tpu.dma_semaphore, #tpu.memory_space<semaphore_mem>>
        %dma_start3A_98 = arith.constant 0 : i32
        %dma_start3A_99 = arith.constant 0 : i32
        %dma_start3A_100 = tpu.memref_slice %arg9[%run_scoped3A_87, %dma_start3A_98, %dma_start3A_99] : memref<2x128x128xf32, #tpu.memory_space<vmem>> -> memref<1x128x128xf32, #tpu.memory_space<vmem>>
        %dma_start3A_101 = tpu.memref_squeeze %dma_start3A_100 : memref<1x128x128xf32, #tpu.memory_space<vmem>> -> memref<128x128xf32, #tpu.memory_space<vmem>>
        %dma_start3A_102 = arith.constant 0 : i32
        %dma_start3A_103 = tpu.memref_slice %arg8[%add3A_86, %dma_start3A_102] : memref<40x128xi32, #tpu.memory_space<vmem>> -> memref<1x128xi32, #tpu.memory_space<vmem>>
        %dma_start3A_104 = tpu.memref_squeeze %dma_start3A_103 : memref<1x128xi32, #tpu.memory_space<vmem>> -> memref<128xi32, #tpu.memory_space<vmem>>
        %dma_start3A_105 = arith.constant 0 : i32
        %dma_start3A_106 = arith.constant 0 : i32
        %dma_start3A_107 = tpu.memref_slice %arg10[%dma_start3A_105, %dma_start3A_106] : memref<9872x128xf32, #tpu.memory_space<vmem_shared>> -> memref<9872x128xf32, #tpu.memory_space<vmem_shared>>
        tpu.enqueue_indirect_dma source(%dma_start3A_101 : memref<128x128xf32, #tpu.memory_space<vmem>>) target(%dma_start3A_107 : memref<9872x128xf32, #tpu.memory_space<vmem_shared>>) offsets(%dma_start3A_104 : memref<128xi32, #tpu.memory_space<vmem>>) semaphore(%run_scoped3A_97 : memref<!tpu.dma_semaphore, #tpu.memory_space<semaphore_mem>>) {add = true}
        %dma_wait3A_108 = arith.constant 0 : i32
        %dma_wait3A_109 = arith.constant 0 : i32
        %dma_wait3A_110 = tpu.memref_slice %arg9[%run_scoped3A_87, %dma_wait3A_108, %dma_wait3A_109] : memref<2x128x128xf32, #tpu.memory_space<vmem>> -> memref<1x128x128xf32, #tpu.memory_space<vmem>>
        %dma_wait3A_111 = tpu.memref_squeeze %dma_wait3A_110 : memref<1x128x128xf32, #tpu.memory_space<vmem>> -> memref<128x128xf32, #tpu.memory_space<vmem>>
        %dma_wait3A_112 = arith.constant 0 : i32
        %dma_wait3A_113 = tpu.memref_slice %arg8[%add3A_86, %dma_wait3A_112] : memref<40x128xi32, #tpu.memory_space<vmem>> -> memref<1x128xi32, #tpu.memory_space<vmem>>
        %dma_wait3A_114 = tpu.memref_squeeze %dma_wait3A_113 : memref<1x128xi32, #tpu.memory_space<vmem>> -> memref<128xi32, #tpu.memory_space<vmem>>
        %dma_wait3A_115 = arith.constant 0 : i32
        %dma_wait3A_116 = arith.constant 0 : i32
        %dma_wait3A_117 = tpu.memref_slice %arg10[%dma_wait3A_115, %dma_wait3A_116] : memref<9872x128xf32, #tpu.memory_space<vmem_shared>> -> memref<9872x128xf32, #tpu.memory_space<vmem_shared>>
        tpu.wait_indirect_dma semaphore(%run_scoped3A_97 : memref<!tpu.dma_semaphore, #tpu.memory_space<semaphore_mem>>) src(%dma_wait3A_111 : memref<128x128xf32, #tpu.memory_space<vmem>>) dst(%dma_wait3A_117 : memref<9872x128xf32, #tpu.memory_space<vmem_shared>>)
        tpu.yield
      }) : () -> ()
      %add3A_88 = arith.constant 2 : i32
      %add3A_89 = arith.addi %mul3A_48, %add3A_88 : i32
      %add3A_90 = arith.constant 1 : i32
      %add3A_91 = arith.addi %add3A_89, %add3A_90 : i32
      %lt3A_92 = arith.constant 40 : i32
      %lt3A_93 = arith.cmpi slt, %add3A_91, %lt3A_92 : i32
      %convert_element_type3A_94 = arith.extui %lt3A_93 : i1 to i32
      %cond3A_95 = arith.constant 0 : i32
      %cond3A_96 = arith.cmpi ne, %convert_element_type3A_94, %cond3A_95 : i32
      scf.if %cond3A_96 {
        %add3A_97 = arith.constant 2 : i32
        %add3A_98 = arith.addi %mul3A_48, %add3A_97 : i32
        %add3A_99 = arith.constant 1 : i32
        %add3A_100 = arith.addi %add3A_98, %add3A_99 : i32
        %dma_start3A_101 = arith.constant 1 : i32
        %dma_start3A_102 = arith.constant 0 : i32
        %dma_start3A_103 = arith.constant 0 : i32
        %dma_start3A_104 = tpu.memref_slice %arg9[%dma_start3A_101, %dma_start3A_102, %dma_start3A_103] : memref<2x128x128xf32, #tpu.memory_space<vmem>> -> memref<1x128x128xf32, #tpu.memory_space<vmem>>
        %dma_start3A_105 = tpu.memref_squeeze %dma_start3A_104 : memref<1x128x128xf32, #tpu.memory_space<vmem>> -> memref<128x128xf32, #tpu.memory_space<vmem>>
        %dma_start3A_106 = arith.constant 0 : i32
        %dma_start3A_107 = tpu.memref_slice %arg7[%add3A_100, %dma_start3A_106] : memref<40x128xi32, #tpu.memory_space<vmem>> -> memref<1x128xi32, #tpu.memory_space<vmem>>
        %dma_start3A_108 = tpu.memref_squeeze %dma_start3A_107 : memref<1x128xi32, #tpu.memory_space<vmem>> -> memref<128xi32, #tpu.memory_space<vmem>>
        %dma_start3A_109 = arith.constant 0 : i32
        %dma_start3A_110 = arith.constant 0 : i32
        %dma_start3A_111 = tpu.memref_slice %arg2[%dma_start3A_109, %dma_start3A_110] : memref<9984x128xf32, #tpu.memory_space<hbm>> -> memref<9984x128xf32, #tpu.memory_space<hbm>>
        tpu.enqueue_indirect_dma source(%dma_start3A_111 : memref<9984x128xf32, #tpu.memory_space<hbm>>) target(%dma_start3A_105 : memref<128x128xf32, #tpu.memory_space<vmem>>) offsets(%dma_start3A_108 : memref<128xi32, #tpu.memory_space<vmem>>) semaphore(%arg12 : memref<!tpu.dma_semaphore, #tpu.memory_space<semaphore_mem>>)
      } else {
      }
    }
    %scan3A_34 = arith.constant 20 : i32
    %barrier3A_35 = arith.constant 0 : index
    tpu.barrier barrier_id(%barrier3A_35)
    %lt3A_36 = arith.constant 15 : i32
    %lt3A_37 = arith.cmpi slt, %arg1, %lt3A_36 : i32
    %convert_element_type3A_38 = arith.extui %lt3A_37 : i1 to i32
    %cond3A_39 = arith.constant 0 : i32
    %cond3A_40 = arith.cmpi ne, %convert_element_type3A_38, %cond3A_39 : i32
    scf.if %cond3A_40 {
      %mul3A_46 = arith.constant 624 : i32
      %mul3A_47 = arith.muli %arg1, %mul3A_46 : i32
      %mul3A_48 = arith.constant 624 : i32
      %mul3A_49 = arith.muli %arg1, %mul3A_48 : i32
      "tpu.region"() ({
        %run_scoped3A = tpu.sem_alloc : memref<!tpu.dma_semaphore, #tpu.memory_space<semaphore_mem>>
        %dma_start3A_50 = arith.constant 0 : i32
        %dma_start3A_51 = arith.constant 0 : i32
        %dma_start3A_52 = tpu.memref_slice %arg6[%arg0, %dma_start3A_50, %dma_start3A_51] : memref<2x9872x128xf32, #tpu.memory_space<hbm>> -> memref<1x9872x128xf32, #tpu.memory_space<hbm>>
        %dma_start3A_53 = tpu.memref_squeeze %dma_start3A_52 : memref<1x9872x128xf32, #tpu.memory_space<hbm>> -> memref<9872x128xf32, #tpu.memory_space<hbm>>
        %dma_start3A_54 = arith.constant 0 : i32
        %dma_start3A_55 = tpu.memref_slice %dma_start3A_53[%mul3A_49, %dma_start3A_54] : memref<9872x128xf32, #tpu.memory_space<hbm>> -> memref<624x128xf32, #tpu.memory_space<hbm>>
        %dma_start3A_56 = arith.constant 0 : i32
        %dma_start3A_57 = tpu.memref_slice %arg10[%mul3A_47, %dma_start3A_56] : memref<9872x128xf32, #tpu.memory_space<vmem_shared>> -> memref<624x128xf32, #tpu.memory_space<vmem_shared>>
        tpu.enqueue_dma source(%dma_start3A_57 : memref<624x128xf32, #tpu.memory_space<vmem_shared>>) target(%dma_start3A_55 : memref<624x128xf32, #tpu.memory_space<hbm>>) target_semaphore(%run_scoped3A : memref<!tpu.dma_semaphore, #tpu.memory_space<semaphore_mem>>)
        %dma_wait3A = arith.constant 0 : i32
        %dma_wait3A_58 = arith.constant 0 : i32
        %dma_wait3A_59 = tpu.memref_slice %arg6[%arg0, %dma_wait3A, %dma_wait3A_58] : memref<2x9872x128xf32, #tpu.memory_space<hbm>> -> memref<1x9872x128xf32, #tpu.memory_space<hbm>>
        %dma_wait3A_60 = tpu.memref_squeeze %dma_wait3A_59 : memref<1x9872x128xf32, #tpu.memory_space<hbm>> -> memref<9872x128xf32, #tpu.memory_space<hbm>>
        %dma_wait3A_61 = arith.constant 0 : i32
        %dma_wait3A_62 = tpu.memref_slice %dma_wait3A_60[%mul3A_49, %dma_wait3A_61] : memref<9872x128xf32, #tpu.memory_space<hbm>> -> memref<624x128xf32, #tpu.memory_space<hbm>>
        %dma_wait3A_63 = arith.constant 0 : i32
        %dma_wait3A_64 = tpu.memref_slice %arg10[%mul3A_47, %dma_wait3A_63] : memref<9872x128xf32, #tpu.memory_space<vmem_shared>> -> memref<624x128xf32, #tpu.memory_space<vmem_shared>>
        tpu.wait_dma2 semaphore(%run_scoped3A : memref<!tpu.dma_semaphore, #tpu.memory_space<semaphore_mem>>) src(%dma_wait3A_64 : memref<624x128xf32, #tpu.memory_space<vmem_shared>>) dst(%dma_wait3A_62 : memref<624x128xf32, #tpu.memory_space<hbm>>)
        tpu.yield
      }) : () -> ()
    } else {
    }
    %eq3A_41 = arith.constant 15 : i32
    %eq3A_42 = arith.cmpi eq, %arg1, %eq3A_41 : i32
    %convert_element_type3A_43 = arith.extui %eq3A_42 : i1 to i32
    %cond3A_44 = arith.constant 0 : i32
    %cond3A_45 = arith.cmpi ne, %convert_element_type3A_43, %cond3A_44 : i32
    scf.if %cond3A_45 {
      "tpu.region"() ({
        %run_scoped3A = tpu.sem_alloc : memref<!tpu.dma_semaphore, #tpu.memory_space<semaphore_mem>>
        %dma_start3A_46 = arith.constant 0 : i32
        %dma_start3A_47 = arith.constant 0 : i32
        %dma_start3A_48 = tpu.memref_slice %arg6[%arg0, %dma_start3A_46, %dma_start3A_47] : memref<2x9872x128xf32, #tpu.memory_space<hbm>> -> memref<1x9872x128xf32, #tpu.memory_space<hbm>>
        %dma_start3A_49 = tpu.memref_squeeze %dma_start3A_48 : memref<1x9872x128xf32, #tpu.memory_space<hbm>> -> memref<9872x128xf32, #tpu.memory_space<hbm>>
        %dma_start3A_50 = arith.constant 9360 : i32
        %dma_start3A_51 = arith.constant 0 : i32
        %dma_start3A_52 = tpu.memref_slice %dma_start3A_49[%dma_start3A_50, %dma_start3A_51] : memref<9872x128xf32, #tpu.memory_space<hbm>> -> memref<512x128xf32, #tpu.memory_space<hbm>>
        %dma_start3A_53 = arith.constant 9360 : i32
        %dma_start3A_54 = arith.constant 0 : i32
        %dma_start3A_55 = tpu.memref_slice %arg10[%dma_start3A_53, %dma_start3A_54] : memref<9872x128xf32, #tpu.memory_space<vmem_shared>> -> memref<512x128xf32, #tpu.memory_space<vmem_shared>>
        tpu.enqueue_dma source(%dma_start3A_55 : memref<512x128xf32, #tpu.memory_space<vmem_shared>>) target(%dma_start3A_52 : memref<512x128xf32, #tpu.memory_space<hbm>>) target_semaphore(%run_scoped3A : memref<!tpu.dma_semaphore, #tpu.memory_space<semaphore_mem>>)
        %dma_wait3A = arith.constant 0 : i32
        %dma_wait3A_56 = arith.constant 0 : i32
        %dma_wait3A_57 = tpu.memref_slice %arg6[%arg0, %dma_wait3A, %dma_wait3A_56] : memref<2x9872x128xf32, #tpu.memory_space<hbm>> -> memref<1x9872x128xf32, #tpu.memory_space<hbm>>
        %dma_wait3A_58 = tpu.memref_squeeze %dma_wait3A_57 : memref<1x9872x128xf32, #tpu.memory_space<hbm>> -> memref<9872x128xf32, #tpu.memory_space<hbm>>
        %dma_wait3A_59 = arith.constant 9360 : i32
        %dma_wait3A_60 = arith.constant 0 : i32
        %dma_wait3A_61 = tpu.memref_slice %dma_wait3A_58[%dma_wait3A_59, %dma_wait3A_60] : memref<9872x128xf32, #tpu.memory_space<hbm>> -> memref<512x128xf32, #tpu.memory_space<hbm>>
        %dma_wait3A_62 = arith.constant 9360 : i32
        %dma_wait3A_63 = arith.constant 0 : i32
        %dma_wait3A_64 = tpu.memref_slice %arg10[%dma_wait3A_62, %dma_wait3A_63] : memref<9872x128xf32, #tpu.memory_space<vmem_shared>> -> memref<512x128xf32, #tpu.memory_space<vmem_shared>>
        tpu.wait_dma2 semaphore(%run_scoped3A : memref<!tpu.dma_semaphore, #tpu.memory_space<semaphore_mem>>) src(%dma_wait3A_64 : memref<512x128xf32, #tpu.memory_space<vmem_shared>>) dst(%dma_wait3A_61 : memref<512x128xf32, #tpu.memory_space<hbm>>)
        tpu.yield
      }) : () -> ()
    } else {
    }
    return
  }
}

#map = affine_map<(d0, d1) -> (0, 0)>
#map1 = affine_map<(d0, d1) -> (0, 0, 0)>
module attributes {stable_mosaic.version = 14 : i64} {
  func.func @k(%arg0: i32, %arg1: i32, %arg2: memref<9984x128xf32, #tpu.memory_space<hbm>>, %arg3: memref<32x40x128xi32, #tpu.memory_space<hbm>>, %arg4: memref<32x40x128xi32, #tpu.memory_space<hbm>>, %arg5: memref<624x128xf32, #tpu.memory_space<hbm>>, %arg6: memref<2x9872x128xf32, #tpu.memory_space<hbm>>, %arg7: memref<40x128xi32, #tpu.memory_space<vmem>>, %arg8: memref<40x128xi32, #tpu.memory_space<vmem>>, %arg9: memref<2x128x128xf32, #tpu.memory_space<vmem>>, %arg10: memref<9872x128xf32, #tpu.memory_space<vmem_shared>>, %arg11: memref<!tpu.dma_semaphore, #tpu.memory_space<semaphore_mem>>, %arg12: memref<!tpu.dma_semaphore, #tpu.memory_space<semaphore_mem>>) attributes {dimension_semantics = [#tpu.dimension_semantics<core_parallel>, #tpu.dimension_semantics<subcore_parallel>], iteration_bounds = array<i64: 2, 16>, scalar_prefetch = 0 : i64, scratch_operands = 6 : i64, tpu.core_type = #tpu.core_type<sc_vector_subcore>, window_params = [{transform_indices = #map}, {transform_indices = #map1}, {transform_indices = #map1}, {transform_indices = #map}, {transform_indices = #map1}]} {
    %mul3A = arith.constant 2 : i32
    %mul3A_0 = arith.muli %arg1, %mul3A : i32
    %add3A = arith.addi %mul3A_0, %arg0 : i32
    %lt3A = arith.constant 15 : i32
    %lt3A_1 = arith.cmpi slt, %arg1, %lt3A : i32
    %convert_element_type3A = arith.extui %lt3A_1 : i1 to i32
    %cond3A = arith.constant 0 : i32
    %cond3A_2 = arith.cmpi ne, %convert_element_type3A, %cond3A : i32
    scf.if %cond3A_2 {
      %mul3A_46 = arith.constant 624 : i32
      %mul3A_47 = arith.muli %arg1, %mul3A_46 : i32
      "tpu.region"() ({
        %run_scoped3A = tpu.sem_alloc : memref<!tpu.dma_semaphore, #tpu.memory_space<semaphore_mem>>
        %dma_start3A_48 = arith.constant 0 : i32
        %dma_start3A_49 = tpu.memref_slice %arg10[%mul3A_47, %dma_start3A_48] : memref<9872x128xf32, #tpu.memory_space<vmem_shared>> -> memref<624x128xf32, #tpu.memory_space<vmem_shared>>
        tpu.enqueue_dma source(%arg5 : memref<624x128xf32, #tpu.memory_space<hbm>>) target(%dma_start3A_49 : memref<624x128xf32, #tpu.memory_space<vmem_shared>>) target_semaphore(%run_scoped3A : memref<!tpu.dma_semaphore, #tpu.memory_space<semaphore_mem>>)
        %dma_wait3A = arith.constant 0 : i32
        %dma_wait3A_50 = tpu.memref_slice %arg10[%mul3A_47, %dma_wait3A] : memref<9872x128xf32, #tpu.memory_space<vmem_shared>> -> memref<624x128xf32, #tpu.memory_space<vmem_shared>>
        tpu.wait_dma2 semaphore(%run_scoped3A : memref<!tpu.dma_semaphore, #tpu.memory_space<semaphore_mem>>) src(%arg5 : memref<624x128xf32, #tpu.memory_space<hbm>>) dst(%dma_wait3A_50 : memref<624x128xf32, #tpu.memory_space<vmem_shared>>)
        tpu.yield
      }) : () -> ()
    } else {
    }
    %eq3A = arith.constant 15 : i32
    %eq3A_3 = arith.cmpi eq, %arg1, %eq3A : i32
    %convert_element_type3A_4 = arith.extui %eq3A_3 : i1 to i32
    %cond3A_5 = arith.constant 0 : i32
    %cond3A_6 = arith.cmpi ne, %convert_element_type3A_4, %cond3A_5 : i32
    scf.if %cond3A_6 {
      "tpu.region"() ({
        %run_scoped3A = tpu.sem_alloc : memref<!tpu.dma_semaphore, #tpu.memory_space<semaphore_mem>>
        %dma_start3A_46 = arith.constant 9360 : i32
        %dma_start3A_47 = arith.constant 0 : i32
        %dma_start3A_48 = tpu.memref_slice %arg10[%dma_start3A_46, %dma_start3A_47] : memref<9872x128xf32, #tpu.memory_space<vmem_shared>> -> memref<512x128xf32, #tpu.memory_space<vmem_shared>>
        %dma_start3A_49 = arith.constant 0 : i32
        %dma_start3A_50 = arith.constant 0 : i32
        %dma_start3A_51 = tpu.memref_slice %arg5[%dma_start3A_49, %dma_start3A_50] : memref<624x128xf32, #tpu.memory_space<hbm>> -> memref<512x128xf32, #tpu.memory_space<hbm>>
        tpu.enqueue_dma source(%dma_start3A_51 : memref<512x128xf32, #tpu.memory_space<hbm>>) target(%dma_start3A_48 : memref<512x128xf32, #tpu.memory_space<vmem_shared>>) target_semaphore(%run_scoped3A : memref<!tpu.dma_semaphore, #tpu.memory_space<semaphore_mem>>)
        %dma_wait3A = arith.constant 9360 : i32
        %dma_wait3A_52 = arith.constant 0 : i32
        %dma_wait3A_53 = tpu.memref_slice %arg10[%dma_wait3A, %dma_wait3A_52] : memref<9872x128xf32, #tpu.memory_space<vmem_shared>> -> memref<512x128xf32, #tpu.memory_space<vmem_shared>>
        %dma_wait3A_54 = arith.constant 0 : i32
        %dma_wait3A_55 = arith.constant 0 : i32
        %dma_wait3A_56 = tpu.memref_slice %arg5[%dma_wait3A_54, %dma_wait3A_55] : memref<624x128xf32, #tpu.memory_space<hbm>> -> memref<512x128xf32, #tpu.memory_space<hbm>>
        tpu.wait_dma2 semaphore(%run_scoped3A : memref<!tpu.dma_semaphore, #tpu.memory_space<semaphore_mem>>) src(%dma_wait3A_56 : memref<512x128xf32, #tpu.memory_space<hbm>>) dst(%dma_wait3A_53 : memref<512x128xf32, #tpu.memory_space<vmem_shared>>)
        tpu.yield
      }) : () -> ()
    } else {
    }
    "tpu.region"() ({
      %run_scoped3A = tpu.sem_alloc : memref<!tpu.dma_semaphore, #tpu.memory_space<semaphore_mem>>
      %dma_start3A_46 = arith.constant 0 : i32
      %dma_start3A_47 = arith.constant 0 : i32
      %dma_start3A_48 = tpu.memref_slice %arg3[%add3A, %dma_start3A_46, %dma_start3A_47] : memref<32x40x128xi32, #tpu.memory_space<hbm>> -> memref<1x40x128xi32, #tpu.memory_space<hbm>>
      %dma_start3A_49 = tpu.memref_squeeze %dma_start3A_48 : memref<1x40x128xi32, #tpu.memory_space<hbm>> -> memref<40x128xi32, #tpu.memory_space<hbm>>
      %dma_start3A_50 = arith.constant 0 : i32
      %dma_start3A_51 = arith.constant 0 : i32
      %dma_start3A_52 = tpu.memref_slice %arg3[%add3A, %dma_start3A_50, %dma_start3A_51] : memref<32x40x128xi32, #tpu.memory_space<hbm>> -> memref<1x40x128xi32, #tpu.memory_space<hbm>>
      %dma_start3A_53 = tpu.memref_squeeze %dma_start3A_52 : memref<1x40x128xi32, #tpu.memory_space<hbm>> -> memref<40x128xi32, #tpu.memory_space<hbm>>
      tpu.enqueue_dma source(%dma_start3A_53 : memref<40x128xi32, #tpu.memory_space<hbm>>) target(%arg7 : memref<40x128xi32, #tpu.memory_space<vmem>>) target_semaphore(%run_scoped3A : memref<!tpu.dma_semaphore, #tpu.memory_space<semaphore_mem>>)
      %dma_wait3A = arith.constant 0 : i32
      %dma_wait3A_54 = arith.constant 0 : i32
      %dma_wait3A_55 = tpu.memref_slice %arg3[%add3A, %dma_wait3A, %dma_wait3A_54] : memref<32x40x128xi32, #tpu.memory_space<hbm>> -> memref<1x40x128xi32, #tpu.memory_space<hbm>>
      %dma_wait3A_56 = tpu.memref_squeeze %dma_wait3A_55 : memref<1x40x128xi32, #tpu.memory_space<hbm>> -> memref<40x128xi32, #tpu.memory_space<hbm>>
      %dma_wait3A_57 = arith.constant 0 : i32
      %dma_wait3A_58 = arith.constant 0 : i32
      %dma_wait3A_59 = tpu.memref_slice %arg3[%add3A, %dma_wait3A_57, %dma_wait3A_58] : memref<32x40x128xi32, #tpu.memory_space<hbm>> -> memref<1x40x128xi32, #tpu.memory_space<hbm>>
      %dma_wait3A_60 = tpu.memref_squeeze %dma_wait3A_59 : memref<1x40x128xi32, #tpu.memory_space<hbm>> -> memref<40x128xi32, #tpu.memory_space<hbm>>
      tpu.wait_dma2 semaphore(%run_scoped3A : memref<!tpu.dma_semaphore, #tpu.memory_space<semaphore_mem>>) src(%dma_wait3A_60 : memref<40x128xi32, #tpu.memory_space<hbm>>) dst(%arg7 : memref<40x128xi32, #tpu.memory_space<vmem>>)
      tpu.yield
    }) : () -> ()
    "tpu.region"() ({
      %run_scoped3A = tpu.sem_alloc : memref<!tpu.dma_semaphore, #tpu.memory_space<semaphore_mem>>
      %dma_start3A_46 = arith.constant 0 : i32
      %dma_start3A_47 = arith.constant 0 : i32
      %dma_start3A_48 = tpu.memref_slice %arg4[%add3A, %dma_start3A_46, %dma_start3A_47] : memref<32x40x128xi32, #tpu.memory_space<hbm>> -> memref<1x40x128xi32, #tpu.memory_space<hbm>>
      %dma_start3A_49 = tpu.memref_squeeze %dma_start3A_48 : memref<1x40x128xi32, #tpu.memory_space<hbm>> -> memref<40x128xi32, #tpu.memory_space<hbm>>
      %dma_start3A_50 = arith.constant 0 : i32
      %dma_start3A_51 = arith.constant 0 : i32
      %dma_start3A_52 = tpu.memref_slice %arg4[%add3A, %dma_start3A_50, %dma_start3A_51] : memref<32x40x128xi32, #tpu.memory_space<hbm>> -> memref<1x40x128xi32, #tpu.memory_space<hbm>>
      %dma_start3A_53 = tpu.memref_squeeze %dma_start3A_52 : memref<1x40x128xi32, #tpu.memory_space<hbm>> -> memref<40x128xi32, #tpu.memory_space<hbm>>
      tpu.enqueue_dma source(%dma_start3A_53 : memref<40x128xi32, #tpu.memory_space<hbm>>) target(%arg8 : memref<40x128xi32, #tpu.memory_space<vmem>>) target_semaphore(%run_scoped3A : memref<!tpu.dma_semaphore, #tpu.memory_space<semaphore_mem>>)
      %dma_wait3A = arith.constant 0 : i32
      %dma_wait3A_54 = arith.constant 0 : i32
      %dma_wait3A_55 = tpu.memref_slice %arg4[%add3A, %dma_wait3A, %dma_wait3A_54] : memref<32x40x128xi32, #tpu.memory_space<hbm>> -> memref<1x40x128xi32, #tpu.memory_space<hbm>>
      %dma_wait3A_56 = tpu.memref_squeeze %dma_wait3A_55 : memref<1x40x128xi32, #tpu.memory_space<hbm>> -> memref<40x128xi32, #tpu.memory_space<hbm>>
      %dma_wait3A_57 = arith.constant 0 : i32
      %dma_wait3A_58 = arith.constant 0 : i32
      %dma_wait3A_59 = tpu.memref_slice %arg4[%add3A, %dma_wait3A_57, %dma_wait3A_58] : memref<32x40x128xi32, #tpu.memory_space<hbm>> -> memref<1x40x128xi32, #tpu.memory_space<hbm>>
      %dma_wait3A_60 = tpu.memref_squeeze %dma_wait3A_59 : memref<1x40x128xi32, #tpu.memory_space<hbm>> -> memref<40x128xi32, #tpu.memory_space<hbm>>
      tpu.wait_dma2 semaphore(%run_scoped3A : memref<!tpu.dma_semaphore, #tpu.memory_space<semaphore_mem>>) src(%dma_wait3A_60 : memref<40x128xi32, #tpu.memory_space<hbm>>) dst(%arg8 : memref<40x128xi32, #tpu.memory_space<vmem>>)
      tpu.yield
    }) : () -> ()
    %barrier3A = arith.constant 0 : index
    tpu.barrier barrier_id(%barrier3A)
    %dma_start3A = arith.constant 0 : i32
    %dma_start3A_7 = arith.constant 0 : i32
    %dma_start3A_8 = arith.constant 0 : i32
    %dma_start3A_9 = arith.constant 0 : i32
    %dma_start3A_10 = tpu.memref_slice %arg9[%dma_start3A_7, %dma_start3A_8, %dma_start3A_9] : memref<2x128x128xf32, #tpu.memory_space<vmem>> -> memref<1x128x128xf32, #tpu.memory_space<vmem>>
    %dma_start3A_11 = tpu.memref_squeeze %dma_start3A_10 : memref<1x128x128xf32, #tpu.memory_space<vmem>> -> memref<128x128xf32, #tpu.memory_space<vmem>>
    %dma_start3A_12 = arith.constant 0 : i32
    %dma_start3A_13 = tpu.memref_slice %arg7[%dma_start3A, %dma_start3A_12] : memref<40x128xi32, #tpu.memory_space<vmem>> -> memref<1x128xi32, #tpu.memory_space<vmem>>
    %dma_start3A_14 = tpu.memref_squeeze %dma_start3A_13 : memref<1x128xi32, #tpu.memory_space<vmem>> -> memref<128xi32, #tpu.memory_space<vmem>>
    %dma_start3A_15 = arith.constant 0 : i32
    %dma_start3A_16 = arith.constant 0 : i32
    %dma_start3A_17 = tpu.memref_slice %arg2[%dma_start3A_15, %dma_start3A_16] : memref<9984x128xf32, #tpu.memory_space<hbm>> -> memref<9984x128xf32, #tpu.memory_space<hbm>>
    tpu.enqueue_indirect_dma source(%dma_start3A_17 : memref<9984x128xf32, #tpu.memory_space<hbm>>) target(%dma_start3A_11 : memref<128x128xf32, #tpu.memory_space<vmem>>) offsets(%dma_start3A_14 : memref<128xi32, #tpu.memory_space<vmem>>) semaphore(%arg11 : memref<!tpu.dma_semaphore, #tpu.memory_space<semaphore_mem>>)
    %dma_start3A_18 = arith.constant 1 : i32
    %dma_start3A_19 = arith.constant 1 : i32
    %dma_start3A_20 = arith.constant 0 : i32
    %dma_start3A_21 = arith.constant 0 : i32
    %dma_start3A_22 = tpu.memref_slice %arg9[%dma_start3A_19, %dma_start3A_20, %dma_start3A_21] : memref<2x128x128xf32, #tpu.memory_space<vmem>> -> memref<1x128x128xf32, #tpu.memory_space<vmem>>
    %dma_start3A_23 = tpu.memref_squeeze %dma_start3A_22 : memref<1x128x128xf32, #tpu.memory_space<vmem>> -> memref<128x128xf32, #tpu.memory_space<vmem>>
    %dma_start3A_24 = arith.constant 0 : i32
    %dma_start3A_25 = tpu.memref_slice %arg7[%dma_start3A_18, %dma_start3A_24] : memref<40x128xi32, #tpu.memory_space<vmem>> -> memref<1x128xi32, #tpu.memory_space<vmem>>
    %dma_start3A_26 = tpu.memref_squeeze %dma_start3A_25 : memref<1x128xi32, #tpu.memory_space<vmem>> -> memref<128xi32, #tpu.memory_space<vmem>>
    %dma_start3A_27 = arith.constant 0 : i32
    %dma_start3A_28 = arith.constant 0 : i32
    %dma_start3A_29 = tpu.memref_slice %arg2[%dma_start3A_27, %dma_start3A_28] : memref<9984x128xf32, #tpu.memory_space<hbm>> -> memref<9984x128xf32, #tpu.memory_space<hbm>>
    tpu.enqueue_indirect_dma source(%dma_start3A_29 : memref<9984x128xf32, #tpu.memory_space<hbm>>) target(%dma_start3A_23 : memref<128x128xf32, #tpu.memory_space<vmem>>) offsets(%dma_start3A_26 : memref<128xi32, #tpu.memory_space<vmem>>) semaphore(%arg12 : memref<!tpu.dma_semaphore, #tpu.memory_space<semaphore_mem>>)
    %scan3A = arith.constant 0 : i32
    %scan3A_30 = arith.constant 0 : i32
    %scan3A_31 = arith.constant 20 : i32
    %scan3A_32 = arith.addi %scan3A_30, %scan3A_31 : i32
    %scan3A_33 = arith.constant 1 : i32
    scf.for %scan3A_46 = %scan3A_30 to %scan3A_32 step %scan3A_33  : i32 {
      %mul3A_47 = arith.constant 2 : i32
      %mul3A_48 = arith.muli %mul3A_47, %scan3A_46 : i32
      %add3A_49 = arith.constant 0 : i32
      %add3A_50 = arith.addi %mul3A_48, %add3A_49 : i32
      %dma_wait3A = arith.constant 0 : i32
      %dma_wait3A_51 = arith.constant 0 : i32
      %dma_wait3A_52 = arith.constant 0 : i32
      %dma_wait3A_53 = tpu.memref_slice %arg9[%dma_wait3A, %dma_wait3A_51, %dma_wait3A_52] : memref<2x128x128xf32, #tpu.memory_space<vmem>> -> memref<1x128x128xf32, #tpu.memory_space<vmem>>
      %dma_wait3A_54 = tpu.memref_squeeze %dma_wait3A_53 : memref<1x128x128xf32, #tpu.memory_space<vmem>> -> memref<128x128xf32, #tpu.memory_space<vmem>>
      %dma_wait3A_55 = arith.constant 0 : i32
      %dma_wait3A_56 = tpu.memref_slice %arg7[%add3A_50, %dma_wait3A_55] : memref<40x128xi32, #tpu.memory_space<vmem>> -> memref<1x128xi32, #tpu.memory_space<vmem>>
      %dma_wait3A_57 = tpu.memref_squeeze %dma_wait3A_56 : memref<1x128xi32, #tpu.memory_space<vmem>> -> memref<128xi32, #tpu.memory_space<vmem>>
      %dma_wait3A_58 = arith.constant 0 : i32
      %dma_wait3A_59 = arith.constant 0 : i32
      %dma_wait3A_60 = tpu.memref_slice %arg2[%dma_wait3A_58, %dma_wait3A_59] : memref<9984x128xf32, #tpu.memory_space<hbm>> -> memref<9984x128xf32, #tpu.memory_space<hbm>>
      tpu.wait_indirect_dma semaphore(%arg11 : memref<!tpu.dma_semaphore, #tpu.memory_space<semaphore_mem>>) src(%dma_wait3A_60 : memref<9984x128xf32, #tpu.memory_space<hbm>>) dst(%dma_wait3A_54 : memref<128x128xf32, #tpu.memory_space<vmem>>)
      %add3A_61 = arith.constant 0 : i32
      %add3A_62 = arith.addi %mul3A_48, %add3A_61 : i32
      %run_scoped3A = arith.constant 0 : i32
      "tpu.region"() ({
        %run_scoped3A_97 = tpu.sem_alloc : memref<!tpu.dma_semaphore, #tpu.memory_space<semaphore_mem>>
        %dma_start3A_98 = arith.constant 0 : i32
        %dma_start3A_99 = arith.constant 0 : i32
        %dma_start3A_100 = tpu.memref_slice %arg9[%run_scoped3A, %dma_start3A_98, %dma_start3A_99] : memref<2x128x128xf32, #tpu.memory_space<vmem>> -> memref<1x128x128xf32, #tpu.memory_space<vmem>>
        %dma_start3A_101 = tpu.memref_squeeze %dma_start3A_100 : memref<1x128x128xf32, #tpu.memory_space<vmem>> -> memref<128x128xf32, #tpu.memory_space<vmem>>
        %dma_start3A_102 = arith.constant 0 : i32
        %dma_start3A_103 = tpu.memref_slice %arg8[%add3A_62, %dma_start3A_102] : memref<40x128xi32, #tpu.memory_space<vmem>> -> memref<1x128xi32, #tpu.memory_space<vmem>>
        %dma_start3A_104 = tpu.memref_squeeze %dma_start3A_103 : memref<1x128xi32, #tpu.memory_space<vmem>> -> memref<128xi32, #tpu.memory_space<vmem>>
        %dma_start3A_105 = arith.constant 0 : i32
        %dma_start3A_106 = arith.constant 0 : i32
        %dma_start3A_107 = tpu.memref_slice %arg10[%dma_start3A_105, %dma_start3A_106] : memref<9872x128xf32, #tpu.memory_space<vmem_shared>> -> memref<9872x128xf32, #tpu.memory_space<vmem_shared>>
        tpu.enqueue_indirect_dma source(%dma_start3A_101 : memref<128x128xf32, #tpu.memory_space<vmem>>) target(%dma_start3A_107 : memref<9872x128xf32, #tpu.memory_space<vmem_shared>>) offsets(%dma_start3A_104 : memref<128xi32, #tpu.memory_space<vmem>>) semaphore(%run_scoped3A_97 : memref<!tpu.dma_semaphore, #tpu.memory_space<semaphore_mem>>) {add = true}
        %dma_wait3A_108 = arith.constant 0 : i32
        %dma_wait3A_109 = arith.constant 0 : i32
        %dma_wait3A_110 = tpu.memref_slice %arg9[%run_scoped3A, %dma_wait3A_108, %dma_wait3A_109] : memref<2x128x128xf32, #tpu.memory_space<vmem>> -> memref<1x128x128xf32, #tpu.memory_space<vmem>>
        %dma_wait3A_111 = tpu.memref_squeeze %dma_wait3A_110 : memref<1x128x128xf32, #tpu.memory_space<vmem>> -> memref<128x128xf32, #tpu.memory_space<vmem>>
        %dma_wait3A_112 = arith.constant 0 : i32
        %dma_wait3A_113 = tpu.memref_slice %arg8[%add3A_62, %dma_wait3A_112] : memref<40x128xi32, #tpu.memory_space<vmem>> -> memref<1x128xi32, #tpu.memory_space<vmem>>
        %dma_wait3A_114 = tpu.memref_squeeze %dma_wait3A_113 : memref<1x128xi32, #tpu.memory_space<vmem>> -> memref<128xi32, #tpu.memory_space<vmem>>
        %dma_wait3A_115 = arith.constant 0 : i32
        %dma_wait3A_116 = arith.constant 0 : i32
        %dma_wait3A_117 = tpu.memref_slice %arg10[%dma_wait3A_115, %dma_wait3A_116] : memref<9872x128xf32, #tpu.memory_space<vmem_shared>> -> memref<9872x128xf32, #tpu.memory_space<vmem_shared>>
        tpu.wait_indirect_dma semaphore(%run_scoped3A_97 : memref<!tpu.dma_semaphore, #tpu.memory_space<semaphore_mem>>) src(%dma_wait3A_111 : memref<128x128xf32, #tpu.memory_space<vmem>>) dst(%dma_wait3A_117 : memref<9872x128xf32, #tpu.memory_space<vmem_shared>>)
        tpu.yield
      }) : () -> ()
      %add3A_63 = arith.constant 2 : i32
      %add3A_64 = arith.addi %mul3A_48, %add3A_63 : i32
      %add3A_65 = arith.constant 0 : i32
      %add3A_66 = arith.addi %add3A_64, %add3A_65 : i32
      %lt3A_67 = arith.constant 40 : i32
      %lt3A_68 = arith.cmpi slt, %add3A_66, %lt3A_67 : i32
      %convert_element_type3A_69 = arith.extui %lt3A_68 : i1 to i32
      %cond3A_70 = arith.constant 0 : i32
      %cond3A_71 = arith.cmpi ne, %convert_element_type3A_69, %cond3A_70 : i32
      scf.if %cond3A_71 {
        %add3A_97 = arith.constant 2 : i32
        %add3A_98 = arith.addi %mul3A_48, %add3A_97 : i32
        %add3A_99 = arith.constant 0 : i32
        %add3A_100 = arith.addi %add3A_98, %add3A_99 : i32
        %dma_start3A_101 = arith.constant 0 : i32
        %dma_start3A_102 = arith.constant 0 : i32
        %dma_start3A_103 = arith.constant 0 : i32
        %dma_start3A_104 = tpu.memref_slice %arg9[%dma_start3A_101, %dma_start3A_102, %dma_start3A_103] : memref<2x128x128xf32, #tpu.memory_space<vmem>> -> memref<1x128x128xf32, #tpu.memory_space<vmem>>
        %dma_start3A_105 = tpu.memref_squeeze %dma_start3A_104 : memref<1x128x128xf32, #tpu.memory_space<vmem>> -> memref<128x128xf32, #tpu.memory_space<vmem>>
        %dma_start3A_106 = arith.constant 0 : i32
        %dma_start3A_107 = tpu.memref_slice %arg7[%add3A_100, %dma_start3A_106] : memref<40x128xi32, #tpu.memory_space<vmem>> -> memref<1x128xi32, #tpu.memory_space<vmem>>
        %dma_start3A_108 = tpu.memref_squeeze %dma_start3A_107 : memref<1x128xi32, #tpu.memory_space<vmem>> -> memref<128xi32, #tpu.memory_space<vmem>>
        %dma_start3A_109 = arith.constant 0 : i32
        %dma_start3A_110 = arith.constant 0 : i32
        %dma_start3A_111 = tpu.memref_slice %arg2[%dma_start3A_109, %dma_start3A_110] : memref<9984x128xf32, #tpu.memory_space<hbm>> -> memref<9984x128xf32, #tpu.memory_space<hbm>>
        tpu.enqueue_indirect_dma source(%dma_start3A_111 : memref<9984x128xf32, #tpu.memory_space<hbm>>) target(%dma_start3A_105 : memref<128x128xf32, #tpu.memory_space<vmem>>) offsets(%dma_start3A_108 : memref<128xi32, #tpu.memory_space<vmem>>) semaphore(%arg11 : memref<!tpu.dma_semaphore, #tpu.memory_space<semaphore_mem>>)
      } else {
      }
      %add3A_72 = arith.constant 1 : i32
      %add3A_73 = arith.addi %mul3A_48, %add3A_72 : i32
      %dma_wait3A_74 = arith.constant 1 : i32
      %dma_wait3A_75 = arith.constant 0 : i32
      %dma_wait3A_76 = arith.constant 0 : i32
      %dma_wait3A_77 = tpu.memref_slice %arg9[%dma_wait3A_74, %dma_wait3A_75, %dma_wait3A_76] : memref<2x128x128xf32, #tpu.memory_space<vmem>> -> memref<1x128x128xf32, #tpu.memory_space<vmem>>
      %dma_wait3A_78 = tpu.memref_squeeze %dma_wait3A_77 : memref<1x128x128xf32, #tpu.memory_space<vmem>> -> memref<128x128xf32, #tpu.memory_space<vmem>>
      %dma_wait3A_79 = arith.constant 0 : i32
      %dma_wait3A_80 = tpu.memref_slice %arg7[%add3A_73, %dma_wait3A_79] : memref<40x128xi32, #tpu.memory_space<vmem>> -> memref<1x128xi32, #tpu.memory_space<vmem>>
      %dma_wait3A_81 = tpu.memref_squeeze %dma_wait3A_80 : memref<1x128xi32, #tpu.memory_space<vmem>> -> memref<128xi32, #tpu.memory_space<vmem>>
      %dma_wait3A_82 = arith.constant 0 : i32
      %dma_wait3A_83 = arith.constant 0 : i32
      %dma_wait3A_84 = tpu.memref_slice %arg2[%dma_wait3A_82, %dma_wait3A_83] : memref<9984x128xf32, #tpu.memory_space<hbm>> -> memref<9984x128xf32, #tpu.memory_space<hbm>>
      tpu.wait_indirect_dma semaphore(%arg12 : memref<!tpu.dma_semaphore, #tpu.memory_space<semaphore_mem>>) src(%dma_wait3A_84 : memref<9984x128xf32, #tpu.memory_space<hbm>>) dst(%dma_wait3A_78 : memref<128x128xf32, #tpu.memory_space<vmem>>)
      %add3A_85 = arith.constant 1 : i32
      %add3A_86 = arith.addi %mul3A_48, %add3A_85 : i32
      %run_scoped3A_87 = arith.constant 1 : i32
      "tpu.region"() ({
        %run_scoped3A_97 = tpu.sem_alloc : memref<!tpu.dma_semaphore, #tpu.memory_space<semaphore_mem>>
        %dma_start3A_98 = arith.constant 0 : i32
        %dma_start3A_99 = arith.constant 0 : i32
        %dma_start3A_100 = tpu.memref_slice %arg9[%run_scoped3A_87, %dma_start3A_98, %dma_start3A_99] : memref<2x128x128xf32, #tpu.memory_space<vmem>> -> memref<1x128x128xf32, #tpu.memory_space<vmem>>
        %dma_start3A_101 = tpu.memref_squeeze %dma_start3A_100 : memref<1x128x128xf32, #tpu.memory_space<vmem>> -> memref<128x128xf32, #tpu.memory_space<vmem>>
        %dma_start3A_102 = arith.constant 0 : i32
        %dma_start3A_103 = tpu.memref_slice %arg8[%add3A_86, %dma_start3A_102] : memref<40x128xi32, #tpu.memory_space<vmem>> -> memref<1x128xi32, #tpu.memory_space<vmem>>
        %dma_start3A_104 = tpu.memref_squeeze %dma_start3A_103 : memref<1x128xi32, #tpu.memory_space<vmem>> -> memref<128xi32, #tpu.memory_space<vmem>>
        %dma_start3A_105 = arith.constant 0 : i32
        %dma_start3A_106 = arith.constant 0 : i32
        %dma_start3A_107 = tpu.memref_slice %arg10[%dma_start3A_105, %dma_start3A_106] : memref<9872x128xf32, #tpu.memory_space<vmem_shared>> -> memref<9872x128xf32, #tpu.memory_space<vmem_shared>>
        tpu.enqueue_indirect_dma source(%dma_start3A_101 : memref<128x128xf32, #tpu.memory_space<vmem>>) target(%dma_start3A_107 : memref<9872x128xf32, #tpu.memory_space<vmem_shared>>) offsets(%dma_start3A_104 : memref<128xi32, #tpu.memory_space<vmem>>) semaphore(%run_scoped3A_97 : memref<!tpu.dma_semaphore, #tpu.memory_space<semaphore_mem>>) {add = true}
        %dma_wait3A_108 = arith.constant 0 : i32
        %dma_wait3A_109 = arith.constant 0 : i32
        %dma_wait3A_110 = tpu.memref_slice %arg9[%run_scoped3A_87, %dma_wait3A_108, %dma_wait3A_109] : memref<2x128x128xf32, #tpu.memory_space<vmem>> -> memref<1x128x128xf32, #tpu.memory_space<vmem>>
        %dma_wait3A_111 = tpu.memref_squeeze %dma_wait3A_110 : memref<1x128x128xf32, #tpu.memory_space<vmem>> -> memref<128x128xf32, #tpu.memory_space<vmem>>
        %dma_wait3A_112 = arith.constant 0 : i32
        %dma_wait3A_113 = tpu.memref_slice %arg8[%add3A_86, %dma_wait3A_112] : memref<40x128xi32, #tpu.memory_space<vmem>> -> memref<1x128xi32, #tpu.memory_space<vmem>>
        %dma_wait3A_114 = tpu.memref_squeeze %dma_wait3A_113 : memref<1x128xi32, #tpu.memory_space<vmem>> -> memref<128xi32, #tpu.memory_space<vmem>>
        %dma_wait3A_115 = arith.constant 0 : i32
        %dma_wait3A_116 = arith.constant 0 : i32
        %dma_wait3A_117 = tpu.memref_slice %arg10[%dma_wait3A_115, %dma_wait3A_116] : memref<9872x128xf32, #tpu.memory_space<vmem_shared>> -> memref<9872x128xf32, #tpu.memory_space<vmem_shared>>
        tpu.wait_indirect_dma semaphore(%run_scoped3A_97 : memref<!tpu.dma_semaphore, #tpu.memory_space<semaphore_mem>>) src(%dma_wait3A_111 : memref<128x128xf32, #tpu.memory_space<vmem>>) dst(%dma_wait3A_117 : memref<9872x128xf32, #tpu.memory_space<vmem_shared>>)
        tpu.yield
      }) : () -> ()
      %add3A_88 = arith.constant 2 : i32
      %add3A_89 = arith.addi %mul3A_48, %add3A_88 : i32
      %add3A_90 = arith.constant 1 : i32
      %add3A_91 = arith.addi %add3A_89, %add3A_90 : i32
      %lt3A_92 = arith.constant 40 : i32
      %lt3A_93 = arith.cmpi slt, %add3A_91, %lt3A_92 : i32
      %convert_element_type3A_94 = arith.extui %lt3A_93 : i1 to i32
      %cond3A_95 = arith.constant 0 : i32
      %cond3A_96 = arith.cmpi ne, %convert_element_type3A_94, %cond3A_95 : i32
      scf.if %cond3A_96 {
        %add3A_97 = arith.constant 2 : i32
        %add3A_98 = arith.addi %mul3A_48, %add3A_97 : i32
        %add3A_99 = arith.constant 1 : i32
        %add3A_100 = arith.addi %add3A_98, %add3A_99 : i32
        %dma_start3A_101 = arith.constant 1 : i32
        %dma_start3A_102 = arith.constant 0 : i32
        %dma_start3A_103 = arith.constant 0 : i32
        %dma_start3A_104 = tpu.memref_slice %arg9[%dma_start3A_101, %dma_start3A_102, %dma_start3A_103] : memref<2x128x128xf32, #tpu.memory_space<vmem>> -> memref<1x128x128xf32, #tpu.memory_space<vmem>>
        %dma_start3A_105 = tpu.memref_squeeze %dma_start3A_104 : memref<1x128x128xf32, #tpu.memory_space<vmem>> -> memref<128x128xf32, #tpu.memory_space<vmem>>
        %dma_start3A_106 = arith.constant 0 : i32
        %dma_start3A_107 = tpu.memref_slice %arg7[%add3A_100, %dma_start3A_106] : memref<40x128xi32, #tpu.memory_space<vmem>> -> memref<1x128xi32, #tpu.memory_space<vmem>>
        %dma_start3A_108 = tpu.memref_squeeze %dma_start3A_107 : memref<1x128xi32, #tpu.memory_space<vmem>> -> memref<128xi32, #tpu.memory_space<vmem>>
        %dma_start3A_109 = arith.constant 0 : i32
        %dma_start3A_110 = arith.constant 0 : i32
        %dma_start3A_111 = tpu.memref_slice %arg2[%dma_start3A_109, %dma_start3A_110] : memref<9984x128xf32, #tpu.memory_space<hbm>> -> memref<9984x128xf32, #tpu.memory_space<hbm>>
        tpu.enqueue_indirect_dma source(%dma_start3A_111 : memref<9984x128xf32, #tpu.memory_space<hbm>>) target(%dma_start3A_105 : memref<128x128xf32, #tpu.memory_space<vmem>>) offsets(%dma_start3A_108 : memref<128xi32, #tpu.memory_space<vmem>>) semaphore(%arg12 : memref<!tpu.dma_semaphore, #tpu.memory_space<semaphore_mem>>)
      } else {
      }
    }
    %scan3A_34 = arith.constant 20 : i32
    %barrier3A_35 = arith.constant 0 : index
    tpu.barrier barrier_id(%barrier3A_35)
    %lt3A_36 = arith.constant 15 : i32
    %lt3A_37 = arith.cmpi slt, %arg1, %lt3A_36 : i32
    %convert_element_type3A_38 = arith.extui %lt3A_37 : i1 to i32
    %cond3A_39 = arith.constant 0 : i32
    %cond3A_40 = arith.cmpi ne, %convert_element_type3A_38, %cond3A_39 : i32
    scf.if %cond3A_40 {
      %mul3A_46 = arith.constant 624 : i32
      %mul3A_47 = arith.muli %arg1, %mul3A_46 : i32
      %mul3A_48 = arith.constant 624 : i32
      %mul3A_49 = arith.muli %arg1, %mul3A_48 : i32
      "tpu.region"() ({
        %run_scoped3A = tpu.sem_alloc : memref<!tpu.dma_semaphore, #tpu.memory_space<semaphore_mem>>
        %dma_start3A_50 = arith.constant 0 : i32
        %dma_start3A_51 = arith.constant 0 : i32
        %dma_start3A_52 = tpu.memref_slice %arg6[%arg0, %dma_start3A_50, %dma_start3A_51] : memref<2x9872x128xf32, #tpu.memory_space<hbm>> -> memref<1x9872x128xf32, #tpu.memory_space<hbm>>
        %dma_start3A_53 = tpu.memref_squeeze %dma_start3A_52 : memref<1x9872x128xf32, #tpu.memory_space<hbm>> -> memref<9872x128xf32, #tpu.memory_space<hbm>>
        %dma_start3A_54 = arith.constant 0 : i32
        %dma_start3A_55 = tpu.memref_slice %dma_start3A_53[%mul3A_49, %dma_start3A_54] : memref<9872x128xf32, #tpu.memory_space<hbm>> -> memref<624x128xf32, #tpu.memory_space<hbm>>
        %dma_start3A_56 = arith.constant 0 : i32
        %dma_start3A_57 = tpu.memref_slice %arg10[%mul3A_47, %dma_start3A_56] : memref<9872x128xf32, #tpu.memory_space<vmem_shared>> -> memref<624x128xf32, #tpu.memory_space<vmem_shared>>
        tpu.enqueue_dma source(%dma_start3A_57 : memref<624x128xf32, #tpu.memory_space<vmem_shared>>) target(%dma_start3A_55 : memref<624x128xf32, #tpu.memory_space<hbm>>) target_semaphore(%run_scoped3A : memref<!tpu.dma_semaphore, #tpu.memory_space<semaphore_mem>>)
        %dma_wait3A = arith.constant 0 : i32
        %dma_wait3A_58 = arith.constant 0 : i32
        %dma_wait3A_59 = tpu.memref_slice %arg6[%arg0, %dma_wait3A, %dma_wait3A_58] : memref<2x9872x128xf32, #tpu.memory_space<hbm>> -> memref<1x9872x128xf32, #tpu.memory_space<hbm>>
        %dma_wait3A_60 = tpu.memref_squeeze %dma_wait3A_59 : memref<1x9872x128xf32, #tpu.memory_space<hbm>> -> memref<9872x128xf32, #tpu.memory_space<hbm>>
        %dma_wait3A_61 = arith.constant 0 : i32
        %dma_wait3A_62 = tpu.memref_slice %dma_wait3A_60[%mul3A_49, %dma_wait3A_61] : memref<9872x128xf32, #tpu.memory_space<hbm>> -> memref<624x128xf32, #tpu.memory_space<hbm>>
        %dma_wait3A_63 = arith.constant 0 : i32
        %dma_wait3A_64 = tpu.memref_slice %arg10[%mul3A_47, %dma_wait3A_63] : memref<9872x128xf32, #tpu.memory_space<vmem_shared>> -> memref<624x128xf32, #tpu.memory_space<vmem_shared>>
        tpu.wait_dma2 semaphore(%run_scoped3A : memref<!tpu.dma_semaphore, #tpu.memory_space<semaphore_mem>>) src(%dma_wait3A_64 : memref<624x128xf32, #tpu.memory_space<vmem_shared>>) dst(%dma_wait3A_62 : memref<624x128xf32, #tpu.memory_space<hbm>>)
        tpu.yield
      }) : () -> ()
    } else {
    }
    %eq3A_41 = arith.constant 15 : i32
    %eq3A_42 = arith.cmpi eq, %arg1, %eq3A_41 : i32
    %convert_element_type3A_43 = arith.extui %eq3A_42 : i1 to i32
    %cond3A_44 = arith.constant 0 : i32
    %cond3A_45 = arith.cmpi ne, %convert_element_type3A_43, %cond3A_44 : i32
    scf.if %cond3A_45 {
      "tpu.region"() ({
        %run_scoped3A = tpu.sem_alloc : memref<!tpu.dma_semaphore, #tpu.memory_space<semaphore_mem>>
        %dma_start3A_46 = arith.constant 0 : i32
        %dma_start3A_47 = arith.constant 0 : i32
        %dma_start3A_48 = tpu.memref_slice %arg6[%arg0, %dma_start3A_46, %dma_start3A_47] : memref<2x9872x128xf32, #tpu.memory_space<hbm>> -> memref<1x9872x128xf32, #tpu.memory_space<hbm>>
        %dma_start3A_49 = tpu.memref_squeeze %dma_start3A_48 : memref<1x9872x128xf32, #tpu.memory_space<hbm>> -> memref<9872x128xf32, #tpu.memory_space<hbm>>
        %dma_start3A_50 = arith.constant 9360 : i32
        %dma_start3A_51 = arith.constant 0 : i32
        %dma_start3A_52 = tpu.memref_slice %dma_start3A_49[%dma_start3A_50, %dma_start3A_51] : memref<9872x128xf32, #tpu.memory_space<hbm>> -> memref<512x128xf32, #tpu.memory_space<hbm>>
        %dma_start3A_53 = arith.constant 9360 : i32
        %dma_start3A_54 = arith.constant 0 : i32
        %dma_start3A_55 = tpu.memref_slice %arg10[%dma_start3A_53, %dma_start3A_54] : memref<9872x128xf32, #tpu.memory_space<vmem_shared>> -> memref<512x128xf32, #tpu.memory_space<vmem_shared>>
        tpu.enqueue_dma source(%dma_start3A_55 : memref<512x128xf32, #tpu.memory_space<vmem_shared>>) target(%dma_start3A_52 : memref<512x128xf32, #tpu.memory_space<hbm>>) target_semaphore(%run_scoped3A : memref<!tpu.dma_semaphore, #tpu.memory_space<semaphore_mem>>)
        %dma_wait3A = arith.constant 0 : i32
        %dma_wait3A_56 = arith.constant 0 : i32
        %dma_wait3A_57 = tpu.memref_slice %arg6[%arg0, %dma_wait3A, %dma_wait3A_56] : memref<2x9872x128xf32, #tpu.memory_space<hbm>> -> memref<1x9872x128xf32, #tpu.memory_space<hbm>>
        %dma_wait3A_58 = tpu.memref_squeeze %dma_wait3A_57 : memref<1x9872x128xf32, #tpu.memory_space<hbm>> -> memref<9872x128xf32, #tpu.memory_space<hbm>>
        %dma_wait3A_59 = arith.constant 9360 : i32
        %dma_wait3A_60 = arith.constant 0 : i32
        %dma_wait3A_61 = tpu.memref_slice %dma_wait3A_58[%dma_wait3A_59, %dma_wait3A_60] : memref<9872x128xf32, #tpu.memory_space<hbm>> -> memref<512x128xf32, #tpu.memory_space<hbm>>
        %dma_wait3A_62 = arith.constant 9360 : i32
        %dma_wait3A_63 = arith.constant 0 : i32
        %dma_wait3A_64 = tpu.memref_slice %arg10[%dma_wait3A_62, %dma_wait3A_63] : memref<9872x128xf32, #tpu.memory_space<vmem_shared>> -> memref<512x128xf32, #tpu.memory_space<vmem_shared>>
        tpu.wait_dma2 semaphore(%run_scoped3A : memref<!tpu.dma_semaphore, #tpu.memory_space<semaphore_mem>>) src(%dma_wait3A_64 : memref<512x128xf32, #tpu.memory_space<vmem_shared>>) dst(%dma_wait3A_61 : memref<512x128xf32, #tpu.memory_space<hbm>>)
        tpu.yield
      }) : () -> ()
    } else {
    }
    return
  }
}

module attributes {stable_mosaic.version = 14 : i64} {
  func.func @body(%arg0: i32, %arg1: memref<1248x128xf32, #tpu.memory_space<vmem>>, %arg2: memref<1x141xi32, #tpu.memory_space<vmem>>, %arg3: memref<1x141xi32, #tpu.memory_space<vmem>>, %arg4: memref<128x128xf32, #tpu.memory_space<vmem>>, %arg5: memref<1x128xf32, #tpu.memory_space<vmem>>, %arg6: memref<128x128xf32, #tpu.memory_space<vmem>>, %arg7: memref<1x128xf32, #tpu.memory_space<vmem>>, %arg8: memref<141x128xf32, #tpu.memory_space<vmem>>) attributes {dimension_semantics = [#tpu.dimension_semantics<arbitrary>], iteration_bounds = array<i64: 8>, scalar_prefetch = 0 : i64, scratch_operands = 0 : i64, tpu.core_type = #tpu.core_type<tc>, window_params = [{transform_indices = @transform_0, window_bounds = array<i64: 1248, 128>}, {pipeline_mode = #tpu.pipeline_mode<synchronous>, transform_indices = @transform_1, window_bounds = array<i64: 1, 141>}, {pipeline_mode = #tpu.pipeline_mode<synchronous>, transform_indices = @transform_2, window_bounds = array<i64: 1, 141>}, {pipeline_mode = #tpu.pipeline_mode<synchronous>, transform_indices = @transform_3, window_bounds = array<i64: 128, 128>}, {pipeline_mode = #tpu.pipeline_mode<synchronous>, transform_indices = @transform_4, window_bounds = array<i64: 1, 128>}, {pipeline_mode = #tpu.pipeline_mode<synchronous>, transform_indices = @transform_5, window_bounds = array<i64: 128, 128>}, {pipeline_mode = #tpu.pipeline_mode<synchronous>, transform_indices = @transform_6, window_bounds = array<i64: 1, 128>}, {pipeline_mode = #tpu.pipeline_mode<synchronous>, transform_indices = @transform_7, window_bounds = array<i64: 141, 128>}]} {
    %get3A = arith.constant 0 : index
    %get3A_0 = arith.constant 0 : index
    %get3A_1 = vector.load %arg1[%get3A, %get3A_0] : memref<1248x128xf32, #tpu.memory_space<vmem>>, vector<1248x128xf32>
    %get3A_2 = arith.constant 0 : index
    %get3A_3 = arith.constant 0 : index
    %get3A_4 = vector.load %arg4[%get3A_2, %get3A_3] : memref<128x128xf32, #tpu.memory_space<vmem>>, vector<128x128xf32>
    %dot_general3A = arith.constant dense<0.000000e+00> : vector<1248x128xf32>
    %dot_general3A_5 = tpu.matmul %get3A_1, %get3A_4, %dot_general3A {dimension_numbers = #tpu.dot_dimension_numbers<[1], [0], [0], [1], [0, 0, 1, 1], [], []>, transpose_lhs_hint = false} : vector<1248x128xf32>, vector<128x128xf32>, vector<1248x128xf32> -> vector<1248x128xf32>
    %get3A_6 = arith.constant 0 : index
    %get3A_7 = arith.constant 0 : index
    %get3A_8 = vector.load %arg5[%get3A_6, %get3A_7] : memref<1x128xf32, #tpu.memory_space<vmem>>, vector<1x128xf32>
    %add3A = vector.broadcast %get3A_8 : vector<1x128xf32> to vector<1248x128xf32>
    %add3A_9 = arith.addf %dot_general3A_5, %add3A : vector<1248x128xf32>
    %reduce_max3A = arith.constant dense<0xFF800000> : vector<1248xf32>
    %reduce_max3A_10 = vector.multi_reduction <maximumf>, %add3A_9, %reduce_max3A [1] : vector<1248x128xf32> to vector<1248xf32>
    %broadcast_in_dim3A = vector.shape_cast %reduce_max3A_10 : vector<1248xf32> to vector<1248x1xf32>
    %sub3A = vector.broadcast %broadcast_in_dim3A : vector<1248x1xf32> to vector<1248x128xf32>
    %sub3A_11 = arith.subf %add3A_9, %sub3A : vector<1248x128xf32>
    %exp3A = math.exp %sub3A_11 : vector<1248x128xf32>
    %reduce_sum3A = arith.constant dense<0.000000e+00> : vector<1248xf32>
    %reduce_sum3A_12 = vector.multi_reduction <add>, %exp3A, %reduce_sum3A [1] : vector<1248x128xf32> to vector<1248xf32>
    %broadcast_in_dim3A_13 = vector.shape_cast %reduce_sum3A_12 : vector<1248xf32> to vector<1248x1xf32>
    %div3A = vector.broadcast %broadcast_in_dim3A_13 : vector<1248x1xf32> to vector<1248x128xf32>
    %div3A_14 = arith.divf %exp3A, %div3A : vector<1248x128xf32>
    %get3A_15 = arith.constant 0 : index
    %get3A_16 = arith.constant 0 : index
    %get3A_17 = vector.load %arg6[%get3A_15, %get3A_16] : memref<128x128xf32, #tpu.memory_space<vmem>>, vector<128x128xf32>
    %dot_general3A_18 = arith.constant dense<0.000000e+00> : vector<1248x128xf32>
    %dot_general3A_19 = tpu.matmul %get3A_1, %get3A_17, %dot_general3A_18 {dimension_numbers = #tpu.dot_dimension_numbers<[1], [0], [0], [1], [0, 0, 1, 1], [], []>, transpose_lhs_hint = false} : vector<1248x128xf32>, vector<128x128xf32>, vector<1248x128xf32> -> vector<1248x128xf32>
    %get3A_20 = arith.constant 0 : index
    %get3A_21 = arith.constant 0 : index
    %get3A_22 = vector.load %arg7[%get3A_20, %get3A_21] : memref<1x128xf32, #tpu.memory_space<vmem>>, vector<1x128xf32>
    %add3A_23 = vector.broadcast %get3A_22 : vector<1x128xf32> to vector<1248x128xf32>
    %add3A_24 = arith.addf %dot_general3A_19, %add3A_23 : vector<1248x128xf32>
    %mul3A = arith.mulf %div3A_14, %add3A_24 : vector<1248x128xf32>
    %get3A_25 = arith.constant 0 : index
    %get3A_26 = arith.constant 0 : index
    %get3A_27 = vector.load %arg2[%get3A_25, %get3A_26] : memref<1x141xi32, #tpu.memory_space<vmem>>, vector<1x141xi32>
    %get3A_28 = arith.constant 0 : index
    %get3A_29 = arith.constant 0 : index
    %get3A_30 = vector.load %arg3[%get3A_28, %get3A_29] : memref<1x141xi32, #tpu.memory_space<vmem>>, vector<1x141xi32>
    %mul3A_31 = arith.constant 1248 : i32
    %mul3A_32 = arith.muli %arg0, %mul3A_31 : i32
    %iota3A = tpu.iota {dimensions = array<i32: 0>} : vector<1248x141xi32>
    %add3A_33 = vector.broadcast %mul3A_32 : i32 to vector<1248x141xi32>
    %add3A_34 = arith.addi %add3A_33, %iota3A : vector<1248x141xi32>
    %ge3A = vector.broadcast %get3A_27 : vector<1x141xi32> to vector<1248x141xi32>
    %ge3A_35 = arith.cmpi sge, %add3A_34, %ge3A : vector<1248x141xi32>
    %lt3A = vector.broadcast %get3A_30 : vector<1x141xi32> to vector<1248x141xi32>
    %lt3A_36 = arith.cmpi slt, %add3A_34, %lt3A : vector<1248x141xi32>
    %and3A = arith.andi %ge3A_35, %lt3A_36 : vector<1248x141xi1>
    %convert_element_type3A = arith.extui %and3A : vector<1248x141xi1> to vector<1248x141xi32>
    %convert_element_type3A_37 = arith.sitofp %convert_element_type3A : vector<1248x141xi32> to vector<1248x141xf32>
    %dot_general3A_38 = arith.constant dense<0.000000e+00> : vector<141x128xf32>
    %dot_general3A_39 = tpu.matmul %convert_element_type3A_37, %mul3A, %dot_general3A_38 {dimension_numbers = #tpu.dot_dimension_numbers<[0], [0], [1], [1], [0, 1, 1, 1], [], []>, transpose_lhs_hint = false} : vector<1248x141xf32>, vector<1248x128xf32>, vector<141x128xf32> -> vector<141x128xf32>
    %eq3A = arith.constant 0 : i32
    %eq3A_40 = arith.cmpi eq, %arg0, %eq3A : i32
    %convert_element_type3A_41 = arith.extui %eq3A_40 : i1 to i32
    %cond3A = arith.constant 0 : i32
    %cond3A_42 = arith.cmpi ne, %convert_element_type3A_41, %cond3A : i32
    scf.if %cond3A_42 {
      %broadcast_in_dim3A_49 = arith.constant 0.000000e+00 : f32
      %broadcast_in_dim3A_50 = vector.broadcast %broadcast_in_dim3A_49 : f32 to vector<141x128xf32>
      %swap3A_51 = arith.constant 0 : index
      %swap3A_52 = arith.constant 0 : index
      %swap3A_53 = vector.load %arg8[%swap3A_51, %swap3A_52] : memref<141x128xf32, #tpu.memory_space<vmem>>, vector<141x128xf32>
      tpu.vector_store %arg8[%swap3A_51, %swap3A_52], %broadcast_in_dim3A_50 {strides = array<i32>} : memref<141x128xf32, #tpu.memory_space<vmem>>, vector<141x128xf32>,
    } else {
    }
    %get3A_43 = arith.constant 0 : index
    %get3A_44 = arith.constant 0 : index
    %get3A_45 = vector.load %arg8[%get3A_43, %get3A_44] : memref<141x128xf32, #tpu.memory_space<vmem>>, vector<141x128xf32>
    %add3A_46 = arith.addf %get3A_45, %dot_general3A_39 : vector<141x128xf32>
    %swap3A = arith.constant 0 : index
    %swap3A_47 = arith.constant 0 : index
    %swap3A_48 = vector.load %arg8[%swap3A, %swap3A_47] : memref<141x128xf32, #tpu.memory_space<vmem>>, vector<141x128xf32>
    tpu.vector_store %arg8[%swap3A, %swap3A_47], %add3A_46 {strides = array<i32>} : memref<141x128xf32, #tpu.memory_space<vmem>>, vector<141x128xf32>,
    return
  }
  func.func @transform_0(%arg0: i32) -> (i32, i32) {
    %c0_i32 = arith.constant 0 : i32
    %c0_i32_0 = arith.constant 0 : i32
    return %arg0, %c0_i32 : i32, i32
  }
  func.func @transform_1(%arg0: i32) -> (i32, i32) {
    %c0_i32 = arith.constant 0 : i32
    %c0_i32_0 = arith.constant 0 : i32
    %c0_i32_1 = arith.constant 0 : i32
    return %c0_i32, %c0_i32_0 : i32, i32
  }
  func.func @transform_2(%arg0: i32) -> (i32, i32) {
    %c0_i32 = arith.constant 0 : i32
    %c0_i32_0 = arith.constant 0 : i32
    %c0_i32_1 = arith.constant 0 : i32
    return %c0_i32, %c0_i32_0 : i32, i32
  }
  func.func @transform_3(%arg0: i32) -> (i32, i32) {
    %c0_i32 = arith.constant 0 : i32
    %c0_i32_0 = arith.constant 0 : i32
    %c0_i32_1 = arith.constant 0 : i32
    return %c0_i32, %c0_i32_0 : i32, i32
  }
  func.func @transform_4(%arg0: i32) -> (i32, i32) {
    %c0_i32 = arith.constant 0 : i32
    %c0_i32_0 = arith.constant 0 : i32
    %c0_i32_1 = arith.constant 0 : i32
    return %c0_i32, %c0_i32_0 : i32, i32
  }
  func.func @transform_5(%arg0: i32) -> (i32, i32) {
    %c0_i32 = arith.constant 0 : i32
    %c0_i32_0 = arith.constant 0 : i32
    %c0_i32_1 = arith.constant 0 : i32
    return %c0_i32, %c0_i32_0 : i32, i32
  }
  func.func @transform_6(%arg0: i32) -> (i32, i32) {
    %c0_i32 = arith.constant 0 : i32
    %c0_i32_0 = arith.constant 0 : i32
    %c0_i32_1 = arith.constant 0 : i32
    return %c0_i32, %c0_i32_0 : i32, i32
  }
  func.func @transform_7(%arg0: i32) -> (i32, i32) {
    %c0_i32 = arith.constant 0 : i32
    %c0_i32_0 = arith.constant 0 : i32
    %c0_i32_1 = arith.constant 0 : i32
    return %c0_i32, %c0_i32_0 : i32, i32
  }
}

module attributes {stable_mosaic.version = 14 : i64} {
  func.func @_p3p_body(%arg0: memref<141x128xf32, #tpu.memory_space<vmem>>, %arg1: memref<141x128xf32, #tpu.memory_space<vmem>>, %arg2: memref<256x128xf32, #tpu.memory_space<vmem>>, %arg3: memref<1x128xf32, #tpu.memory_space<vmem>>, %arg4: memref<141x128xf32, #tpu.memory_space<vmem>>) attributes {dimension_semantics = [], scalar_prefetch = 0 : i64, scratch_operands = 0 : i64, tpu.core_type = #tpu.core_type<tc>} {
    %get3A = arith.constant 0 : index
    %get3A_0 = arith.constant 0 : index
    %get3A_1 = vector.load %arg0[%get3A, %get3A_0] : memref<141x128xf32, #tpu.memory_space<vmem>>, vector<141x128xf32>
    %get3A_2 = arith.constant 0 : index
    %get3A_3 = arith.constant 0 : index
    %get3A_4 = vector.load %arg1[%get3A_2, %get3A_3] : memref<141x128xf32, #tpu.memory_space<vmem>>, vector<141x128xf32>
    %get3A_5 = arith.constant 0 : index
    %get3A_6 = arith.constant 0 : index
    %get3A_7 = vector.load %arg2[%get3A_5, %get3A_6] : memref<256x128xf32, #tpu.memory_space<vmem>>, vector<256x128xf32>
    %get3A_8 = arith.constant 0 : index
    %get3A_9 = arith.constant 0 : index
    %get3A_10 = vector.load %arg3[%get3A_8, %get3A_9] : memref<1x128xf32, #tpu.memory_space<vmem>>, vector<1x128xf32>
    %concatenate3A = tpu.concatenate %get3A_1, %get3A_4 in 1 : vector<141x128xf32>, vector<141x128xf32> -> vector<141x256xf32>
    %dot_general3A = arith.constant dense<0.000000e+00> : vector<141x128xf32>
    %dot_general3A_11 = tpu.matmul %concatenate3A, %get3A_7, %dot_general3A {dimension_numbers = #tpu.dot_dimension_numbers<[1], [0], [0], [1], [0, 0, 1, 1], [], []>, transpose_lhs_hint = false} : vector<141x256xf32>, vector<256x128xf32>, vector<141x128xf32> -> vector<141x128xf32>
    %add3A = vector.broadcast %get3A_10 : vector<1x128xf32> to vector<141x128xf32>
    %add3A_12 = arith.addf %dot_general3A_11, %add3A : vector<141x128xf32>
    %tanh3A = math.tanh %add3A_12 : vector<141x128xf32>
    %add3A_13 = arith.addf %get3A_4, %tanh3A : vector<141x128xf32>
    %swap3A = arith.constant 0 : index
    %swap3A_14 = arith.constant 0 : index
    %swap3A_15 = vector.load %arg4[%swap3A, %swap3A_14] : memref<141x128xf32, #tpu.memory_space<vmem>>, vector<141x128xf32>
    tpu.vector_store %arg4[%swap3A, %swap3A_14], %add3A_13 {strides = array<i32>} : memref<141x128xf32, #tpu.memory_space<vmem>>, vector<141x128xf32>,
    return
  }
}

module attributes {stable_mosaic.version = 14 : i64} {
  func.func @_csum_body(%arg0: i32, %arg1: memref<2x1248x128xf32, #tpu.memory_space<vmem>>, %arg2: memref<1248x128xf32, #tpu.memory_space<vmem>>) attributes {dimension_semantics = [#tpu.dimension_semantics<arbitrary>], iteration_bounds = array<i64: 8>, scalar_prefetch = 0 : i64, scratch_operands = 0 : i64, tpu.core_type = #tpu.core_type<tc>, window_params = [{transform_indices = @transform_0, window_bounds = array<i64: 2, 1248, 128>}, {transform_indices = @transform_1, window_bounds = array<i64: 1248, 128>}]} {
    %get3A = arith.constant 0 : index
    %get3A_0 = arith.constant 0 : index
    %get3A_1 = arith.constant 0 : index
    %get3A_2 = vector.load %arg1[%get3A, %get3A_0, %get3A_1] : memref<2x1248x128xf32, #tpu.memory_space<vmem>>, vector<1x1248x128xf32>
    %get3A_3 = vector.shape_cast %get3A_2 : vector<1x1248x128xf32> to vector<1248x128xf32>
    %get3A_4 = arith.constant 1 : index
    %get3A_5 = arith.constant 0 : index
    %get3A_6 = arith.constant 0 : index
    %get3A_7 = vector.load %arg1[%get3A_4, %get3A_5, %get3A_6] : memref<2x1248x128xf32, #tpu.memory_space<vmem>>, vector<1x1248x128xf32>
    %get3A_8 = vector.shape_cast %get3A_7 : vector<1x1248x128xf32> to vector<1248x128xf32>
    %add3A = arith.addf %get3A_3, %get3A_8 : vector<1248x128xf32>
    %swap3A = arith.constant 0 : index
    %swap3A_9 = arith.constant 0 : index
    %swap3A_10 = vector.load %arg2[%swap3A, %swap3A_9] : memref<1248x128xf32, #tpu.memory_space<vmem>>, vector<1248x128xf32>
    tpu.vector_store %arg2[%swap3A, %swap3A_9], %add3A {strides = array<i32>} : memref<1248x128xf32, #tpu.memory_space<vmem>>, vector<1248x128xf32>,
    return
  }
  func.func @transform_0(%arg0: i32) -> (i32, i32, i32) {
    %c0_i32 = arith.constant 0 : i32
    %c0_i32_0 = arith.constant 0 : i32
    %c0_i32_1 = arith.constant 0 : i32
    return %c0_i32, %arg0, %c0_i32_0 : i32, i32, i32
  }
  func.func @transform_1(%arg0: i32) -> (i32, i32) {
    %c0_i32 = arith.constant 0 : i32
    %c0_i32_0 = arith.constant 0 : i32
    return %arg0, %c0_i32 : i32, i32
  }
}

module attributes {stable_mosaic.version = 14 : i64} {
  func.func @_p3q_body(%arg0: i32, %arg1: memref<1248x128xf32, #tpu.memory_space<vmem>>, %arg2: memref<1x141xi32, #tpu.memory_space<vmem>>, %arg3: memref<1x141xi32, #tpu.memory_space<vmem>>, %arg4: memref<141x128xf32, #tpu.memory_space<vmem>>, %arg5: memref<256x128xf32, #tpu.memory_space<vmem>>, %arg6: memref<1248x128xf32, #tpu.memory_space<vmem>>, %arg7: memref<1248x128xf32, #tpu.memory_space<vmem>>, %arg8: memref<1248x128xf32, #tpu.memory_space<vmem>>, %arg9: memref<1248x128xf32, #tpu.memory_space<vmem>>) attributes {dimension_semantics = [#tpu.dimension_semantics<arbitrary>], iteration_bounds = array<i64: 8>, scalar_prefetch = 0 : i64, scratch_operands = 0 : i64, tpu.core_type = #tpu.core_type<tc>, window_params = [{transform_indices = @transform_0, window_bounds = array<i64: 1248, 128>}, {pipeline_mode = #tpu.pipeline_mode<synchronous>, transform_indices = @transform_1, window_bounds = array<i64: 1, 141>}, {pipeline_mode = #tpu.pipeline_mode<synchronous>, transform_indices = @transform_2, window_bounds = array<i64: 1, 141>}, {pipeline_mode = #tpu.pipeline_mode<synchronous>, transform_indices = @transform_3, window_bounds = array<i64: 141, 128>}, {pipeline_mode = #tpu.pipeline_mode<synchronous>, transform_indices = @transform_4, window_bounds = array<i64: 256, 128>}, {transform_indices = @transform_5, window_bounds = array<i64: 1248, 128>}, {transform_indices = @transform_6, window_bounds = array<i64: 1248, 128>}, {transform_indices = @transform_7, window_bounds = array<i64: 1248, 128>}, {transform_indices = @transform_8, window_bounds = array<i64: 1248, 128>}]} {
    %get3A = arith.constant 0 : index
    %get3A_0 = arith.constant 0 : index
    %get3A_1 = vector.load %arg2[%get3A, %get3A_0] : memref<1x141xi32, #tpu.memory_space<vmem>>, vector<1x141xi32>
    %get3A_2 = arith.constant 0 : index
    %get3A_3 = arith.constant 0 : index
    %get3A_4 = vector.load %arg3[%get3A_2, %get3A_3] : memref<1x141xi32, #tpu.memory_space<vmem>>, vector<1x141xi32>
    %mul3A = arith.constant 1248 : i32
    %mul3A_5 = arith.muli %arg0, %mul3A : i32
    %iota3A = tpu.iota {dimensions = array<i32: 0>} : vector<1248x141xi32>
    %add3A = vector.broadcast %mul3A_5 : i32 to vector<1248x141xi32>
    %add3A_6 = arith.addi %add3A, %iota3A : vector<1248x141xi32>
    %ge3A = vector.broadcast %get3A_1 : vector<1x141xi32> to vector<1248x141xi32>
    %ge3A_7 = arith.cmpi sge, %add3A_6, %ge3A : vector<1248x141xi32>
    %lt3A = vector.broadcast %get3A_4 : vector<1x141xi32> to vector<1248x141xi32>
    %lt3A_8 = arith.cmpi slt, %add3A_6, %lt3A : vector<1248x141xi32>
    %and3A = arith.andi %ge3A_7, %lt3A_8 : vector<1248x141xi1>
    %convert_element_type3A = arith.extui %and3A : vector<1248x141xi1> to vector<1248x141xi32>
    %convert_element_type3A_9 = arith.sitofp %convert_element_type3A : vector<1248x141xi32> to vector<1248x141xf32>
    %get3A_10 = arith.constant 0 : index
    %get3A_11 = arith.constant 0 : index
    %get3A_12 = vector.load %arg4[%get3A_10, %get3A_11] : memref<141x128xf32, #tpu.memory_space<vmem>>, vector<141x128xf32>
    %dot_general3A = arith.constant dense<0.000000e+00> : vector<1248x128xf32>
    %dot_general3A_13 = tpu.matmul %convert_element_type3A_9, %get3A_12, %dot_general3A {dimension_numbers = #tpu.dot_dimension_numbers<[1], [0], [0], [1], [0, 0, 1, 1], [], []>, precision = #tpu.contract_precision<fp32>, transpose_lhs_hint = false} : vector<1248x141xf32>, vector<141x128xf32>, vector<1248x128xf32> -> vector<1248x128xf32>
    %get3A_14 = arith.constant 0 : index
    %get3A_15 = arith.constant 0 : index
    %get3A_16 = vector.load %arg1[%get3A_14, %get3A_15] : memref<1248x128xf32, #tpu.memory_space<vmem>>, vector<1248x128xf32>
    %concatenate3A = tpu.concatenate %get3A_16, %dot_general3A_13 in 1 : vector<1248x128xf32>, vector<1248x128xf32> -> vector<1248x256xf32>
    %get3A_17 = arith.constant 0 : index
    %get3A_18 = arith.constant 0 : index
    %get3A_19 = vector.load %arg5[%get3A_17, %get3A_18] : memref<256x128xf32, #tpu.memory_space<vmem>>, vector<256x128xf32>
    %dot_general3A_20 = arith.constant dense<0.000000e+00> : vector<1248x128xf32>
    %dot_general3A_21 = tpu.matmul %concatenate3A, %get3A_19, %dot_general3A_20 {dimension_numbers = #tpu.dot_dimension_numbers<[1], [0], [0], [1], [0, 0, 1, 1], [], []>, transpose_lhs_hint = false} : vector<1248x256xf32>, vector<256x128xf32>, vector<1248x128xf32> -> vector<1248x128xf32>
    %swap3A = arith.constant 0 : index
    %swap3A_22 = arith.constant 0 : index
    %swap3A_23 = vector.load %arg8[%swap3A, %swap3A_22] : memref<1248x128xf32, #tpu.memory_space<vmem>>, vector<1248x128xf32>
    tpu.vector_store %arg8[%swap3A, %swap3A_22], %dot_general3A_21 {strides = array<i32>} : memref<1248x128xf32, #tpu.memory_space<vmem>>, vector<1248x128xf32>,
    %slice3A = vector.extract_strided_slice %get3A_12 {offsets = [0, 0], sizes = [128, 128], strides = [1, 1]} : vector<141x128xf32> to vector<128x128xf32>
    %slice3A_24 = vector.extract_strided_slice %get3A_12 {offsets = [128, 0], sizes = [13, 128], strides = [1, 1]} : vector<141x128xf32> to vector<13x128xf32>
    %broadcast_in_dim3A = arith.constant 0.000000e+00 : f32
    %broadcast_in_dim3A_25 = vector.broadcast %broadcast_in_dim3A : f32 to vector<115x128xf32>
    %concatenate3A_26 = tpu.concatenate %slice3A_24, %broadcast_in_dim3A_25 in 0 : vector<13x128xf32>, vector<115x128xf32> -> vector<128x128xf32>
    %get3A_27 = arith.constant 0 : index
    %get3A_28 = arith.constant 0 : index
    %get3A_29 = vector.load %arg6[%get3A_27, %get3A_28] : memref<1248x128xf32, #tpu.memory_space<vmem>>, vector<1248x128xf32>
    %dot_general3A_30 = arith.constant dense<0.000000e+00> : vector<1248x128xf32>
    %dot_general3A_31 = tpu.matmul %get3A_29, %slice3A, %dot_general3A_30 {dimension_numbers = #tpu.dot_dimension_numbers<[1], [0], [0], [1], [0, 0, 1, 1], [], []>, precision = #tpu.contract_precision<fp32>, transpose_lhs_hint = false} : vector<1248x128xf32>, vector<128x128xf32>, vector<1248x128xf32> -> vector<1248x128xf32>
    %get3A_32 = arith.constant 0 : index
    %get3A_33 = arith.constant 0 : index
    %get3A_34 = vector.load %arg7[%get3A_32, %get3A_33] : memref<1248x128xf32, #tpu.memory_space<vmem>>, vector<1248x128xf32>
    %dot_general3A_35 = arith.constant dense<0.000000e+00> : vector<1248x128xf32>
    %dot_general3A_36 = tpu.matmul %get3A_34, %concatenate3A_26, %dot_general3A_35 {dimension_numbers = #tpu.dot_dimension_numbers<[1], [0], [0], [1], [0, 0, 1, 1], [], []>, precision = #tpu.contract_precision<fp32>, transpose_lhs_hint = false} : vector<1248x128xf32>, vector<128x128xf32>, vector<1248x128xf32> -> vector<1248x128xf32>
    %add3A_37 = arith.addf %dot_general3A_31, %dot_general3A_36 : vector<1248x128xf32>
    %swap3A_38 = arith.constant 0 : index
    %swap3A_39 = arith.constant 0 : index
    %swap3A_40 = vector.load %arg9[%swap3A_38, %swap3A_39] : memref<1248x128xf32, #tpu.memory_space<vmem>>, vector<1248x128xf32>
    tpu.vector_store %arg9[%swap3A_38, %swap3A_39], %add3A_37 {strides = array<i32>} : memref<1248x128xf32, #tpu.memory_space<vmem>>, vector<1248x128xf32>,
    return
  }
  func.func @transform_0(%arg0: i32) -> (i32, i32) {
    %c0_i32 = arith.constant 0 : i32
    %c0_i32_0 = arith.constant 0 : i32
    return %arg0, %c0_i32 : i32, i32
  }
  func.func @transform_1(%arg0: i32) -> (i32, i32) {
    %c0_i32 = arith.constant 0 : i32
    %c0_i32_0 = arith.constant 0 : i32
    %c0_i32_1 = arith.constant 0 : i32
    return %c0_i32, %c0_i32_0 : i32, i32
  }
  func.func @transform_2(%arg0: i32) -> (i32, i32) {
    %c0_i32 = arith.constant 0 : i32
    %c0_i32_0 = arith.constant 0 : i32
    %c0_i32_1 = arith.constant 0 : i32
    return %c0_i32, %c0_i32_0 : i32, i32
  }
  func.func @transform_3(%arg0: i32) -> (i32, i32) {
    %c0_i32 = arith.constant 0 : i32
    %c0_i32_0 = arith.constant 0 : i32
    %c0_i32_1 = arith.constant 0 : i32
    return %c0_i32, %c0_i32_0 : i32, i32
  }
  func.func @transform_4(%arg0: i32) -> (i32, i32) {
    %c0_i32 = arith.constant 0 : i32
    %c0_i32_0 = arith.constant 0 : i32
    %c0_i32_1 = arith.constant 0 : i32
    return %c0_i32, %c0_i32_0 : i32, i32
  }
  func.func @transform_5(%arg0: i32) -> (i32, i32) {
    %c0_i32 = arith.constant 0 : i32
    %c0_i32_0 = arith.constant 0 : i32
    return %arg0, %c0_i32 : i32, i32
  }
  func.func @transform_6(%arg0: i32) -> (i32, i32) {
    %c0_i32 = arith.constant 0 : i32
    %c0_i32_0 = arith.constant 0 : i32
    return %arg0, %c0_i32 : i32, i32
  }
  func.func @transform_7(%arg0: i32) -> (i32, i32) {
    %c0_i32 = arith.constant 0 : i32
    %c0_i32_0 = arith.constant 0 : i32
    return %arg0, %c0_i32 : i32, i32
  }
  func.func @transform_8(%arg0: i32) -> (i32, i32) {
    %c0_i32 = arith.constant 0 : i32
    %c0_i32_0 = arith.constant 0 : i32
    return %arg0, %c0_i32 : i32, i32
  }
}

module attributes {stable_mosaic.version = 14 : i64} {
  func.func @body(%arg0: i32, %arg1: memref<2x1248x128xf32, #tpu.memory_space<vmem>>, %arg2: memref<1248x128xf32, #tpu.memory_space<vmem>>, %arg3: memref<1248x128xf32, #tpu.memory_space<vmem>>, %arg4: memref<1x128xf32, #tpu.memory_space<vmem>>, %arg5: memref<1x141xi32, #tpu.memory_space<vmem>>, %arg6: memref<1x141xi32, #tpu.memory_space<vmem>>, %arg7: memref<128x128xf32, #tpu.memory_space<vmem>>, %arg8: memref<128x128xf32, #tpu.memory_space<vmem>>, %arg9: memref<128x128xf32, #tpu.memory_space<vmem>>, %arg10: memref<1x128xf32, #tpu.memory_space<vmem>>, %arg11: memref<128x128xf32, #tpu.memory_space<vmem>>, %arg12: memref<1x128xf32, #tpu.memory_space<vmem>>, %arg13: memref<1248x128xf32, #tpu.memory_space<vmem>>, %arg14: memref<141x128xf32, #tpu.memory_space<vmem>>) attributes {dimension_semantics = [#tpu.dimension_semantics<arbitrary>], iteration_bounds = array<i64: 8>, scalar_prefetch = 0 : i64, scratch_operands = 0 : i64, tpu.core_type = #tpu.core_type<tc>, window_params = [{transform_indices = @transform_0, window_bounds = array<i64: 2, 1248, 128>}, {transform_indices = @transform_1, window_bounds = array<i64: 1248, 128>}, {transform_indices = @transform_2, window_bounds = array<i64: 1248, 128>}, {pipeline_mode = #tpu.pipeline_mode<synchronous>, transform_indices = @transform_3, window_bounds = array<i64: 1, 128>}, {pipeline_mode = #tpu.pipeline_mode<synchronous>, transform_indices = @transform_4, window_bounds = array<i64: 1, 141>}, {pipeline_mode = #tpu.pipeline_mode<synchronous>, transform_indices = @transform_5, window_bounds = array<i64: 1, 141>}, {pipeline_mode = #tpu.pipeline_mode<synchronous>, transform_indices = @transform_6, window_bounds = array<i64: 128, 128>}, {pipeline_mode = #tpu.pipeline_mode<synchronous>, transform_indices = @transform_7, window_bounds = array<i64: 128, 128>}, {pipeline_mode = #tpu.pipeline_mode<synchronous>, transform_indices = @transform_8, window_bounds = array<i64: 128, 128>}, {pipeline_mode = #tpu.pipeline_mode<synchronous>, transform_indices = @transform_9, window_bounds = array<i64: 1, 128>}, {pipeline_mode = #tpu.pipeline_mode<synchronous>, transform_indices = @transform_10, window_bounds = array<i64: 128, 128>}, {pipeline_mode = #tpu.pipeline_mode<synchronous>, transform_indices = @transform_11, window_bounds = array<i64: 1, 128>}, {transform_indices = @transform_12, window_bounds = array<i64: 1248, 128>}, {pipeline_mode = #tpu.pipeline_mode<synchronous>, transform_indices = @transform_13, window_bounds = array<i64: 141, 128>}]} {
    %get3A = arith.constant 0 : index
    %get3A_0 = arith.constant 0 : index
    %get3A_1 = vector.load %arg7[%get3A, %get3A_0] : memref<128x128xf32, #tpu.memory_space<vmem>>, vector<128x128xf32>
    %get3A_2 = arith.constant 0 : index
    %get3A_3 = arith.constant 0 : index
    %get3A_4 = vector.load %arg8[%get3A_2, %get3A_3] : memref<128x128xf32, #tpu.memory_space<vmem>>, vector<128x128xf32>
    %get3A_5 = arith.constant 0 : index
    %get3A_6 = arith.constant 0 : index
    %get3A_7 = arith.constant 0 : index
    %get3A_8 = vector.load %arg1[%get3A_5, %get3A_6, %get3A_7] : memref<2x1248x128xf32, #tpu.memory_space<vmem>>, vector<1x1248x128xf32>
    %get3A_9 = vector.shape_cast %get3A_8 : vector<1x1248x128xf32> to vector<1248x128xf32>
    %get3A_10 = arith.constant 1 : index
    %get3A_11 = arith.constant 0 : index
    %get3A_12 = arith.constant 0 : index
    %get3A_13 = vector.load %arg1[%get3A_10, %get3A_11, %get3A_12] : memref<2x1248x128xf32, #tpu.memory_space<vmem>>, vector<1x1248x128xf32>
    %get3A_14 = vector.shape_cast %get3A_13 : vector<1x1248x128xf32> to vector<1248x128xf32>
    %add3A = arith.addf %get3A_9, %get3A_14 : vector<1248x128xf32>
    %dot_general3A = arith.constant dense<0.000000e+00> : vector<1248x128xf32>
    %dot_general3A_15 = tpu.matmul %add3A, %get3A_1, %dot_general3A {dimension_numbers = #tpu.dot_dimension_numbers<[1], [0], [0], [1], [0, 0, 1, 1], [], []>, transpose_lhs_hint = false} : vector<1248x128xf32>, vector<128x128xf32>, vector<1248x128xf32> -> vector<1248x128xf32>
    %get3A_16 = arith.constant 0 : index
    %get3A_17 = arith.constant 0 : index
    %get3A_18 = vector.load %arg2[%get3A_16, %get3A_17] : memref<1248x128xf32, #tpu.memory_space<vmem>>, vector<1248x128xf32>
    %dot_general3A_19 = arith.constant dense<0.000000e+00> : vector<1248x128xf32>
    %dot_general3A_20 = tpu.matmul %get3A_18, %get3A_4, %dot_general3A_19 {dimension_numbers = #tpu.dot_dimension_numbers<[1], [0], [0], [1], [0, 0, 1, 1], [], []>, transpose_lhs_hint = false} : vector<1248x128xf32>, vector<128x128xf32>, vector<1248x128xf32> -> vector<1248x128xf32>
    %add3A_21 = arith.addf %dot_general3A_15, %dot_general3A_20 : vector<1248x128xf32>
    %get3A_22 = arith.constant 0 : index
    %get3A_23 = arith.constant 0 : index
    %get3A_24 = vector.load %arg4[%get3A_22, %get3A_23] : memref<1x128xf32, #tpu.memory_space<vmem>>, vector<1x128xf32>
    %add3A_25 = vector.broadcast %get3A_24 : vector<1x128xf32> to vector<1248x128xf32>
    %add3A_26 = arith.addf %add3A_21, %add3A_25 : vector<1248x128xf32>
    %get3A_27 = arith.constant 0 : index
    %get3A_28 = arith.constant 0 : index
    %get3A_29 = vector.load %arg3[%get3A_27, %get3A_28] : memref<1248x128xf32, #tpu.memory_space<vmem>>, vector<1248x128xf32>
    %add3A_30 = arith.addf %add3A_26, %get3A_29 : vector<1248x128xf32>
    %max3A = arith.constant 0.000000e+00 : f32
    %max3A_31 = vector.broadcast %max3A : f32 to vector<1248x128xf32>
    %max3A_32 = arith.maximumf %add3A_30, %max3A_31 : vector<1248x128xf32>
    %mul3A = arith.constant 1248 : i32
    %mul3A_33 = arith.muli %arg0, %mul3A : i32
    %iota3A = tpu.iota {dimensions = array<i32: 0>} : vector<1248x1xi32>
    %add3A_34 = vector.broadcast %mul3A_33 : i32 to vector<1248x1xi32>
    %add3A_35 = arith.addi %add3A_34, %iota3A : vector<1248x1xi32>
    %lt3A = arith.constant 9870 : i32
    %lt3A_36 = vector.broadcast %lt3A : i32 to vector<1248x1xi32>
    %lt3A_37 = arith.cmpi slt, %add3A_35, %lt3A_36 : vector<1248x1xi32>
    %jit3A = arith.constant 0.000000e+00 : f32
    %broadcast_in_dim3A = vector.shape_cast %lt3A_37 : vector<1248x1xi1> to vector<1248x1xi1>
    %broadcast_in_dim3A_38 = vector.broadcast %broadcast_in_dim3A : vector<1248x1xi1> to vector<1248x128xi1>
    %broadcast_in_dim3A_39 = vector.broadcast %jit3A : f32 to vector<1248x128xf32>
    %select_n3A = arith.select %broadcast_in_dim3A_38, %max3A_32, %broadcast_in_dim3A_39 : vector<1248x128xi1>, vector<1248x128xf32>
    %swap3A = arith.constant 0 : index
    %swap3A_40 = arith.constant 0 : index
    %swap3A_41 = vector.load %arg13[%swap3A, %swap3A_40] : memref<1248x128xf32, #tpu.memory_space<vmem>>, vector<1248x128xf32>
    tpu.vector_store %arg13[%swap3A, %swap3A_40], %select_n3A {strides = array<i32>} : memref<1248x128xf32, #tpu.memory_space<vmem>>, vector<1248x128xf32>,
    %get3A_42 = arith.constant 0 : index
    %get3A_43 = arith.constant 0 : index
    %get3A_44 = vector.load %arg9[%get3A_42, %get3A_43] : memref<128x128xf32, #tpu.memory_space<vmem>>, vector<128x128xf32>
    %dot_general3A_45 = arith.constant dense<0.000000e+00> : vector<1248x128xf32>
    %dot_general3A_46 = tpu.matmul %select_n3A, %get3A_44, %dot_general3A_45 {dimension_numbers = #tpu.dot_dimension_numbers<[1], [0], [0], [1], [0, 0, 1, 1], [], []>, transpose_lhs_hint = false} : vector<1248x128xf32>, vector<128x128xf32>, vector<1248x128xf32> -> vector<1248x128xf32>
    %get3A_47 = arith.constant 0 : index
    %get3A_48 = arith.constant 0 : index
    %get3A_49 = vector.load %arg10[%get3A_47, %get3A_48] : memref<1x128xf32, #tpu.memory_space<vmem>>, vector<1x128xf32>
    %add3A_50 = vector.broadcast %get3A_49 : vector<1x128xf32> to vector<1248x128xf32>
    %add3A_51 = arith.addf %dot_general3A_46, %add3A_50 : vector<1248x128xf32>
    %reduce_max3A = arith.constant dense<0xFF800000> : vector<1248xf32>
    %reduce_max3A_52 = vector.multi_reduction <maximumf>, %add3A_51, %reduce_max3A [1] : vector<1248x128xf32> to vector<1248xf32>
    %broadcast_in_dim3A_53 = vector.shape_cast %reduce_max3A_52 : vector<1248xf32> to vector<1248x1xf32>
    %sub3A = vector.broadcast %broadcast_in_dim3A_53 : vector<1248x1xf32> to vector<1248x128xf32>
    %sub3A_54 = arith.subf %add3A_51, %sub3A : vector<1248x128xf32>
    %exp3A = math.exp %sub3A_54 : vector<1248x128xf32>
    %reduce_sum3A = arith.constant dense<0.000000e+00> : vector<1248xf32>
    %reduce_sum3A_55 = vector.multi_reduction <add>, %exp3A, %reduce_sum3A [1] : vector<1248x128xf32> to vector<1248xf32>
    %broadcast_in_dim3A_56 = vector.shape_cast %reduce_sum3A_55 : vector<1248xf32> to vector<1248x1xf32>
    %div3A = vector.broadcast %broadcast_in_dim3A_56 : vector<1248x1xf32> to vector<1248x128xf32>
    %div3A_57 = arith.divf %exp3A, %div3A : vector<1248x128xf32>
    %get3A_58 = arith.constant 0 : index
    %get3A_59 = arith.constant 0 : index
    %get3A_60 = vector.load %arg11[%get3A_58, %get3A_59] : memref<128x128xf32, #tpu.memory_space<vmem>>, vector<128x128xf32>
    %dot_general3A_61 = arith.constant dense<0.000000e+00> : vector<1248x128xf32>
    %dot_general3A_62 = tpu.matmul %select_n3A, %get3A_60, %dot_general3A_61 {dimension_numbers = #tpu.dot_dimension_numbers<[1], [0], [0], [1], [0, 0, 1, 1], [], []>, transpose_lhs_hint = false} : vector<1248x128xf32>, vector<128x128xf32>, vector<1248x128xf32> -> vector<1248x128xf32>
    %get3A_63 = arith.constant 0 : index
    %get3A_64 = arith.constant 0 : index
    %get3A_65 = vector.load %arg12[%get3A_63, %get3A_64] : memref<1x128xf32, #tpu.memory_space<vmem>>, vector<1x128xf32>
    %add3A_66 = vector.broadcast %get3A_65 : vector<1x128xf32> to vector<1248x128xf32>
    %add3A_67 = arith.addf %dot_general3A_62, %add3A_66 : vector<1248x128xf32>
    %mul3A_68 = arith.mulf %div3A_57, %add3A_67 : vector<1248x128xf32>
    %get3A_69 = arith.constant 0 : index
    %get3A_70 = arith.constant 0 : index
    %get3A_71 = vector.load %arg5[%get3A_69, %get3A_70] : memref<1x141xi32, #tpu.memory_space<vmem>>, vector<1x141xi32>
    %get3A_72 = arith.constant 0 : index
    %get3A_73 = arith.constant 0 : index
    %get3A_74 = vector.load %arg6[%get3A_72, %get3A_73] : memref<1x141xi32, #tpu.memory_space<vmem>>, vector<1x141xi32>
    %mul3A_75 = arith.constant 1248 : i32
    %mul3A_76 = arith.muli %arg0, %mul3A_75 : i32
    %iota3A_77 = tpu.iota {dimensions = array<i32: 0>} : vector<1248x141xi32>
    %add3A_78 = vector.broadcast %mul3A_76 : i32 to vector<1248x141xi32>
    %add3A_79 = arith.addi %add3A_78, %iota3A_77 : vector<1248x141xi32>
    %ge3A = vector.broadcast %get3A_71 : vector<1x141xi32> to vector<1248x141xi32>
    %ge3A_80 = arith.cmpi sge, %add3A_79, %ge3A : vector<1248x141xi32>
    %lt3A_81 = vector.broadcast %get3A_74 : vector<1x141xi32> to vector<1248x141xi32>
    %lt3A_82 = arith.cmpi slt, %add3A_79, %lt3A_81 : vector<1248x141xi32>
    %and3A = arith.andi %ge3A_80, %lt3A_82 : vector<1248x141xi1>
    %convert_element_type3A = arith.extui %and3A : vector<1248x141xi1> to vector<1248x141xi32>
    %convert_element_type3A_83 = arith.sitofp %convert_element_type3A : vector<1248x141xi32> to vector<1248x141xf32>
    %dot_general3A_84 = arith.constant dense<0.000000e+00> : vector<141x128xf32>
    %dot_general3A_85 = tpu.matmul %convert_element_type3A_83, %mul3A_68, %dot_general3A_84 {dimension_numbers = #tpu.dot_dimension_numbers<[0], [0], [1], [1], [0, 1, 1, 1], [], []>, transpose_lhs_hint = false} : vector<1248x141xf32>, vector<1248x128xf32>, vector<141x128xf32> -> vector<141x128xf32>
    %eq3A = arith.constant 0 : i32
    %eq3A_86 = arith.cmpi eq, %arg0, %eq3A : i32
    %convert_element_type3A_87 = arith.extui %eq3A_86 : i1 to i32
    %cond3A = arith.constant 0 : i32
    %cond3A_88 = arith.cmpi ne, %convert_element_type3A_87, %cond3A : i32
    scf.if %cond3A_88 {
      %broadcast_in_dim3A_96 = arith.constant 0.000000e+00 : f32
      %broadcast_in_dim3A_97 = vector.broadcast %broadcast_in_dim3A_96 : f32 to vector<141x128xf32>
      %swap3A_98 = arith.constant 0 : index
      %swap3A_99 = arith.constant 0 : index
      %swap3A_100 = vector.load %arg14[%swap3A_98, %swap3A_99] : memref<141x128xf32, #tpu.memory_space<vmem>>, vector<141x128xf32>
      tpu.vector_store %arg14[%swap3A_98, %swap3A_99], %broadcast_in_dim3A_97 {strides = array<i32>} : memref<141x128xf32, #tpu.memory_space<vmem>>, vector<141x128xf32>,
    } else {
    }
    %get3A_89 = arith.constant 0 : index
    %get3A_90 = arith.constant 0 : index
    %get3A_91 = vector.load %arg14[%get3A_89, %get3A_90] : memref<141x128xf32, #tpu.memory_space<vmem>>, vector<141x128xf32>
    %add3A_92 = arith.addf %get3A_91, %dot_general3A_85 : vector<141x128xf32>
    %swap3A_93 = arith.constant 0 : index
    %swap3A_94 = arith.constant 0 : index
    %swap3A_95 = vector.load %arg14[%swap3A_93, %swap3A_94] : memref<141x128xf32, #tpu.memory_space<vmem>>, vector<141x128xf32>
    tpu.vector_store %arg14[%swap3A_93, %swap3A_94], %add3A_92 {strides = array<i32>} : memref<141x128xf32, #tpu.memory_space<vmem>>, vector<141x128xf32>,
    return
  }
  func.func @transform_0(%arg0: i32) -> (i32, i32, i32) {
    %c0_i32 = arith.constant 0 : i32
    %c0_i32_0 = arith.constant 0 : i32
    %c0_i32_1 = arith.constant 0 : i32
    return %c0_i32, %arg0, %c0_i32_0 : i32, i32, i32
  }
  func.func @transform_1(%arg0: i32) -> (i32, i32) {
    %c0_i32 = arith.constant 0 : i32
    %c0_i32_0 = arith.constant 0 : i32
    return %arg0, %c0_i32 : i32, i32
  }
  func.func @transform_2(%arg0: i32) -> (i32, i32) {
    %c0_i32 = arith.constant 0 : i32
    %c0_i32_0 = arith.constant 0 : i32
    return %arg0, %c0_i32 : i32, i32
  }
  func.func @transform_3(%arg0: i32) -> (i32, i32) {
    %c0_i32 = arith.constant 0 : i32
    %c0_i32_0 = arith.constant 0 : i32
    %c0_i32_1 = arith.constant 0 : i32
    return %c0_i32, %c0_i32_0 : i32, i32
  }
  func.func @transform_4(%arg0: i32) -> (i32, i32) {
    %c0_i32 = arith.constant 0 : i32
    %c0_i32_0 = arith.constant 0 : i32
    %c0_i32_1 = arith.constant 0 : i32
    return %c0_i32, %c0_i32_0 : i32, i32
  }
  func.func @transform_5(%arg0: i32) -> (i32, i32) {
    %c0_i32 = arith.constant 0 : i32
    %c0_i32_0 = arith.constant 0 : i32
    %c0_i32_1 = arith.constant 0 : i32
    return %c0_i32, %c0_i32_0 : i32, i32
  }
  func.func @transform_6(%arg0: i32) -> (i32, i32) {
    %c0_i32 = arith.constant 0 : i32
    %c0_i32_0 = arith.constant 0 : i32
    %c0_i32_1 = arith.constant 0 : i32
    return %c0_i32, %c0_i32_0 : i32, i32
  }
  func.func @transform_7(%arg0: i32) -> (i32, i32) {
    %c0_i32 = arith.constant 0 : i32
    %c0_i32_0 = arith.constant 0 : i32
    %c0_i32_1 = arith.constant 0 : i32
    return %c0_i32, %c0_i32_0 : i32, i32
  }
  func.func @transform_8(%arg0: i32) -> (i32, i32) {
    %c0_i32 = arith.constant 0 : i32
    %c0_i32_0 = arith.constant 0 : i32
    %c0_i32_1 = arith.constant 0 : i32
    return %c0_i32, %c0_i32_0 : i32, i32
  }
  func.func @transform_9(%arg0: i32) -> (i32, i32) {
    %c0_i32 = arith.constant 0 : i32
    %c0_i32_0 = arith.constant 0 : i32
    %c0_i32_1 = arith.constant 0 : i32
    return %c0_i32, %c0_i32_0 : i32, i32
  }
  func.func @transform_10(%arg0: i32) -> (i32, i32) {
    %c0_i32 = arith.constant 0 : i32
    %c0_i32_0 = arith.constant 0 : i32
    %c0_i32_1 = arith.constant 0 : i32
    return %c0_i32, %c0_i32_0 : i32, i32
  }
  func.func @transform_11(%arg0: i32) -> (i32, i32) {
    %c0_i32 = arith.constant 0 : i32
    %c0_i32_0 = arith.constant 0 : i32
    %c0_i32_1 = arith.constant 0 : i32
    return %c0_i32, %c0_i32_0 : i32, i32
  }
  func.func @transform_12(%arg0: i32) -> (i32, i32) {
    %c0_i32 = arith.constant 0 : i32
    %c0_i32_0 = arith.constant 0 : i32
    return %arg0, %c0_i32 : i32, i32
  }
  func.func @transform_13(%arg0: i32) -> (i32, i32) {
    %c0_i32 = arith.constant 0 : i32
    %c0_i32_0 = arith.constant 0 : i32
    %c0_i32_1 = arith.constant 0 : i32
    return %c0_i32, %c0_i32_0 : i32, i32
  }
}

module attributes {stable_mosaic.version = 14 : i64} {
  func.func @body(%arg0: i32, %arg1: memref<2x1248x128xf32, #tpu.memory_space<vmem>>, %arg2: memref<1248x128xf32, #tpu.memory_space<vmem>>, %arg3: memref<1248x128xf32, #tpu.memory_space<vmem>>, %arg4: memref<1x128xf32, #tpu.memory_space<vmem>>, %arg5: memref<1x141xi32, #tpu.memory_space<vmem>>, %arg6: memref<1x141xi32, #tpu.memory_space<vmem>>, %arg7: memref<141x128xf32, #tpu.memory_space<vmem>>, %arg8: memref<128x128xf32, #tpu.memory_space<vmem>>, %arg9: memref<128x128xf32, #tpu.memory_space<vmem>>, %arg10: memref<128x128xf32, #tpu.memory_space<vmem>>, %arg11: memref<1x128xf32, #tpu.memory_space<vmem>>, %arg12: memref<128x128xf32, #tpu.memory_space<vmem>>, %arg13: memref<1x128xf32, #tpu.memory_space<vmem>>, %arg14: memref<256x128xf32, #tpu.memory_space<vmem>>, %arg15: memref<1x128xf32, #tpu.memory_space<vmem>>, %arg16: memref<1248x128xf32, #tpu.memory_space<vmem>>, %arg17: memref<141x128xf32, #tpu.memory_space<vmem>>, %arg18: memref<141x128xf32, #tpu.memory_space<vmem>>) attributes {dimension_semantics = [#tpu.dimension_semantics<arbitrary>], iteration_bounds = array<i64: 8>, scalar_prefetch = 0 : i64, scratch_operands = 0 : i64, tpu.core_type = #tpu.core_type<tc>, window_params = [{transform_indices = @transform_0, window_bounds = array<i64: 2, 1248, 128>}, {transform_indices = @transform_1, window_bounds = array<i64: 1248, 128>}, {transform_indices = @transform_2, window_bounds = array<i64: 1248, 128>}, {pipeline_mode = #tpu.pipeline_mode<synchronous>, transform_indices = @transform_3, window_bounds = array<i64: 1, 128>}, {pipeline_mode = #tpu.pipeline_mode<synchronous>, transform_indices = @transform_4, window_bounds = array<i64: 1, 141>}, {pipeline_mode = #tpu.pipeline_mode<synchronous>, transform_indices = @transform_5, window_bounds = array<i64: 1, 141>}, {pipeline_mode = #tpu.pipeline_mode<synchronous>, transform_indices = @transform_6, window_bounds = array<i64: 141, 128>}, {pipeline_mode = #tpu.pipeline_mode<synchronous>, transform_indices = @transform_7, window_bounds = array<i64: 128, 128>}, {pipeline_mode = #tpu.pipeline_mode<synchronous>, transform_indices = @transform_8, window_bounds = array<i64: 128, 128>}, {pipeline_mode = #tpu.pipeline_mode<synchronous>, transform_indices = @transform_9, window_bounds = array<i64: 128, 128>}, {pipeline_mode = #tpu.pipeline_mode<synchronous>, transform_indices = @transform_10, window_bounds = array<i64: 1, 128>}, {pipeline_mode = #tpu.pipeline_mode<synchronous>, transform_indices = @transform_11, window_bounds = array<i64: 128, 128>}, {pipeline_mode = #tpu.pipeline_mode<synchronous>, transform_indices = @transform_12, window_bounds = array<i64: 1, 128>}, {pipeline_mode = #tpu.pipeline_mode<synchronous>, transform_indices = @transform_13, window_bounds = array<i64: 256, 128>}, {pipeline_mode = #tpu.pipeline_mode<synchronous>, transform_indices = @transform_14, window_bounds = array<i64: 1, 128>}, {transform_indices = @transform_15, window_bounds = array<i64: 1248, 128>}, {pipeline_mode = #tpu.pipeline_mode<synchronous>, transform_indices = @transform_16, window_bounds = array<i64: 141, 128>}, {pipeline_mode = #tpu.pipeline_mode<synchronous>, transform_indices = @transform_17, window_bounds = array<i64: 141, 128>}]} {
    %get3A = arith.constant 0 : index
    %get3A_0 = arith.constant 0 : index
    %get3A_1 = vector.load %arg8[%get3A, %get3A_0] : memref<128x128xf32, #tpu.memory_space<vmem>>, vector<128x128xf32>
    %get3A_2 = arith.constant 0 : index
    %get3A_3 = arith.constant 0 : index
    %get3A_4 = vector.load %arg9[%get3A_2, %get3A_3] : memref<128x128xf32, #tpu.memory_space<vmem>>, vector<128x128xf32>
    %get3A_5 = arith.constant 0 : index
    %get3A_6 = arith.constant 0 : index
    %get3A_7 = arith.constant 0 : index
    %get3A_8 = vector.load %arg1[%get3A_5, %get3A_6, %get3A_7] : memref<2x1248x128xf32, #tpu.memory_space<vmem>>, vector<1x1248x128xf32>
    %get3A_9 = vector.shape_cast %get3A_8 : vector<1x1248x128xf32> to vector<1248x128xf32>
    %get3A_10 = arith.constant 1 : index
    %get3A_11 = arith.constant 0 : index
    %get3A_12 = arith.constant 0 : index
    %get3A_13 = vector.load %arg1[%get3A_10, %get3A_11, %get3A_12] : memref<2x1248x128xf32, #tpu.memory_space<vmem>>, vector<1x1248x128xf32>
    %get3A_14 = vector.shape_cast %get3A_13 : vector<1x1248x128xf32> to vector<1248x128xf32>
    %add3A = arith.addf %get3A_9, %get3A_14 : vector<1248x128xf32>
    %dot_general3A = arith.constant dense<0.000000e+00> : vector<1248x128xf32>
    %dot_general3A_15 = tpu.matmul %add3A, %get3A_1, %dot_general3A {dimension_numbers = #tpu.dot_dimension_numbers<[1], [0], [0], [1], [0, 0, 1, 1], [], []>, transpose_lhs_hint = false} : vector<1248x128xf32>, vector<128x128xf32>, vector<1248x128xf32> -> vector<1248x128xf32>
    %get3A_16 = arith.constant 0 : index
    %get3A_17 = arith.constant 0 : index
    %get3A_18 = vector.load %arg2[%get3A_16, %get3A_17] : memref<1248x128xf32, #tpu.memory_space<vmem>>, vector<1248x128xf32>
    %dot_general3A_19 = arith.constant dense<0.000000e+00> : vector<1248x128xf32>
    %dot_general3A_20 = tpu.matmul %get3A_18, %get3A_4, %dot_general3A_19 {dimension_numbers = #tpu.dot_dimension_numbers<[1], [0], [0], [1], [0, 0, 1, 1], [], []>, transpose_lhs_hint = false} : vector<1248x128xf32>, vector<128x128xf32>, vector<1248x128xf32> -> vector<1248x128xf32>
    %add3A_21 = arith.addf %dot_general3A_15, %dot_general3A_20 : vector<1248x128xf32>
    %get3A_22 = arith.constant 0 : index
    %get3A_23 = arith.constant 0 : index
    %get3A_24 = vector.load %arg4[%get3A_22, %get3A_23] : memref<1x128xf32, #tpu.memory_space<vmem>>, vector<1x128xf32>
    %add3A_25 = vector.broadcast %get3A_24 : vector<1x128xf32> to vector<1248x128xf32>
    %add3A_26 = arith.addf %add3A_21, %add3A_25 : vector<1248x128xf32>
    %get3A_27 = arith.constant 0 : index
    %get3A_28 = arith.constant 0 : index
    %get3A_29 = vector.load %arg3[%get3A_27, %get3A_28] : memref<1248x128xf32, #tpu.memory_space<vmem>>, vector<1248x128xf32>
    %add3A_30 = arith.addf %add3A_26, %get3A_29 : vector<1248x128xf32>
    %max3A = arith.constant 0.000000e+00 : f32
    %max3A_31 = vector.broadcast %max3A : f32 to vector<1248x128xf32>
    %max3A_32 = arith.maximumf %add3A_30, %max3A_31 : vector<1248x128xf32>
    %mul3A = arith.constant 1248 : i32
    %mul3A_33 = arith.muli %arg0, %mul3A : i32
    %iota3A = tpu.iota {dimensions = array<i32: 0>} : vector<1248x1xi32>
    %add3A_34 = vector.broadcast %mul3A_33 : i32 to vector<1248x1xi32>
    %add3A_35 = arith.addi %add3A_34, %iota3A : vector<1248x1xi32>
    %lt3A = arith.constant 9870 : i32
    %lt3A_36 = vector.broadcast %lt3A : i32 to vector<1248x1xi32>
    %lt3A_37 = arith.cmpi slt, %add3A_35, %lt3A_36 : vector<1248x1xi32>
    %jit3A = arith.constant 0.000000e+00 : f32
    %broadcast_in_dim3A = vector.shape_cast %lt3A_37 : vector<1248x1xi1> to vector<1248x1xi1>
    %broadcast_in_dim3A_38 = vector.broadcast %broadcast_in_dim3A : vector<1248x1xi1> to vector<1248x128xi1>
    %broadcast_in_dim3A_39 = vector.broadcast %jit3A : f32 to vector<1248x128xf32>
    %select_n3A = arith.select %broadcast_in_dim3A_38, %max3A_32, %broadcast_in_dim3A_39 : vector<1248x128xi1>, vector<1248x128xf32>
    %swap3A = arith.constant 0 : index
    %swap3A_40 = arith.constant 0 : index
    %swap3A_41 = vector.load %arg16[%swap3A, %swap3A_40] : memref<1248x128xf32, #tpu.memory_space<vmem>>, vector<1248x128xf32>
    tpu.vector_store %arg16[%swap3A, %swap3A_40], %select_n3A {strides = array<i32>} : memref<1248x128xf32, #tpu.memory_space<vmem>>, vector<1248x128xf32>,
    %get3A_42 = arith.constant 0 : index
    %get3A_43 = arith.constant 0 : index
    %get3A_44 = vector.load %arg10[%get3A_42, %get3A_43] : memref<128x128xf32, #tpu.memory_space<vmem>>, vector<128x128xf32>
    %dot_general3A_45 = arith.constant dense<0.000000e+00> : vector<1248x128xf32>
    %dot_general3A_46 = tpu.matmul %select_n3A, %get3A_44, %dot_general3A_45 {dimension_numbers = #tpu.dot_dimension_numbers<[1], [0], [0], [1], [0, 0, 1, 1], [], []>, transpose_lhs_hint = false} : vector<1248x128xf32>, vector<128x128xf32>, vector<1248x128xf32> -> vector<1248x128xf32>
    %get3A_47 = arith.constant 0 : index
    %get3A_48 = arith.constant 0 : index
    %get3A_49 = vector.load %arg11[%get3A_47, %get3A_48] : memref<1x128xf32, #tpu.memory_space<vmem>>, vector<1x128xf32>
    %add3A_50 = vector.broadcast %get3A_49 : vector<1x128xf32> to vector<1248x128xf32>
    %add3A_51 = arith.addf %dot_general3A_46, %add3A_50 : vector<1248x128xf32>
    %reduce_max3A = arith.constant dense<0xFF800000> : vector<1248xf32>
    %reduce_max3A_52 = vector.multi_reduction <maximumf>, %add3A_51, %reduce_max3A [1] : vector<1248x128xf32> to vector<1248xf32>
    %broadcast_in_dim3A_53 = vector.shape_cast %reduce_max3A_52 : vector<1248xf32> to vector<1248x1xf32>
    %sub3A = vector.broadcast %broadcast_in_dim3A_53 : vector<1248x1xf32> to vector<1248x128xf32>
    %sub3A_54 = arith.subf %add3A_51, %sub3A : vector<1248x128xf32>
    %exp3A = math.exp %sub3A_54 : vector<1248x128xf32>
    %reduce_sum3A = arith.constant dense<0.000000e+00> : vector<1248xf32>
    %reduce_sum3A_55 = vector.multi_reduction <add>, %exp3A, %reduce_sum3A [1] : vector<1248x128xf32> to vector<1248xf32>
    %broadcast_in_dim3A_56 = vector.shape_cast %reduce_sum3A_55 : vector<1248xf32> to vector<1248x1xf32>
    %div3A = vector.broadcast %broadcast_in_dim3A_56 : vector<1248x1xf32> to vector<1248x128xf32>
    %div3A_57 = arith.divf %exp3A, %div3A : vector<1248x128xf32>
    %get3A_58 = arith.constant 0 : index
    %get3A_59 = arith.constant 0 : index
    %get3A_60 = vector.load %arg12[%get3A_58, %get3A_59] : memref<128x128xf32, #tpu.memory_space<vmem>>, vector<128x128xf32>
    %dot_general3A_61 = arith.constant dense<0.000000e+00> : vector<1248x128xf32>
    %dot_general3A_62 = tpu.matmul %select_n3A, %get3A_60, %dot_general3A_61 {dimension_numbers = #tpu.dot_dimension_numbers<[1], [0], [0], [1], [0, 0, 1, 1], [], []>, transpose_lhs_hint = false} : vector<1248x128xf32>, vector<128x128xf32>, vector<1248x128xf32> -> vector<1248x128xf32>
    %get3A_63 = arith.constant 0 : index
    %get3A_64 = arith.constant 0 : index
    %get3A_65 = vector.load %arg13[%get3A_63, %get3A_64] : memref<1x128xf32, #tpu.memory_space<vmem>>, vector<1x128xf32>
    %add3A_66 = vector.broadcast %get3A_65 : vector<1x128xf32> to vector<1248x128xf32>
    %add3A_67 = arith.addf %dot_general3A_62, %add3A_66 : vector<1248x128xf32>
    %mul3A_68 = arith.mulf %div3A_57, %add3A_67 : vector<1248x128xf32>
    %get3A_69 = arith.constant 0 : index
    %get3A_70 = arith.constant 0 : index
    %get3A_71 = vector.load %arg5[%get3A_69, %get3A_70] : memref<1x141xi32, #tpu.memory_space<vmem>>, vector<1x141xi32>
    %get3A_72 = arith.constant 0 : index
    %get3A_73 = arith.constant 0 : index
    %get3A_74 = vector.load %arg6[%get3A_72, %get3A_73] : memref<1x141xi32, #tpu.memory_space<vmem>>, vector<1x141xi32>
    %mul3A_75 = arith.constant 1248 : i32
    %mul3A_76 = arith.muli %arg0, %mul3A_75 : i32
    %iota3A_77 = tpu.iota {dimensions = array<i32: 0>} : vector<1248x141xi32>
    %add3A_78 = vector.broadcast %mul3A_76 : i32 to vector<1248x141xi32>
    %add3A_79 = arith.addi %add3A_78, %iota3A_77 : vector<1248x141xi32>
    %ge3A = vector.broadcast %get3A_71 : vector<1x141xi32> to vector<1248x141xi32>
    %ge3A_80 = arith.cmpi sge, %add3A_79, %ge3A : vector<1248x141xi32>
    %lt3A_81 = vector.broadcast %get3A_74 : vector<1x141xi32> to vector<1248x141xi32>
    %lt3A_82 = arith.cmpi slt, %add3A_79, %lt3A_81 : vector<1248x141xi32>
    %and3A = arith.andi %ge3A_80, %lt3A_82 : vector<1248x141xi1>
    %convert_element_type3A = arith.extui %and3A : vector<1248x141xi1> to vector<1248x141xi32>
    %convert_element_type3A_83 = arith.sitofp %convert_element_type3A : vector<1248x141xi32> to vector<1248x141xf32>
    %dot_general3A_84 = arith.constant dense<0.000000e+00> : vector<141x128xf32>
    %dot_general3A_85 = tpu.matmul %convert_element_type3A_83, %mul3A_68, %dot_general3A_84 {dimension_numbers = #tpu.dot_dimension_numbers<[0], [0], [1], [1], [0, 1, 1, 1], [], []>, transpose_lhs_hint = false} : vector<1248x141xf32>, vector<1248x128xf32>, vector<141x128xf32> -> vector<141x128xf32>
    %eq3A = arith.constant 0 : i32
    %eq3A_86 = arith.cmpi eq, %arg0, %eq3A : i32
    %convert_element_type3A_87 = arith.extui %eq3A_86 : i1 to i32
    %cond3A = arith.constant 0 : i32
    %cond3A_88 = arith.cmpi ne, %convert_element_type3A_87, %cond3A : i32
    scf.if %cond3A_88 {
      %broadcast_in_dim3A_101 = arith.constant 0.000000e+00 : f32
      %broadcast_in_dim3A_102 = vector.broadcast %broadcast_in_dim3A_101 : f32 to vector<141x128xf32>
      %swap3A_103 = arith.constant 0 : index
      %swap3A_104 = arith.constant 0 : index
      %swap3A_105 = vector.load %arg17[%swap3A_103, %swap3A_104] : memref<141x128xf32, #tpu.memory_space<vmem>>, vector<141x128xf32>
      tpu.vector_store %arg17[%swap3A_103, %swap3A_104], %broadcast_in_dim3A_102 {strides = array<i32>} : memref<141x128xf32, #tpu.memory_space<vmem>>, vector<141x128xf32>,
    } else {
    }
    %get3A_89 = arith.constant 0 : index
    %get3A_90 = arith.constant 0 : index
    %get3A_91 = vector.load %arg17[%get3A_89, %get3A_90] : memref<141x128xf32, #tpu.memory_space<vmem>>, vector<141x128xf32>
    %add3A_92 = arith.addf %get3A_91, %dot_general3A_85 : vector<141x128xf32>
    %swap3A_93 = arith.constant 0 : index
    %swap3A_94 = arith.constant 0 : index
    %swap3A_95 = vector.load %arg17[%swap3A_93, %swap3A_94] : memref<141x128xf32, #tpu.memory_space<vmem>>, vector<141x128xf32>
    tpu.vector_store %arg17[%swap3A_93, %swap3A_94], %add3A_92 {strides = array<i32>} : memref<141x128xf32, #tpu.memory_space<vmem>>, vector<141x128xf32>,
    %eq3A_96 = arith.constant 7 : i32
    %eq3A_97 = arith.cmpi eq, %arg0, %eq3A_96 : i32
    %convert_element_type3A_98 = arith.extui %eq3A_97 : i1 to i32
    %cond3A_99 = arith.constant 0 : i32
    %cond3A_100 = arith.cmpi ne, %convert_element_type3A_98, %cond3A_99 : i32
    scf.if %cond3A_100 {
      %get3A_101 = arith.constant 0 : index
      %get3A_102 = arith.constant 0 : index
      %get3A_103 = vector.load %arg17[%get3A_101, %get3A_102] : memref<141x128xf32, #tpu.memory_space<vmem>>, vector<141x128xf32>
      %get3A_104 = arith.constant 0 : index
      %get3A_105 = arith.constant 0 : index
      %get3A_106 = vector.load %arg7[%get3A_104, %get3A_105] : memref<141x128xf32, #tpu.memory_space<vmem>>, vector<141x128xf32>
      %get3A_107 = arith.constant 0 : index
      %get3A_108 = arith.constant 0 : index
      %get3A_109 = vector.load %arg14[%get3A_107, %get3A_108] : memref<256x128xf32, #tpu.memory_space<vmem>>, vector<256x128xf32>
      %get3A_110 = arith.constant 0 : index
      %get3A_111 = arith.constant 0 : index
      %get3A_112 = vector.load %arg15[%get3A_110, %get3A_111] : memref<1x128xf32, #tpu.memory_space<vmem>>, vector<1x128xf32>
      %concatenate3A = tpu.concatenate %get3A_103, %get3A_106 in 1 : vector<141x128xf32>, vector<141x128xf32> -> vector<141x256xf32>
      %dot_general3A_113 = arith.constant dense<0.000000e+00> : vector<141x128xf32>
      %dot_general3A_114 = tpu.matmul %concatenate3A, %get3A_109, %dot_general3A_113 {dimension_numbers = #tpu.dot_dimension_numbers<[1], [0], [0], [1], [0, 0, 1, 1], [], []>, transpose_lhs_hint = false} : vector<141x256xf32>, vector<256x128xf32>, vector<141x128xf32> -> vector<141x128xf32>
      %add3A_115 = vector.broadcast %get3A_112 : vector<1x128xf32> to vector<141x128xf32>
      %add3A_116 = arith.addf %dot_general3A_114, %add3A_115 : vector<141x128xf32>
      %tanh3A = math.tanh %add3A_116 : vector<141x128xf32>
      %add3A_117 = arith.addf %get3A_106, %tanh3A : vector<141x128xf32>
      %swap3A_118 = arith.constant 0 : index
      %swap3A_119 = arith.constant 0 : index
      %swap3A_120 = vector.load %arg18[%swap3A_118, %swap3A_119] : memref<141x128xf32, #tpu.memory_space<vmem>>, vector<141x128xf32>
      tpu.vector_store %arg18[%swap3A_118, %swap3A_119], %add3A_117 {strides = array<i32>} : memref<141x128xf32, #tpu.memory_space<vmem>>, vector<141x128xf32>,
    } else {
    }
    return
  }
  func.func @transform_0(%arg0: i32) -> (i32, i32, i32) {
    %c0_i32 = arith.constant 0 : i32
    %c0_i32_0 = arith.constant 0 : i32
    %c0_i32_1 = arith.constant 0 : i32
    return %c0_i32, %arg0, %c0_i32_0 : i32, i32, i32
  }
  func.func @transform_1(%arg0: i32) -> (i32, i32) {
    %c0_i32 = arith.constant 0 : i32
    %c0_i32_0 = arith.constant 0 : i32
    return %arg0, %c0_i32 : i32, i32
  }
  func.func @transform_2(%arg0: i32) -> (i32, i32) {
    %c0_i32 = arith.constant 0 : i32
    %c0_i32_0 = arith.constant 0 : i32
    return %arg0, %c0_i32 : i32, i32
  }
  func.func @transform_3(%arg0: i32) -> (i32, i32) {
    %c0_i32 = arith.constant 0 : i32
    %c0_i32_0 = arith.constant 0 : i32
    %c0_i32_1 = arith.constant 0 : i32
    return %c0_i32, %c0_i32_0 : i32, i32
  }
  func.func @transform_4(%arg0: i32) -> (i32, i32) {
    %c0_i32 = arith.constant 0 : i32
    %c0_i32_0 = arith.constant 0 : i32
    %c0_i32_1 = arith.constant 0 : i32
    return %c0_i32, %c0_i32_0 : i32, i32
  }
  func.func @transform_5(%arg0: i32) -> (i32, i32) {
    %c0_i32 = arith.constant 0 : i32
    %c0_i32_0 = arith.constant 0 : i32
    %c0_i32_1 = arith.constant 0 : i32
    return %c0_i32, %c0_i32_0 : i32, i32
  }
  func.func @transform_6(%arg0: i32) -> (i32, i32) {
    %c0_i32 = arith.constant 0 : i32
    %c0_i32_0 = arith.constant 0 : i32
    %c0_i32_1 = arith.constant 0 : i32
    return %c0_i32, %c0_i32_0 : i32, i32
  }
  func.func @transform_7(%arg0: i32) -> (i32, i32) {
    %c0_i32 = arith.constant 0 : i32
    %c0_i32_0 = arith.constant 0 : i32
    %c0_i32_1 = arith.constant 0 : i32
    return %c0_i32, %c0_i32_0 : i32, i32
  }
  func.func @transform_8(%arg0: i32) -> (i32, i32) {
    %c0_i32 = arith.constant 0 : i32
    %c0_i32_0 = arith.constant 0 : i32
    %c0_i32_1 = arith.constant 0 : i32
    return %c0_i32, %c0_i32_0 : i32, i32
  }
  func.func @transform_9(%arg0: i32) -> (i32, i32) {
    %c0_i32 = arith.constant 0 : i32
    %c0_i32_0 = arith.constant 0 : i32
    %c0_i32_1 = arith.constant 0 : i32
    return %c0_i32, %c0_i32_0 : i32, i32
  }
  func.func @transform_10(%arg0: i32) -> (i32, i32) {
    %c0_i32 = arith.constant 0 : i32
    %c0_i32_0 = arith.constant 0 : i32
    %c0_i32_1 = arith.constant 0 : i32
    return %c0_i32, %c0_i32_0 : i32, i32
  }
  func.func @transform_11(%arg0: i32) -> (i32, i32) {
    %c0_i32 = arith.constant 0 : i32
    %c0_i32_0 = arith.constant 0 : i32
    %c0_i32_1 = arith.constant 0 : i32
    return %c0_i32, %c0_i32_0 : i32, i32
  }
  func.func @transform_12(%arg0: i32) -> (i32, i32) {
    %c0_i32 = arith.constant 0 : i32
    %c0_i32_0 = arith.constant 0 : i32
    %c0_i32_1 = arith.constant 0 : i32
    return %c0_i32, %c0_i32_0 : i32, i32
  }
  func.func @transform_13(%arg0: i32) -> (i32, i32) {
    %c0_i32 = arith.constant 0 : i32
    %c0_i32_0 = arith.constant 0 : i32
    %c0_i32_1 = arith.constant 0 : i32
    return %c0_i32, %c0_i32_0 : i32, i32
  }
  func.func @transform_14(%arg0: i32) -> (i32, i32) {
    %c0_i32 = arith.constant 0 : i32
    %c0_i32_0 = arith.constant 0 : i32
    %c0_i32_1 = arith.constant 0 : i32
    return %c0_i32, %c0_i32_0 : i32, i32
  }
  func.func @transform_15(%arg0: i32) -> (i32, i32) {
    %c0_i32 = arith.constant 0 : i32
    %c0_i32_0 = arith.constant 0 : i32
    return %arg0, %c0_i32 : i32, i32
  }
  func.func @transform_16(%arg0: i32) -> (i32, i32) {
    %c0_i32 = arith.constant 0 : i32
    %c0_i32_0 = arith.constant 0 : i32
    %c0_i32_1 = arith.constant 0 : i32
    return %c0_i32, %c0_i32_0 : i32, i32
  }
  func.func @transform_17(%arg0: i32) -> (i32, i32) {
    %c0_i32 = arith.constant 0 : i32
    %c0_i32_0 = arith.constant 0 : i32
    %c0_i32_1 = arith.constant 0 : i32
    return %c0_i32, %c0_i32_0 : i32, i32
  }
}

</mosaic_0001>

<sc_bundles>
// kernel: kernel.19.cloned.1.call-start
scs
__scs_entry_jumppad:
0x0: {  	(pc) =	sbr.rel $0x88, $3  }
0x1: {  	(tag) =	ssettag $0x0;
	lr =	simm.s32 $0x1  }
0x2: {  	[smem:$0x3F95] =	sst lr;
	_ =	strace $0xD0000000  }
0x3: {  	_ = 	snop  }
0x4: {  	_ = 	snop  }
0x5: {  	_ = 	snop  }
0x6: {  	_ = 	snop  }
0x7: {  	_ = 	snop  }
__scs_overlays_trampoline_lowered:
0x8: {  	[smem:$0x3FA4] =	sst s0  }
0x9: {  	[smem:$0x3FA5] =	sst s1  }
0xa: {  	[smem:$0x3FA6] =	sst s2  }
0xb: {  	[smem:$0x3FA7] =	sst s3  }
0xc: {  	[smem:$0x3FA8] =	sst s4  }
0xd: {  	[smem:$0x3FA9] =	sst s5  }
0xe: {  	[smem:$0x3FAA] =	sst s6  }
0xf: {  	[smem:$0x3FAB] =	sst s7  }
0x10: {  	[smem:$0x3FAC] =	sst s8  }
0x11: {  	[smem:$0x3FAD] =	sst s9;
	s0 =	simm.s32 @!p0 $0x0  }
0x12: {  	s1 =	sld [smem:$0x3F93];
	s0 =	simm.s32 @p0 $0x1  }
0x13: {  	[smem:$0x3FAE] =	sst s0;
	s0 =	simm.s32 @!p1 $0x0  }
0x14: {  	s2 =	sld [smem:$0x3F92];
	s0 =	simm.s32 @p1 $0x1  }
0x15: {  	[smem:$0x3FAF] =	sst s0;
	s0 =	simm.s32 @!p2 $0x0  }
0x16: {  	s3 =	sld [smem:$0x3FDB];
	s0 =	simm.s32 @p2 $0x1  }
0x17: {  	s4 =	simm.s32 $0x1BF5;
	[smem:$0x3FB1] =	sst s0  }
0x18: {  	s0 =	sld [smem:$0x3F94];
	_ =	swait.ge [sflag:s4], $0x0  }
0x19: {  	s7 =	sld [smem:$0x3F95]  }
0x1a: {  	s8 =	sadd.s32 $0xFFFFE003, lr  }
0x1b: {  	s9 =	sadd.s32 $0xFFFFFEF7, lr;
	s5 =	simm.s32 $0xFFFFFFFF;
	p2 =	slt.u32 s8, $0xFFFFF086  }
0x1c: {  	p1 =	slt.u32 s9, $0xF7A;
	s5 =	simm.s32 @!p2 $0x0  }
0x1d: {  	s5 =	simm.s32 @p1 $0x1;
	p0 =	seq.s32 s7, s2  }
0x1e: {  	s7 =	smul.u32 @!p0 $0xF7A, s2;
	p2 =	seq.s32 @!p0 s5, $0x0  }
0x1f: {  	s9 =	smul.u32 $0xF7A, s1;
	s8 =	simm.s32 @!p0 $0x1BF5;
	p2 =	por !p2, p0  }
0x20: {  	[sflag:s8] =	ssyncset.s32 @!p0 $0xFFFFF086;
	s6 =	sadd.s32 @!p0 s3, s7;
	s7 =	simm.s32 @!p0 $0x108  }
0x21: {  	s3 =	sadd.s32 s3, s9;
	s6 =	sadd.s32 @!p0 $0x88, s6;
	s7 =	simm.s32 @p2 $0x1082  }
0x22: {  	[simem:s7], [sflag:s8] =	dma.local @!p0 [hbm:s6], $0xF7A  }
0x23: {  	s9 =	sor.u32 $0xD0000000, s2;
	s6 =	simm.s32 $0x108;
	_ =	swait.ge @!p0 [sflag:s8], $0x0  }
0x24: {  	s3 =	sadd.s32 $0x88, s3;
	s6 =	simm.s32 @!p1 $0x1082;
	[sflag:s4] =	ssyncset.s32 $0xFFFFF086  }
0x25: {  	[simem:s6], [sflag:s4] =	dma.local [hbm:s3], $0xF7A  }
0x26: {  	[smem:$0x3F95] =	sst s1;
	(tag) =	ssettag s2;
	_ =	strace s9  }
0x27: {  	s1 =	sld [smem:$0x3FA5]  }
0x28: {  	s2 =	sld [smem:$0x3FA6]  }
0x29: {  	s4 =	sld [smem:$0x3FA8]  }
0x2a: {  	p0 =	seq.s32 s5, $0x0;
	s5 =	sld [smem:$0x3FA9]  }
0x2b: {  	s6 =	sld [smem:$0x3FAA]  }
0x2c: {  	s7 =	sld [smem:$0x3FAB]  }
0x2d: {  	s3 =	simm.s32 $0x108;
	s8 =	sld [smem:$0x3FAC]  }
0x2e: {  	s3 =	simm.s32 @!p0 $0x1082;
	s9 =	sld [smem:$0x3FAD]  }
0x2f: {  	lr =	sadd.s32 s0, s3;
	s0 =	sld [smem:$0x3FA4]  }
0x30: {  	s3 =	sld [smem:$0x3FA7]  }
0x31: {  	[smem:$0x3FB0] =	sst s10  }
0x32: {  	s10 =	sld [smem:$0x3FAE];
	_ =	sdelay $0x3  }
0x33: {  	p0 =	seq.s32 s10, $0x1;
	s10 =	sld [smem:$0x3FB0];
	_ =	sdelay $0x3  }
0x34: {  	[smem:$0x3FB0] =	sst s10  }
0x35: {  	s10 =	sld [smem:$0x3FAF];
	_ =	sdelay $0x3  }
0x36: {  	p1 =	seq.s32 s10, $0x1;
	s10 =	sld [smem:$0x3FB0];
	_ =	sdelay $0x3  }
0x37: {  	[smem:$0x3FB0] =	sst s10  }
0x38: {  	s10 =	sld [smem:$0x3FB1]  }
0x39: {  	_ = 	snop;
	(pc) =	sbr.ind lr, $3  }
0x3a: {  	_ = 	snop  }
0x3b: {  	_ = 	snop  }
0x3c: {  	p2 =	seq.s32 s10, $0x1;
	s10 =	sld [smem:$0x3FB0]  }
0x3d: {  	_ =	shalt  }
0x3e: {  	_ =	shalt  }
0x3f: {  	_ =	shalt  }
0x40: {  	_ =	shalt  }
0x41: {  	_ =	shalt  }
0x42: {  	_ =	shalt  }
0x43: {  	_ =	shalt  }
0x44: {  	_ =	shalt  }
0x45: {  	_ =	shalt  }
0x46: {  	_ =	shalt  }
0x47: {  	_ =	shalt  }
0x48: {  	_ =	shalt  }
0x49: {  	_ =	shalt  }
0x4a: {  	_ =	shalt  }
0x4b: {  	_ =	shalt  }
0x4c: {  	_ =	shalt  }
0x4d: {  	_ =	shalt  }
0x4e: {  	_ =	shalt  }
0x4f: {  	_ =	shalt  }
0x50: {  	_ =	shalt  }
0x51: {  	_ =	shalt  }
0x52: {  	_ =	shalt  }
0x53: {  	_ =	shalt  }
0x54: {  	_ =	shalt  }
0x55: {  	_ =	shalt  }
0x56: {  	_ =	shalt  }
0x57: {  	_ =	shalt  }
0x58: {  	_ =	shalt  }
0x59: {  	_ =	shalt  }
0x5a: {  	_ =	shalt  }
0x5b: {  	_ =	shalt  }
0x5c: {  	_ =	shalt  }
0x5d: {  	_ =	shalt  }
0x5e: {  	_ =	shalt  }
0x5f: {  	_ =	shalt  }
0x60: {  	_ =	shalt  }
0x61: {  	_ =	shalt  }
0x62: {  	_ =	shalt  }
0x63: {  	_ =	shalt  }
0x64: {  	_ =	shalt  }
0x65: {  	_ =	shalt  }
0x66: {  	_ =	shalt  }
0x67: {  	_ =	shalt  }
0x68: {  	_ =	shalt  }
0x69: {  	_ =	shalt  }
0x6a: {  	_ =	shalt  }
0x6b: {  	_ =	shalt  }
0x6c: {  	_ =	shalt  }
0x6d: {  	_ =	shalt  }
0x6e: {  	_ =	shalt  }
0x6f: {  	_ =	shalt  }
0x70: {  	_ =	shalt  }
0x71: {  	_ =	shalt  }
0x72: {  	_ =	shalt  }
0x73: {  	_ =	shalt  }
0x74: {  	_ =	shalt  }
0x75: {  	_ =	shalt  }
0x76: {  	_ =	shalt  }
0x77: {  	_ =	shalt  }
0x78: {  	_ =	shalt  }
0x79: {  	_ =	shalt  }
0x7a: {  	_ =	shalt  }
0x7b: {  	_ =	shalt  }
0x7c: {  	_ =	shalt  }
0x7d: {  	_ =	shalt  }
0x7e: {  	_ =	shalt  }
0x7f: {  	_ =	shalt  }
0x80: {  	_ =	shalt  }
0x81: {  	_ =	shalt  }
0x82: {  	_ =	shalt  }
0x83: {  	_ =	shalt  }
0x84: {  	_ =	shalt  }
0x85: {  	_ =	shalt  }
0x86: {  	_ =	shalt  }
0x87: {  	_ =	shalt  }
.Lfunc_end0:
.L_simem_size_0:
called_computation_lowered:
.L_overlay_start_0:
0x88: {  	s2 =	sld [smem:$0x3FD9]  }
0x89: {  	s3 =	sld [smem:$0x3FFE];
	_ =	sdelay $0x1  }
0x8a: {  	s1 =	srdreg.scid  }
0x8b: {  	s0 =	sand.u32 $0x1, s1  }
0x8c: {  	s15 =	sshll.u32 s0, $0xA;
	s2 =	sadd.s32 s3, s2  }
0x8d: {  	s2 =	sadd.s32 s2, s15  }
0x8e: {  	[smem:$0x3FBC] =	sst s2  }
0x8f: {  	_ = 	snop  }
0x90: {  	s2 =	sld [smem:$0x3FD0];
	_ =	sdelay $0x2  }
0x91: {  	s16 =	simm.s32 $0xC;
	s4 =	simm.s32 $0x10  }
0x92: {  	[smem:s4], [sflag:s16] =	dma.local [hbm:s2], $0x1  }
0x93: {  	_ =	swait.eq [sflag:s16], $0x1  }
0x94: {  	[sflag:s16] =	ssyncset.done $0x0  }
0x95: {  	[sflag:s16] =	ssyncadd.s32 $0xFFFFFFFF  }
0x96: {  	s17 =	sld [smem:$0x10];
	(tm) =	ssettm $0x1  }
0x97: {  	s18 =	sld [smem:$0x3FFB];
	_ =	sdelay $0x3  }
0x98: {  	_ =	strace s18  }
0x99: {  	s2 =	sld [smem:$0x3FFC];
	_ =	sdelay $0x3  }
0x9a: {  	_ =	strace s2  }
0x9b: {  	s2 =	sld [smem:$0x3FFD];
	_ =	sdelay $0x3  }
0x9c: {  	_ =	strace s2  }
0x9d: {  	_ =	strace $0x8FFFFFFF  }
0x9e: {  	s19 =	sld [smem:$0x3FDB];
	_ =	sdelay $0x1  }
0x9f: {  	s20 =	simm.s32 $_scs_section_size  }
0xa0: {  	s5 =	simm.s32 $_size__tile_overlayer_lowered;
	s6 =	simm.s32 $_tile_overlayer_lowered  }
0xa1: {  	s7 =	simm.s32 $0x1BFF;
	s21 =	sshll.u32 s6, $0x1;
	s4 =	sadd.s32 s20, s19  }
0xa2: {  	s22 =	simm.s32 $0x0;
	s5 =	sshll.u32 s5, $0x1;
	s6 =	sadd.s32 s21, s4  }
0xa3: {  	[timem:s22], [sflag:s7] =	dma.local [hbm:s6], s5  }
0xa4: {  	_ =	swait.ge [sflag:s7], s5  }
0xa5: {  	s5 =	ssub.s32 $0x0, s5;
	[sflag:s7] =	ssyncset.done $0x0  }
0xa6: {  	[sflag:s7] =	ssyncadd.s32 s5;
	_ =	sdelay $0x1  }
0xa7: {  	s23 =	simm.s32 $0x1B8B  }
0xa8: {  	_ =	swait.ge [sflag:s23], $0x1  }
0xa9: {  	[sflag:s23] =	ssyncset.done $0x0  }
0xaa: {  	[sflag:s23] =	ssyncadd.s32 $0xFFFFFFFF  }
0xab: {  	s5 =	sld [smem:$0x0]  }
0xac: {  	s6 =	sand.u32 $0xFFFFFFFE, s1  }
0xad: {  	p0 =	sne.s32 s1, s6  }
0xae: {  	s6 =	sshll.u32 @p0 s6, $0xE  }
0xaf: {  	s6 =	sadd.s32 @p0 $0x11B8D, s6;
	s7 =	sshll.u32 @p0 s5, $0x11  }
0xb0: {  	s6 =	sor.u32 @p0 s7, s6  }
0xb1: {  	[sflag:s6] =	ssyncadd.remote.s32 @p0 $0x1;
	_ =	sdelay $0x1  }
0xb2: {  	s6 =	simm.s32 @p0 $0x1B8D  }
0xb3: {  	_ =	swait.eq @p0 [sflag:s6], $0x1  }
0xb4: {  	[sflag:s6] =	ssyncadd.s32 @p0 $0xFFFFFFFF  }
0xb5: {  	s7 =	sshll.u32 @!p0 s1, $0xE  }
0xb6: {  	s7 =	sor.u32 @!p0 $0x4000, s7;
	s6 =	simm.s32 @!p0 $0x1B8D  }
0xb7: {  	s5 =	sshll.u32 @!p0 s5, $0x11;
	s7 =	sadd.s32 @!p0 $0x11B8D, s7;
	_ =	swait.eq @!p0 [sflag:s6], $0x1  }
0xb8: {  	s5 =	sor.u32 @!p0 s5, s7;
	[sflag:s6] =	ssyncadd.s32 @!p0 $0xFFFFFFFF  }
0xb9: {  	s25 =	simm.s32 $0x1B8E;
	s24 =	sld [smem:$0x3FFE];
	[sflag:s5] =	ssyncadd.remote.s32 @!p0 $0x1  }
0xba: {  	s26 =	simm.s32 $execute0_lowered;
	[smem:$0x3FD2] =	sst s25  }
0xbb: {  	s6 =	sshll.u32 s26, $0x1;
	_ =	strace $0x80000049;
	[dreg:$0x1] =	wrdreg $0xFFFFFFFF  }
0xbc: {  	s28 =	simm.s32 $_size_execute0_lowered;
	s4 =	sadd.s32 s4, s6;
	[dreg:$0x0] =	wrdreg $0x0  }
0xbd: {  	s6 =	sshll.u32 s28, $0x1;
	[dreg:$0x2] =	wrdreg s4  }
0xbe: {  	[dreg:$0x3] =	wrdreg s6  }
0xbf: {  	[dreg:$0x4] =	wrdreg $0xC0  }
0xc0: {  	_ =	task [dreg:s22], $0x5FFFF  }
0xc1: {  	[dreg:$0x1] =	wrdreg $0xFFFFFFFF  }
0xc2: {  	[dreg:$0x0] =	wrdreg $0x60  }
0xc3: {  	[dreg:$0x2] =	wrdreg s24  }
0xc4: {  	[dreg:$0x3] =	wrdreg s17  }
0xc5: {  	[dreg:$0x4] =	wrdreg $0xA8000  }
0xc6: {  	[dreg:$0x5] =	wrdreg $0x9  }
0xc7: {  	_ =	task.clear_ibuf [dreg:s22], $0x6FFFF;
	_ =	strace $0x90000049  }
0xc8: {  	s29 =	simm.s32 $0x9;
	_ =	strace $0x8000004B  }
0xc9: {  	_ =	swait.ge [sflag:s29], $0x1  }
0xca: {  	[sflag:s29] =	ssyncadd.s32 $0xFFFFFFFF  }
0xcb: {  	_ =	strace $0x9000004B  }
0xcc: {  	_ =	sfence  }
0xcd: {  	s30 =	sld [smem:$0x0];
	_ =	sdelay $0x2  }
0xce: {  	s31 =	sshll.u32 s1, $0xD;
	s1 =	sshrl.u32 s1, $0x2  }
0xcf: {  	s4 =	sand.u32 $0x4000, s31;
	s1 =	sadd.s32 s1, s30  }
0xd0: {  	s0 =	sor.u32 s4, s0;
	s1 =	sshll.u32 s1, $0x11  }
0xd1: {  	s0 =	sor.u32 s1, s0  }
0xd2: {  	s0 =	sadd.s32 $0x8F2B, s0  }
0xd3: {  	[sflag:s0] =	ssyncadd.remote.s32 $0x1  }
0xd4: {  	_ =	sfence.sel $0xFFFF  }
0xd5: {  	[dreg:$0x0] =	wrdreg $0xFFFFFFFF;
	(pc) =	sbr.abs _section_cstart, $3  }
0xd6: {  	[dreg:$0x1] =	wrdreg $0xFFFFFFFF  }
0xd7: {  	_ =	task.clear_ibuf [dreg:s22], $0x2FFFF;
	_ =	strace $0x9FFFFFFF  }
0xd8: {  	(tm) =	ssettm $0x7FFFFFFF  }
0xd9: {  	_ =	shalt  }
tec
execute0_lowered:
.L_overlay_start_1:
0x0: {  	(tag) =	ssettag $0x1  }
0x1: {  	s6 =	rddreg [dreg:$0x0]  }
0x2: {  	s7 =	rddreg [dreg:$0x1];
	s1 =	srdreg.scid  }
0x3: {  	s0 =	stileid.u32;
	s2 =	rddreg [dreg:$0x2]  }
0x4: {  	s3 =	simm.s32 $0x0;
	s14 =	simm.s32 $0x80;
	s15 =	simm.s32 $0x2800  }
0x5: {  	s16 =	simm.s32 $0x6800;
	s17 =	simm.s32 $0x1;
	s18 =	simm.s32 $0x2  }
0x6: {  	s19 =	simm.s32 $0x2700;
	s20 =	simm.s32 $0x2780;
	s5 =	sand.u32 $0x1, s1  }
0x7: {  	s4 =	sshll.u32 s0, $0x1;
	s1 =	rddreg [dreg:$0x3];
	s11 =	smul.u32 $0x4E000, s0  }
0x8: {  	[smem:$0x7FF] =	sst s3;
	p0 =	seq.s32 s0, $0xF;
	s23 =	smul.u32 $0x2700, s0  }
0x9: {  	s4 =	sor.u32 s5, s4;
	_ =	strace $0x8000004A;
	s9 =	smul.u32 $0x26900, s5  }
0xa: {  	s10 =	ssub.s32 $0x2, s5;
	s5 =	sadd.s32 $0x31000, s6;
	s8 =	smul.u32 $0x280, s4  }
0xb: {  	s4 =	sadd.s32 $0x80A00, s6;
	s13 =	sshrl.u32 s10, $0x1;
	s31 =	sshrl.u32 s11, $0x2  }
0xc: {  	s9 =	sadd.s32 s9, s6;
	s10 =	ssub.s32 s10, s13;
	s11 =	sadd.s32 s31, s2  }
0xd: {  	s13 =	sadd.s32 $0x124800, s2;
	s12 =	sadd.s32 s8, s6;
	s6 =	sadd.s32 s7, s8  }
0xe: {  	s22 =	sadd.s32 $0xA7A00, s9;
	s8 =	smax.u32 s10, $0x1;
	s10 =	sshll.u32 @!p0 s0, $0x6  }
0xf: {  	s9 =	sshrl.u32 @p0 s13, $0x3;
	s11 =	sshrl.u32 @!p0 s11, $0x3;
	s13 =	simm.s32 $0x1400  }
0x10: {  	s7 =	sadd.s32 $0x2C000, s12;
	s10 =	sor.u32 @!p0 $0x1C03, s10;
	s12 =	simm.s32 $0x3  }
0x11: {  	s21 =	sadd.s32 @p0 $0x24900, s22;
	s22 =	sadd.s32 @!p0 s23, s22;
	s23 =	simm.s32 $0x0  }
.LBB2_1:
0x12: {  	s24 =	simm.s32 @p0 $0x1FC3  }
0x13: {  	[spmem:s9], [sflag:s24] =	dma.local @p0 [hbm:s5], $0x2000  }
0x14: {  	s24 =	simm.s32 @p0 $0x3  }
0x15: {  	_ =	swait.ge @p0 [sflag:s24], $0x2000  }
0x16: {  	[sflag:s24] =	ssyncset.done @p0 $0x0  }
0x17: {  	[sflag:s24] =	ssyncadd.s32 @p0 $0xFFFFE000;
	s24 =	simm.s32 @!p0 $0x3  }
0x18: {  	[spmem:s11], [sflag:s10] =	dma.local @!p0 [hbm:s5], $0x2700  }
0x19: {  	_ =	swait.ge @!p0 [sflag:s24], $0x2700  }
0x1a: {  	[sflag:s24] =	ssyncset.done @!p0 $0x0  }
0x1b: {  	[sflag:s24] =	ssyncadd.s32 @!p0 $0xFFFFD900  }
0x1c: {  	[tilespmem:s3], [sflag:$0x3] =	stream.linear.gather [hbm4b:s6+s3], $0x1400, $0x38;
	[tilespmem:$0x1DC80] =	vst v63  }
0x1d: {  	_ =	swait.ge [sflag:s12], $0x1400  }
0x1e: {  	[sflag:s12] =	ssyncset.done $0x0  }
0x1f: {  	[sflag:s12] =	ssyncadd.s32 $0xFFFFEC00  }
0x20: {  	[tilespmem:s13], [sflag:$0x3] =	stream.linear.gather [hbm4b:s7+s3], $0x1400, $0x38;
	[tilespmem:$0x1DC80] =	vst v63  }
0x21: {  	_ =	swait.ge [sflag:s12], $0x1400  }
0x22: {  	[sflag:s12] =	ssyncset.done $0x0  }
0x23: {  	[sflag:s12] =	ssyncadd.s32 $0xFFFFEC00  }
0x24: {  	[bflag:$0x0] =	sbarrier.arrive $0xFFFF  }
0x25: {  	[tilespmem:s15], [sflag:$0x1] =	stream.indirect.gather [hbm4b:s4+s14], $0x80, s3, s14, $0xb8;
	[tilespmem:$0x1DC80] =	vst v63  }
0x26: {  	_ = 	snop  }
0x27: {  	[tilespmem:s16], [sflag:$0x2] =	stream.indirect.gather [hbm4b:s4+s14], $0x80, s14, s14, $0xb8;
	[tilespmem:$0x1DC80] =	vst v63  }
0x28: {  	_ =	swait.ge [sflag:s17], $0x4000  }
0x29: {  	[sflag:s17] =	ssyncset.done $0x0  }
0x2a: {  	s29 =	simm.s32 $0x1400;
	[sflag:s17] =	ssyncadd.s32 $0xFFFFC000  }
0x2b: {  	[spmem:s2] =	stream.indirect.scatter.add.f32 [tilespmem:s15], [sflag:$0x3], $0x80, s29, s14, $0xb8;
	[tilespmem:$0x1DC80] =	vst v63  }
0x2c: {  	_ =	swait.ge [sflag:s12], $0x4000  }
0x2d: {  	[sflag:s12] =	ssyncset.done $0x0  }
0x2e: {  	s30 =	simm.s32 $0x100;
	[sflag:s12] =	ssyncadd.s32 $0xFFFFC000  }
0x2f: {  	[tilespmem:s15], [sflag:$0x1] =	stream.indirect.gather [hbm4b:s4+s14], $0x80, s30, s14, $0xb8;
	[tilespmem:$0x1DC80] =	vst v63  }
0x30: {  	_ =	swait.ge [sflag:s18], $0x4000  }
0x31: {  	[sflag:s18] =	ssyncset.done $0x0  }
0x32: {  	s31 =	simm.s32 $0x1480;
	[sflag:s18] =	ssyncadd.s32 $0xFFFFC000  }
0x33: {  	[spmem:s2] =	stream.indirect.scatter.add.f32 [tilespmem:s16], [sflag:$0x3], $0x80, s31, s14, $0xb8;
	[tilespmem:$0x1DC80] =	vst v63  }
0x34: {  	_ =	swait.ge [sflag:s12], $0x4000  }
0x35: {  	[sflag:s12] =	ssyncset.done $0x0  }
0x36: {  	s25 =	simm.s32 $0x180;
	s24 =	simm.s32 $0x400;
	[sflag:s12] =	ssyncadd.s32 $0xFFFFC000  }
.LBB2_2:
0x37: {  	[tilespmem:s16], [sflag:$0x2] =	stream.indirect.gather [hbm4b:s4+s14], $0x80, s25, s14, $0xb8;
	[tilespmem:$0x1DC80] =	vst v63  }
0x38: {  	s25 =	smov.u32 s24  }
0x39: {  	p1 =	sne.s32 s24, $0x4800;
	s24 =	sadd.s32 $0x400, s24;
	_ =	swait.ge [sflag:s17], $0x4000  }
0x3a: {  	s25 =	sshra.s32 s25, $0x2;
	[sflag:s17] =	ssyncset.done $0x0  }
0x3b: {  	s26 =	sadd.s32 $0x1400, s25;
	[sflag:s17] =	ssyncadd.s32 $0xFFFFC000  }
0x3c: {  	[spmem:s2] =	stream.indirect.scatter.add.f32 [tilespmem:s15], [sflag:$0x3], $0x80, s26, s14, $0xb8;
	[tilespmem:$0x1DC80] =	vst v63  }
0x3d: {  	_ =	swait.ge [sflag:s12], $0x4000  }
0x3e: {  	[sflag:s12] =	ssyncset.done $0x0  }
0x3f: {  	s26 =	sadd.s32 $0x100, s25;
	[sflag:s12] =	ssyncadd.s32 $0xFFFFC000  }
0x40: {  	[tilespmem:s15], [sflag:$0x1] =	stream.indirect.gather [hbm4b:s4+s14], $0x80, s26, s14, $0xb8;
	[tilespmem:$0x1DC80] =	vst v63  }
0x41: {  	_ =	swait.ge [sflag:s18], $0x4000  }
0x42: {  	[sflag:s18] =	ssyncset.done $0x0  }
.Ltmp0:
0x43: {  	s26 =	sadd.s32 $0x1480, s25;
	[sflag:s18] =	ssyncadd.s32 $0xFFFFC000;
	(pc) =	sbr.rel @p1 .LBB2_2-.Ltmp0, $4  }
0x44: {  	[spmem:s2] =	stream.indirect.scatter.add.f32 [tilespmem:s16], [sflag:$0x3], $0x80, s26, s14, $0xb8;
	[tilespmem:$0x1DC80] =	vst v63  }
0x45: {  	_ =	swait.ge [sflag:s12], $0x4000  }
0x46: {  	[sflag:s12] =	ssyncset.done $0x0  }
0x47: {  	s25 =	sadd.s32 $0x180, s25;
	[sflag:s12] =	ssyncadd.s32 $0xFFFFC000  }
0x48: {  	[tilespmem:s16], [sflag:$0x2] =	stream.indirect.gather [hbm4b:s4+s14], $0x80, s25, s14, $0xb8;
	[tilespmem:$0x1DC80] =	vst v63  }
0x49: {  	_ =	swait.ge [sflag:s17], $0x4000  }
0x4a: {  	[sflag:s17] =	ssyncset.done $0x0  }
0x4b: {  	[sflag:s17] =	ssyncadd.s32 $0xFFFFC000  }
0x4c: {  	[spmem:s2] =	stream.indirect.scatter.add.f32 [tilespmem:s15], [sflag:$0x3], $0x80, s19, s14, $0xb8;
	[tilespmem:$0x1DC80] =	vst v63  }
0x4d: {  	_ =	swait.ge [sflag:s12], $0x4000  }
0x4e: {  	[sflag:s12] =	ssyncset.done $0x0  }
0x4f: {  	[sflag:s12] =	ssyncadd.s32 $0xFFFFC000  }
0x50: {  	_ =	swait.ge [sflag:s18], $0x4000  }
0x51: {  	[sflag:s18] =	ssyncset.done $0x0  }
0x52: {  	[sflag:s18] =	ssyncadd.s32 $0xFFFFC000  }
0x53: {  	[spmem:s2] =	stream.indirect.scatter.add.f32 [tilespmem:s16], [sflag:$0x3], $0x80, s20, s14, $0xb8;
	[tilespmem:$0x1DC80] =	vst v63  }
0x54: {  	_ =	swait.ge [sflag:s12], $0x4000  }
0x55: {  	[sflag:s12] =	ssyncset.done $0x0  }
0x56: {  	[sflag:s12] =	ssyncadd.s32 $0xFFFFC000  }
0x57: {  	s24 =	simm.s32 @p0 $0x1FC3;
	[bflag:$0x0] =	sbarrier.arrive $0xFFFF  }
0x58: {  	[hbm:s21], [sflag:s24] =	dma.local @p0 [spmem:s9], $0x2000  }
0x59: {  	s24 =	simm.s32 @p0 $0x3  }
0x5a: {  	s23 =	sadd.s32 $0x1, s23;
	_ =	swait.ge @p0 [sflag:s24], $0x2000  }
0x5b: {  	p1 =	sne.s32 s23, s8;
	[sflag:s24] =	ssyncset.done @p0 $0x0  }
.Ltmp1:
0x5c: {  	[sflag:s24] =	ssyncadd.s32 @p0 $0xFFFFE000;
	s24 =	simm.s32 @!p0 $0x3;
	(pc) =	sbr.rel @p1 .LBB2_1-.Ltmp1, $4  }
0x5d: {  	[hbm:s22], [sflag:s10] =	dma.local @!p0 [spmem:s11], $0x2700  }
0x5e: {  	_ =	swait.ge @!p0 [sflag:s24], $0x2700  }
0x5f: {  	[sflag:s24] =	ssyncset.done @!p0 $0x0  }
0x60: {  	[sflag:s24] =	ssyncadd.s32 @!p0 $0xFFFFD900  }
0x61: {  	_ =	sfence.sel $0x180000  }
0x62: {  	[bflag:$0x0] =	sbarrier.arrive $0xFFFF  }
0x63: {  	p0 =	sne.s32 s0, $0x0;
	_ =	strace $0x9000004A  }
0x64: {  	s0 =	sadd.s32 @!p0 $0x100000, s1;
	[bflag:$0x2] =	sbarrier.arrive $0xFFFF  }
0x65: {  	[sflag:s0] =	ssyncadd.tile.s32 @!p0 $0x1;
	_ =	shalt  }
.Lfunc_end2:
_tile_overlayer_lowered:
.L_overlay_start_2:
0x66: {  	(tag) =	ssettag $0x2  }
0x67: {  	s0 =	rddreg [dreg:$0x0];
	s2 =	stileid.u32  }
0x68: {  	s1 =	rddreg [dreg:$0x1];
	p0 =	sne.s32 s2, $0x0  }
0x69: {  	s3 =	rddreg [dreg:$0x2];
	[bflag:$0x3] =	sbarrier.arrive $0xFFFF;
	s2 =	simm.s32 @!p0 $0x1C03  }
0x6a: {  	[timem:s3], [sflag:s2] =	dma.local @!p0 [hbm:s0], s1  }
0x6b: {  	s0 =	simm.s32 @!p0 $0x3  }
0x6c: {  	_ =	swait.ge @!p0 [sflag:s0], s1  }
0x6d: {  	s1 =	ssub.s32 @!p0 $0x0, s1;
	[sflag:s0] =	ssyncset.done @!p0 $0x0  }
0x6e: {  	[sflag:s0] =	ssyncadd.s32 @!p0 s1  }
0x6f: {  	[bflag:$0x3] =	sbarrier.arrive $0xFFFF  }
0x70: {  	_ =	shalt  }

// kernel: kernel.22.cloned.1.call-start
scs
__scs_entry_jumppad:
0x0: {  	(pc) =	sbr.rel $0x88, $3  }
0x1: {  	(tag) =	ssettag $0x0;
	lr =	simm.s32 $0x1  }
0x2: {  	[smem:$0x3F95] =	sst lr;
	_ =	strace $0xD0000000  }
0x3: {  	_ = 	snop  }
0x4: {  	_ = 	snop  }
0x5: {  	_ = 	snop  }
0x6: {  	_ = 	snop  }
0x7: {  	_ = 	snop  }
__scs_overlays_trampoline_lowered:
0x8: {  	[smem:$0x3FA4] =	sst s0  }
0x9: {  	[smem:$0x3FA5] =	sst s1  }
0xa: {  	[smem:$0x3FA6] =	sst s2  }
0xb: {  	[smem:$0x3FA7] =	sst s3  }
0xc: {  	[smem:$0x3FA8] =	sst s4  }
0xd: {  	[smem:$0x3FA9] =	sst s5  }
0xe: {  	[smem:$0x3FAA] =	sst s6  }
0xf: {  	[smem:$0x3FAB] =	sst s7  }
0x10: {  	[smem:$0x3FAC] =	sst s8  }
0x11: {  	[smem:$0x3FAD] =	sst s9;
	s0 =	simm.s32 @!p0 $0x0  }
0x12: {  	s1 =	sld [smem:$0x3F93];
	s0 =	simm.s32 @p0 $0x1  }
0x13: {  	[smem:$0x3FAE] =	sst s0;
	s0 =	simm.s32 @!p1 $0x0  }
0x14: {  	s2 =	sld [smem:$0x3F92];
	s0 =	simm.s32 @p1 $0x1  }
0x15: {  	[smem:$0x3FAF] =	sst s0;
	s0 =	simm.s32 @!p2 $0x0  }
0x16: {  	s3 =	sld [smem:$0x3FDB];
	s0 =	simm.s32 @p2 $0x1  }
0x17: {  	s4 =	simm.s32 $0x1BF5;
	[smem:$0x3FB1] =	sst s0  }
0x18: {  	s0 =	sld [smem:$0x3F94];
	_ =	swait.ge [sflag:s4], $0x0  }
0x19: {  	s7 =	sld [smem:$0x3F95]  }
0x1a: {  	s8 =	sadd.s32 $0xFFFFE003, lr  }
0x1b: {  	s9 =	sadd.s32 $0xFFFFFEF7, lr;
	s5 =	simm.s32 $0xFFFFFFFF;
	p2 =	slt.u32 s8, $0xFFFFF086  }
0x1c: {  	p1 =	slt.u32 s9, $0xF7A;
	s5 =	simm.s32 @!p2 $0x0  }
0x1d: {  	s5 =	simm.s32 @p1 $0x1;
	p0 =	seq.s32 s7, s2  }
0x1e: {  	s7 =	smul.u32 @!p0 $0xF7A, s2;
	p2 =	seq.s32 @!p0 s5, $0x0  }
0x1f: {  	s9 =	smul.u32 $0xF7A, s1;
	s8 =	simm.s32 @!p0 $0x1BF5;
	p2 =	por !p2, p0  }
0x20: {  	[sflag:s8] =	ssyncset.s32 @!p0 $0xFFFFF086;
	s6 =	sadd.s32 @!p0 s3, s7;
	s7 =	simm.s32 @!p0 $0x108  }
0x21: {  	s3 =	sadd.s32 s3, s9;
	s6 =	sadd.s32 @!p0 $0x88, s6;
	s7 =	simm.s32 @p2 $0x1082  }
0x22: {  	[simem:s7], [sflag:s8] =	dma.local @!p0 [hbm:s6], $0xF7A  }
0x23: {  	s9 =	sor.u32 $0xD0000000, s2;
	s6 =	simm.s32 $0x108;
	_ =	swait.ge @!p0 [sflag:s8], $0x0  }
0x24: {  	s3 =	sadd.s32 $0x88, s3;
	s6 =	simm.s32 @!p1 $0x1082;
	[sflag:s4] =	ssyncset.s32 $0xFFFFF086  }
0x25: {  	[simem:s6], [sflag:s4] =	dma.local [hbm:s3], $0xF7A  }
0x26: {  	[smem:$0x3F95] =	sst s1;
	(tag) =	ssettag s2;
	_ =	strace s9  }
0x27: {  	s1 =	sld [smem:$0x3FA5]  }
0x28: {  	s2 =	sld [smem:$0x3FA6]  }
0x29: {  	s4 =	sld [smem:$0x3FA8]  }
0x2a: {  	p0 =	seq.s32 s5, $0x0;
	s5 =	sld [smem:$0x3FA9]  }
0x2b: {  	s6 =	sld [smem:$0x3FAA]  }
0x2c: {  	s7 =	sld [smem:$0x3FAB]  }
0x2d: {  	s3 =	simm.s32 $0x108;
	s8 =	sld [smem:$0x3FAC]  }
0x2e: {  	s3 =	simm.s32 @!p0 $0x1082;
	s9 =	sld [smem:$0x3FAD]  }
0x2f: {  	lr =	sadd.s32 s0, s3;
	s0 =	sld [smem:$0x3FA4]  }
0x30: {  	s3 =	sld [smem:$0x3FA7]  }
0x31: {  	[smem:$0x3FB0] =	sst s10  }
0x32: {  	s10 =	sld [smem:$0x3FAE];
	_ =	sdelay $0x3  }
0x33: {  	p0 =	seq.s32 s10, $0x1;
	s10 =	sld [smem:$0x3FB0];
	_ =	sdelay $0x3  }
0x34: {  	[smem:$0x3FB0] =	sst s10  }
0x35: {  	s10 =	sld [smem:$0x3FAF];
	_ =	sdelay $0x3  }
0x36: {  	p1 =	seq.s32 s10, $0x1;
	s10 =	sld [smem:$0x3FB0];
	_ =	sdelay $0x3  }
0x37: {  	[smem:$0x3FB0] =	sst s10  }
0x38: {  	s10 =	sld [smem:$0x3FB1]  }
0x39: {  	_ = 	snop;
	(pc) =	sbr.ind lr, $3  }
0x3a: {  	_ = 	snop  }
0x3b: {  	_ = 	snop  }
0x3c: {  	p2 =	seq.s32 s10, $0x1;
	s10 =	sld [smem:$0x3FB0]  }
0x3d: {  	_ =	shalt  }
0x3e: {  	_ =	shalt  }
0x3f: {  	_ =	shalt  }
0x40: {  	_ =	shalt  }
0x41: {  	_ =	shalt  }
0x42: {  	_ =	shalt  }
0x43: {  	_ =	shalt  }
0x44: {  	_ =	shalt  }
0x45: {  	_ =	shalt  }
0x46: {  	_ =	shalt  }
0x47: {  	_ =	shalt  }
0x48: {  	_ =	shalt  }
0x49: {  	_ =	shalt  }
0x4a: {  	_ =	shalt  }
0x4b: {  	_ =	shalt  }
0x4c: {  	_ =	shalt  }
0x4d: {  	_ =	shalt  }
0x4e: {  	_ =	shalt  }
0x4f: {  	_ =	shalt  }
0x50: {  	_ =	shalt  }
0x51: {  	_ =	shalt  }
0x52: {  	_ =	shalt  }
0x53: {  	_ =	shalt  }
0x54: {  	_ =	shalt  }
0x55: {  	_ =	shalt  }
0x56: {  	_ =	shalt  }
0x57: {  	_ =	shalt  }
0x58: {  	_ =	shalt  }
0x59: {  	_ =	shalt  }
0x5a: {  	_ =	shalt  }
0x5b: {  	_ =	shalt  }
0x5c: {  	_ =	shalt  }
0x5d: {  	_ =	shalt  }
0x5e: {  	_ =	shalt  }
0x5f: {  	_ =	shalt  }
0x60: {  	_ =	shalt  }
0x61: {  	_ =	shalt  }
0x62: {  	_ =	shalt  }
0x63: {  	_ =	shalt  }
0x64: {  	_ =	shalt  }
0x65: {  	_ =	shalt  }
0x66: {  	_ =	shalt  }
0x67: {  	_ =	shalt  }
0x68: {  	_ =	shalt  }
0x69: {  	_ =	shalt  }
0x6a: {  	_ =	shalt  }
0x6b: {  	_ =	shalt  }
0x6c: {  	_ =	shalt  }
0x6d: {  	_ =	shalt  }
0x6e: {  	_ =	shalt  }
0x6f: {  	_ =	shalt  }
0x70: {  	_ =	shalt  }
0x71: {  	_ =	shalt  }
0x72: {  	_ =	shalt  }
0x73: {  	_ =	shalt  }
0x74: {  	_ =	shalt  }
0x75: {  	_ =	shalt  }
0x76: {  	_ =	shalt  }
0x77: {  	_ =	shalt  }
0x78: {  	_ =	shalt  }
0x79: {  	_ =	shalt  }
0x7a: {  	_ =	shalt  }
0x7b: {  	_ =	shalt  }
0x7c: {  	_ =	shalt  }
0x7d: {  	_ =	shalt  }
0x7e: {  	_ =	shalt  }
0x7f: {  	_ =	shalt  }
0x80: {  	_ =	shalt  }
0x81: {  	_ =	shalt  }
0x82: {  	_ =	shalt  }
0x83: {  	_ =	shalt  }
0x84: {  	_ =	shalt  }
0x85: {  	_ =	shalt  }
0x86: {  	_ =	shalt  }
0x87: {  	_ =	shalt  }
.Lfunc_end0:
.L_simem_size_0:
called_computation.1_lowered:
.L_overlay_start_0:
0x88: {  	s2 =	sld [smem:$0x3FD9]  }
0x89: {  	s3 =	sld [smem:$0x3FFE];
	_ =	sdelay $0x1  }
0x8a: {  	s1 =	srdreg.scid  }
0x8b: {  	s0 =	sand.u32 $0x1, s1  }
0x8c: {  	s14 =	sshll.u32 s0, $0xA;
	s2 =	sadd.s32 s3, s2  }
0x8d: {  	s2 =	sadd.s32 s2, s14  }
0x8e: {  	[smem:$0x3FBC] =	sst s2  }
0x8f: {  	_ = 	snop  }
0x90: {  	s2 =	sld [smem:$0x3FD0];
	_ =	sdelay $0x2  }
0x91: {  	s15 =	simm.s32 $0xC;
	s4 =	simm.s32 $0x10  }
0x92: {  	[smem:s4], [sflag:s15] =	dma.local [hbm:s2], $0x1  }
0x93: {  	_ =	swait.eq [sflag:s15], $0x1  }
0x94: {  	[sflag:s15] =	ssyncset.done $0x0  }
0x95: {  	[sflag:s15] =	ssyncadd.s32 $0xFFFFFFFF  }
0x96: {  	s16 =	sld [smem:$0x10];
	(tm) =	ssettm $0x1  }
0x97: {  	s17 =	sld [smem:$0x3FFB];
	_ =	sdelay $0x3  }
0x98: {  	_ =	strace s17  }
0x99: {  	s3 =	sld [smem:$0x3FFC];
	_ =	sdelay $0x3  }
0x9a: {  	_ =	strace s3  }
0x9b: {  	s3 =	sld [smem:$0x3FFD];
	_ =	sdelay $0x3  }
0x9c: {  	_ =	strace s3  }
0x9d: {  	_ =	strace $0x8FFFFFFF  }
0x9e: {  	s18 =	sld [smem:$0x3FDB];
	_ =	sdelay $0x1  }
0x9f: {  	s19 =	simm.s32 $_scs_section_size  }
0xa0: {  	s5 =	simm.s32 $_size__tile_overlayer_lowered;
	s6 =	simm.s32 $_tile_overlayer_lowered  }
0xa1: {  	s22 =	simm.s32 $0x1BFF;
	s21 =	sshll.u32 s6, $0x1;
	s3 =	sadd.s32 s19, s18  }
0xa2: {  	s7 =	simm.s32 $0x0;
	s20 =	sshll.u32 s5, $0x1;
	s5 =	sadd.s32 s21, s3  }
0xa3: {  	[timem:s7], [sflag:s22] =	dma.local [hbm:s5], s20  }
0xa4: {  	_ =	swait.ge [sflag:s22], s20  }
0xa5: {  	s4 =	ssub.s32 $0x0, s20;
	[sflag:s22] =	ssyncset.done $0x0  }
0xa6: {  	[sflag:s22] =	ssyncadd.s32 s4;
	_ =	sdelay $0x1  }
0xa7: {  	s23 =	simm.s32 $0x1B8B  }
0xa8: {  	_ =	swait.ge [sflag:s23], $0x1  }
0xa9: {  	[sflag:s23] =	ssyncset.done $0x0  }
0xaa: {  	s25 =	simm.s32 $0x1B8E;
	s24 =	sld [smem:$0x3FFE];
	[sflag:s23] =	ssyncadd.s32 $0xFFFFFFFF  }
0xab: {  	s26 =	simm.s32 $execute0_lowered;
	[smem:$0x3FD2] =	sst s25  }
0xac: {  	s5 =	sshll.u32 s26, $0x1;
	_ =	strace $0x80000046;
	[dreg:$0x1] =	wrdreg $0xFFFFFFFF  }
0xad: {  	s28 =	simm.s32 $_size_execute0_lowered;
	s3 =	sadd.s32 s3, s5;
	[dreg:$0x0] =	wrdreg $0x0  }
0xae: {  	s5 =	sshll.u32 s28, $0x1;
	[dreg:$0x2] =	wrdreg s3  }
0xaf: {  	[dreg:$0x3] =	wrdreg s5  }
0xb0: {  	[dreg:$0x4] =	wrdreg $0xC0  }
0xb1: {  	_ =	task [dreg:s7], $0x5FFFF  }
0xb2: {  	[dreg:$0x1] =	wrdreg $0xFFFFFFFF  }
0xb3: {  	[dreg:$0x0] =	wrdreg $0x60  }
0xb4: {  	[dreg:$0x2] =	wrdreg s24  }
0xb5: {  	[dreg:$0x3] =	wrdreg s16  }
0xb6: {  	[dreg:$0x4] =	wrdreg $0xA8000  }
0xb7: {  	[dreg:$0x5] =	wrdreg $0xA  }
0xb8: {  	_ =	task.clear_ibuf [dreg:s7], $0x6FFFF;
	_ =	strace $0x90000046  }
0xb9: {  	s29 =	simm.s32 $0xA;
	_ =	strace $0x80000048  }
0xba: {  	_ =	swait.ge [sflag:s29], $0x1  }
0xbb: {  	[sflag:s29] =	ssyncadd.s32 $0xFFFFFFFF  }
0xbc: {  	_ =	strace $0x90000048  }
0xbd: {  	_ =	sfence  }
0xbe: {  	s30 =	sld [smem:$0x0];
	_ =	sdelay $0x2  }
0xbf: {  	s31 =	sshll.u32 s1, $0xD;
	s1 =	sshrl.u32 s1, $0x2  }
0xc0: {  	s3 =	sand.u32 $0x4000, s31;
	s1 =	sadd.s32 s1, s30  }
0xc1: {  	s0 =	sor.u32 s3, s0;
	s1 =	sshll.u32 s1, $0x11  }
0xc2: {  	s0 =	sor.u32 s1, s0  }
0xc3: {  	s0 =	sadd.s32 $0x8F2B, s0  }
0xc4: {  	[sflag:s0] =	ssyncadd.remote.s32 $0x1  }
0xc5: {  	_ =	sfence.sel $0xFFFF  }
0xc6: {  	[dreg:$0x0] =	wrdreg $0xFFFFFFFF;
	(pc) =	sbr.abs _section_cstart, $3  }
0xc7: {  	[dreg:$0x1] =	wrdreg $0xFFFFFFFF  }
0xc8: {  	_ =	task.clear_ibuf [dreg:s7], $0x2FFFF;
	_ =	strace $0x9FFFFFFF  }
0xc9: {  	(tm) =	ssettm $0x7FFFFFFF  }
tec
execute0_lowered:
.L_overlay_start_1:
0x0: {  	(tag) =	ssettag $0x1  }
0x1: {  	s6 =	rddreg [dreg:$0x0]  }
0x2: {  	s7 =	rddreg [dreg:$0x1];
	s1 =	srdreg.scid  }
0x3: {  	s0 =	stileid.u32;
	s2 =	rddreg [dreg:$0x2]  }
0x4: {  	s3 =	simm.s32 $0x0;
	s14 =	simm.s32 $0x80;
	s15 =	simm.s32 $0x2800  }
0x5: {  	s16 =	simm.s32 $0x6800;
	s17 =	simm.s32 $0x1;
	s18 =	simm.s32 $0x2  }
0x6: {  	s19 =	simm.s32 $0x2700;
	s20 =	simm.s32 $0x2780;
	s5 =	sand.u32 $0x1, s1  }
0x7: {  	s4 =	sshll.u32 s0, $0x1;
	s1 =	rddreg [dreg:$0x3];
	s11 =	smul.u32 $0x4E000, s0  }
0x8: {  	[smem:$0x7FF] =	sst s3;
	p0 =	seq.s32 s0, $0xF;
	s23 =	smul.u32 $0x2700, s0  }
0x9: {  	s4 =	sor.u32 s5, s4;
	_ =	strace $0x80000047;
	s9 =	smul.u32 $0x26900, s5  }
0xa: {  	s10 =	ssub.s32 $0x2, s5;
	s5 =	sadd.s32 $0x31000, s6;
	s8 =	smul.u32 $0x280, s4  }
0xb: {  	s4 =	sadd.s32 $0x5000, s6;
	s13 =	sshrl.u32 s10, $0x1;
	s31 =	sshrl.u32 s11, $0x2  }
0xc: {  	s9 =	sadd.s32 s9, s6;
	s10 =	ssub.s32 s10, s13;
	s11 =	sadd.s32 s31, s2  }
0xd: {  	s13 =	sadd.s32 $0x124800, s2;
	s12 =	sadd.s32 s8, s6;
	s6 =	sadd.s32 s7, s8  }
0xe: {  	s22 =	sadd.s32 $0x33800, s9;
	s8 =	smax.u32 s10, $0x1;
	s10 =	sshll.u32 @!p0 s0, $0x6  }
0xf: {  	s9 =	sshrl.u32 @p0 s13, $0x3;
	s11 =	sshrl.u32 @!p0 s11, $0x3;
	s13 =	simm.s32 $0x1400  }
0x10: {  	s7 =	sadd.s32 $0x2C000, s12;
	s10 =	sor.u32 @!p0 $0x1C03, s10;
	s12 =	simm.s32 $0x3  }
0x11: {  	s21 =	sadd.s32 @p0 $0x24900, s22;
	s22 =	sadd.s32 @!p0 s23, s22;
	s23 =	simm.s32 $0x0  }
.LBB2_1:
0x12: {  	s24 =	simm.s32 @p0 $0x1FC3  }
0x13: {  	[spmem:s9], [sflag:s24] =	dma.local @p0 [hbm:s5], $0x2000  }
0x14: {  	s24 =	simm.s32 @p0 $0x3  }
0x15: {  	_ =	swait.ge @p0 [sflag:s24], $0x2000  }
0x16: {  	[sflag:s24] =	ssyncset.done @p0 $0x0  }
0x17: {  	[sflag:s24] =	ssyncadd.s32 @p0 $0xFFFFE000;
	s24 =	simm.s32 @!p0 $0x3  }
0x18: {  	[spmem:s11], [sflag:s10] =	dma.local @!p0 [hbm:s5], $0x2700  }
0x19: {  	_ =	swait.ge @!p0 [sflag:s24], $0x2700  }
0x1a: {  	[sflag:s24] =	ssyncset.done @!p0 $0x0  }
0x1b: {  	[sflag:s24] =	ssyncadd.s32 @!p0 $0xFFFFD900  }
0x1c: {  	[tilespmem:s3], [sflag:$0x3] =	stream.linear.gather [hbm4b:s6+s3], $0x1400, $0x38;
	[tilespmem:$0x1DC80] =	vst v63  }
0x1d: {  	_ =	swait.ge [sflag:s12], $0x1400  }
0x1e: {  	[sflag:s12] =	ssyncset.done $0x0  }
0x1f: {  	[sflag:s12] =	ssyncadd.s32 $0xFFFFEC00  }
0x20: {  	[tilespmem:s13], [sflag:$0x3] =	stream.linear.gather [hbm4b:s7+s3], $0x1400, $0x38;
	[tilespmem:$0x1DC80] =	vst v63  }
0x21: {  	_ =	swait.ge [sflag:s12], $0x1400  }
0x22: {  	[sflag:s12] =	ssyncset.done $0x0  }
0x23: {  	[sflag:s12] =	ssyncadd.s32 $0xFFFFEC00  }
0x24: {  	[bflag:$0x0] =	sbarrier.arrive $0xFFFF  }
0x25: {  	[tilespmem:s15], [sflag:$0x1] =	stream.indirect.gather [hbm4b:s4+s14], $0x80, s3, s14, $0xb8;
	[tilespmem:$0x1DC80] =	vst v63  }
0x26: {  	_ = 	snop  }
0x27: {  	[tilespmem:s16], [sflag:$0x2] =	stream.indirect.gather [hbm4b:s4+s14], $0x80, s14, s14, $0xb8;
	[tilespmem:$0x1DC80] =	vst v63  }
0x28: {  	_ =	swait.ge [sflag:s17], $0x4000  }
0x29: {  	[sflag:s17] =	ssyncset.done $0x0  }
0x2a: {  	s29 =	simm.s32 $0x1400;
	[sflag:s17] =	ssyncadd.s32 $0xFFFFC000  }
0x2b: {  	[spmem:s2] =	stream.indirect.scatter.add.f32 [tilespmem:s15], [sflag:$0x3], $0x80, s29, s14, $0xb8;
	[tilespmem:$0x1DC80] =	vst v63  }
0x2c: {  	_ =	swait.ge [sflag:s12], $0x4000  }
0x2d: {  	[sflag:s12] =	ssyncset.done $0x0  }
0x2e: {  	s30 =	simm.s32 $0x100;
	[sflag:s12] =	ssyncadd.s32 $0xFFFFC000  }
0x2f: {  	[tilespmem:s15], [sflag:$0x1] =	stream.indirect.gather [hbm4b:s4+s14], $0x80, s30, s14, $0xb8;
	[tilespmem:$0x1DC80] =	vst v63  }
0x30: {  	_ =	swait.ge [sflag:s18], $0x4000  }
0x31: {  	[sflag:s18] =	ssyncset.done $0x0  }
0x32: {  	s31 =	simm.s32 $0x1480;
	[sflag:s18] =	ssyncadd.s32 $0xFFFFC000  }
0x33: {  	[spmem:s2] =	stream.indirect.scatter.add.f32 [tilespmem:s16], [sflag:$0x3], $0x80, s31, s14, $0xb8;
	[tilespmem:$0x1DC80] =	vst v63  }
0x34: {  	_ =	swait.ge [sflag:s12], $0x4000  }
0x35: {  	[sflag:s12] =	ssyncset.done $0x0  }
0x36: {  	s25 =	simm.s32 $0x180;
	s24 =	simm.s32 $0x400;
	[sflag:s12] =	ssyncadd.s32 $0xFFFFC000  }
.LBB2_2:
0x37: {  	[tilespmem:s16], [sflag:$0x2] =	stream.indirect.gather [hbm4b:s4+s14], $0x80, s25, s14, $0xb8;
	[tilespmem:$0x1DC80] =	vst v63  }
0x38: {  	s25 =	smov.u32 s24  }
0x39: {  	p1 =	sne.s32 s24, $0x4800;
	s24 =	sadd.s32 $0x400, s24;
	_ =	swait.ge [sflag:s17], $0x4000  }
0x3a: {  	s25 =	sshra.s32 s25, $0x2;
	[sflag:s17] =	ssyncset.done $0x0  }
0x3b: {  	s26 =	sadd.s32 $0x1400, s25;
	[sflag:s17] =	ssyncadd.s32 $0xFFFFC000  }
0x3c: {  	[spmem:s2] =	stream.indirect.scatter.add.f32 [tilespmem:s15], [sflag:$0x3], $0x80, s26, s14, $0xb8;
	[tilespmem:$0x1DC80] =	vst v63  }
0x3d: {  	_ =	swait.ge [sflag:s12], $0x4000  }
0x3e: {  	[sflag:s12] =	ssyncset.done $0x0  }
0x3f: {  	s26 =	sadd.s32 $0x100, s25;
	[sflag:s12] =	ssyncadd.s32 $0xFFFFC000  }
0x40: {  	[tilespmem:s15], [sflag:$0x1] =	stream.indirect.gather [hbm4b:s4+s14], $0x80, s26, s14, $0xb8;
	[tilespmem:$0x1DC80] =	vst v63  }
0x41: {  	_ =	swait.ge [sflag:s18], $0x4000  }
0x42: {  	[sflag:s18] =	ssyncset.done $0x0  }
.Ltmp0:
0x43: {  	s26 =	sadd.s32 $0x1480, s25;
	[sflag:s18] =	ssyncadd.s32 $0xFFFFC000;
	(pc) =	sbr.rel @p1 .LBB2_2-.Ltmp0, $4  }
0x44: {  	[spmem:s2] =	stream.indirect.scatter.add.f32 [tilespmem:s16], [sflag:$0x3], $0x80, s26, s14, $0xb8;
	[tilespmem:$0x1DC80] =	vst v63  }
0x45: {  	_ =	swait.ge [sflag:s12], $0x4000  }
0x46: {  	[sflag:s12] =	ssyncset.done $0x0  }
0x47: {  	s25 =	sadd.s32 $0x180, s25;
	[sflag:s12] =	ssyncadd.s32 $0xFFFFC000  }
0x48: {  	[tilespmem:s16], [sflag:$0x2] =	stream.indirect.gather [hbm4b:s4+s14], $0x80, s25, s14, $0xb8;
	[tilespmem:$0x1DC80] =	vst v63  }
0x49: {  	_ =	swait.ge [sflag:s17], $0x4000  }
0x4a: {  	[sflag:s17] =	ssyncset.done $0x0  }
0x4b: {  	[sflag:s17] =	ssyncadd.s32 $0xFFFFC000  }
0x4c: {  	[spmem:s2] =	stream.indirect.scatter.add.f32 [tilespmem:s15], [sflag:$0x3], $0x80, s19, s14, $0xb8;
	[tilespmem:$0x1DC80] =	vst v63  }
0x4d: {  	_ =	swait.ge [sflag:s12], $0x4000  }
0x4e: {  	[sflag:s12] =	ssyncset.done $0x0  }
0x4f: {  	[sflag:s12] =	ssyncadd.s32 $0xFFFFC000  }
0x50: {  	_ =	swait.ge [sflag:s18], $0x4000  }
0x51: {  	[sflag:s18] =	ssyncset.done $0x0  }
0x52: {  	[sflag:s18] =	ssyncadd.s32 $0xFFFFC000  }
0x53: {  	[spmem:s2] =	stream.indirect.scatter.add.f32 [tilespmem:s16], [sflag:$0x3], $0x80, s20, s14, $0xb8;
	[tilespmem:$0x1DC80] =	vst v63  }
0x54: {  	_ =	swait.ge [sflag:s12], $0x4000  }
0x55: {  	[sflag:s12] =	ssyncset.done $0x0  }
0x56: {  	[sflag:s12] =	ssyncadd.s32 $0xFFFFC000  }
0x57: {  	s24 =	simm.s32 @p0 $0x1FC3;
	[bflag:$0x0] =	sbarrier.arrive $0xFFFF  }
0x58: {  	[hbm:s21], [sflag:s24] =	dma.local @p0 [spmem:s9], $0x2000  }
0x59: {  	s24 =	simm.s32 @p0 $0x3  }
0x5a: {  	s23 =	sadd.s32 $0x1, s23;
	_ =	swait.ge @p0 [sflag:s24], $0x2000  }
0x5b: {  	p1 =	sne.s32 s23, s8;
	[sflag:s24] =	ssyncset.done @p0 $0x0  }
.Ltmp1:
0x5c: {  	[sflag:s24] =	ssyncadd.s32 @p0 $0xFFFFE000;
	s24 =	simm.s32 @!p0 $0x3;
	(pc) =	sbr.rel @p1 .LBB2_1-.Ltmp1, $4  }
0x5d: {  	[hbm:s22], [sflag:s10] =	dma.local @!p0 [spmem:s11], $0x2700  }
0x5e: {  	_ =	swait.ge @!p0 [sflag:s24], $0x2700  }
0x5f: {  	[sflag:s24] =	ssyncset.done @!p0 $0x0  }
0x60: {  	[sflag:s24] =	ssyncadd.s32 @!p0 $0xFFFFD900  }
0x61: {  	_ =	sfence.sel $0x180000  }
0x62: {  	[bflag:$0x0] =	sbarrier.arrive $0xFFFF  }
0x63: {  	p0 =	sne.s32 s0, $0x0;
	_ =	strace $0x90000047  }
0x64: {  	s0 =	sadd.s32 @!p0 $0x100000, s1;
	[bflag:$0x2] =	sbarrier.arrive $0xFFFF  }
0x65: {  	[sflag:s0] =	ssyncadd.tile.s32 @!p0 $0x1;
	_ =	shalt  }
.Lfunc_end2:
_tile_overlayer_lowered:
.L_overlay_start_2:
0x66: {  	(tag) =	ssettag $0x2  }
0x67: {  	s0 =	rddreg [dreg:$0x0];
	s2 =	stileid.u32  }
0x68: {  	s1 =	rddreg [dreg:$0x1];
	p0 =	sne.s32 s2, $0x0  }
0x69: {  	s3 =	rddreg [dreg:$0x2];
	[bflag:$0x3] =	sbarrier.arrive $0xFFFF;
	s2 =	simm.s32 @!p0 $0x1C03  }
0x6a: {  	[timem:s3], [sflag:s2] =	dma.local @!p0 [hbm:s0], s1  }
0x6b: {  	s0 =	simm.s32 @!p0 $0x3  }
0x6c: {  	_ =	swait.ge @!p0 [sflag:s0], s1  }
0x6d: {  	s1 =	ssub.s32 @!p0 $0x0, s1;
	[sflag:s0] =	ssyncset.done @!p0 $0x0  }
0x6e: {  	[sflag:s0] =	ssyncadd.s32 @!p0 s1  }
0x6f: {  	[bflag:$0x3] =	sbarrier.arrive $0xFFFF  }
0x70: {  	_ =	shalt  }

// kernel: kernel.25.cloned.1.call-start
scs
__scs_entry_jumppad:
0x0: {  	(pc) =	sbr.rel $0x88, $3  }
0x1: {  	(tag) =	ssettag $0x0;
	lr =	simm.s32 $0x1  }
0x2: {  	[smem:$0x3F95] =	sst lr;
	_ =	strace $0xD0000000  }
0x3: {  	_ = 	snop  }
0x4: {  	_ = 	snop  }
0x5: {  	_ = 	snop  }
0x6: {  	_ = 	snop  }
0x7: {  	_ = 	snop  }
__scs_overlays_trampoline_lowered:
0x8: {  	[smem:$0x3FA4] =	sst s0  }
0x9: {  	[smem:$0x3FA5] =	sst s1  }
0xa: {  	[smem:$0x3FA6] =	sst s2  }
0xb: {  	[smem:$0x3FA7] =	sst s3  }
0xc: {  	[smem:$0x3FA8] =	sst s4  }
0xd: {  	[smem:$0x3FA9] =	sst s5  }
0xe: {  	[smem:$0x3FAA] =	sst s6  }
0xf: {  	[smem:$0x3FAB] =	sst s7  }
0x10: {  	[smem:$0x3FAC] =	sst s8  }
0x11: {  	[smem:$0x3FAD] =	sst s9;
	s0 =	simm.s32 @!p0 $0x0  }
0x12: {  	s1 =	sld [smem:$0x3F93];
	s0 =	simm.s32 @p0 $0x1  }
0x13: {  	[smem:$0x3FAE] =	sst s0;
	s0 =	simm.s32 @!p1 $0x0  }
0x14: {  	s2 =	sld [smem:$0x3F92];
	s0 =	simm.s32 @p1 $0x1  }
0x15: {  	[smem:$0x3FAF] =	sst s0;
	s0 =	simm.s32 @!p2 $0x0  }
0x16: {  	s3 =	sld [smem:$0x3FDB];
	s0 =	simm.s32 @p2 $0x1  }
0x17: {  	s4 =	simm.s32 $0x1BF5;
	[smem:$0x3FB1] =	sst s0  }
0x18: {  	s0 =	sld [smem:$0x3F94];
	_ =	swait.ge [sflag:s4], $0x0  }
0x19: {  	s7 =	sld [smem:$0x3F95]  }
0x1a: {  	s8 =	sadd.s32 $0xFFFFE003, lr  }
0x1b: {  	s9 =	sadd.s32 $0xFFFFFEF7, lr;
	s5 =	simm.s32 $0xFFFFFFFF;
	p2 =	slt.u32 s8, $0xFFFFF086  }
0x1c: {  	p1 =	slt.u32 s9, $0xF7A;
	s5 =	simm.s32 @!p2 $0x0  }
0x1d: {  	s5 =	simm.s32 @p1 $0x1;
	p0 =	seq.s32 s7, s2  }
0x1e: {  	s7 =	smul.u32 @!p0 $0xF7A, s2;
	p2 =	seq.s32 @!p0 s5, $0x0  }
0x1f: {  	s9 =	smul.u32 $0xF7A, s1;
	s8 =	simm.s32 @!p0 $0x1BF5;
	p2 =	por !p2, p0  }
0x20: {  	[sflag:s8] =	ssyncset.s32 @!p0 $0xFFFFF086;
	s6 =	sadd.s32 @!p0 s3, s7;
	s7 =	simm.s32 @!p0 $0x108  }
0x21: {  	s3 =	sadd.s32 s3, s9;
	s6 =	sadd.s32 @!p0 $0x88, s6;
	s7 =	simm.s32 @p2 $0x1082  }
0x22: {  	[simem:s7], [sflag:s8] =	dma.local @!p0 [hbm:s6], $0xF7A  }
0x23: {  	s9 =	sor.u32 $0xD0000000, s2;
	s6 =	simm.s32 $0x108;
	_ =	swait.ge @!p0 [sflag:s8], $0x0  }
0x24: {  	s3 =	sadd.s32 $0x88, s3;
	s6 =	simm.s32 @!p1 $0x1082;
	[sflag:s4] =	ssyncset.s32 $0xFFFFF086  }
0x25: {  	[simem:s6], [sflag:s4] =	dma.local [hbm:s3], $0xF7A  }
0x26: {  	[smem:$0x3F95] =	sst s1;
	(tag) =	ssettag s2;
	_ =	strace s9  }
0x27: {  	s1 =	sld [smem:$0x3FA5]  }
0x28: {  	s2 =	sld [smem:$0x3FA6]  }
0x29: {  	s4 =	sld [smem:$0x3FA8]  }
0x2a: {  	p0 =	seq.s32 s5, $0x0;
	s5 =	sld [smem:$0x3FA9]  }
0x2b: {  	s6 =	sld [smem:$0x3FAA]  }
0x2c: {  	s7 =	sld [smem:$0x3FAB]  }
0x2d: {  	s3 =	simm.s32 $0x108;
	s8 =	sld [smem:$0x3FAC]  }
0x2e: {  	s3 =	simm.s32 @!p0 $0x1082;
	s9 =	sld [smem:$0x3FAD]  }
0x2f: {  	lr =	sadd.s32 s0, s3;
	s0 =	sld [smem:$0x3FA4]  }
0x30: {  	s3 =	sld [smem:$0x3FA7]  }
0x31: {  	[smem:$0x3FB0] =	sst s10  }
0x32: {  	s10 =	sld [smem:$0x3FAE];
	_ =	sdelay $0x3  }
0x33: {  	p0 =	seq.s32 s10, $0x1;
	s10 =	sld [smem:$0x3FB0];
	_ =	sdelay $0x3  }
0x34: {  	[smem:$0x3FB0] =	sst s10  }
0x35: {  	s10 =	sld [smem:$0x3FAF];
	_ =	sdelay $0x3  }
0x36: {  	p1 =	seq.s32 s10, $0x1;
	s10 =	sld [smem:$0x3FB0];
	_ =	sdelay $0x3  }
0x37: {  	[smem:$0x3FB0] =	sst s10  }
0x38: {  	s10 =	sld [smem:$0x3FB1]  }
0x39: {  	_ = 	snop;
	(pc) =	sbr.ind lr, $3  }
0x3a: {  	_ = 	snop  }
0x3b: {  	_ = 	snop  }
0x3c: {  	p2 =	seq.s32 s10, $0x1;
	s10 =	sld [smem:$0x3FB0]  }
0x3d: {  	_ =	shalt  }
0x3e: {  	_ =	shalt  }
0x3f: {  	_ =	shalt  }
0x40: {  	_ =	shalt  }
0x41: {  	_ =	shalt  }
0x42: {  	_ =	shalt  }
0x43: {  	_ =	shalt  }
0x44: {  	_ =	shalt  }
0x45: {  	_ =	shalt  }
0x46: {  	_ =	shalt  }
0x47: {  	_ =	shalt  }
0x48: {  	_ =	shalt  }
0x49: {  	_ =	shalt  }
0x4a: {  	_ =	shalt  }
0x4b: {  	_ =	shalt  }
0x4c: {  	_ =	shalt  }
0x4d: {  	_ =	shalt  }
0x4e: {  	_ =	shalt  }
0x4f: {  	_ =	shalt  }
0x50: {  	_ =	shalt  }
0x51: {  	_ =	shalt  }
0x52: {  	_ =	shalt  }
0x53: {  	_ =	shalt  }
0x54: {  	_ =	shalt  }
0x55: {  	_ =	shalt  }
0x56: {  	_ =	shalt  }
0x57: {  	_ =	shalt  }
0x58: {  	_ =	shalt  }
0x59: {  	_ =	shalt  }
0x5a: {  	_ =	shalt  }
0x5b: {  	_ =	shalt  }
0x5c: {  	_ =	shalt  }
0x5d: {  	_ =	shalt  }
0x5e: {  	_ =	shalt  }
0x5f: {  	_ =	shalt  }
0x60: {  	_ =	shalt  }
0x61: {  	_ =	shalt  }
0x62: {  	_ =	shalt  }
0x63: {  	_ =	shalt  }
0x64: {  	_ =	shalt  }
0x65: {  	_ =	shalt  }
0x66: {  	_ =	shalt  }
0x67: {  	_ =	shalt  }
0x68: {  	_ =	shalt  }
0x69: {  	_ =	shalt  }
0x6a: {  	_ =	shalt  }
0x6b: {  	_ =	shalt  }
0x6c: {  	_ =	shalt  }
0x6d: {  	_ =	shalt  }
0x6e: {  	_ =	shalt  }
0x6f: {  	_ =	shalt  }
0x70: {  	_ =	shalt  }
0x71: {  	_ =	shalt  }
0x72: {  	_ =	shalt  }
0x73: {  	_ =	shalt  }
0x74: {  	_ =	shalt  }
0x75: {  	_ =	shalt  }
0x76: {  	_ =	shalt  }
0x77: {  	_ =	shalt  }
0x78: {  	_ =	shalt  }
0x79: {  	_ =	shalt  }
0x7a: {  	_ =	shalt  }
0x7b: {  	_ =	shalt  }
0x7c: {  	_ =	shalt  }
0x7d: {  	_ =	shalt  }
0x7e: {  	_ =	shalt  }
0x7f: {  	_ =	shalt  }
0x80: {  	_ =	shalt  }
0x81: {  	_ =	shalt  }
0x82: {  	_ =	shalt  }
0x83: {  	_ =	shalt  }
0x84: {  	_ =	shalt  }
0x85: {  	_ =	shalt  }
0x86: {  	_ =	shalt  }
0x87: {  	_ =	shalt  }
.Lfunc_end0:
.L_simem_size_0:
called_computation.2_lowered:
.L_overlay_start_0:
0x88: {  	s2 =	sld [smem:$0x3FD9]  }
0x89: {  	s3 =	sld [smem:$0x3FFE];
	_ =	sdelay $0x1  }
0x8a: {  	s1 =	srdreg.scid  }
0x8b: {  	s0 =	sand.u32 $0x1, s1  }
0x8c: {  	s15 =	sshll.u32 s0, $0xA;
	s2 =	sadd.s32 s3, s2  }
0x8d: {  	s2 =	sadd.s32 s2, s15  }
0x8e: {  	[smem:$0x3FBC] =	sst s2  }
0x8f: {  	_ = 	snop  }
0x90: {  	s2 =	sld [smem:$0x3FD0];
	_ =	sdelay $0x2  }
0x91: {  	s16 =	simm.s32 $0xC;
	s4 =	simm.s32 $0x10  }
0x92: {  	[smem:s4], [sflag:s16] =	dma.local [hbm:s2], $0x1  }
0x93: {  	_ =	swait.eq [sflag:s16], $0x1  }
0x94: {  	[sflag:s16] =	ssyncset.done $0x0  }
0x95: {  	[sflag:s16] =	ssyncadd.s32 $0xFFFFFFFF  }
0x96: {  	s17 =	sld [smem:$0x10];
	(tm) =	ssettm $0x1  }
0x97: {  	s18 =	sld [smem:$0x3FFB];
	_ =	sdelay $0x3  }
0x98: {  	_ =	strace s18  }
0x99: {  	s2 =	sld [smem:$0x3FFC];
	_ =	sdelay $0x3  }
0x9a: {  	_ =	strace s2  }
0x9b: {  	s2 =	sld [smem:$0x3FFD];
	_ =	sdelay $0x3  }
0x9c: {  	_ =	strace s2  }
0x9d: {  	_ =	strace $0x8FFFFFFF  }
0x9e: {  	s19 =	sld [smem:$0x3FDB];
	_ =	sdelay $0x1  }
0x9f: {  	s20 =	simm.s32 $_scs_section_size  }
0xa0: {  	s5 =	simm.s32 $_size__tile_overlayer_lowered;
	s6 =	simm.s32 $_tile_overlayer_lowered  }
0xa1: {  	s7 =	simm.s32 $0x1BFF;
	s21 =	sshll.u32 s6, $0x1;
	s4 =	sadd.s32 s20, s19  }
0xa2: {  	s22 =	simm.s32 $0x0;
	s5 =	sshll.u32 s5, $0x1;
	s6 =	sadd.s32 s21, s4  }
0xa3: {  	[timem:s22], [sflag:s7] =	dma.local [hbm:s6], s5  }
0xa4: {  	_ =	swait.ge [sflag:s7], s5  }
0xa5: {  	s5 =	ssub.s32 $0x0, s5;
	[sflag:s7] =	ssyncset.done $0x0  }
0xa6: {  	[sflag:s7] =	ssyncadd.s32 s5;
	_ =	sdelay $0x1  }
0xa7: {  	s23 =	simm.s32 $0x1B8B  }
0xa8: {  	_ =	swait.ge [sflag:s23], $0x1  }
0xa9: {  	[sflag:s23] =	ssyncset.done $0x0  }
0xaa: {  	[sflag:s23] =	ssyncadd.s32 $0xFFFFFFFF  }
0xab: {  	s5 =	sld [smem:$0x0]  }
0xac: {  	s6 =	sand.u32 $0xFFFFFFFE, s1  }
0xad: {  	p0 =	sne.s32 s1, s6  }
0xae: {  	s6 =	sshll.u32 @p0 s6, $0xE  }
0xaf: {  	s6 =	sadd.s32 @p0 $0x11B8D, s6;
	s7 =	sshll.u32 @p0 s5, $0x11  }
0xb0: {  	s6 =	sor.u32 @p0 s7, s6  }
0xb1: {  	[sflag:s6] =	ssyncadd.remote.s32 @p0 $0x1;
	_ =	sdelay $0x1  }
0xb2: {  	s6 =	simm.s32 @p0 $0x1B8D  }
0xb3: {  	_ =	swait.eq @p0 [sflag:s6], $0x1  }
0xb4: {  	[sflag:s6] =	ssyncadd.s32 @p0 $0xFFFFFFFF  }
0xb5: {  	s7 =	sshll.u32 @!p0 s1, $0xE  }
0xb6: {  	s7 =	sor.u32 @!p0 $0x4000, s7;
	s6 =	simm.s32 @!p0 $0x1B8D  }
0xb7: {  	s5 =	sshll.u32 @!p0 s5, $0x11;
	s7 =	sadd.s32 @!p0 $0x11B8D, s7;
	_ =	swait.eq @!p0 [sflag:s6], $0x1  }
0xb8: {  	s5 =	sor.u32 @!p0 s5, s7;
	[sflag:s6] =	ssyncadd.s32 @!p0 $0xFFFFFFFF  }
0xb9: {  	s25 =	simm.s32 $0x1B8E;
	s24 =	sld [smem:$0x3FFE];
	[sflag:s5] =	ssyncadd.remote.s32 @!p0 $0x1  }
0xba: {  	s26 =	simm.s32 $execute0_lowered;
	[smem:$0x3FD2] =	sst s25  }
0xbb: {  	s6 =	sshll.u32 s26, $0x1;
	_ =	strace $0x8000004C;
	[dreg:$0x1] =	wrdreg $0xFFFFFFFF  }
0xbc: {  	s28 =	simm.s32 $_size_execute0_lowered;
	s4 =	sadd.s32 s4, s6;
	[dreg:$0x0] =	wrdreg $0x0  }
0xbd: {  	s6 =	sshll.u32 s28, $0x1;
	[dreg:$0x2] =	wrdreg s4  }
0xbe: {  	[dreg:$0x3] =	wrdreg s6  }
0xbf: {  	[dreg:$0x4] =	wrdreg $0xC0  }
0xc0: {  	_ =	task [dreg:s22], $0x5FFFF  }
0xc1: {  	[dreg:$0x1] =	wrdreg $0xFFFFFFFF  }
0xc2: {  	[dreg:$0x0] =	wrdreg $0x60  }
0xc3: {  	[dreg:$0x2] =	wrdreg s24  }
0xc4: {  	[dreg:$0x3] =	wrdreg s17  }
0xc5: {  	[dreg:$0x4] =	wrdreg $0xA8000  }
0xc6: {  	[dreg:$0x5] =	wrdreg $0xB  }
0xc7: {  	_ =	task.clear_ibuf [dreg:s22], $0x6FFFF;
	_ =	strace $0x9000004C  }
0xc8: {  	s29 =	simm.s32 $0xB;
	_ =	strace $0x8000004E  }
0xc9: {  	_ =	swait.ge [sflag:s29], $0x1  }
0xca: {  	[sflag:s29] =	ssyncadd.s32 $0xFFFFFFFF  }
0xcb: {  	_ =	strace $0x9000004E  }
0xcc: {  	_ =	sfence  }
0xcd: {  	s30 =	sld [smem:$0x0];
	_ =	sdelay $0x2  }
0xce: {  	s31 =	sshll.u32 s1, $0xD;
	s1 =	sshrl.u32 s1, $0x2  }
0xcf: {  	s4 =	sand.u32 $0x4000, s31;
	s1 =	sadd.s32 s1, s30  }
0xd0: {  	s0 =	sor.u32 s4, s0;
	s1 =	sshll.u32 s1, $0x11  }
0xd1: {  	s0 =	sor.u32 s1, s0  }
0xd2: {  	s0 =	sadd.s32 $0x8F2B, s0  }
0xd3: {  	[sflag:s0] =	ssyncadd.remote.s32 $0x1  }
0xd4: {  	_ =	sfence.sel $0xFFFF  }
0xd5: {  	[dreg:$0x0] =	wrdreg $0xFFFFFFFF;
	(pc) =	sbr.abs _section_cstart, $3  }
0xd6: {  	[dreg:$0x1] =	wrdreg $0xFFFFFFFF  }
0xd7: {  	_ =	task.clear_ibuf [dreg:s22], $0x2FFFF;
	_ =	strace $0x9FFFFFFF  }
0xd8: {  	(tm) =	ssettm $0x7FFFFFFF  }
0xd9: {  	_ =	shalt  }
tec
execute0_lowered:
.L_overlay_start_1:
0x0: {  	(tag) =	ssettag $0x1  }
0x1: {  	s6 =	rddreg [dreg:$0x0]  }
0x2: {  	s7 =	rddreg [dreg:$0x1];
	s1 =	srdreg.scid  }
0x3: {  	s0 =	stileid.u32;
	s2 =	rddreg [dreg:$0x2]  }
0x4: {  	s3 =	simm.s32 $0x0;
	s14 =	simm.s32 $0x80;
	s15 =	simm.s32 $0x2800  }
0x5: {  	s16 =	simm.s32 $0x6800;
	s17 =	simm.s32 $0x1;
	s18 =	simm.s32 $0x2  }
0x6: {  	s19 =	simm.s32 $0x2700;
	s20 =	simm.s32 $0x2780;
	s5 =	sand.u32 $0x1, s1  }
0x7: {  	s4 =	sshll.u32 s0, $0x1;
	s1 =	rddreg [dreg:$0x3];
	s11 =	smul.u32 $0x4E000, s0  }
0x8: {  	[smem:$0x7FF] =	sst s3;
	p0 =	seq.s32 s0, $0xF;
	s23 =	smul.u32 $0x2700, s0  }
0x9: {  	s4 =	sor.u32 s5, s4;
	_ =	strace $0x8000004D;
	s9 =	smul.u32 $0x26900, s5  }
0xa: {  	s10 =	ssub.s32 $0x2, s5;
	s5 =	sadd.s32 $0x31000, s6;
	s8 =	smul.u32 $0x280, s4  }
0xb: {  	s4 =	sadd.s32 $0xF4C00, s6;
	s13 =	sshrl.u32 s10, $0x1;
	s31 =	sshrl.u32 s11, $0x2  }
0xc: {  	s9 =	sadd.s32 s9, s6;
	s10 =	ssub.s32 s10, s13;
	s11 =	sadd.s32 s31, s2  }
0xd: {  	s13 =	sadd.s32 $0x124800, s2;
	s12 =	sadd.s32 s8, s6;
	s6 =	sadd.s32 s7, s8  }
0xe: {  	s22 =	sadd.s32 $0x11BC00, s9;
	s8 =	smax.u32 s10, $0x1;
	s10 =	sshll.u32 @!p0 s0, $0x6  }
0xf: {  	s9 =	sshrl.u32 @p0 s13, $0x3;
	s11 =	sshrl.u32 @!p0 s11, $0x3;
	s13 =	simm.s32 $0x1400  }
0x10: {  	s7 =	sadd.s32 $0x2C000, s12;
	s10 =	sor.u32 @!p0 $0x1C03, s10;
	s12 =	simm.s32 $0x3  }
0x11: {  	s21 =	sadd.s32 @p0 $0x24900, s22;
	s22 =	sadd.s32 @!p0 s23, s22;
	s23 =	simm.s32 $0x0  }
.LBB2_1:
0x12: {  	s24 =	simm.s32 @p0 $0x1FC3  }
0x13: {  	[spmem:s9], [sflag:s24] =	dma.local @p0 [hbm:s5], $0x2000  }
0x14: {  	s24 =	simm.s32 @p0 $0x3  }
0x15: {  	_ =	swait.ge @p0 [sflag:s24], $0x2000  }
0x16: {  	[sflag:s24] =	ssyncset.done @p0 $0x0  }
0x17: {  	[sflag:s24] =	ssyncadd.s32 @p0 $0xFFFFE000;
	s24 =	simm.s32 @!p0 $0x3  }
0x18: {  	[spmem:s11], [sflag:s10] =	dma.local @!p0 [hbm:s5], $0x2700  }
0x19: {  	_ =	swait.ge @!p0 [sflag:s24], $0x2700  }
0x1a: {  	[sflag:s24] =	ssyncset.done @!p0 $0x0  }
0x1b: {  	[sflag:s24] =	ssyncadd.s32 @!p0 $0xFFFFD900  }
0x1c: {  	[tilespmem:s3], [sflag:$0x3] =	stream.linear.gather [hbm4b:s6+s3], $0x1400, $0x38;
	[tilespmem:$0x1DC80] =	vst v63  }
0x1d: {  	_ =	swait.ge [sflag:s12], $0x1400  }
0x1e: {  	[sflag:s12] =	ssyncset.done $0x0  }
0x1f: {  	[sflag:s12] =	ssyncadd.s32 $0xFFFFEC00  }
0x20: {  	[tilespmem:s13], [sflag:$0x3] =	stream.linear.gather [hbm4b:s7+s3], $0x1400, $0x38;
	[tilespmem:$0x1DC80] =	vst v63  }
0x21: {  	_ =	swait.ge [sflag:s12], $0x1400  }
0x22: {  	[sflag:s12] =	ssyncset.done $0x0  }
0x23: {  	[sflag:s12] =	ssyncadd.s32 $0xFFFFEC00  }
0x24: {  	[bflag:$0x0] =	sbarrier.arrive $0xFFFF  }
0x25: {  	[tilespmem:s15], [sflag:$0x1] =	stream.indirect.gather [hbm4b:s4+s14], $0x80, s3, s14, $0xb8;
	[tilespmem:$0x1DC80] =	vst v63  }
0x26: {  	_ = 	snop  }
0x27: {  	[tilespmem:s16], [sflag:$0x2] =	stream.indirect.gather [hbm4b:s4+s14], $0x80, s14, s14, $0xb8;
	[tilespmem:$0x1DC80] =	vst v63  }
0x28: {  	_ =	swait.ge [sflag:s17], $0x4000  }
0x29: {  	[sflag:s17] =	ssyncset.done $0x0  }
0x2a: {  	s29 =	simm.s32 $0x1400;
	[sflag:s17] =	ssyncadd.s32 $0xFFFFC000  }
0x2b: {  	[spmem:s2] =	stream.indirect.scatter.add.f32 [tilespmem:s15], [sflag:$0x3], $0x80, s29, s14, $0xb8;
	[tilespmem:$0x1DC80] =	vst v63  }
0x2c: {  	_ =	swait.ge [sflag:s12], $0x4000  }
0x2d: {  	[sflag:s12] =	ssyncset.done $0x0  }
0x2e: {  	s30 =	simm.s32 $0x100;
	[sflag:s12] =	ssyncadd.s32 $0xFFFFC000  }
0x2f: {  	[tilespmem:s15], [sflag:$0x1] =	stream.indirect.gather [hbm4b:s4+s14], $0x80, s30, s14, $0xb8;
	[tilespmem:$0x1DC80] =	vst v63  }
0x30: {  	_ =	swait.ge [sflag:s18], $0x4000  }
0x31: {  	[sflag:s18] =	ssyncset.done $0x0  }
0x32: {  	s31 =	simm.s32 $0x1480;
	[sflag:s18] =	ssyncadd.s32 $0xFFFFC000  }
0x33: {  	[spmem:s2] =	stream.indirect.scatter.add.f32 [tilespmem:s16], [sflag:$0x3], $0x80, s31, s14, $0xb8;
	[tilespmem:$0x1DC80] =	vst v63  }
0x34: {  	_ =	swait.ge [sflag:s12], $0x4000  }
0x35: {  	[sflag:s12] =	ssyncset.done $0x0  }
0x36: {  	s25 =	simm.s32 $0x180;
	s24 =	simm.s32 $0x400;
	[sflag:s12] =	ssyncadd.s32 $0xFFFFC000  }
.LBB2_2:
0x37: {  	[tilespmem:s16], [sflag:$0x2] =	stream.indirect.gather [hbm4b:s4+s14], $0x80, s25, s14, $0xb8;
	[tilespmem:$0x1DC80] =	vst v63  }
0x38: {  	s25 =	smov.u32 s24  }
0x39: {  	p1 =	sne.s32 s24, $0x4800;
	s24 =	sadd.s32 $0x400, s24;
	_ =	swait.ge [sflag:s17], $0x4000  }
0x3a: {  	s25 =	sshra.s32 s25, $0x2;
	[sflag:s17] =	ssyncset.done $0x0  }
0x3b: {  	s26 =	sadd.s32 $0x1400, s25;
	[sflag:s17] =	ssyncadd.s32 $0xFFFFC000  }
0x3c: {  	[spmem:s2] =	stream.indirect.scatter.add.f32 [tilespmem:s15], [sflag:$0x3], $0x80, s26, s14, $0xb8;
	[tilespmem:$0x1DC80] =	vst v63  }
0x3d: {  	_ =	swait.ge [sflag:s12], $0x4000  }
0x3e: {  	[sflag:s12] =	ssyncset.done $0x0  }
0x3f: {  	s26 =	sadd.s32 $0x100, s25;
	[sflag:s12] =	ssyncadd.s32 $0xFFFFC000  }
0x40: {  	[tilespmem:s15], [sflag:$0x1] =	stream.indirect.gather [hbm4b:s4+s14], $0x80, s26, s14, $0xb8;
	[tilespmem:$0x1DC80] =	vst v63  }
0x41: {  	_ =	swait.ge [sflag:s18], $0x4000  }
0x42: {  	[sflag:s18] =	ssyncset.done $0x0  }
.Ltmp0:
0x43: {  	s26 =	sadd.s32 $0x1480, s25;
	[sflag:s18] =	ssyncadd.s32 $0xFFFFC000;
	(pc) =	sbr.rel @p1 .LBB2_2-.Ltmp0, $4  }
0x44: {  	[spmem:s2] =	stream.indirect.scatter.add.f32 [tilespmem:s16], [sflag:$0x3], $0x80, s26, s14, $0xb8;
	[tilespmem:$0x1DC80] =	vst v63  }
0x45: {  	_ =	swait.ge [sflag:s12], $0x4000  }
0x46: {  	[sflag:s12] =	ssyncset.done $0x0  }
0x47: {  	s25 =	sadd.s32 $0x180, s25;
	[sflag:s12] =	ssyncadd.s32 $0xFFFFC000  }
0x48: {  	[tilespmem:s16], [sflag:$0x2] =	stream.indirect.gather [hbm4b:s4+s14], $0x80, s25, s14, $0xb8;
	[tilespmem:$0x1DC80] =	vst v63  }
0x49: {  	_ =	swait.ge [sflag:s17], $0x4000  }
0x4a: {  	[sflag:s17] =	ssyncset.done $0x0  }
0x4b: {  	[sflag:s17] =	ssyncadd.s32 $0xFFFFC000  }
0x4c: {  	[spmem:s2] =	stream.indirect.scatter.add.f32 [tilespmem:s15], [sflag:$0x3], $0x80, s19, s14, $0xb8;
	[tilespmem:$0x1DC80] =	vst v63  }
0x4d: {  	_ =	swait.ge [sflag:s12], $0x4000  }
0x4e: {  	[sflag:s12] =	ssyncset.done $0x0  }
0x4f: {  	[sflag:s12] =	ssyncadd.s32 $0xFFFFC000  }
0x50: {  	_ =	swait.ge [sflag:s18], $0x4000  }
0x51: {  	[sflag:s18] =	ssyncset.done $0x0  }
0x52: {  	[sflag:s18] =	ssyncadd.s32 $0xFFFFC000  }
0x53: {  	[spmem:s2] =	stream.indirect.scatter.add.f32 [tilespmem:s16], [sflag:$0x3], $0x80, s20, s14, $0xb8;
	[tilespmem:$0x1DC80] =	vst v63  }
0x54: {  	_ =	swait.ge [sflag:s12], $0x4000  }
0x55: {  	[sflag:s12] =	ssyncset.done $0x0  }
0x56: {  	[sflag:s12] =	ssyncadd.s32 $0xFFFFC000  }
0x57: {  	s24 =	simm.s32 @p0 $0x1FC3;
	[bflag:$0x0] =	sbarrier.arrive $0xFFFF  }
0x58: {  	[hbm:s21], [sflag:s24] =	dma.local @p0 [spmem:s9], $0x2000  }
0x59: {  	s24 =	simm.s32 @p0 $0x3  }
0x5a: {  	s23 =	sadd.s32 $0x1, s23;
	_ =	swait.ge @p0 [sflag:s24], $0x2000  }
0x5b: {  	p1 =	sne.s32 s23, s8;
	[sflag:s24] =	ssyncset.done @p0 $0x0  }
.Ltmp1:
0x5c: {  	[sflag:s24] =	ssyncadd.s32 @p0 $0xFFFFE000;
	s24 =	simm.s32 @!p0 $0x3;
	(pc) =	sbr.rel @p1 .LBB2_1-.Ltmp1, $4  }
0x5d: {  	[hbm:s22], [sflag:s10] =	dma.local @!p0 [spmem:s11], $0x2700  }
0x5e: {  	_ =	swait.ge @!p0 [sflag:s24], $0x2700  }
0x5f: {  	[sflag:s24] =	ssyncset.done @!p0 $0x0  }
0x60: {  	[sflag:s24] =	ssyncadd.s32 @!p0 $0xFFFFD900  }
0x61: {  	_ =	sfence.sel $0x180000  }
0x62: {  	[bflag:$0x0] =	sbarrier.arrive $0xFFFF  }
0x63: {  	p0 =	sne.s32 s0, $0x0;
	_ =	strace $0x9000004D  }
0x64: {  	s0 =	sadd.s32 @!p0 $0x100000, s1;
	[bflag:$0x2] =	sbarrier.arrive $0xFFFF  }
0x65: {  	[sflag:s0] =	ssyncadd.tile.s32 @!p0 $0x1;
	_ =	shalt  }
.Lfunc_end2:
_tile_overlayer_lowered:
.L_overlay_start_2:
0x66: {  	(tag) =	ssettag $0x2  }
0x67: {  	s0 =	rddreg [dreg:$0x0];
	s2 =	stileid.u32  }
0x68: {  	s1 =	rddreg [dreg:$0x1];
	p0 =	sne.s32 s2, $0x0  }
0x69: {  	s3 =	rddreg [dreg:$0x2];
	[bflag:$0x3] =	sbarrier.arrive $0xFFFF;
	s2 =	simm.s32 @!p0 $0x1C03  }
0x6a: {  	[timem:s3], [sflag:s2] =	dma.local @!p0 [hbm:s0], s1  }
0x6b: {  	s0 =	simm.s32 @!p0 $0x3  }
0x6c: {  	_ =	swait.ge @!p0 [sflag:s0], s1  }
0x6d: {  	s1 =	ssub.s32 @!p0 $0x0, s1;
	[sflag:s0] =	ssyncset.done @!p0 $0x0  }
0x6e: {  	[sflag:s0] =	ssyncadd.s32 @!p0 s1  }
0x6f: {  	[bflag:$0x3] =	sbarrier.arrive $0xFFFF  }
0x70: {  	_ =	shalt  }

// kernel: kernel.28.cloned.1.call-start
scs
__scs_entry_jumppad:
0x0: {  	(pc) =	sbr.rel $0x88, $3  }
0x1: {  	(tag) =	ssettag $0x0;
	lr =	simm.s32 $0x1  }
0x2: {  	[smem:$0x3F95] =	sst lr;
	_ =	strace $0xD0000000  }
0x3: {  	_ = 	snop  }
0x4: {  	_ = 	snop  }
0x5: {  	_ = 	snop  }
0x6: {  	_ = 	snop  }
0x7: {  	_ = 	snop  }
__scs_overlays_trampoline_lowered:
0x8: {  	[smem:$0x3FA4] =	sst s0  }
0x9: {  	[smem:$0x3FA5] =	sst s1  }
0xa: {  	[smem:$0x3FA6] =	sst s2  }
0xb: {  	[smem:$0x3FA7] =	sst s3  }
0xc: {  	[smem:$0x3FA8] =	sst s4  }
0xd: {  	[smem:$0x3FA9] =	sst s5  }
0xe: {  	[smem:$0x3FAA] =	sst s6  }
0xf: {  	[smem:$0x3FAB] =	sst s7  }
0x10: {  	[smem:$0x3FAC] =	sst s8  }
0x11: {  	[smem:$0x3FAD] =	sst s9;
	s0 =	simm.s32 @!p0 $0x0  }
0x12: {  	s1 =	sld [smem:$0x3F93];
	s0 =	simm.s32 @p0 $0x1  }
0x13: {  	[smem:$0x3FAE] =	sst s0;
	s0 =	simm.s32 @!p1 $0x0  }
0x14: {  	s2 =	sld [smem:$0x3F92];
	s0 =	simm.s32 @p1 $0x1  }
0x15: {  	[smem:$0x3FAF] =	sst s0;
	s0 =	simm.s32 @!p2 $0x0  }
0x16: {  	s3 =	sld [smem:$0x3FDB];
	s0 =	simm.s32 @p2 $0x1  }
0x17: {  	s4 =	simm.s32 $0x1BF5;
	[smem:$0x3FB1] =	sst s0  }
0x18: {  	s0 =	sld [smem:$0x3F94];
	_ =	swait.ge [sflag:s4], $0x0  }
0x19: {  	s7 =	sld [smem:$0x3F95]  }
0x1a: {  	s8 =	sadd.s32 $0xFFFFE003, lr  }
0x1b: {  	s9 =	sadd.s32 $0xFFFFFEF7, lr;
	s5 =	simm.s32 $0xFFFFFFFF;
	p2 =	slt.u32 s8, $0xFFFFF086  }
0x1c: {  	p1 =	slt.u32 s9, $0xF7A;
	s5 =	simm.s32 @!p2 $0x0  }
0x1d: {  	s5 =	simm.s32 @p1 $0x1;
	p0 =	seq.s32 s7, s2  }
0x1e: {  	s7 =	smul.u32 @!p0 $0xF7A, s2;
	p2 =	seq.s32 @!p0 s5, $0x0  }
0x1f: {  	s9 =	smul.u32 $0xF7A, s1;
	s8 =	simm.s32 @!p0 $0x1BF5;
	p2 =	por !p2, p0  }
0x20: {  	[sflag:s8] =	ssyncset.s32 @!p0 $0xFFFFF086;
	s6 =	sadd.s32 @!p0 s3, s7;
	s7 =	simm.s32 @!p0 $0x108  }
0x21: {  	s3 =	sadd.s32 s3, s9;
	s6 =	sadd.s32 @!p0 $0x88, s6;
	s7 =	simm.s32 @p2 $0x1082  }
0x22: {  	[simem:s7], [sflag:s8] =	dma.local @!p0 [hbm:s6], $0xF7A  }
0x23: {  	s9 =	sor.u32 $0xD0000000, s2;
	s6 =	simm.s32 $0x108;
	_ =	swait.ge @!p0 [sflag:s8], $0x0  }
0x24: {  	s3 =	sadd.s32 $0x88, s3;
	s6 =	simm.s32 @!p1 $0x1082;
	[sflag:s4] =	ssyncset.s32 $0xFFFFF086  }
0x25: {  	[simem:s6], [sflag:s4] =	dma.local [hbm:s3], $0xF7A  }
0x26: {  	[smem:$0x3F95] =	sst s1;
	(tag) =	ssettag s2;
	_ =	strace s9  }
0x27: {  	s1 =	sld [smem:$0x3FA5]  }
0x28: {  	s2 =	sld [smem:$0x3FA6]  }
0x29: {  	s4 =	sld [smem:$0x3FA8]  }
0x2a: {  	p0 =	seq.s32 s5, $0x0;
	s5 =	sld [smem:$0x3FA9]  }
0x2b: {  	s6 =	sld [smem:$0x3FAA]  }
0x2c: {  	s7 =	sld [smem:$0x3FAB]  }
0x2d: {  	s3 =	simm.s32 $0x108;
	s8 =	sld [smem:$0x3FAC]  }
0x2e: {  	s3 =	simm.s32 @!p0 $0x1082;
	s9 =	sld [smem:$0x3FAD]  }
0x2f: {  	lr =	sadd.s32 s0, s3;
	s0 =	sld [smem:$0x3FA4]  }
0x30: {  	s3 =	sld [smem:$0x3FA7]  }
0x31: {  	[smem:$0x3FB0] =	sst s10  }
0x32: {  	s10 =	sld [smem:$0x3FAE];
	_ =	sdelay $0x3  }
0x33: {  	p0 =	seq.s32 s10, $0x1;
	s10 =	sld [smem:$0x3FB0];
	_ =	sdelay $0x3  }
0x34: {  	[smem:$0x3FB0] =	sst s10  }
0x35: {  	s10 =	sld [smem:$0x3FAF];
	_ =	sdelay $0x3  }
0x36: {  	p1 =	seq.s32 s10, $0x1;
	s10 =	sld [smem:$0x3FB0];
	_ =	sdelay $0x3  }
0x37: {  	[smem:$0x3FB0] =	sst s10  }
0x38: {  	s10 =	sld [smem:$0x3FB1]  }
0x39: {  	_ = 	snop;
	(pc) =	sbr.ind lr, $3  }
0x3a: {  	_ = 	snop  }
0x3b: {  	_ = 	snop  }
0x3c: {  	p2 =	seq.s32 s10, $0x1;
	s10 =	sld [smem:$0x3FB0]  }
0x3d: {  	_ =	shalt  }
0x3e: {  	_ =	shalt  }
0x3f: {  	_ =	shalt  }
0x40: {  	_ =	shalt  }
0x41: {  	_ =	shalt  }
0x42: {  	_ =	shalt  }
0x43: {  	_ =	shalt  }
0x44: {  	_ =	shalt  }
0x45: {  	_ =	shalt  }
0x46: {  	_ =	shalt  }
0x47: {  	_ =	shalt  }
0x48: {  	_ =	shalt  }
0x49: {  	_ =	shalt  }
0x4a: {  	_ =	shalt  }
0x4b: {  	_ =	shalt  }
0x4c: {  	_ =	shalt  }
0x4d: {  	_ =	shalt  }
0x4e: {  	_ =	shalt  }
0x4f: {  	_ =	shalt  }
0x50: {  	_ =	shalt  }
0x51: {  	_ =	shalt  }
0x52: {  	_ =	shalt  }
0x53: {  	_ =	shalt  }
0x54: {  	_ =	shalt  }
0x55: {  	_ =	shalt  }
0x56: {  	_ =	shalt  }
0x57: {  	_ =	shalt  }
0x58: {  	_ =	shalt  }
0x59: {  	_ =	shalt  }
0x5a: {  	_ =	shalt  }
0x5b: {  	_ =	shalt  }
0x5c: {  	_ =	shalt  }
0x5d: {  	_ =	shalt  }
0x5e: {  	_ =	shalt  }
0x5f: {  	_ =	shalt  }
0x60: {  	_ =	shalt  }
0x61: {  	_ =	shalt  }
0x62: {  	_ =	shalt  }
0x63: {  	_ =	shalt  }
0x64: {  	_ =	shalt  }
0x65: {  	_ =	shalt  }
0x66: {  	_ =	shalt  }
0x67: {  	_ =	shalt  }
0x68: {  	_ =	shalt  }
0x69: {  	_ =	shalt  }
0x6a: {  	_ =	shalt  }
0x6b: {  	_ =	shalt  }
0x6c: {  	_ =	shalt  }
0x6d: {  	_ =	shalt  }
0x6e: {  	_ =	shalt  }
0x6f: {  	_ =	shalt  }
0x70: {  	_ =	shalt  }
0x71: {  	_ =	shalt  }
0x72: {  	_ =	shalt  }
0x73: {  	_ =	shalt  }
0x74: {  	_ =	shalt  }
0x75: {  	_ =	shalt  }
0x76: {  	_ =	shalt  }
0x77: {  	_ =	shalt  }
0x78: {  	_ =	shalt  }
0x79: {  	_ =	shalt  }
0x7a: {  	_ =	shalt  }
0x7b: {  	_ =	shalt  }
0x7c: {  	_ =	shalt  }
0x7d: {  	_ =	shalt  }
0x7e: {  	_ =	shalt  }
0x7f: {  	_ =	shalt  }
0x80: {  	_ =	shalt  }
0x81: {  	_ =	shalt  }
0x82: {  	_ =	shalt  }
0x83: {  	_ =	shalt  }
0x84: {  	_ =	shalt  }
0x85: {  	_ =	shalt  }
0x86: {  	_ =	shalt  }
0x87: {  	_ =	shalt  }
.Lfunc_end0:
.L_simem_size_0:
called_computation.3_lowered:
.L_overlay_start_0:
0x88: {  	s2 =	sld [smem:$0x3FD9]  }
0x89: {  	s3 =	sld [smem:$0x3FFE];
	_ =	sdelay $0x1  }
0x8a: {  	s1 =	srdreg.scid  }
0x8b: {  	s0 =	sand.u32 $0x1, s1  }
0x8c: {  	s14 =	sshll.u32 s0, $0xA;
	s2 =	sadd.s32 s3, s2  }
0x8d: {  	s2 =	sadd.s32 s2, s14  }
0x8e: {  	[smem:$0x3FBC] =	sst s2  }
0x8f: {  	_ = 	snop  }
0x90: {  	s2 =	sld [smem:$0x3FD0];
	_ =	sdelay $0x2  }
0x91: {  	s15 =	simm.s32 $0xC;
	s4 =	simm.s32 $0x10  }
0x92: {  	[smem:s4], [sflag:s15] =	dma.local [hbm:s2], $0x1  }
0x93: {  	_ =	swait.eq [sflag:s15], $0x1  }
0x94: {  	[sflag:s15] =	ssyncset.done $0x0  }
0x95: {  	[sflag:s15] =	ssyncadd.s32 $0xFFFFFFFF  }
0x96: {  	s16 =	sld [smem:$0x10];
	(tm) =	ssettm $0x1  }
0x97: {  	s17 =	sld [smem:$0x3FFB];
	_ =	sdelay $0x3  }
0x98: {  	_ =	strace s17  }
0x99: {  	s3 =	sld [smem:$0x3FFC];
	_ =	sdelay $0x3  }
0x9a: {  	_ =	strace s3  }
0x9b: {  	s3 =	sld [smem:$0x3FFD];
	_ =	sdelay $0x3  }
0x9c: {  	_ =	strace s3  }
0x9d: {  	_ =	strace $0x8FFFFFFF  }
0x9e: {  	s18 =	sld [smem:$0x3FDB];
	_ =	sdelay $0x1  }
0x9f: {  	s19 =	simm.s32 $_scs_section_size  }
0xa0: {  	s5 =	simm.s32 $_size__tile_overlayer_lowered;
	s6 =	simm.s32 $_tile_overlayer_lowered  }
0xa1: {  	s22 =	simm.s32 $0x1BFF;
	s21 =	sshll.u32 s6, $0x1;
	s3 =	sadd.s32 s19, s18  }
0xa2: {  	s7 =	simm.s32 $0x0;
	s20 =	sshll.u32 s5, $0x1;
	s5 =	sadd.s32 s21, s3  }
0xa3: {  	[timem:s7], [sflag:s22] =	dma.local [hbm:s5], s20  }
0xa4: {  	_ =	swait.ge [sflag:s22], s20  }
0xa5: {  	s4 =	ssub.s32 $0x0, s20;
	[sflag:s22] =	ssyncset.done $0x0  }
0xa6: {  	[sflag:s22] =	ssyncadd.s32 s4;
	_ =	sdelay $0x1  }
0xa7: {  	s23 =	simm.s32 $0x1B8B  }
0xa8: {  	_ =	swait.ge [sflag:s23], $0x1  }
0xa9: {  	[sflag:s23] =	ssyncset.done $0x0  }
0xaa: {  	s25 =	simm.s32 $0x1B8E;
	s24 =	sld [smem:$0x3FFE];
	[sflag:s23] =	ssyncadd.s32 $0xFFFFFFFF  }
0xab: {  	s26 =	simm.s32 $execute0_lowered;
	[smem:$0x3FD2] =	sst s25  }
0xac: {  	s5 =	sshll.u32 s26, $0x1;
	_ =	strace $0x8000004F;
	[dreg:$0x1] =	wrdreg $0xFFFFFFFF  }
0xad: {  	s28 =	simm.s32 $_size_execute0_lowered;
	s3 =	sadd.s32 s3, s5;
	[dreg:$0x0] =	wrdreg $0x0  }
0xae: {  	s5 =	sshll.u32 s28, $0x1;
	[dreg:$0x2] =	wrdreg s3  }
0xaf: {  	[dreg:$0x3] =	wrdreg s5  }
0xb0: {  	[dreg:$0x4] =	wrdreg $0xC0  }
0xb1: {  	_ =	task [dreg:s7], $0x5FFFF  }
0xb2: {  	[dreg:$0x1] =	wrdreg $0xFFFFFFFF  }
0xb3: {  	[dreg:$0x0] =	wrdreg $0x60  }
0xb4: {  	[dreg:$0x2] =	wrdreg s24  }
0xb5: {  	[dreg:$0x3] =	wrdreg s16  }
0xb6: {  	[dreg:$0x4] =	wrdreg $0xA8000  }
0xb7: {  	[dreg:$0x5] =	wrdreg $0x9  }
0xb8: {  	_ =	task.clear_ibuf [dreg:s7], $0x6FFFF;
	_ =	strace $0x9000004F  }
0xb9: {  	s29 =	simm.s32 $0x9;
	_ =	strace $0x80000051  }
0xba: {  	_ =	swait.ge [sflag:s29], $0x1  }
0xbb: {  	[sflag:s29] =	ssyncadd.s32 $0xFFFFFFFF  }
0xbc: {  	_ =	strace $0x90000051  }
0xbd: {  	_ =	sfence  }
0xbe: {  	s30 =	sld [smem:$0x0];
	_ =	sdelay $0x2  }
0xbf: {  	s31 =	sshll.u32 s1, $0xD;
	s1 =	sshrl.u32 s1, $0x2  }
0xc0: {  	s3 =	sand.u32 $0x4000, s31;
	s1 =	sadd.s32 s1, s30  }
0xc1: {  	s0 =	sor.u32 s3, s0;
	s1 =	sshll.u32 s1, $0x11  }
0xc2: {  	s0 =	sor.u32 s1, s0  }
0xc3: {  	s0 =	sadd.s32 $0x8F2B, s0  }
0xc4: {  	[sflag:s0] =	ssyncadd.remote.s32 $0x1  }
0xc5: {  	_ =	sfence.sel $0xFFFF  }
0xc6: {  	[dreg:$0x0] =	wrdreg $0xFFFFFFFF;
	(pc) =	sbr.abs _section_cstart, $3  }
0xc7: {  	[dreg:$0x1] =	wrdreg $0xFFFFFFFF  }
0xc8: {  	_ =	task.clear_ibuf [dreg:s7], $0x2FFFF;
	_ =	strace $0x9FFFFFFF  }
0xc9: {  	(tm) =	ssettm $0x7FFFFFFF  }
tec
execute0_lowered:
.L_overlay_start_1:
0x0: {  	(tag) =	ssettag $0x1  }
0x1: {  	s6 =	rddreg [dreg:$0x0]  }
0x2: {  	s7 =	rddreg [dreg:$0x1];
	s1 =	srdreg.scid  }
0x3: {  	s0 =	stileid.u32;
	s2 =	rddreg [dreg:$0x2]  }
0x4: {  	s3 =	simm.s32 $0x0;
	s14 =	simm.s32 $0x80;
	s15 =	simm.s32 $0x2800  }
0x5: {  	s16 =	simm.s32 $0x6800;
	s17 =	simm.s32 $0x1;
	s18 =	simm.s32 $0x2  }
0x6: {  	s19 =	simm.s32 $0x2700;
	s20 =	simm.s32 $0x2780;
	s5 =	sand.u32 $0x1, s1  }
0x7: {  	s4 =	sshll.u32 s0, $0x1;
	s1 =	rddreg [dreg:$0x3];
	s11 =	smul.u32 $0x4E000, s0  }
0x8: {  	[smem:$0x7FF] =	sst s3;
	p0 =	seq.s32 s0, $0xF;
	s23 =	smul.u32 $0x2700, s0  }
0x9: {  	s4 =	sor.u32 s5, s4;
	_ =	strace $0x80000050;
	s9 =	smul.u32 $0x26900, s5  }
0xa: {  	s10 =	ssub.s32 $0x2, s5;
	s5 =	sadd.s32 $0x31000, s6;
	s8 =	smul.u32 $0x280, s4  }
0xb: {  	s4 =	sadd.s32 $0x5000, s6;
	s13 =	sshrl.u32 s10, $0x1;
	s31 =	sshrl.u32 s11, $0x2  }
0xc: {  	s9 =	sadd.s32 s9, s6;
	s10 =	ssub.s32 s10, s13;
	s11 =	sadd.s32 s31, s2  }
0xd: {  	s13 =	sadd.s32 $0x124800, s2;
	s12 =	sadd.s32 s8, s6;
	s6 =	sadd.s32 s7, s8  }
0xe: {  	s22 =	sadd.s32 $0x33800, s9;
	s8 =	smax.u32 s10, $0x1;
	s10 =	sshll.u32 @!p0 s0, $0x6  }
0xf: {  	s9 =	sshrl.u32 @p0 s13, $0x3;
	s11 =	sshrl.u32 @!p0 s11, $0x3;
	s13 =	simm.s32 $0x1400  }
0x10: {  	s7 =	sadd.s32 $0x2C000, s12;
	s10 =	sor.u32 @!p0 $0x1C03, s10;
	s12 =	simm.s32 $0x3  }
0x11: {  	s21 =	sadd.s32 @p0 $0x24900, s22;
	s22 =	sadd.s32 @!p0 s23, s22;
	s23 =	simm.s32 $0x0  }
.LBB2_1:
0x12: {  	s24 =	simm.s32 @p0 $0x1FC3  }
0x13: {  	[spmem:s9], [sflag:s24] =	dma.local @p0 [hbm:s5], $0x2000  }
0x14: {  	s24 =	simm.s32 @p0 $0x3  }
0x15: {  	_ =	swait.ge @p0 [sflag:s24], $0x2000  }
0x16: {  	[sflag:s24] =	ssyncset.done @p0 $0x0  }
0x17: {  	[sflag:s24] =	ssyncadd.s32 @p0 $0xFFFFE000;
	s24 =	simm.s32 @!p0 $0x3  }
0x18: {  	[spmem:s11], [sflag:s10] =	dma.local @!p0 [hbm:s5], $0x2700  }
0x19: {  	_ =	swait.ge @!p0 [sflag:s24], $0x2700  }
0x1a: {  	[sflag:s24] =	ssyncset.done @!p0 $0x0  }
0x1b: {  	[sflag:s24] =	ssyncadd.s32 @!p0 $0xFFFFD900  }
0x1c: {  	[tilespmem:s3], [sflag:$0x3] =	stream.linear.gather [hbm4b:s6+s3], $0x1400, $0x38;
	[tilespmem:$0x1DC80] =	vst v63  }
0x1d: {  	_ =	swait.ge [sflag:s12], $0x1400  }
0x1e: {  	[sflag:s12] =	ssyncset.done $0x0  }
0x1f: {  	[sflag:s12] =	ssyncadd.s32 $0xFFFFEC00  }
0x20: {  	[tilespmem:s13], [sflag:$0x3] =	stream.linear.gather [hbm4b:s7+s3], $0x1400, $0x38;
	[tilespmem:$0x1DC80] =	vst v63  }
0x21: {  	_ =	swait.ge [sflag:s12], $0x1400  }
0x22: {  	[sflag:s12] =	ssyncset.done $0x0  }
0x23: {  	[sflag:s12] =	ssyncadd.s32 $0xFFFFEC00  }
0x24: {  	[bflag:$0x0] =	sbarrier.arrive $0xFFFF  }
0x25: {  	[tilespmem:s15], [sflag:$0x1] =	stream.indirect.gather [hbm4b:s4+s14], $0x80, s3, s14, $0xb8;
	[tilespmem:$0x1DC80] =	vst v63  }
0x26: {  	_ = 	snop  }
0x27: {  	[tilespmem:s16], [sflag:$0x2] =	stream.indirect.gather [hbm4b:s4+s14], $0x80, s14, s14, $0xb8;
	[tilespmem:$0x1DC80] =	vst v63  }
0x28: {  	_ =	swait.ge [sflag:s17], $0x4000  }
0x29: {  	[sflag:s17] =	ssyncset.done $0x0  }
0x2a: {  	s29 =	simm.s32 $0x1400;
	[sflag:s17] =	ssyncadd.s32 $0xFFFFC000  }
0x2b: {  	[spmem:s2] =	stream.indirect.scatter.add.f32 [tilespmem:s15], [sflag:$0x3], $0x80, s29, s14, $0xb8;
	[tilespmem:$0x1DC80] =	vst v63  }
0x2c: {  	_ =	swait.ge [sflag:s12], $0x4000  }
0x2d: {  	[sflag:s12] =	ssyncset.done $0x0  }
0x2e: {  	s30 =	simm.s32 $0x100;
	[sflag:s12] =	ssyncadd.s32 $0xFFFFC000  }
0x2f: {  	[tilespmem:s15], [sflag:$0x1] =	stream.indirect.gather [hbm4b:s4+s14], $0x80, s30, s14, $0xb8;
	[tilespmem:$0x1DC80] =	vst v63  }
0x30: {  	_ =	swait.ge [sflag:s18], $0x4000  }
0x31: {  	[sflag:s18] =	ssyncset.done $0x0  }
0x32: {  	s31 =	simm.s32 $0x1480;
	[sflag:s18] =	ssyncadd.s32 $0xFFFFC000  }
0x33: {  	[spmem:s2] =	stream.indirect.scatter.add.f32 [tilespmem:s16], [sflag:$0x3], $0x80, s31, s14, $0xb8;
	[tilespmem:$0x1DC80] =	vst v63  }
0x34: {  	_ =	swait.ge [sflag:s12], $0x4000  }
0x35: {  	[sflag:s12] =	ssyncset.done $0x0  }
0x36: {  	s25 =	simm.s32 $0x180;
	s24 =	simm.s32 $0x400;
	[sflag:s12] =	ssyncadd.s32 $0xFFFFC000  }
.LBB2_2:
0x37: {  	[tilespmem:s16], [sflag:$0x2] =	stream.indirect.gather [hbm4b:s4+s14], $0x80, s25, s14, $0xb8;
	[tilespmem:$0x1DC80] =	vst v63  }
0x38: {  	s25 =	smov.u32 s24  }
0x39: {  	p1 =	sne.s32 s24, $0x4800;
	s24 =	sadd.s32 $0x400, s24;
	_ =	swait.ge [sflag:s17], $0x4000  }
0x3a: {  	s25 =	sshra.s32 s25, $0x2;
	[sflag:s17] =	ssyncset.done $0x0  }
0x3b: {  	s26 =	sadd.s32 $0x1400, s25;
	[sflag:s17] =	ssyncadd.s32 $0xFFFFC000  }
0x3c: {  	[spmem:s2] =	stream.indirect.scatter.add.f32 [tilespmem:s15], [sflag:$0x3], $0x80, s26, s14, $0xb8;
	[tilespmem:$0x1DC80] =	vst v63  }
0x3d: {  	_ =	swait.ge [sflag:s12], $0x4000  }
0x3e: {  	[sflag:s12] =	ssyncset.done $0x0  }
0x3f: {  	s26 =	sadd.s32 $0x100, s25;
	[sflag:s12] =	ssyncadd.s32 $0xFFFFC000  }
0x40: {  	[tilespmem:s15], [sflag:$0x1] =	stream.indirect.gather [hbm4b:s4+s14], $0x80, s26, s14, $0xb8;
	[tilespmem:$0x1DC80] =	vst v63  }
0x41: {  	_ =	swait.ge [sflag:s18], $0x4000  }
0x42: {  	[sflag:s18] =	ssyncset.done $0x0  }
.Ltmp0:
0x43: {  	s26 =	sadd.s32 $0x1480, s25;
	[sflag:s18] =	ssyncadd.s32 $0xFFFFC000;
	(pc) =	sbr.rel @p1 .LBB2_2-.Ltmp0, $4  }
0x44: {  	[spmem:s2] =	stream.indirect.scatter.add.f32 [tilespmem:s16], [sflag:$0x3], $0x80, s26, s14, $0xb8;
	[tilespmem:$0x1DC80] =	vst v63  }
0x45: {  	_ =	swait.ge [sflag:s12], $0x4000  }
0x46: {  	[sflag:s12] =	ssyncset.done $0x0  }
0x47: {  	s25 =	sadd.s32 $0x180, s25;
	[sflag:s12] =	ssyncadd.s32 $0xFFFFC000  }
0x48: {  	[tilespmem:s16], [sflag:$0x2] =	stream.indirect.gather [hbm4b:s4+s14], $0x80, s25, s14, $0xb8;
	[tilespmem:$0x1DC80] =	vst v63  }
0x49: {  	_ =	swait.ge [sflag:s17], $0x4000  }
0x4a: {  	[sflag:s17] =	ssyncset.done $0x0  }
0x4b: {  	[sflag:s17] =	ssyncadd.s32 $0xFFFFC000  }
0x4c: {  	[spmem:s2] =	stream.indirect.scatter.add.f32 [tilespmem:s15], [sflag:$0x3], $0x80, s19, s14, $0xb8;
	[tilespmem:$0x1DC80] =	vst v63  }
0x4d: {  	_ =	swait.ge [sflag:s12], $0x4000  }
0x4e: {  	[sflag:s12] =	ssyncset.done $0x0  }
0x4f: {  	[sflag:s12] =	ssyncadd.s32 $0xFFFFC000  }
0x50: {  	_ =	swait.ge [sflag:s18], $0x4000  }
0x51: {  	[sflag:s18] =	ssyncset.done $0x0  }
0x52: {  	[sflag:s18] =	ssyncadd.s32 $0xFFFFC000  }
0x53: {  	[spmem:s2] =	stream.indirect.scatter.add.f32 [tilespmem:s16], [sflag:$0x3], $0x80, s20, s14, $0xb8;
	[tilespmem:$0x1DC80] =	vst v63  }
0x54: {  	_ =	swait.ge [sflag:s12], $0x4000  }
0x55: {  	[sflag:s12] =	ssyncset.done $0x0  }
0x56: {  	[sflag:s12] =	ssyncadd.s32 $0xFFFFC000  }
0x57: {  	s24 =	simm.s32 @p0 $0x1FC3;
	[bflag:$0x0] =	sbarrier.arrive $0xFFFF  }
0x58: {  	[hbm:s21], [sflag:s24] =	dma.local @p0 [spmem:s9], $0x2000  }
0x59: {  	s24 =	simm.s32 @p0 $0x3  }
0x5a: {  	s23 =	sadd.s32 $0x1, s23;
	_ =	swait.ge @p0 [sflag:s24], $0x2000  }
0x5b: {  	p1 =	sne.s32 s23, s8;
	[sflag:s24] =	ssyncset.done @p0 $0x0  }
.Ltmp1:
0x5c: {  	[sflag:s24] =	ssyncadd.s32 @p0 $0xFFFFE000;
	s24 =	simm.s32 @!p0 $0x3;
	(pc) =	sbr.rel @p1 .LBB2_1-.Ltmp1, $4  }
0x5d: {  	[hbm:s22], [sflag:s10] =	dma.local @!p0 [spmem:s11], $0x2700  }
0x5e: {  	_ =	swait.ge @!p0 [sflag:s24], $0x2700  }
0x5f: {  	[sflag:s24] =	ssyncset.done @!p0 $0x0  }
0x60: {  	[sflag:s24] =	ssyncadd.s32 @!p0 $0xFFFFD900  }
0x61: {  	_ =	sfence.sel $0x180000  }
0x62: {  	[bflag:$0x0] =	sbarrier.arrive $0xFFFF  }
0x63: {  	p0 =	sne.s32 s0, $0x0;
	_ =	strace $0x90000050  }
0x64: {  	s0 =	sadd.s32 @!p0 $0x100000, s1;
	[bflag:$0x2] =	sbarrier.arrive $0xFFFF  }
0x65: {  	[sflag:s0] =	ssyncadd.tile.s32 @!p0 $0x1;
	_ =	shalt  }
.Lfunc_end2:
_tile_overlayer_lowered:
.L_overlay_start_2:
0x66: {  	(tag) =	ssettag $0x2  }
0x67: {  	s0 =	rddreg [dreg:$0x0];
	s2 =	stileid.u32  }
0x68: {  	s1 =	rddreg [dreg:$0x1];
	p0 =	sne.s32 s2, $0x0  }
0x69: {  	s3 =	rddreg [dreg:$0x2];
	[bflag:$0x3] =	sbarrier.arrive $0xFFFF;
	s2 =	simm.s32 @!p0 $0x1C03  }
0x6a: {  	[timem:s3], [sflag:s2] =	dma.local @!p0 [hbm:s0], s1  }
0x6b: {  	s0 =	simm.s32 @!p0 $0x3  }
0x6c: {  	_ =	swait.ge @!p0 [sflag:s0], s1  }
0x6d: {  	s1 =	ssub.s32 @!p0 $0x0, s1;
	[sflag:s0] =	ssyncset.done @!p0 $0x0  }
0x6e: {  	[sflag:s0] =	ssyncadd.s32 @!p0 s1  }
0x6f: {  	[bflag:$0x3] =	sbarrier.arrive $0xFFFF  }
0x70: {  	_ =	shalt  }

// kernel: kernel.31.cloned.1.call-start
scs
__scs_entry_jumppad:
0x0: {  	(pc) =	sbr.rel $0x88, $3  }
0x1: {  	(tag) =	ssettag $0x0;
	lr =	simm.s32 $0x1  }
0x2: {  	[smem:$0x3F95] =	sst lr;
	_ =	strace $0xD0000000  }
0x3: {  	_ = 	snop  }
0x4: {  	_ = 	snop  }
0x5: {  	_ = 	snop  }
0x6: {  	_ = 	snop  }
0x7: {  	_ = 	snop  }
__scs_overlays_trampoline_lowered:
0x8: {  	[smem:$0x3FA4] =	sst s0  }
0x9: {  	[smem:$0x3FA5] =	sst s1  }
0xa: {  	[smem:$0x3FA6] =	sst s2  }
0xb: {  	[smem:$0x3FA7] =	sst s3  }
0xc: {  	[smem:$0x3FA8] =	sst s4  }
0xd: {  	[smem:$0x3FA9] =	sst s5  }
0xe: {  	[smem:$0x3FAA] =	sst s6  }
0xf: {  	[smem:$0x3FAB] =	sst s7  }
0x10: {  	[smem:$0x3FAC] =	sst s8  }
0x11: {  	[smem:$0x3FAD] =	sst s9;
	s0 =	simm.s32 @!p0 $0x0  }
0x12: {  	s1 =	sld [smem:$0x3F93];
	s0 =	simm.s32 @p0 $0x1  }
0x13: {  	[smem:$0x3FAE] =	sst s0;
	s0 =	simm.s32 @!p1 $0x0  }
0x14: {  	s2 =	sld [smem:$0x3F92];
	s0 =	simm.s32 @p1 $0x1  }
0x15: {  	[smem:$0x3FAF] =	sst s0;
	s0 =	simm.s32 @!p2 $0x0  }
0x16: {  	s3 =	sld [smem:$0x3FDB];
	s0 =	simm.s32 @p2 $0x1  }
0x17: {  	s4 =	simm.s32 $0x1BF5;
	[smem:$0x3FB1] =	sst s0  }
0x18: {  	s0 =	sld [smem:$0x3F94];
	_ =	swait.ge [sflag:s4], $0x0  }
0x19: {  	s7 =	sld [smem:$0x3F95]  }
0x1a: {  	s8 =	sadd.s32 $0xFFFFE003, lr  }
0x1b: {  	s9 =	sadd.s32 $0xFFFFFEF7, lr;
	s5 =	simm.s32 $0xFFFFFFFF;
	p2 =	slt.u32 s8, $0xFFFFF086  }
0x1c: {  	p1 =	slt.u32 s9, $0xF7A;
	s5 =	simm.s32 @!p2 $0x0  }
0x1d: {  	s5 =	simm.s32 @p1 $0x1;
	p0 =	seq.s32 s7, s2  }
0x1e: {  	s7 =	smul.u32 @!p0 $0xF7A, s2;
	p2 =	seq.s32 @!p0 s5, $0x0  }
0x1f: {  	s9 =	smul.u32 $0xF7A, s1;
	s8 =	simm.s32 @!p0 $0x1BF5;
	p2 =	por !p2, p0  }
0x20: {  	[sflag:s8] =	ssyncset.s32 @!p0 $0xFFFFF086;
	s6 =	sadd.s32 @!p0 s3, s7;
	s7 =	simm.s32 @!p0 $0x108  }
0x21: {  	s3 =	sadd.s32 s3, s9;
	s6 =	sadd.s32 @!p0 $0x88, s6;
	s7 =	simm.s32 @p2 $0x1082  }
0x22: {  	[simem:s7], [sflag:s8] =	dma.local @!p0 [hbm:s6], $0xF7A  }
0x23: {  	s9 =	sor.u32 $0xD0000000, s2;
	s6 =	simm.s32 $0x108;
	_ =	swait.ge @!p0 [sflag:s8], $0x0  }
0x24: {  	s3 =	sadd.s32 $0x88, s3;
	s6 =	simm.s32 @!p1 $0x1082;
	[sflag:s4] =	ssyncset.s32 $0xFFFFF086  }
0x25: {  	[simem:s6], [sflag:s4] =	dma.local [hbm:s3], $0xF7A  }
0x26: {  	[smem:$0x3F95] =	sst s1;
	(tag) =	ssettag s2;
	_ =	strace s9  }
0x27: {  	s1 =	sld [smem:$0x3FA5]  }
0x28: {  	s2 =	sld [smem:$0x3FA6]  }
0x29: {  	s4 =	sld [smem:$0x3FA8]  }
0x2a: {  	p0 =	seq.s32 s5, $0x0;
	s5 =	sld [smem:$0x3FA9]  }
0x2b: {  	s6 =	sld [smem:$0x3FAA]  }
0x2c: {  	s7 =	sld [smem:$0x3FAB]  }
0x2d: {  	s3 =	simm.s32 $0x108;
	s8 =	sld [smem:$0x3FAC]  }
0x2e: {  	s3 =	simm.s32 @!p0 $0x1082;
	s9 =	sld [smem:$0x3FAD]  }
0x2f: {  	lr =	sadd.s32 s0, s3;
	s0 =	sld [smem:$0x3FA4]  }
0x30: {  	s3 =	sld [smem:$0x3FA7]  }
0x31: {  	[smem:$0x3FB0] =	sst s10  }
0x32: {  	s10 =	sld [smem:$0x3FAE];
	_ =	sdelay $0x3  }
0x33: {  	p0 =	seq.s32 s10, $0x1;
	s10 =	sld [smem:$0x3FB0];
	_ =	sdelay $0x3  }
0x34: {  	[smem:$0x3FB0] =	sst s10  }
0x35: {  	s10 =	sld [smem:$0x3FAF];
	_ =	sdelay $0x3  }
0x36: {  	p1 =	seq.s32 s10, $0x1;
	s10 =	sld [smem:$0x3FB0];
	_ =	sdelay $0x3  }
0x37: {  	[smem:$0x3FB0] =	sst s10  }
0x38: {  	s10 =	sld [smem:$0x3FB1]  }
0x39: {  	_ = 	snop;
	(pc) =	sbr.ind lr, $3  }
0x3a: {  	_ = 	snop  }
0x3b: {  	_ = 	snop  }
0x3c: {  	p2 =	seq.s32 s10, $0x1;
	s10 =	sld [smem:$0x3FB0]  }
0x3d: {  	_ =	shalt  }
0x3e: {  	_ =	shalt  }
0x3f: {  	_ =	shalt  }
0x40: {  	_ =	shalt  }
0x41: {  	_ =	shalt  }
0x42: {  	_ =	shalt  }
0x43: {  	_ =	shalt  }
0x44: {  	_ =	shalt  }
0x45: {  	_ =	shalt  }
0x46: {  	_ =	shalt  }
0x47: {  	_ =	shalt  }
0x48: {  	_ =	shalt  }
0x49: {  	_ =	shalt  }
0x4a: {  	_ =	shalt  }
0x4b: {  	_ =	shalt  }
0x4c: {  	_ =	shalt  }
0x4d: {  	_ =	shalt  }
0x4e: {  	_ =	shalt  }
0x4f: {  	_ =	shalt  }
0x50: {  	_ =	shalt  }
0x51: {  	_ =	shalt  }
0x52: {  	_ =	shalt  }
0x53: {  	_ =	shalt  }
0x54: {  	_ =	shalt  }
0x55: {  	_ =	shalt  }
0x56: {  	_ =	shalt  }
0x57: {  	_ =	shalt  }
0x58: {  	_ =	shalt  }
0x59: {  	_ =	shalt  }
0x5a: {  	_ =	shalt  }
0x5b: {  	_ =	shalt  }
0x5c: {  	_ =	shalt  }
0x5d: {  	_ =	shalt  }
0x5e: {  	_ =	shalt  }
0x5f: {  	_ =	shalt  }
0x60: {  	_ =	shalt  }
0x61: {  	_ =	shalt  }
0x62: {  	_ =	shalt  }
0x63: {  	_ =	shalt  }
0x64: {  	_ =	shalt  }
0x65: {  	_ =	shalt  }
0x66: {  	_ =	shalt  }
0x67: {  	_ =	shalt  }
0x68: {  	_ =	shalt  }
0x69: {  	_ =	shalt  }
0x6a: {  	_ =	shalt  }
0x6b: {  	_ =	shalt  }
0x6c: {  	_ =	shalt  }
0x6d: {  	_ =	shalt  }
0x6e: {  	_ =	shalt  }
0x6f: {  	_ =	shalt  }
0x70: {  	_ =	shalt  }
0x71: {  	_ =	shalt  }
0x72: {  	_ =	shalt  }
0x73: {  	_ =	shalt  }
0x74: {  	_ =	shalt  }
0x75: {  	_ =	shalt  }
0x76: {  	_ =	shalt  }
0x77: {  	_ =	shalt  }
0x78: {  	_ =	shalt  }
0x79: {  	_ =	shalt  }
0x7a: {  	_ =	shalt  }
0x7b: {  	_ =	shalt  }
0x7c: {  	_ =	shalt  }
0x7d: {  	_ =	shalt  }
0x7e: {  	_ =	shalt  }
0x7f: {  	_ =	shalt  }
0x80: {  	_ =	shalt  }
0x81: {  	_ =	shalt  }
0x82: {  	_ =	shalt  }
0x83: {  	_ =	shalt  }
0x84: {  	_ =	shalt  }
0x85: {  	_ =	shalt  }
0x86: {  	_ =	shalt  }
0x87: {  	_ =	shalt  }
.Lfunc_end0:
.L_simem_size_0:
called_computation.4_lowered:
.L_overlay_start_0:
0x88: {  	s2 =	sld [smem:$0x3FD9]  }
0x89: {  	s3 =	sld [smem:$0x3FFE];
	_ =	sdelay $0x1  }
0x8a: {  	s1 =	srdreg.scid  }
0x8b: {  	s0 =	sand.u32 $0x1, s1  }
0x8c: {  	s14 =	sshll.u32 s0, $0xA;
	s2 =	sadd.s32 s3, s2  }
0x8d: {  	s2 =	sadd.s32 s2, s14  }
0x8e: {  	[smem:$0x3FBC] =	sst s2  }
0x8f: {  	_ = 	snop  }
0x90: {  	s2 =	sld [smem:$0x3FD0];
	_ =	sdelay $0x2  }
0x91: {  	s15 =	simm.s32 $0xC;
	s4 =	simm.s32 $0x10  }
0x92: {  	[smem:s4], [sflag:s15] =	dma.local [hbm:s2], $0x1  }
0x93: {  	_ =	swait.eq [sflag:s15], $0x1  }
0x94: {  	[sflag:s15] =	ssyncset.done $0x0  }
0x95: {  	[sflag:s15] =	ssyncadd.s32 $0xFFFFFFFF  }
0x96: {  	s16 =	sld [smem:$0x10];
	(tm) =	ssettm $0x1  }
0x97: {  	s17 =	sld [smem:$0x3FFB];
	_ =	sdelay $0x3  }
0x98: {  	_ =	strace s17  }
0x99: {  	s3 =	sld [smem:$0x3FFC];
	_ =	sdelay $0x3  }
0x9a: {  	_ =	strace s3  }
0x9b: {  	s3 =	sld [smem:$0x3FFD];
	_ =	sdelay $0x3  }
0x9c: {  	_ =	strace s3  }
0x9d: {  	_ =	strace $0x8FFFFFFF  }
0x9e: {  	s18 =	sld [smem:$0x3FDB];
	_ =	sdelay $0x1  }
0x9f: {  	s19 =	simm.s32 $_scs_section_size  }
0xa0: {  	s5 =	simm.s32 $_size__tile_overlayer_lowered;
	s6 =	simm.s32 $_tile_overlayer_lowered  }
0xa1: {  	s22 =	simm.s32 $0x1BFF;
	s21 =	sshll.u32 s6, $0x1;
	s3 =	sadd.s32 s19, s18  }
0xa2: {  	s7 =	simm.s32 $0x0;
	s20 =	sshll.u32 s5, $0x1;
	s5 =	sadd.s32 s21, s3  }
0xa3: {  	[timem:s7], [sflag:s22] =	dma.local [hbm:s5], s20  }
0xa4: {  	_ =	swait.ge [sflag:s22], s20  }
0xa5: {  	s4 =	ssub.s32 $0x0, s20;
	[sflag:s22] =	ssyncset.done $0x0  }
0xa6: {  	[sflag:s22] =	ssyncadd.s32 s4;
	_ =	sdelay $0x1  }
0xa7: {  	s23 =	simm.s32 $0x1B8B  }
0xa8: {  	_ =	swait.ge [sflag:s23], $0x1  }
0xa9: {  	[sflag:s23] =	ssyncset.done $0x0  }
0xaa: {  	s25 =	simm.s32 $0x1B8E;
	s24 =	sld [smem:$0x3FFE];
	[sflag:s23] =	ssyncadd.s32 $0xFFFFFFFF  }
0xab: {  	s26 =	simm.s32 $execute0_lowered;
	[smem:$0x3FD2] =	sst s25  }
0xac: {  	s5 =	sshll.u32 s26, $0x1;
	_ =	strace $0x80000052;
	[dreg:$0x1] =	wrdreg $0xFFFFFFFF  }
0xad: {  	s28 =	simm.s32 $_size_execute0_lowered;
	s3 =	sadd.s32 s3, s5;
	[dreg:$0x0] =	wrdreg $0x0  }
0xae: {  	s5 =	sshll.u32 s28, $0x1;
	[dreg:$0x2] =	wrdreg s3  }
0xaf: {  	[dreg:$0x3] =	wrdreg s5  }
0xb0: {  	[dreg:$0x4] =	wrdreg $0xC0  }
0xb1: {  	_ =	task [dreg:s7], $0x5FFFF  }
0xb2: {  	[dreg:$0x1] =	wrdreg $0xFFFFFFFF  }
0xb3: {  	[dreg:$0x0] =	wrdreg $0x60  }
0xb4: {  	[dreg:$0x2] =	wrdreg s24  }
0xb5: {  	[dreg:$0x3] =	wrdreg s16  }
0xb6: {  	[dreg:$0x4] =	wrdreg $0xA8000  }
0xb7: {  	[dreg:$0x5] =	wrdreg $0x9  }
0xb8: {  	_ =	task.clear_ibuf [dreg:s7], $0x6FFFF;
	_ =	strace $0x90000052  }
0xb9: {  	s29 =	simm.s32 $0x9;
	_ =	strace $0x80000054  }
0xba: {  	_ =	swait.ge [sflag:s29], $0x1  }
0xbb: {  	[sflag:s29] =	ssyncadd.s32 $0xFFFFFFFF  }
0xbc: {  	_ =	strace $0x90000054  }
0xbd: {  	_ =	sfence  }
0xbe: {  	s30 =	sld [smem:$0x0];
	_ =	sdelay $0x2  }
0xbf: {  	s31 =	sshll.u32 s1, $0xD;
	s1 =	sshrl.u32 s1, $0x2  }
0xc0: {  	s3 =	sand.u32 $0x4000, s31;
	s1 =	sadd.s32 s1, s30  }
0xc1: {  	s0 =	sor.u32 s3, s0;
	s1 =	sshll.u32 s1, $0x11  }
0xc2: {  	s0 =	sor.u32 s1, s0  }
0xc3: {  	s0 =	sadd.s32 $0x8F2B, s0  }
0xc4: {  	[sflag:s0] =	ssyncadd.remote.s32 $0x1  }
0xc5: {  	_ =	sfence.sel $0xFFFF  }
0xc6: {  	[dreg:$0x0] =	wrdreg $0xFFFFFFFF;
	(pc) =	sbr.abs _section_cstart, $3  }
0xc7: {  	[dreg:$0x1] =	wrdreg $0xFFFFFFFF  }
0xc8: {  	_ =	task.clear_ibuf [dreg:s7], $0x2FFFF;
	_ =	strace $0x9FFFFFFF  }
0xc9: {  	(tm) =	ssettm $0x7FFFFFFF  }
tec
execute0_lowered:
.L_overlay_start_1:
0x0: {  	(tag) =	ssettag $0x1  }
0x1: {  	s6 =	rddreg [dreg:$0x0]  }
0x2: {  	s7 =	rddreg [dreg:$0x1];
	s1 =	srdreg.scid  }
0x3: {  	s0 =	stileid.u32;
	s2 =	rddreg [dreg:$0x2]  }
0x4: {  	s3 =	simm.s32 $0x0;
	s14 =	simm.s32 $0x80;
	s15 =	simm.s32 $0x2800  }
0x5: {  	s16 =	simm.s32 $0x6800;
	s17 =	simm.s32 $0x1;
	s18 =	simm.s32 $0x2  }
0x6: {  	s19 =	simm.s32 $0x2700;
	s20 =	simm.s32 $0x2780;
	s5 =	sand.u32 $0x1, s1  }
0x7: {  	s4 =	sshll.u32 s0, $0x1;
	s1 =	rddreg [dreg:$0x3];
	s11 =	smul.u32 $0x4E000, s0  }
0x8: {  	[smem:$0x7FF] =	sst s3;
	p0 =	seq.s32 s0, $0xF;
	s23 =	smul.u32 $0x2700, s0  }
0x9: {  	s4 =	sor.u32 s5, s4;
	_ =	strace $0x80000053;
	s9 =	smul.u32 $0x26900, s5  }
0xa: {  	s10 =	ssub.s32 $0x2, s5;
	s5 =	sadd.s32 $0x31000, s6;
	s8 =	smul.u32 $0x280, s4  }
0xb: {  	s4 =	sadd.s32 $0x5000, s6;
	s13 =	sshrl.u32 s10, $0x1;
	s31 =	sshrl.u32 s11, $0x2  }
0xc: {  	s9 =	sadd.s32 s9, s6;
	s10 =	ssub.s32 s10, s13;
	s11 =	sadd.s32 s31, s2  }
0xd: {  	s13 =	sadd.s32 $0x124800, s2;
	s12 =	sadd.s32 s8, s6;
	s6 =	sadd.s32 s7, s8  }
0xe: {  	s22 =	sadd.s32 $0x33800, s9;
	s8 =	smax.u32 s10, $0x1;
	s10 =	sshll.u32 @!p0 s0, $0x6  }
0xf: {  	s9 =	sshrl.u32 @p0 s13, $0x3;
	s11 =	sshrl.u32 @!p0 s11, $0x3;
	s13 =	simm.s32 $0x1400  }
0x10: {  	s7 =	sadd.s32 $0x2C000, s12;
	s10 =	sor.u32 @!p0 $0x1C03, s10;
	s12 =	simm.s32 $0x3  }
0x11: {  	s21 =	sadd.s32 @p0 $0x24900, s22;
	s22 =	sadd.s32 @!p0 s23, s22;
	s23 =	simm.s32 $0x0  }
.LBB2_1:
0x12: {  	s24 =	simm.s32 @p0 $0x1FC3  }
0x13: {  	[spmem:s9], [sflag:s24] =	dma.local @p0 [hbm:s5], $0x2000  }
0x14: {  	s24 =	simm.s32 @p0 $0x3  }
0x15: {  	_ =	swait.ge @p0 [sflag:s24], $0x2000  }
0x16: {  	[sflag:s24] =	ssyncset.done @p0 $0x0  }
0x17: {  	[sflag:s24] =	ssyncadd.s32 @p0 $0xFFFFE000;
	s24 =	simm.s32 @!p0 $0x3  }
0x18: {  	[spmem:s11], [sflag:s10] =	dma.local @!p0 [hbm:s5], $0x2700  }
0x19: {  	_ =	swait.ge @!p0 [sflag:s24], $0x2700  }
0x1a: {  	[sflag:s24] =	ssyncset.done @!p0 $0x0  }
0x1b: {  	[sflag:s24] =	ssyncadd.s32 @!p0 $0xFFFFD900  }
0x1c: {  	[tilespmem:s3], [sflag:$0x3] =	stream.linear.gather [hbm4b:s6+s3], $0x1400, $0x38;
	[tilespmem:$0x1DC80] =	vst v63  }
0x1d: {  	_ =	swait.ge [sflag:s12], $0x1400  }
0x1e: {  	[sflag:s12] =	ssyncset.done $0x0  }
0x1f: {  	[sflag:s12] =	ssyncadd.s32 $0xFFFFEC00  }
0x20: {  	[tilespmem:s13], [sflag:$0x3] =	stream.linear.gather [hbm4b:s7+s3], $0x1400, $0x38;
	[tilespmem:$0x1DC80] =	vst v63  }
0x21: {  	_ =	swait.ge [sflag:s12], $0x1400  }
0x22: {  	[sflag:s12] =	ssyncset.done $0x0  }
0x23: {  	[sflag:s12] =	ssyncadd.s32 $0xFFFFEC00  }
0x24: {  	[bflag:$0x0] =	sbarrier.arrive $0xFFFF  }
0x25: {  	[tilespmem:s15], [sflag:$0x1] =	stream.indirect.gather [hbm4b:s4+s14], $0x80, s3, s14, $0xb8;
	[tilespmem:$0x1DC80] =	vst v63  }
0x26: {  	_ = 	snop  }
0x27: {  	[tilespmem:s16], [sflag:$0x2] =	stream.indirect.gather [hbm4b:s4+s14], $0x80, s14, s14, $0xb8;
	[tilespmem:$0x1DC80] =	vst v63  }
0x28: {  	_ =	swait.ge [sflag:s17], $0x4000  }
0x29: {  	[sflag:s17] =	ssyncset.done $0x0  }
0x2a: {  	s29 =	simm.s32 $0x1400;
	[sflag:s17] =	ssyncadd.s32 $0xFFFFC000  }
0x2b: {  	[spmem:s2] =	stream.indirect.scatter.add.f32 [tilespmem:s15], [sflag:$0x3], $0x80, s29, s14, $0xb8;
	[tilespmem:$0x1DC80] =	vst v63  }
0x2c: {  	_ =	swait.ge [sflag:s12], $0x4000  }
0x2d: {  	[sflag:s12] =	ssyncset.done $0x0  }
0x2e: {  	s30 =	simm.s32 $0x100;
	[sflag:s12] =	ssyncadd.s32 $0xFFFFC000  }
0x2f: {  	[tilespmem:s15], [sflag:$0x1] =	stream.indirect.gather [hbm4b:s4+s14], $0x80, s30, s14, $0xb8;
	[tilespmem:$0x1DC80] =	vst v63  }
0x30: {  	_ =	swait.ge [sflag:s18], $0x4000  }
0x31: {  	[sflag:s18] =	ssyncset.done $0x0  }
0x32: {  	s31 =	simm.s32 $0x1480;
	[sflag:s18] =	ssyncadd.s32 $0xFFFFC000  }
0x33: {  	[spmem:s2] =	stream.indirect.scatter.add.f32 [tilespmem:s16], [sflag:$0x3], $0x80, s31, s14, $0xb8;
	[tilespmem:$0x1DC80] =	vst v63  }
0x34: {  	_ =	swait.ge [sflag:s12], $0x4000  }
0x35: {  	[sflag:s12] =	ssyncset.done $0x0  }
0x36: {  	s25 =	simm.s32 $0x180;
	s24 =	simm.s32 $0x400;
	[sflag:s12] =	ssyncadd.s32 $0xFFFFC000  }
.LBB2_2:
0x37: {  	[tilespmem:s16], [sflag:$0x2] =	stream.indirect.gather [hbm4b:s4+s14], $0x80, s25, s14, $0xb8;
	[tilespmem:$0x1DC80] =	vst v63  }
0x38: {  	s25 =	smov.u32 s24  }
0x39: {  	p1 =	sne.s32 s24, $0x4800;
	s24 =	sadd.s32 $0x400, s24;
	_ =	swait.ge [sflag:s17], $0x4000  }
0x3a: {  	s25 =	sshra.s32 s25, $0x2;
	[sflag:s17] =	ssyncset.done $0x0  }
0x3b: {  	s26 =	sadd.s32 $0x1400, s25;
	[sflag:s17] =	ssyncadd.s32 $0xFFFFC000  }
0x3c: {  	[spmem:s2] =	stream.indirect.scatter.add.f32 [tilespmem:s15], [sflag:$0x3], $0x80, s26, s14, $0xb8;
	[tilespmem:$0x1DC80] =	vst v63  }
0x3d: {  	_ =	swait.ge [sflag:s12], $0x4000  }
0x3e: {  	[sflag:s12] =	ssyncset.done $0x0  }
0x3f: {  	s26 =	sadd.s32 $0x100, s25;
	[sflag:s12] =	ssyncadd.s32 $0xFFFFC000  }
0x40: {  	[tilespmem:s15], [sflag:$0x1] =	stream.indirect.gather [hbm4b:s4+s14], $0x80, s26, s14, $0xb8;
	[tilespmem:$0x1DC80] =	vst v63  }
0x41: {  	_ =	swait.ge [sflag:s18], $0x4000  }
0x42: {  	[sflag:s18] =	ssyncset.done $0x0  }
.Ltmp0:
0x43: {  	s26 =	sadd.s32 $0x1480, s25;
	[sflag:s18] =	ssyncadd.s32 $0xFFFFC000;
	(pc) =	sbr.rel @p1 .LBB2_2-.Ltmp0, $4  }
0x44: {  	[spmem:s2] =	stream.indirect.scatter.add.f32 [tilespmem:s16], [sflag:$0x3], $0x80, s26, s14, $0xb8;
	[tilespmem:$0x1DC80] =	vst v63  }
0x45: {  	_ =	swait.ge [sflag:s12], $0x4000  }
0x46: {  	[sflag:s12] =	ssyncset.done $0x0  }
0x47: {  	s25 =	sadd.s32 $0x180, s25;
	[sflag:s12] =	ssyncadd.s32 $0xFFFFC000  }
0x48: {  	[tilespmem:s16], [sflag:$0x2] =	stream.indirect.gather [hbm4b:s4+s14], $0x80, s25, s14, $0xb8;
	[tilespmem:$0x1DC80] =	vst v63  }
0x49: {  	_ =	swait.ge [sflag:s17], $0x4000  }
0x4a: {  	[sflag:s17] =	ssyncset.done $0x0  }
0x4b: {  	[sflag:s17] =	ssyncadd.s32 $0xFFFFC000  }
0x4c: {  	[spmem:s2] =	stream.indirect.scatter.add.f32 [tilespmem:s15], [sflag:$0x3], $0x80, s19, s14, $0xb8;
	[tilespmem:$0x1DC80] =	vst v63  }
0x4d: {  	_ =	swait.ge [sflag:s12], $0x4000  }
0x4e: {  	[sflag:s12] =	ssyncset.done $0x0  }
0x4f: {  	[sflag:s12] =	ssyncadd.s32 $0xFFFFC000  }
0x50: {  	_ =	swait.ge [sflag:s18], $0x4000  }
0x51: {  	[sflag:s18] =	ssyncset.done $0x0  }
0x52: {  	[sflag:s18] =	ssyncadd.s32 $0xFFFFC000  }
0x53: {  	[spmem:s2] =	stream.indirect.scatter.add.f32 [tilespmem:s16], [sflag:$0x3], $0x80, s20, s14, $0xb8;
	[tilespmem:$0x1DC80] =	vst v63  }
0x54: {  	_ =	swait.ge [sflag:s12], $0x4000  }
0x55: {  	[sflag:s12] =	ssyncset.done $0x0  }
0x56: {  	[sflag:s12] =	ssyncadd.s32 $0xFFFFC000  }
0x57: {  	s24 =	simm.s32 @p0 $0x1FC3;
	[bflag:$0x0] =	sbarrier.arrive $0xFFFF  }
0x58: {  	[hbm:s21], [sflag:s24] =	dma.local @p0 [spmem:s9], $0x2000  }
0x59: {  	s24 =	simm.s32 @p0 $0x3  }
0x5a: {  	s23 =	sadd.s32 $0x1, s23;
	_ =	swait.ge @p0 [sflag:s24], $0x2000  }
0x5b: {  	p1 =	sne.s32 s23, s8;
	[sflag:s24] =	ssyncset.done @p0 $0x0  }
.Ltmp1:
0x5c: {  	[sflag:s24] =	ssyncadd.s32 @p0 $0xFFFFE000;
	s24 =	simm.s32 @!p0 $0x3;
	(pc) =	sbr.rel @p1 .LBB2_1-.Ltmp1, $4  }
0x5d: {  	[hbm:s22], [sflag:s10] =	dma.local @!p0 [spmem:s11], $0x2700  }
0x5e: {  	_ =	swait.ge @!p0 [sflag:s24], $0x2700  }
0x5f: {  	[sflag:s24] =	ssyncset.done @!p0 $0x0  }
0x60: {  	[sflag:s24] =	ssyncadd.s32 @!p0 $0xFFFFD900  }
0x61: {  	_ =	sfence.sel $0x180000  }
0x62: {  	[bflag:$0x0] =	sbarrier.arrive $0xFFFF  }
0x63: {  	p0 =	sne.s32 s0, $0x0;
	_ =	strace $0x90000053  }
0x64: {  	s0 =	sadd.s32 @!p0 $0x100000, s1;
	[bflag:$0x2] =	sbarrier.arrive $0xFFFF  }
0x65: {  	[sflag:s0] =	ssyncadd.tile.s32 @!p0 $0x1;
	_ =	shalt  }
.Lfunc_end2:
_tile_overlayer_lowered:
.L_overlay_start_2:
0x66: {  	(tag) =	ssettag $0x2  }
0x67: {  	s0 =	rddreg [dreg:$0x0];
	s2 =	stileid.u32  }
0x68: {  	s1 =	rddreg [dreg:$0x1];
	p0 =	sne.s32 s2, $0x0  }
0x69: {  	s3 =	rddreg [dreg:$0x2];
	[bflag:$0x3] =	sbarrier.arrive $0xFFFF;
	s2 =	simm.s32 @!p0 $0x1C03  }
0x6a: {  	[timem:s3], [sflag:s2] =	dma.local @!p0 [hbm:s0], s1  }
0x6b: {  	s0 =	simm.s32 @!p0 $0x3  }
0x6c: {  	_ =	swait.ge @!p0 [sflag:s0], s1  }
0x6d: {  	s1 =	ssub.s32 @!p0 $0x0, s1;
	[sflag:s0] =	ssyncset.done @!p0 $0x0  }
0x6e: {  	[sflag:s0] =	ssyncadd.s32 @!p0 s1  }
0x6f: {  	[bflag:$0x3] =	sbarrier.arrive $0xFFFF  }
0x70: {  	_ =	shalt  }

</sc_bundles>
